<compile_context>
chip_gen: v7x
topology: tpu7x:2x2x1
jax: 0.10.2.dev20260603
libtpu: 0.0.44.dev20260713+nightly
codegen_flags: <defaults>
</compile_context>

<pallas_src>
import functools

import jax
import jax.numpy as jnp
from jax import lax
from jax.experimental import pallas as pl
from jax.experimental.pallas import tpu as pltpu
from jax.experimental.pallas import tpu_sc as plsc

N, E, D, H, L = 10000, 320000, 128, 128, 4

NC, NS = 2, 16
NW = NC * NS
BLK = 80
KPB = 125
KPB_PAD = 128
ACC_ROWS = 10112
ROWS_PER_SUB = ACC_ROWS // NS

BLKN = 1000
GRID_N = N // BLKN


def _sc_segment_sum(h, src3, dst3):
  mesh = plsc.VectorSubcoreMesh(core_axis_name="c", subcore_axis_name="s")

  @functools.partial(
      pl.kernel,
      out_type=jax.ShapeDtypeStruct((NC, ACC_ROWS, D), jnp.float32),
      mesh=mesh,
      scratch_types=[
          pltpu.VMEM((KPB_PAD // 2, BLK), jnp.int32),
          pltpu.VMEM((KPB_PAD // 2, BLK), jnp.int32),
          pltpu.VMEM((BLK, D), jnp.float32),
          pltpu.VMEM((BLK, D), jnp.float32),
          pltpu.VMEM_SHARED((ACC_ROWS, D), jnp.float32),
          pltpu.SemaphoreType.DMA,
          pltpu.SemaphoreType.DMA,
          pltpu.SemaphoreType.DMA,
          pltpu.SemaphoreType.DMA,
      ],
  )
  def k(h_hbm, src_hbm, dst_hbm, out_hbm, src_v, dst_v, rows_a, rows_b, acc,
        gsem_a, gsem_b, ssem_a, ssem_b):
    rows_v = rows_a
    c = lax.axis_index("c")
    s = lax.axis_index("s")
    wid = s * NC + c

    @pl.loop(0, BLK)
    def _(r):
      @pl.loop(0, D // 16)
      def _(j):
        rows_v[r, pl.ds(j * 16, 16)] = jnp.zeros((16,), jnp.float32)
        rows_b[r, pl.ds(j * 16, 16)] = jnp.zeros((16,), jnp.float32)

    zbase = s * ROWS_PER_SUB

    @pl.loop(0, ROWS_PER_SUB // BLK)
    def _(t):
      pltpu.sync_copy(rows_v, acc.at[pl.ds(zbase + t * BLK, BLK)])

    rem = ROWS_PER_SUB % BLK
    if rem:
      pltpu.sync_copy(
          rows_v.at[pl.ds(0, rem)],
          acc.at[pl.ds(zbase + (ROWS_PER_SUB // BLK) * BLK, rem)])

    plsc.subcore_barrier()

    def issue_g(kb, rows, gsem):
      pltpu.async_copy(h_hbm.at[src_v.at[kb]], rows, gsem)

    def wait_g(rows, gsem):
      pltpu.make_async_copy(h_hbm.at[src_v.at[0]], rows, gsem).wait()

    def sync_s(kb, rows):
      pltpu.sync_copy(rows, acc.at[dst_v.at[kb]], add=True)

    HK0 = KPB_PAD // 2
    for hf, hk in ((0, HK0), (1, KPB - HK0)):
      base = hf * HK0
      pltpu.sync_copy(src_hbm.at[wid, pl.ds(base, HK0)], src_v)
      pltpu.sync_copy(dst_hbm.at[wid, pl.ds(base, HK0)], dst_v)

      issue_g(0, rows_a, gsem_a)
      if hk % 2:
        @pl.loop(0, (hk - 1) // 2)
        def _(r):
          kb = r * 2
          wait_g(rows_a, gsem_a)
          issue_g(kb + 1, rows_b, gsem_b)
          sync_s(kb, rows_a)
          wait_g(rows_b, gsem_b)
          issue_g(kb + 2, rows_a, gsem_a)
          sync_s(kb + 1, rows_b)

        wait_g(rows_a, gsem_a)
        sync_s(hk - 1, rows_a)
      else:
        @pl.loop(0, (hk - 2) // 2)
        def _(r):
          kb = r * 2
          wait_g(rows_a, gsem_a)
          issue_g(kb + 1, rows_b, gsem_b)
          sync_s(kb, rows_a)
          wait_g(rows_b, gsem_b)
          issue_g(kb + 2, rows_a, gsem_a)
          sync_s(kb + 1, rows_b)

        wait_g(rows_a, gsem_a)
        issue_g(hk - 1, rows_b, gsem_b)
        sync_s(hk - 2, rows_a)
        wait_g(rows_b, gsem_b)
        sync_s(hk - 1, rows_b)

    plsc.subcore_barrier()

    pltpu.sync_copy(acc.at[pl.ds(zbase, ROWS_PER_SUB)],
                    out_hbm.at[c, pl.ds(zbase, ROWS_PER_SUB)])

  return k(h, src3, dst3)


def _ln(t, g, b):
  mu = jnp.mean(t, axis=-1, keepdims=True)
  var = jnp.mean((t - mu) * (t - mu), axis=-1, keepdims=True)
  return (t - mu) * jax.lax.rsqrt(var + 1e-5) * g + b


def _tc_layer_body(h_ref, parts_ref, w1_ref, b1_ref, g1_ref, be1_ref,
                   w2_ref, b2_ref, g2_ref, be2_ref, eps_ref, bng_ref, bnb_ref,
                   out_ref, sum_ref, max_ref):
  i = pl.program_id(0)
  z = (1.0 + eps_ref[0, 0]) * h_ref[...] + parts_ref[0] + parts_ref[1]
  t = jnp.dot(z, w1_ref[...], preferred_element_type=jnp.float32, precision=lax.Precision.HIGHEST) + b1_ref[...]
  t = jnp.maximum(_ln(t, g1_ref[...], be1_ref[...]), 0.0)
  t = jnp.dot(t, w2_ref[...], preferred_element_type=jnp.float32, precision=lax.Precision.HIGHEST) + b2_ref[...]
  t = jnp.maximum(_ln(t, g2_ref[...], be2_ref[...]), 0.0)
  hout = jnp.maximum(_ln(t, bng_ref[...], bnb_ref[...]), 0.0)
  out_ref[...] = hout
  bsum = jnp.sum(hout, axis=0, keepdims=True)
  bmax = jnp.max(hout, axis=0, keepdims=True)

  @pl.when(i == 0)
  def _():
    sum_ref[...] = bsum
    max_ref[...] = bmax

  @pl.when(i != 0)
  def _():
    sum_ref[...] = sum_ref[...] + bsum
    max_ref[...] = jnp.maximum(max_ref[...], bmax)


def _tc_layer(h, parts, lp):
  row = lambda v: v.reshape(1, -1)
  vec_spec = pl.BlockSpec((1, H), lambda i: (0, 0))
  mat_spec = pl.BlockSpec((H, H), lambda i: (0, 0))
  return pl.pallas_call(
      _tc_layer_body,
      grid=(GRID_N,),
      in_specs=[
          pl.BlockSpec((BLKN, D), lambda i: (i, 0)),
          pl.BlockSpec((NC, BLKN, D), lambda i: (0, i, 0)),
          mat_spec, vec_spec, vec_spec, vec_spec,
          mat_spec, vec_spec, vec_spec, vec_spec,
          pl.BlockSpec((1, 1), lambda i: (0, 0)),
          vec_spec, vec_spec,
      ],
      out_specs=[
          pl.BlockSpec((BLKN, D), lambda i: (i, 0)),
          pl.BlockSpec((1, D), lambda i: (0, 0)),
          pl.BlockSpec((1, D), lambda i: (0, 0)),
      ],
      out_shape=[
          jax.ShapeDtypeStruct((N, D), jnp.float32),
          jax.ShapeDtypeStruct((1, D), jnp.float32),
          jax.ShapeDtypeStruct((1, D), jnp.float32),
      ],
  )(h, parts, lp["W1"], row(lp["b1"]), row(lp["g1"]), row(lp["be1"]),
    lp["W2"], row(lp["b2"]), row(lp["g2"]), row(lp["be2"]),
    lp["eps"].reshape(1, 1), row(lp["bng"]), row(lp["bnb"]))


def _head_body(xsum_ref, xmax_ref, wa_ref, ba_ref, ga_ref, bea_ref,
               wb_ref, bb_ref, gb_ref, beb_ref, wc_ref, bc_ref, out_ref):
  xsum = xsum_ref[...]
  xp = jnp.concatenate([xsum, xsum * (1.0 / N), xmax_ref[...]], axis=-1)
  t = jnp.dot(xp, wa_ref[...], preferred_element_type=jnp.float32, precision=lax.Precision.HIGHEST) + ba_ref[...]
  t = jnp.maximum(_ln(t, ga_ref[...], bea_ref[...]), 0.0)
  t = jnp.dot(t, wb_ref[...], preferred_element_type=jnp.float32, precision=lax.Precision.HIGHEST) + bb_ref[...]
  t = jnp.maximum(_ln(t, gb_ref[...], beb_ref[...]), 0.0)
  out_ref[...] = jnp.dot(t, wc_ref[...],
                         preferred_element_type=jnp.float32, precision=lax.Precision.HIGHEST) + bc_ref[...]


def _head(xsum, xmax, lin):
  row = lambda v: v.reshape(1, -1)
  return pl.pallas_call(
      _head_body,
      out_shape=jax.ShapeDtypeStruct((1, 1), jnp.float32),
  )(xsum, xmax, lin["Wa"], row(lin["ba"]), row(lin["ga"]), row(lin["bea"]),
    lin["Wb"], row(lin["bb"]), row(lin["gb"]), row(lin["beb"]),
    lin["Wc"], row(lin["bc"]))


def kernel(x, edge_index, params):
  padb = ((0, 0), (0, KPB_PAD - KPB), (0, 0))
  src3 = jnp.pad(edge_index[0].reshape(NW, KPB, BLK), padb)
  dst3 = jnp.pad(edge_index[1].reshape(NW, KPB, BLK), padb)

  h = x
  sums, maxs = [], []
  for lp in params["layers"]:
    parts = _sc_segment_sum(h, src3, dst3)
    h, ls, lm = _tc_layer(h, parts, lp)
    sums.append(ls)
    maxs.append(lm)

  xsum = jnp.concatenate(sums, axis=-1)
  xmax = jnp.concatenate(maxs, axis=-1)
  out = _head(xsum, xmax, params["lin"])
  return out.reshape(-1)

# --- scband reference (transcript-rebuilt; emitter-appended) ---
"""Pipeline reference for scband-ginregressor-42760694399500 (READ-ONLY COPY).

The authoritative reference and input builder live on the scoring server;
editing this copy changes nothing except your own understanding.
"""

import jax, jax.numpy as jnp
import numpy as np

N, E, D, H, L = 10000, 320000, 128, 128, 4


def setup_inputs(seed: int = 0) -> dict:
    key = jax.random.key(seed)
    ks = jax.random.split(key, 40)
    x = jax.random.normal(ks[0], (N, D), dtype=jnp.float32)
    edge_index = jax.random.randint(ks[1], (2, E), 0, N, dtype=jnp.int32)
    k = 2
    layers = []
    for i in range(L):
        W1 = jax.random.normal(ks[k], (H, H), dtype=jnp.float32) * 0.05; k += 1
        W2 = jax.random.normal(ks[k], (H, H), dtype=jnp.float32) * 0.05; k += 1
        layers.append(dict(
            W1=W1, b1=jnp.zeros((H,), jnp.float32), g1=jnp.ones((H,), jnp.float32), be1=jnp.zeros((H,), jnp.float32),
            W2=W2, b2=jnp.zeros((H,), jnp.float32), g2=jnp.ones((H,), jnp.float32), be2=jnp.zeros((H,), jnp.float32),
            eps=jnp.zeros((), jnp.float32), bng=jnp.ones((H,), jnp.float32), bnb=jnp.zeros((H,), jnp.float32)))
    pool = H * L * 3
    Wa = jax.random.normal(ks[k], (pool, 2 * H), dtype=jnp.float32) * 0.02; k += 1
    Wb = jax.random.normal(ks[k], (2 * H, H), dtype=jnp.float32) * 0.05; k += 1
    Wc = jax.random.normal(ks[k], (H, 1), dtype=jnp.float32) * 0.05; k += 1
    lin = dict(Wa=Wa, ba=jnp.zeros((2 * H,), jnp.float32), ga=jnp.ones((2 * H,), jnp.float32), bea=jnp.zeros((2 * H,), jnp.float32),
               Wb=Wb, bb=jnp.zeros((H,), jnp.float32), gb=jnp.ones((H,), jnp.float32), beb=jnp.zeros((H,), jnp.float32),
               Wc=Wc, bc=jnp.zeros((1,), jnp.float32))
    params = {"layers": layers, "lin": lin}
    return {"x": x, "edge_index": edge_index, "params": params}


def _ln(h, g, b):
    mu = h.mean(-1, keepdims=True)
    var = ((h - mu) ** 2).mean(-1, keepdims=True)
    return (h - mu) / jnp.sqrt(var + 1e-5) * g + b


def _forward(x, edge_index, params):
    src, dst = edge_index[0], edge_index[1]
    h = x  # input_proj is Identity since in_dim == hidden
    xs = []
    for lp in params["layers"]:
        # GINConv: mlp((1 + eps) * x + sum_{j->i} x_j)
        agg = jax.ops.segment_sum(h[src], dst, num_segments=x.shape[0])
        z = (1.0 + lp["eps"]) * h + agg
        z = jax.nn.relu(_ln(z @ lp["W1"] + lp["b1"], lp["g1"], lp["be1"]))
        z = jax.nn.relu(_ln(z @ lp["W2"] + lp["b2"], lp["g2"], lp["be2"]))
        z = _ln(z, lp["bng"], lp["bnb"])  # post-conv LayerNorm
        h = jax.nn.relu(z)  # dropout p=0.0 -> identity
        xs.append(h)
    x_all = jnp.concatenate(xs, axis=-1)  # skip connections: concat all layer outputs
    x_sum = x_all.sum(axis=0, keepdims=True)
    x_mean = x_all.mean(axis=0, keepdims=True)
    x_max = x_all.max(axis=0, keepdims=True)
    xp = jnp.concatenate([x_sum, x_mean, x_max], axis=-1)
    lp = params["lin"]
    z = jax.nn.relu(_ln(xp @ lp["Wa"] + lp["ba"], lp["ga"], lp["bea"]))
    z = jax.nn.relu(_ln(z @ lp["Wb"] + lp["bb"], lp["gb"], lp["beb"]))
    out = z @ lp["Wc"] + lp["bc"]
    return out.reshape(-1)


def reference(x, edge_index, params):
    return _forward(x, edge_index, params)

if __name__ == "__main__":
    import jax
    _d = setup_inputs()
    print(jax.jit(kernel)(*tuple(_d.values())))

</pallas_src>

<mosaic_0001>
#map = affine_map<(d0, d1) -> (0, 0)>
#map1 = affine_map<(d0, d1) -> (0, 0, 0)>
module attributes {stable_mosaic.version = 14 : i64} {
  func.func @k(%arg0: i32, %arg1: i32, %arg2: memref<10000x128xf32, #tpu.memory_space<hbm>>, %arg3: memref<32x128x80xi32, #tpu.memory_space<hbm>>, %arg4: memref<32x128x80xi32, #tpu.memory_space<hbm>>, %arg5: memref<2x10112x128xf32, #tpu.memory_space<hbm>>, %arg6: memref<64x80xi32, #tpu.memory_space<vmem>>, %arg7: memref<64x80xi32, #tpu.memory_space<vmem>>, %arg8: memref<80x128xf32, #tpu.memory_space<vmem>>, %arg9: memref<80x128xf32, #tpu.memory_space<vmem>>, %arg10: memref<10112x128xf32, #tpu.memory_space<vmem_shared>>, %arg11: memref<!tpu.dma_semaphore, #tpu.memory_space<semaphore_mem>>, %arg12: memref<!tpu.dma_semaphore, #tpu.memory_space<semaphore_mem>>, %arg13: memref<!tpu.dma_semaphore, #tpu.memory_space<semaphore_mem>>, %arg14: memref<!tpu.dma_semaphore, #tpu.memory_space<semaphore_mem>>) attributes {dimension_semantics = [#tpu.dimension_semantics<core_parallel>, #tpu.dimension_semantics<subcore_parallel>], iteration_bounds = array<i64: 2, 16>, scalar_prefetch = 0 : i64, scratch_operands = 9 : i64, tpu.core_type = #tpu.core_type<sc_vector_subcore>, window_params = [{transform_indices = #map}, {transform_indices = #map1}, {transform_indices = #map1}, {transform_indices = #map1}]} {
    %mul3A = arith.constant 2 : i32
    %mul3A_0 = arith.muli %arg1, %mul3A : i32
    %add3A = arith.addi %mul3A_0, %arg0 : i32
    %scan3A = arith.constant 0 : i32
    %scan3A_1 = arith.constant 80 : i32
    %scan3A_2 = arith.addi %scan3A, %scan3A_1 : i32
    %scan3A_3 = arith.constant 1 : i32
    scf.for %scan3A_67 = %scan3A to %scan3A_2 step %scan3A_3  : i32 {
      %mul3A_68 = arith.constant 1 : i32
      %mul3A_69 = arith.muli %scan3A_67, %mul3A_68 : i32
      %add3A_70 = arith.constant 0 : i32
      %add3A_71 = arith.addi %add3A_70, %mul3A_69 : i32
      %scan3A_72 = arith.constant 0 : i32
      %scan3A_73 = arith.constant 8 : i32
      %scan3A_74 = arith.addi %scan3A_72, %scan3A_73 : i32
      %scan3A_75 = arith.constant 1 : i32
      scf.for %scan3A_77 = %scan3A_72 to %scan3A_74 step %scan3A_75  : i32 {
        %mul3A_78 = arith.constant 1 : i32
        %mul3A_79 = arith.muli %scan3A_77, %mul3A_78 : i32
        %add3A_80 = arith.constant 0 : i32
        %add3A_81 = arith.addi %add3A_80, %mul3A_79 : i32
        %broadcast_in_dim3A = arith.constant 0.000000e+00 : f32
        %broadcast_in_dim3A_82 = vector.broadcast %broadcast_in_dim3A : f32 to vector<16xf32>
        %mul3A_83 = arith.constant 16 : i32
        %mul3A_84 = arith.muli %add3A_81, %mul3A_83 : i32
        %swap3A = arith.index_cast %add3A_71 : i32 to index
        %swap3A_85 = arith.index_cast %mul3A_84 : i32 to index
        %swap3A_86 = tpu.vector_load %arg8[%swap3A, %swap3A_85] {strides = array<i32>} : memref<80x128xf32, #tpu.memory_space<vmem>>, vector<1x16xf32>,
        %swap3A_87 = vector.shape_cast %swap3A_86 : vector<1x16xf32> to vector<16xf32>
        %swap3A_88 = vector.shape_cast %broadcast_in_dim3A_82 : vector<16xf32> to vector<1x16xf32>
        tpu.vector_store %arg8[%swap3A, %swap3A_85], %swap3A_88 {strides = array<i32>} : memref<80x128xf32, #tpu.memory_space<vmem>>, vector<1x16xf32>,
        %broadcast_in_dim3A_89 = arith.constant 0.000000e+00 : f32
        %broadcast_in_dim3A_90 = vector.broadcast %broadcast_in_dim3A_89 : f32 to vector<16xf32>
        %mul3A_91 = arith.constant 16 : i32
        %mul3A_92 = arith.muli %add3A_81, %mul3A_91 : i32
        %swap3A_93 = arith.index_cast %add3A_71 : i32 to index
        %swap3A_94 = arith.index_cast %mul3A_92 : i32 to index
        %swap3A_95 = tpu.vector_load %arg9[%swap3A_93, %swap3A_94] {strides = array<i32>} : memref<80x128xf32, #tpu.memory_space<vmem>>, vector<1x16xf32>,
        %swap3A_96 = vector.shape_cast %swap3A_95 : vector<1x16xf32> to vector<16xf32>
        %swap3A_97 = vector.shape_cast %broadcast_in_dim3A_90 : vector<16xf32> to vector<1x16xf32>
        tpu.vector_store %arg9[%swap3A_93, %swap3A_94], %swap3A_97 {strides = array<i32>} : memref<80x128xf32, #tpu.memory_space<vmem>>, vector<1x16xf32>,
      }
      %scan3A_76 = arith.constant 8 : i32
    }
    %scan3A_4 = arith.constant 80 : i32
    %mul3A_5 = arith.constant 632 : i32
    %mul3A_6 = arith.muli %arg1, %mul3A_5 : i32
    %scan3A_7 = arith.constant 0 : i32
    %scan3A_8 = arith.constant 7 : i32
    %scan3A_9 = arith.addi %scan3A_7, %scan3A_8 : i32
    %scan3A_10 = arith.constant 1 : i32
    scf.for %scan3A_67 = %scan3A_7 to %scan3A_9 step %scan3A_10  : i32 {
      %mul3A_68 = arith.constant 1 : i32
      %mul3A_69 = arith.muli %scan3A_67, %mul3A_68 : i32
      %add3A_70 = arith.constant 0 : i32
      %add3A_71 = arith.addi %add3A_70, %mul3A_69 : i32
      %mul3A_72 = arith.constant 80 : i32
      %mul3A_73 = arith.muli %add3A_71, %mul3A_72 : i32
      %add3A_74 = arith.addi %mul3A_6, %mul3A_73 : i32
      "tpu.region"() ({
        %run_scoped3A_75 = tpu.sem_alloc : memref<!tpu.dma_semaphore, #tpu.memory_space<semaphore_mem>>
        %dma_start3A_76 = arith.constant 0 : i32
        %dma_start3A_77 = tpu.memref_slice %arg10[%add3A_74, %dma_start3A_76] : memref<10112x128xf32, #tpu.memory_space<vmem_shared>> -> memref<80x128xf32, #tpu.memory_space<vmem_shared>>
        %dma_start3A_78 = arith.constant 0 : i32
        %dma_start3A_79 = tpu.memref_slice %arg10[%add3A_74, %dma_start3A_78] : memref<10112x128xf32, #tpu.memory_space<vmem_shared>> -> memref<80x128xf32, #tpu.memory_space<vmem_shared>>
        tpu.enqueue_dma source(%arg8 : memref<80x128xf32, #tpu.memory_space<vmem>>) target(%dma_start3A_79 : memref<80x128xf32, #tpu.memory_space<vmem_shared>>) target_semaphore(%run_scoped3A_75 : memref<!tpu.dma_semaphore, #tpu.memory_space<semaphore_mem>>)
        %dma_wait3A_80 = arith.constant 0 : i32
        %dma_wait3A_81 = tpu.memref_slice %arg10[%add3A_74, %dma_wait3A_80] : memref<10112x128xf32, #tpu.memory_space<vmem_shared>> -> memref<80x128xf32, #tpu.memory_space<vmem_shared>>
        %dma_wait3A_82 = arith.constant 0 : i32
        %dma_wait3A_83 = tpu.memref_slice %arg10[%add3A_74, %dma_wait3A_82] : memref<10112x128xf32, #tpu.memory_space<vmem_shared>> -> memref<80x128xf32, #tpu.memory_space<vmem_shared>>
        tpu.wait_dma2 semaphore(%run_scoped3A_75 : memref<!tpu.dma_semaphore, #tpu.memory_space<semaphore_mem>>) src(%arg8 : memref<80x128xf32, #tpu.memory_space<vmem>>) dst(%dma_wait3A_83 : memref<80x128xf32, #tpu.memory_space<vmem_shared>>)
        tpu.yield
      }) : () -> ()
    }
    %scan3A_11 = arith.constant 7 : i32
    %add3A_12 = arith.constant 560 : i32
    %add3A_13 = arith.addi %mul3A_6, %add3A_12 : i32
    "tpu.region"() ({
      %run_scoped3A_67 = tpu.sem_alloc : memref<!tpu.dma_semaphore, #tpu.memory_space<semaphore_mem>>
      %dma_start3A_68 = arith.constant 0 : i32
      %dma_start3A_69 = arith.constant 0 : i32
      %dma_start3A_70 = tpu.memref_slice %arg8[%dma_start3A_68, %dma_start3A_69] : memref<80x128xf32, #tpu.memory_space<vmem>> -> memref<72x128xf32, #tpu.memory_space<vmem>>
      %dma_start3A_71 = arith.constant 0 : i32
      %dma_start3A_72 = tpu.memref_slice %arg10[%add3A_13, %dma_start3A_71] : memref<10112x128xf32, #tpu.memory_space<vmem_shared>> -> memref<72x128xf32, #tpu.memory_space<vmem_shared>>
      %dma_start3A_73 = arith.constant 0 : i32
      %dma_start3A_74 = tpu.memref_slice %arg10[%add3A_13, %dma_start3A_73] : memref<10112x128xf32, #tpu.memory_space<vmem_shared>> -> memref<72x128xf32, #tpu.memory_space<vmem_shared>>
      %dma_start3A_75 = arith.constant 0 : i32
      %dma_start3A_76 = arith.constant 0 : i32
      %dma_start3A_77 = tpu.memref_slice %arg8[%dma_start3A_75, %dma_start3A_76] : memref<80x128xf32, #tpu.memory_space<vmem>> -> memref<72x128xf32, #tpu.memory_space<vmem>>
      tpu.enqueue_dma source(%dma_start3A_77 : memref<72x128xf32, #tpu.memory_space<vmem>>) target(%dma_start3A_74 : memref<72x128xf32, #tpu.memory_space<vmem_shared>>) target_semaphore(%run_scoped3A_67 : memref<!tpu.dma_semaphore, #tpu.memory_space<semaphore_mem>>)
      %dma_wait3A_78 = arith.constant 0 : i32
      %dma_wait3A_79 = arith.constant 0 : i32
      %dma_wait3A_80 = tpu.memref_slice %arg8[%dma_wait3A_78, %dma_wait3A_79] : memref<80x128xf32, #tpu.memory_space<vmem>> -> memref<72x128xf32, #tpu.memory_space<vmem>>
      %dma_wait3A_81 = arith.constant 0 : i32
      %dma_wait3A_82 = tpu.memref_slice %arg10[%add3A_13, %dma_wait3A_81] : memref<10112x128xf32, #tpu.memory_space<vmem_shared>> -> memref<72x128xf32, #tpu.memory_space<vmem_shared>>
      %dma_wait3A_83 = arith.constant 0 : i32
      %dma_wait3A_84 = tpu.memref_slice %arg10[%add3A_13, %dma_wait3A_83] : memref<10112x128xf32, #tpu.memory_space<vmem_shared>> -> memref<72x128xf32, #tpu.memory_space<vmem_shared>>
      %dma_wait3A_85 = arith.constant 0 : i32
      %dma_wait3A_86 = arith.constant 0 : i32
      %dma_wait3A_87 = tpu.memref_slice %arg8[%dma_wait3A_85, %dma_wait3A_86] : memref<80x128xf32, #tpu.memory_space<vmem>> -> memref<72x128xf32, #tpu.memory_space<vmem>>
      tpu.wait_dma2 semaphore(%run_scoped3A_67 : memref<!tpu.dma_semaphore, #tpu.memory_space<semaphore_mem>>) src(%dma_wait3A_87 : memref<72x128xf32, #tpu.memory_space<vmem>>) dst(%dma_wait3A_84 : memref<72x128xf32, #tpu.memory_space<vmem_shared>>)
      tpu.yield
    }) : () -> ()
    %barrier3A = arith.constant 0 : index
    tpu.barrier barrier_id(%barrier3A)
    "tpu.region"() ({
      %run_scoped3A_67 = tpu.sem_alloc : memref<!tpu.dma_semaphore, #tpu.memory_space<semaphore_mem>>
      %dma_start3A_68 = arith.constant 0 : i32
      %dma_start3A_69 = arith.constant 0 : i32
      %dma_start3A_70 = tpu.memref_slice %arg3[%add3A, %dma_start3A_68, %dma_start3A_69] : memref<32x128x80xi32, #tpu.memory_space<hbm>> -> memref<1x64x80xi32, #tpu.memory_space<hbm>>
      %dma_start3A_71 = tpu.memref_squeeze %dma_start3A_70 : memref<1x64x80xi32, #tpu.memory_space<hbm>> -> memref<64x80xi32, #tpu.memory_space<hbm>>
      %dma_start3A_72 = arith.constant 0 : i32
      %dma_start3A_73 = arith.constant 0 : i32
      %dma_start3A_74 = tpu.memref_slice %arg3[%add3A, %dma_start3A_72, %dma_start3A_73] : memref<32x128x80xi32, #tpu.memory_space<hbm>> -> memref<1x64x80xi32, #tpu.memory_space<hbm>>
      %dma_start3A_75 = tpu.memref_squeeze %dma_start3A_74 : memref<1x64x80xi32, #tpu.memory_space<hbm>> -> memref<64x80xi32, #tpu.memory_space<hbm>>
      tpu.enqueue_dma source(%dma_start3A_75 : memref<64x80xi32, #tpu.memory_space<hbm>>) target(%arg6 : memref<64x80xi32, #tpu.memory_space<vmem>>) target_semaphore(%run_scoped3A_67 : memref<!tpu.dma_semaphore, #tpu.memory_space<semaphore_mem>>)
      %dma_wait3A_76 = arith.constant 0 : i32
      %dma_wait3A_77 = arith.constant 0 : i32
      %dma_wait3A_78 = tpu.memref_slice %arg3[%add3A, %dma_wait3A_76, %dma_wait3A_77] : memref<32x128x80xi32, #tpu.memory_space<hbm>> -> memref<1x64x80xi32, #tpu.memory_space<hbm>>
      %dma_wait3A_79 = tpu.memref_squeeze %dma_wait3A_78 : memref<1x64x80xi32, #tpu.memory_space<hbm>> -> memref<64x80xi32, #tpu.memory_space<hbm>>
      %dma_wait3A_80 = arith.constant 0 : i32
      %dma_wait3A_81 = arith.constant 0 : i32
      %dma_wait3A_82 = tpu.memref_slice %arg3[%add3A, %dma_wait3A_80, %dma_wait3A_81] : memref<32x128x80xi32, #tpu.memory_space<hbm>> -> memref<1x64x80xi32, #tpu.memory_space<hbm>>
      %dma_wait3A_83 = tpu.memref_squeeze %dma_wait3A_82 : memref<1x64x80xi32, #tpu.memory_space<hbm>> -> memref<64x80xi32, #tpu.memory_space<hbm>>
      tpu.wait_dma2 semaphore(%run_scoped3A_67 : memref<!tpu.dma_semaphore, #tpu.memory_space<semaphore_mem>>) src(%dma_wait3A_83 : memref<64x80xi32, #tpu.memory_space<hbm>>) dst(%arg6 : memref<64x80xi32, #tpu.memory_space<vmem>>)
      tpu.yield
    }) : () -> ()
    "tpu.region"() ({
      %run_scoped3A_67 = tpu.sem_alloc : memref<!tpu.dma_semaphore, #tpu.memory_space<semaphore_mem>>
      %dma_start3A_68 = arith.constant 0 : i32
      %dma_start3A_69 = arith.constant 0 : i32
      %dma_start3A_70 = tpu.memref_slice %arg4[%add3A, %dma_start3A_68, %dma_start3A_69] : memref<32x128x80xi32, #tpu.memory_space<hbm>> -> memref<1x64x80xi32, #tpu.memory_space<hbm>>
      %dma_start3A_71 = tpu.memref_squeeze %dma_start3A_70 : memref<1x64x80xi32, #tpu.memory_space<hbm>> -> memref<64x80xi32, #tpu.memory_space<hbm>>
      %dma_start3A_72 = arith.constant 0 : i32
      %dma_start3A_73 = arith.constant 0 : i32
      %dma_start3A_74 = tpu.memref_slice %arg4[%add3A, %dma_start3A_72, %dma_start3A_73] : memref<32x128x80xi32, #tpu.memory_space<hbm>> -> memref<1x64x80xi32, #tpu.memory_space<hbm>>
      %dma_start3A_75 = tpu.memref_squeeze %dma_start3A_74 : memref<1x64x80xi32, #tpu.memory_space<hbm>> -> memref<64x80xi32, #tpu.memory_space<hbm>>
      tpu.enqueue_dma source(%dma_start3A_75 : memref<64x80xi32, #tpu.memory_space<hbm>>) target(%arg7 : memref<64x80xi32, #tpu.memory_space<vmem>>) target_semaphore(%run_scoped3A_67 : memref<!tpu.dma_semaphore, #tpu.memory_space<semaphore_mem>>)
      %dma_wait3A_76 = arith.constant 0 : i32
      %dma_wait3A_77 = arith.constant 0 : i32
      %dma_wait3A_78 = tpu.memref_slice %arg4[%add3A, %dma_wait3A_76, %dma_wait3A_77] : memref<32x128x80xi32, #tpu.memory_space<hbm>> -> memref<1x64x80xi32, #tpu.memory_space<hbm>>
      %dma_wait3A_79 = tpu.memref_squeeze %dma_wait3A_78 : memref<1x64x80xi32, #tpu.memory_space<hbm>> -> memref<64x80xi32, #tpu.memory_space<hbm>>
      %dma_wait3A_80 = arith.constant 0 : i32
      %dma_wait3A_81 = arith.constant 0 : i32
      %dma_wait3A_82 = tpu.memref_slice %arg4[%add3A, %dma_wait3A_80, %dma_wait3A_81] : memref<32x128x80xi32, #tpu.memory_space<hbm>> -> memref<1x64x80xi32, #tpu.memory_space<hbm>>
      %dma_wait3A_83 = tpu.memref_squeeze %dma_wait3A_82 : memref<1x64x80xi32, #tpu.memory_space<hbm>> -> memref<64x80xi32, #tpu.memory_space<hbm>>
      tpu.wait_dma2 semaphore(%run_scoped3A_67 : memref<!tpu.dma_semaphore, #tpu.memory_space<semaphore_mem>>) src(%dma_wait3A_83 : memref<64x80xi32, #tpu.memory_space<hbm>>) dst(%arg7 : memref<64x80xi32, #tpu.memory_space<vmem>>)
      tpu.yield
    }) : () -> ()
    %dma_start3A = arith.constant 0 : i32
    %dma_start3A_14 = arith.constant 0 : i32
    %dma_start3A_15 = tpu.memref_slice %arg6[%dma_start3A, %dma_start3A_14] : memref<64x80xi32, #tpu.memory_space<vmem>> -> memref<1x80xi32, #tpu.memory_space<vmem>>
    %dma_start3A_16 = tpu.memref_squeeze %dma_start3A_15 : memref<1x80xi32, #tpu.memory_space<vmem>> -> memref<80xi32, #tpu.memory_space<vmem>>
    %dma_start3A_17 = arith.constant 0 : i32
    %dma_start3A_18 = arith.constant 0 : i32
    %dma_start3A_19 = tpu.memref_slice %arg2[%dma_start3A_17, %dma_start3A_18] : memref<10000x128xf32, #tpu.memory_space<hbm>> -> memref<10000x128xf32, #tpu.memory_space<hbm>>
    tpu.enqueue_indirect_dma source(%dma_start3A_19 : memref<10000x128xf32, #tpu.memory_space<hbm>>) target(%arg8 : memref<80x128xf32, #tpu.memory_space<vmem>>) offsets(%dma_start3A_16 : memref<80xi32, #tpu.memory_space<vmem>>) semaphore(%arg11 : memref<!tpu.dma_semaphore, #tpu.memory_space<semaphore_mem>>)
    %scan3A_20 = arith.constant 0 : i32
    %scan3A_21 = arith.constant 31 : i32
    %scan3A_22 = arith.addi %scan3A_20, %scan3A_21 : i32
    %scan3A_23 = arith.constant 1 : i32
    scf.for %scan3A_67 = %scan3A_20 to %scan3A_22 step %scan3A_23  : i32 {
      %mul3A_68 = arith.constant 1 : i32
      %mul3A_69 = arith.muli %scan3A_67, %mul3A_68 : i32
      %add3A_70 = arith.constant 0 : i32
      %add3A_71 = arith.addi %add3A_70, %mul3A_69 : i32
      %mul3A_72 = arith.constant 2 : i32
      %mul3A_73 = arith.muli %add3A_71, %mul3A_72 : i32
      %dma_wait3A_74 = arith.constant 0 : i32
      %dma_wait3A_75 = arith.constant 0 : i32
      %dma_wait3A_76 = tpu.memref_slice %arg6[%dma_wait3A_74, %dma_wait3A_75] : memref<64x80xi32, #tpu.memory_space<vmem>> -> memref<1x80xi32, #tpu.memory_space<vmem>>
      %dma_wait3A_77 = tpu.memref_squeeze %dma_wait3A_76 : memref<1x80xi32, #tpu.memory_space<vmem>> -> memref<80xi32, #tpu.memory_space<vmem>>
      %dma_wait3A_78 = arith.constant 0 : i32
      %dma_wait3A_79 = arith.constant 0 : i32
      %dma_wait3A_80 = tpu.memref_slice %arg2[%dma_wait3A_78, %dma_wait3A_79] : memref<10000x128xf32, #tpu.memory_space<hbm>> -> memref<10000x128xf32, #tpu.memory_space<hbm>>
      tpu.wait_indirect_dma semaphore(%arg11 : memref<!tpu.dma_semaphore, #tpu.memory_space<semaphore_mem>>) src(%dma_wait3A_80 : memref<10000x128xf32, #tpu.memory_space<hbm>>) dst(%arg8 : memref<80x128xf32, #tpu.memory_space<vmem>>)
      %add3A_81 = arith.constant 1 : i32
      %add3A_82 = arith.addi %mul3A_73, %add3A_81 : i32
      %dma_start3A_83 = arith.constant 0 : i32
      %dma_start3A_84 = tpu.memref_slice %arg6[%add3A_82, %dma_start3A_83] : memref<64x80xi32, #tpu.memory_space<vmem>> -> memref<1x80xi32, #tpu.memory_space<vmem>>
      %dma_start3A_85 = tpu.memref_squeeze %dma_start3A_84 : memref<1x80xi32, #tpu.memory_space<vmem>> -> memref<80xi32, #tpu.memory_space<vmem>>
      %dma_start3A_86 = arith.constant 0 : i32
      %dma_start3A_87 = arith.constant 0 : i32
      %dma_start3A_88 = tpu.memref_slice %arg2[%dma_start3A_86, %dma_start3A_87] : memref<10000x128xf32, #tpu.memory_space<hbm>> -> memref<10000x128xf32, #tpu.memory_space<hbm>>
      tpu.enqueue_indirect_dma source(%dma_start3A_88 : memref<10000x128xf32, #tpu.memory_space<hbm>>) target(%arg9 : memref<80x128xf32, #tpu.memory_space<vmem>>) offsets(%dma_start3A_85 : memref<80xi32, #tpu.memory_space<vmem>>) semaphore(%arg12 : memref<!tpu.dma_semaphore, #tpu.memory_space<semaphore_mem>>)
      "tpu.region"() ({
        %run_scoped3A_106 = tpu.sem_alloc : memref<!tpu.dma_semaphore, #tpu.memory_space<semaphore_mem>>
        %dma_start3A_107 = arith.constant 0 : i32
        %dma_start3A_108 = tpu.memref_slice %arg7[%mul3A_73, %dma_start3A_107] : memref<64x80xi32, #tpu.memory_space<vmem>> -> memref<1x80xi32, #tpu.memory_space<vmem>>
        %dma_start3A_109 = tpu.memref_squeeze %dma_start3A_108 : memref<1x80xi32, #tpu.memory_space<vmem>> -> memref<80xi32, #tpu.memory_space<vmem>>
        %dma_start3A_110 = arith.constant 0 : i32
        %dma_start3A_111 = arith.constant 0 : i32
        %dma_start3A_112 = tpu.memref_slice %arg10[%dma_start3A_110, %dma_start3A_111] : memref<10112x128xf32, #tpu.memory_space<vmem_shared>> -> memref<10112x128xf32, #tpu.memory_space<vmem_shared>>
        tpu.enqueue_indirect_dma source(%arg8 : memref<80x128xf32, #tpu.memory_space<vmem>>) target(%dma_start3A_112 : memref<10112x128xf32, #tpu.memory_space<vmem_shared>>) offsets(%dma_start3A_109 : memref<80xi32, #tpu.memory_space<vmem>>) semaphore(%run_scoped3A_106 : memref<!tpu.dma_semaphore, #tpu.memory_space<semaphore_mem>>) {add = true}
        %dma_wait3A_113 = arith.constant 0 : i32
        %dma_wait3A_114 = tpu.memref_slice %arg7[%mul3A_73, %dma_wait3A_113] : memref<64x80xi32, #tpu.memory_space<vmem>> -> memref<1x80xi32, #tpu.memory_space<vmem>>
        %dma_wait3A_115 = tpu.memref_squeeze %dma_wait3A_114 : memref<1x80xi32, #tpu.memory_space<vmem>> -> memref<80xi32, #tpu.memory_space<vmem>>
        %dma_wait3A_116 = arith.constant 0 : i32
        %dma_wait3A_117 = arith.constant 0 : i32
        %dma_wait3A_118 = tpu.memref_slice %arg10[%dma_wait3A_116, %dma_wait3A_117] : memref<10112x128xf32, #tpu.memory_space<vmem_shared>> -> memref<10112x128xf32, #tpu.memory_space<vmem_shared>>
        tpu.wait_indirect_dma semaphore(%run_scoped3A_106 : memref<!tpu.dma_semaphore, #tpu.memory_space<semaphore_mem>>) src(%arg8 : memref<80x128xf32, #tpu.memory_space<vmem>>) dst(%dma_wait3A_118 : memref<10112x128xf32, #tpu.memory_space<vmem_shared>>)
        tpu.yield
      }) : () -> ()
      %dma_wait3A_89 = arith.constant 0 : i32
      %dma_wait3A_90 = arith.constant 0 : i32
      %dma_wait3A_91 = tpu.memref_slice %arg6[%dma_wait3A_89, %dma_wait3A_90] : memref<64x80xi32, #tpu.memory_space<vmem>> -> memref<1x80xi32, #tpu.memory_space<vmem>>
      %dma_wait3A_92 = tpu.memref_squeeze %dma_wait3A_91 : memref<1x80xi32, #tpu.memory_space<vmem>> -> memref<80xi32, #tpu.memory_space<vmem>>
      %dma_wait3A_93 = arith.constant 0 : i32
      %dma_wait3A_94 = arith.constant 0 : i32
      %dma_wait3A_95 = tpu.memref_slice %arg2[%dma_wait3A_93, %dma_wait3A_94] : memref<10000x128xf32, #tpu.memory_space<hbm>> -> memref<10000x128xf32, #tpu.memory_space<hbm>>
      tpu.wait_indirect_dma semaphore(%arg12 : memref<!tpu.dma_semaphore, #tpu.memory_space<semaphore_mem>>) src(%dma_wait3A_95 : memref<10000x128xf32, #tpu.memory_space<hbm>>) dst(%arg9 : memref<80x128xf32, #tpu.memory_space<vmem>>)
      %add3A_96 = arith.constant 2 : i32
      %add3A_97 = arith.addi %mul3A_73, %add3A_96 : i32
      %dma_start3A_98 = arith.constant 0 : i32
      %dma_start3A_99 = tpu.memref_slice %arg6[%add3A_97, %dma_start3A_98] : memref<64x80xi32, #tpu.memory_space<vmem>> -> memref<1x80xi32, #tpu.memory_space<vmem>>
      %dma_start3A_100 = tpu.memref_squeeze %dma_start3A_99 : memref<1x80xi32, #tpu.memory_space<vmem>> -> memref<80xi32, #tpu.memory_space<vmem>>
      %dma_start3A_101 = arith.constant 0 : i32
      %dma_start3A_102 = arith.constant 0 : i32
      %dma_start3A_103 = tpu.memref_slice %arg2[%dma_start3A_101, %dma_start3A_102] : memref<10000x128xf32, #tpu.memory_space<hbm>> -> memref<10000x128xf32, #tpu.memory_space<hbm>>
      tpu.enqueue_indirect_dma source(%dma_start3A_103 : memref<10000x128xf32, #tpu.memory_space<hbm>>) target(%arg8 : memref<80x128xf32, #tpu.memory_space<vmem>>) offsets(%dma_start3A_100 : memref<80xi32, #tpu.memory_space<vmem>>) semaphore(%arg11 : memref<!tpu.dma_semaphore, #tpu.memory_space<semaphore_mem>>)
      %add3A_104 = arith.constant 1 : i32
      %add3A_105 = arith.addi %mul3A_73, %add3A_104 : i32
      "tpu.region"() ({
        %run_scoped3A_106 = tpu.sem_alloc : memref<!tpu.dma_semaphore, #tpu.memory_space<semaphore_mem>>
        %dma_start3A_107 = arith.constant 0 : i32
        %dma_start3A_108 = tpu.memref_slice %arg7[%add3A_105, %dma_start3A_107] : memref<64x80xi32, #tpu.memory_space<vmem>> -> memref<1x80xi32, #tpu.memory_space<vmem>>
        %dma_start3A_109 = tpu.memref_squeeze %dma_start3A_108 : memref<1x80xi32, #tpu.memory_space<vmem>> -> memref<80xi32, #tpu.memory_space<vmem>>
        %dma_start3A_110 = arith.constant 0 : i32
        %dma_start3A_111 = arith.constant 0 : i32
        %dma_start3A_112 = tpu.memref_slice %arg10[%dma_start3A_110, %dma_start3A_111] : memref<10112x128xf32, #tpu.memory_space<vmem_shared>> -> memref<10112x128xf32, #tpu.memory_space<vmem_shared>>
        tpu.enqueue_indirect_dma source(%arg9 : memref<80x128xf32, #tpu.memory_space<vmem>>) target(%dma_start3A_112 : memref<10112x128xf32, #tpu.memory_space<vmem_shared>>) offsets(%dma_start3A_109 : memref<80xi32, #tpu.memory_space<vmem>>) semaphore(%run_scoped3A_106 : memref<!tpu.dma_semaphore, #tpu.memory_space<semaphore_mem>>) {add = true}
        %dma_wait3A_113 = arith.constant 0 : i32
        %dma_wait3A_114 = tpu.memref_slice %arg7[%add3A_105, %dma_wait3A_113] : memref<64x80xi32, #tpu.memory_space<vmem>> -> memref<1x80xi32, #tpu.memory_space<vmem>>
        %dma_wait3A_115 = tpu.memref_squeeze %dma_wait3A_114 : memref<1x80xi32, #tpu.memory_space<vmem>> -> memref<80xi32, #tpu.memory_space<vmem>>
        %dma_wait3A_116 = arith.constant 0 : i32
        %dma_wait3A_117 = arith.constant 0 : i32
        %dma_wait3A_118 = tpu.memref_slice %arg10[%dma_wait3A_116, %dma_wait3A_117] : memref<10112x128xf32, #tpu.memory_space<vmem_shared>> -> memref<10112x128xf32, #tpu.memory_space<vmem_shared>>
        tpu.wait_indirect_dma semaphore(%run_scoped3A_106 : memref<!tpu.dma_semaphore, #tpu.memory_space<semaphore_mem>>) src(%arg9 : memref<80x128xf32, #tpu.memory_space<vmem>>) dst(%dma_wait3A_118 : memref<10112x128xf32, #tpu.memory_space<vmem_shared>>)
        tpu.yield
      }) : () -> ()
    }
    %scan3A_24 = arith.constant 31 : i32
    %dma_wait3A = arith.constant 0 : i32
    %dma_wait3A_25 = arith.constant 0 : i32
    %dma_wait3A_26 = tpu.memref_slice %arg6[%dma_wait3A, %dma_wait3A_25] : memref<64x80xi32, #tpu.memory_space<vmem>> -> memref<1x80xi32, #tpu.memory_space<vmem>>
    %dma_wait3A_27 = tpu.memref_squeeze %dma_wait3A_26 : memref<1x80xi32, #tpu.memory_space<vmem>> -> memref<80xi32, #tpu.memory_space<vmem>>
    %dma_wait3A_28 = arith.constant 0 : i32
    %dma_wait3A_29 = arith.constant 0 : i32
    %dma_wait3A_30 = tpu.memref_slice %arg2[%dma_wait3A_28, %dma_wait3A_29] : memref<10000x128xf32, #tpu.memory_space<hbm>> -> memref<10000x128xf32, #tpu.memory_space<hbm>>
    tpu.wait_indirect_dma semaphore(%arg11 : memref<!tpu.dma_semaphore, #tpu.memory_space<semaphore_mem>>) src(%dma_wait3A_30 : memref<10000x128xf32, #tpu.memory_space<hbm>>) dst(%arg8 : memref<80x128xf32, #tpu.memory_space<vmem>>)
    %dma_start3A_31 = arith.constant 63 : i32
    %dma_start3A_32 = arith.constant 0 : i32
    %dma_start3A_33 = tpu.memref_slice %arg6[%dma_start3A_31, %dma_start3A_32] : memref<64x80xi32, #tpu.memory_space<vmem>> -> memref<1x80xi32, #tpu.memory_space<vmem>>
    %dma_start3A_34 = tpu.memref_squeeze %dma_start3A_33 : memref<1x80xi32, #tpu.memory_space<vmem>> -> memref<80xi32, #tpu.memory_space<vmem>>
    %dma_start3A_35 = arith.constant 0 : i32
    %dma_start3A_36 = arith.constant 0 : i32
    %dma_start3A_37 = tpu.memref_slice %arg2[%dma_start3A_35, %dma_start3A_36] : memref<10000x128xf32, #tpu.memory_space<hbm>> -> memref<10000x128xf32, #tpu.memory_space<hbm>>
    tpu.enqueue_indirect_dma source(%dma_start3A_37 : memref<10000x128xf32, #tpu.memory_space<hbm>>) target(%arg9 : memref<80x128xf32, #tpu.memory_space<vmem>>) offsets(%dma_start3A_34 : memref<80xi32, #tpu.memory_space<vmem>>) semaphore(%arg12 : memref<!tpu.dma_semaphore, #tpu.memory_space<semaphore_mem>>)
    %run_scoped3A = arith.constant 62 : i32
    "tpu.region"() ({
      %run_scoped3A_67 = tpu.sem_alloc : memref<!tpu.dma_semaphore, #tpu.memory_space<semaphore_mem>>
      %dma_start3A_68 = arith.constant 0 : i32
      %dma_start3A_69 = tpu.memref_slice %arg7[%run_scoped3A, %dma_start3A_68] : memref<64x80xi32, #tpu.memory_space<vmem>> -> memref<1x80xi32, #tpu.memory_space<vmem>>
      %dma_start3A_70 = tpu.memref_squeeze %dma_start3A_69 : memref<1x80xi32, #tpu.memory_space<vmem>> -> memref<80xi32, #tpu.memory_space<vmem>>
      %dma_start3A_71 = arith.constant 0 : i32
      %dma_start3A_72 = arith.constant 0 : i32
      %dma_start3A_73 = tpu.memref_slice %arg10[%dma_start3A_71, %dma_start3A_72] : memref<10112x128xf32, #tpu.memory_space<vmem_shared>> -> memref<10112x128xf32, #tpu.memory_space<vmem_shared>>
      tpu.enqueue_indirect_dma source(%arg8 : memref<80x128xf32, #tpu.memory_space<vmem>>) target(%dma_start3A_73 : memref<10112x128xf32, #tpu.memory_space<vmem_shared>>) offsets(%dma_start3A_70 : memref<80xi32, #tpu.memory_space<vmem>>) semaphore(%run_scoped3A_67 : memref<!tpu.dma_semaphore, #tpu.memory_space<semaphore_mem>>) {add = true}
      %dma_wait3A_74 = arith.constant 0 : i32
      %dma_wait3A_75 = tpu.memref_slice %arg7[%run_scoped3A, %dma_wait3A_74] : memref<64x80xi32, #tpu.memory_space<vmem>> -> memref<1x80xi32, #tpu.memory_space<vmem>>
      %dma_wait3A_76 = tpu.memref_squeeze %dma_wait3A_75 : memref<1x80xi32, #tpu.memory_space<vmem>> -> memref<80xi32, #tpu.memory_space<vmem>>
      %dma_wait3A_77 = arith.constant 0 : i32
      %dma_wait3A_78 = arith.constant 0 : i32
      %dma_wait3A_79 = tpu.memref_slice %arg10[%dma_wait3A_77, %dma_wait3A_78] : memref<10112x128xf32, #tpu.memory_space<vmem_shared>> -> memref<10112x128xf32, #tpu.memory_space<vmem_shared>>
      tpu.wait_indirect_dma semaphore(%run_scoped3A_67 : memref<!tpu.dma_semaphore, #tpu.memory_space<semaphore_mem>>) src(%arg8 : memref<80x128xf32, #tpu.memory_space<vmem>>) dst(%dma_wait3A_79 : memref<10112x128xf32, #tpu.memory_space<vmem_shared>>)
      tpu.yield
    }) : () -> ()
    %dma_wait3A_38 = arith.constant 0 : i32
    %dma_wait3A_39 = arith.constant 0 : i32
    %dma_wait3A_40 = tpu.memref_slice %arg6[%dma_wait3A_38, %dma_wait3A_39] : memref<64x80xi32, #tpu.memory_space<vmem>> -> memref<1x80xi32, #tpu.memory_space<vmem>>
    %dma_wait3A_41 = tpu.memref_squeeze %dma_wait3A_40 : memref<1x80xi32, #tpu.memory_space<vmem>> -> memref<80xi32, #tpu.memory_space<vmem>>
    %dma_wait3A_42 = arith.constant 0 : i32
    %dma_wait3A_43 = arith.constant 0 : i32
    %dma_wait3A_44 = tpu.memref_slice %arg2[%dma_wait3A_42, %dma_wait3A_43] : memref<10000x128xf32, #tpu.memory_space<hbm>> -> memref<10000x128xf32, #tpu.memory_space<hbm>>
    tpu.wait_indirect_dma semaphore(%arg12 : memref<!tpu.dma_semaphore, #tpu.memory_space<semaphore_mem>>) src(%dma_wait3A_44 : memref<10000x128xf32, #tpu.memory_space<hbm>>) dst(%arg9 : memref<80x128xf32, #tpu.memory_space<vmem>>)
    %run_scoped3A_45 = arith.constant 63 : i32
    "tpu.region"() ({
      %run_scoped3A_67 = tpu.sem_alloc : memref<!tpu.dma_semaphore, #tpu.memory_space<semaphore_mem>>
      %dma_start3A_68 = arith.constant 0 : i32
      %dma_start3A_69 = tpu.memref_slice %arg7[%run_scoped3A_45, %dma_start3A_68] : memref<64x80xi32, #tpu.memory_space<vmem>> -> memref<1x80xi32, #tpu.memory_space<vmem>>
      %dma_start3A_70 = tpu.memref_squeeze %dma_start3A_69 : memref<1x80xi32, #tpu.memory_space<vmem>> -> memref<80xi32, #tpu.memory_space<vmem>>
      %dma_start3A_71 = arith.constant 0 : i32
      %dma_start3A_72 = arith.constant 0 : i32
      %dma_start3A_73 = tpu.memref_slice %arg10[%dma_start3A_71, %dma_start3A_72] : memref<10112x128xf32, #tpu.memory_space<vmem_shared>> -> memref<10112x128xf32, #tpu.memory_space<vmem_shared>>
      tpu.enqueue_indirect_dma source(%arg9 : memref<80x128xf32, #tpu.memory_space<vmem>>) target(%dma_start3A_73 : memref<10112x128xf32, #tpu.memory_space<vmem_shared>>) offsets(%dma_start3A_70 : memref<80xi32, #tpu.memory_space<vmem>>) semaphore(%run_scoped3A_67 : memref<!tpu.dma_semaphore, #tpu.memory_space<semaphore_mem>>) {add = true}
      %dma_wait3A_74 = arith.constant 0 : i32
      %dma_wait3A_75 = tpu.memref_slice %arg7[%run_scoped3A_45, %dma_wait3A_74] : memref<64x80xi32, #tpu.memory_space<vmem>> -> memref<1x80xi32, #tpu.memory_space<vmem>>
      %dma_wait3A_76 = tpu.memref_squeeze %dma_wait3A_75 : memref<1x80xi32, #tpu.memory_space<vmem>> -> memref<80xi32, #tpu.memory_space<vmem>>
      %dma_wait3A_77 = arith.constant 0 : i32
      %dma_wait3A_78 = arith.constant 0 : i32
      %dma_wait3A_79 = tpu.memref_slice %arg10[%dma_wait3A_77, %dma_wait3A_78] : memref<10112x128xf32, #tpu.memory_space<vmem_shared>> -> memref<10112x128xf32, #tpu.memory_space<vmem_shared>>
      tpu.wait_indirect_dma semaphore(%run_scoped3A_67 : memref<!tpu.dma_semaphore, #tpu.memory_space<semaphore_mem>>) src(%arg9 : memref<80x128xf32, #tpu.memory_space<vmem>>) dst(%dma_wait3A_79 : memref<10112x128xf32, #tpu.memory_space<vmem_shared>>)
      tpu.yield
    }) : () -> ()
    "tpu.region"() ({
      %run_scoped3A_67 = tpu.sem_alloc : memref<!tpu.dma_semaphore, #tpu.memory_space<semaphore_mem>>
      %dma_start3A_68 = arith.constant 64 : i32
      %dma_start3A_69 = arith.constant 0 : i32
      %dma_start3A_70 = tpu.memref_slice %arg3[%add3A, %dma_start3A_68, %dma_start3A_69] : memref<32x128x80xi32, #tpu.memory_space<hbm>> -> memref<1x64x80xi32, #tpu.memory_space<hbm>>
      %dma_start3A_71 = tpu.memref_squeeze %dma_start3A_70 : memref<1x64x80xi32, #tpu.memory_space<hbm>> -> memref<64x80xi32, #tpu.memory_space<hbm>>
      %dma_start3A_72 = arith.constant 64 : i32
      %dma_start3A_73 = arith.constant 0 : i32
      %dma_start3A_74 = tpu.memref_slice %arg3[%add3A, %dma_start3A_72, %dma_start3A_73] : memref<32x128x80xi32, #tpu.memory_space<hbm>> -> memref<1x64x80xi32, #tpu.memory_space<hbm>>
      %dma_start3A_75 = tpu.memref_squeeze %dma_start3A_74 : memref<1x64x80xi32, #tpu.memory_space<hbm>> -> memref<64x80xi32, #tpu.memory_space<hbm>>
      tpu.enqueue_dma source(%dma_start3A_75 : memref<64x80xi32, #tpu.memory_space<hbm>>) target(%arg6 : memref<64x80xi32, #tpu.memory_space<vmem>>) target_semaphore(%run_scoped3A_67 : memref<!tpu.dma_semaphore, #tpu.memory_space<semaphore_mem>>)
      %dma_wait3A_76 = arith.constant 64 : i32
      %dma_wait3A_77 = arith.constant 0 : i32
      %dma_wait3A_78 = tpu.memref_slice %arg3[%add3A, %dma_wait3A_76, %dma_wait3A_77] : memref<32x128x80xi32, #tpu.memory_space<hbm>> -> memref<1x64x80xi32, #tpu.memory_space<hbm>>
      %dma_wait3A_79 = tpu.memref_squeeze %dma_wait3A_78 : memref<1x64x80xi32, #tpu.memory_space<hbm>> -> memref<64x80xi32, #tpu.memory_space<hbm>>
      %dma_wait3A_80 = arith.constant 64 : i32
      %dma_wait3A_81 = arith.constant 0 : i32
      %dma_wait3A_82 = tpu.memref_slice %arg3[%add3A, %dma_wait3A_80, %dma_wait3A_81] : memref<32x128x80xi32, #tpu.memory_space<hbm>> -> memref<1x64x80xi32, #tpu.memory_space<hbm>>
      %dma_wait3A_83 = tpu.memref_squeeze %dma_wait3A_82 : memref<1x64x80xi32, #tpu.memory_space<hbm>> -> memref<64x80xi32, #tpu.memory_space<hbm>>
      tpu.wait_dma2 semaphore(%run_scoped3A_67 : memref<!tpu.dma_semaphore, #tpu.memory_space<semaphore_mem>>) src(%dma_wait3A_83 : memref<64x80xi32, #tpu.memory_space<hbm>>) dst(%arg6 : memref<64x80xi32, #tpu.memory_space<vmem>>)
      tpu.yield
    }) : () -> ()
    "tpu.region"() ({
      %run_scoped3A_67 = tpu.sem_alloc : memref<!tpu.dma_semaphore, #tpu.memory_space<semaphore_mem>>
      %dma_start3A_68 = arith.constant 64 : i32
      %dma_start3A_69 = arith.constant 0 : i32
      %dma_start3A_70 = tpu.memref_slice %arg4[%add3A, %dma_start3A_68, %dma_start3A_69] : memref<32x128x80xi32, #tpu.memory_space<hbm>> -> memref<1x64x80xi32, #tpu.memory_space<hbm>>
      %dma_start3A_71 = tpu.memref_squeeze %dma_start3A_70 : memref<1x64x80xi32, #tpu.memory_space<hbm>> -> memref<64x80xi32, #tpu.memory_space<hbm>>
      %dma_start3A_72 = arith.constant 64 : i32
      %dma_start3A_73 = arith.constant 0 : i32
      %dma_start3A_74 = tpu.memref_slice %arg4[%add3A, %dma_start3A_72, %dma_start3A_73] : memref<32x128x80xi32, #tpu.memory_space<hbm>> -> memref<1x64x80xi32, #tpu.memory_space<hbm>>
      %dma_start3A_75 = tpu.memref_squeeze %dma_start3A_74 : memref<1x64x80xi32, #tpu.memory_space<hbm>> -> memref<64x80xi32, #tpu.memory_space<hbm>>
      tpu.enqueue_dma source(%dma_start3A_75 : memref<64x80xi32, #tpu.memory_space<hbm>>) target(%arg7 : memref<64x80xi32, #tpu.memory_space<vmem>>) target_semaphore(%run_scoped3A_67 : memref<!tpu.dma_semaphore, #tpu.memory_space<semaphore_mem>>)
      %dma_wait3A_76 = arith.constant 64 : i32
      %dma_wait3A_77 = arith.constant 0 : i32
      %dma_wait3A_78 = tpu.memref_slice %arg4[%add3A, %dma_wait3A_76, %dma_wait3A_77] : memref<32x128x80xi32, #tpu.memory_space<hbm>> -> memref<1x64x80xi32, #tpu.memory_space<hbm>>
      %dma_wait3A_79 = tpu.memref_squeeze %dma_wait3A_78 : memref<1x64x80xi32, #tpu.memory_space<hbm>> -> memref<64x80xi32, #tpu.memory_space<hbm>>
      %dma_wait3A_80 = arith.constant 64 : i32
      %dma_wait3A_81 = arith.constant 0 : i32
      %dma_wait3A_82 = tpu.memref_slice %arg4[%add3A, %dma_wait3A_80, %dma_wait3A_81] : memref<32x128x80xi32, #tpu.memory_space<hbm>> -> memref<1x64x80xi32, #tpu.memory_space<hbm>>
      %dma_wait3A_83 = tpu.memref_squeeze %dma_wait3A_82 : memref<1x64x80xi32, #tpu.memory_space<hbm>> -> memref<64x80xi32, #tpu.memory_space<hbm>>
      tpu.wait_dma2 semaphore(%run_scoped3A_67 : memref<!tpu.dma_semaphore, #tpu.memory_space<semaphore_mem>>) src(%dma_wait3A_83 : memref<64x80xi32, #tpu.memory_space<hbm>>) dst(%arg7 : memref<64x80xi32, #tpu.memory_space<vmem>>)
      tpu.yield
    }) : () -> ()
    %dma_start3A_46 = arith.constant 0 : i32
    %dma_start3A_47 = arith.constant 0 : i32
    %dma_start3A_48 = tpu.memref_slice %arg6[%dma_start3A_46, %dma_start3A_47] : memref<64x80xi32, #tpu.memory_space<vmem>> -> memref<1x80xi32, #tpu.memory_space<vmem>>
    %dma_start3A_49 = tpu.memref_squeeze %dma_start3A_48 : memref<1x80xi32, #tpu.memory_space<vmem>> -> memref<80xi32, #tpu.memory_space<vmem>>
    %dma_start3A_50 = arith.constant 0 : i32
    %dma_start3A_51 = arith.constant 0 : i32
    %dma_start3A_52 = tpu.memref_slice %arg2[%dma_start3A_50, %dma_start3A_51] : memref<10000x128xf32, #tpu.memory_space<hbm>> -> memref<10000x128xf32, #tpu.memory_space<hbm>>
    tpu.enqueue_indirect_dma source(%dma_start3A_52 : memref<10000x128xf32, #tpu.memory_space<hbm>>) target(%arg8 : memref<80x128xf32, #tpu.memory_space<vmem>>) offsets(%dma_start3A_49 : memref<80xi32, #tpu.memory_space<vmem>>) semaphore(%arg11 : memref<!tpu.dma_semaphore, #tpu.memory_space<semaphore_mem>>)
    %scan3A_53 = arith.constant 0 : i32
    %scan3A_54 = arith.constant 30 : i32
    %scan3A_55 = arith.addi %scan3A_53, %scan3A_54 : i32
    %scan3A_56 = arith.constant 1 : i32
    scf.for %scan3A_67 = %scan3A_53 to %scan3A_55 step %scan3A_56  : i32 {
      %mul3A_68 = arith.constant 1 : i32
      %mul3A_69 = arith.muli %scan3A_67, %mul3A_68 : i32
      %add3A_70 = arith.constant 0 : i32
      %add3A_71 = arith.addi %add3A_70, %mul3A_69 : i32
      %mul3A_72 = arith.constant 2 : i32
      %mul3A_73 = arith.muli %add3A_71, %mul3A_72 : i32
      %dma_wait3A_74 = arith.constant 0 : i32
      %dma_wait3A_75 = arith.constant 0 : i32
      %dma_wait3A_76 = tpu.memref_slice %arg6[%dma_wait3A_74, %dma_wait3A_75] : memref<64x80xi32, #tpu.memory_space<vmem>> -> memref<1x80xi32, #tpu.memory_space<vmem>>
      %dma_wait3A_77 = tpu.memref_squeeze %dma_wait3A_76 : memref<1x80xi32, #tpu.memory_space<vmem>> -> memref<80xi32, #tpu.memory_space<vmem>>
      %dma_wait3A_78 = arith.constant 0 : i32
      %dma_wait3A_79 = arith.constant 0 : i32
      %dma_wait3A_80 = tpu.memref_slice %arg2[%dma_wait3A_78, %dma_wait3A_79] : memref<10000x128xf32, #tpu.memory_space<hbm>> -> memref<10000x128xf32, #tpu.memory_space<hbm>>
      tpu.wait_indirect_dma semaphore(%arg11 : memref<!tpu.dma_semaphore, #tpu.memory_space<semaphore_mem>>) src(%dma_wait3A_80 : memref<10000x128xf32, #tpu.memory_space<hbm>>) dst(%arg8 : memref<80x128xf32, #tpu.memory_space<vmem>>)
      %add3A_81 = arith.constant 1 : i32
      %add3A_82 = arith.addi %mul3A_73, %add3A_81 : i32
      %dma_start3A_83 = arith.constant 0 : i32
      %dma_start3A_84 = tpu.memref_slice %arg6[%add3A_82, %dma_start3A_83] : memref<64x80xi32, #tpu.memory_space<vmem>> -> memref<1x80xi32, #tpu.memory_space<vmem>>
      %dma_start3A_85 = tpu.memref_squeeze %dma_start3A_84 : memref<1x80xi32, #tpu.memory_space<vmem>> -> memref<80xi32, #tpu.memory_space<vmem>>
      %dma_start3A_86 = arith.constant 0 : i32
      %dma_start3A_87 = arith.constant 0 : i32
      %dma_start3A_88 = tpu.memref_slice %arg2[%dma_start3A_86, %dma_start3A_87] : memref<10000x128xf32, #tpu.memory_space<hbm>> -> memref<10000x128xf32, #tpu.memory_space<hbm>>
      tpu.enqueue_indirect_dma source(%dma_start3A_88 : memref<10000x128xf32, #tpu.memory_space<hbm>>) target(%arg9 : memref<80x128xf32, #tpu.memory_space<vmem>>) offsets(%dma_start3A_85 : memref<80xi32, #tpu.memory_space<vmem>>) semaphore(%arg12 : memref<!tpu.dma_semaphore, #tpu.memory_space<semaphore_mem>>)
      "tpu.region"() ({
        %run_scoped3A_106 = tpu.sem_alloc : memref<!tpu.dma_semaphore, #tpu.memory_space<semaphore_mem>>
        %dma_start3A_107 = arith.constant 0 : i32
        %dma_start3A_108 = tpu.memref_slice %arg7[%mul3A_73, %dma_start3A_107] : memref<64x80xi32, #tpu.memory_space<vmem>> -> memref<1x80xi32, #tpu.memory_space<vmem>>
        %dma_start3A_109 = tpu.memref_squeeze %dma_start3A_108 : memref<1x80xi32, #tpu.memory_space<vmem>> -> memref<80xi32, #tpu.memory_space<vmem>>
        %dma_start3A_110 = arith.constant 0 : i32
        %dma_start3A_111 = arith.constant 0 : i32
        %dma_start3A_112 = tpu.memref_slice %arg10[%dma_start3A_110, %dma_start3A_111] : memref<10112x128xf32, #tpu.memory_space<vmem_shared>> -> memref<10112x128xf32, #tpu.memory_space<vmem_shared>>
        tpu.enqueue_indirect_dma source(%arg8 : memref<80x128xf32, #tpu.memory_space<vmem>>) target(%dma_start3A_112 : memref<10112x128xf32, #tpu.memory_space<vmem_shared>>) offsets(%dma_start3A_109 : memref<80xi32, #tpu.memory_space<vmem>>) semaphore(%run_scoped3A_106 : memref<!tpu.dma_semaphore, #tpu.memory_space<semaphore_mem>>) {add = true}
        %dma_wait3A_113 = arith.constant 0 : i32
        %dma_wait3A_114 = tpu.memref_slice %arg7[%mul3A_73, %dma_wait3A_113] : memref<64x80xi32, #tpu.memory_space<vmem>> -> memref<1x80xi32, #tpu.memory_space<vmem>>
        %dma_wait3A_115 = tpu.memref_squeeze %dma_wait3A_114 : memref<1x80xi32, #tpu.memory_space<vmem>> -> memref<80xi32, #tpu.memory_space<vmem>>
        %dma_wait3A_116 = arith.constant 0 : i32
        %dma_wait3A_117 = arith.constant 0 : i32
        %dma_wait3A_118 = tpu.memref_slice %arg10[%dma_wait3A_116, %dma_wait3A_117] : memref<10112x128xf32, #tpu.memory_space<vmem_shared>> -> memref<10112x128xf32, #tpu.memory_space<vmem_shared>>
        tpu.wait_indirect_dma semaphore(%run_scoped3A_106 : memref<!tpu.dma_semaphore, #tpu.memory_space<semaphore_mem>>) src(%arg8 : memref<80x128xf32, #tpu.memory_space<vmem>>) dst(%dma_wait3A_118 : memref<10112x128xf32, #tpu.memory_space<vmem_shared>>)
        tpu.yield
      }) : () -> ()
      %dma_wait3A_89 = arith.constant 0 : i32
      %dma_wait3A_90 = arith.constant 0 : i32
      %dma_wait3A_91 = tpu.memref_slice %arg6[%dma_wait3A_89, %dma_wait3A_90] : memref<64x80xi32, #tpu.memory_space<vmem>> -> memref<1x80xi32, #tpu.memory_space<vmem>>
      %dma_wait3A_92 = tpu.memref_squeeze %dma_wait3A_91 : memref<1x80xi32, #tpu.memory_space<vmem>> -> memref<80xi32, #tpu.memory_space<vmem>>
      %dma_wait3A_93 = arith.constant 0 : i32
      %dma_wait3A_94 = arith.constant 0 : i32
      %dma_wait3A_95 = tpu.memref_slice %arg2[%dma_wait3A_93, %dma_wait3A_94] : memref<10000x128xf32, #tpu.memory_space<hbm>> -> memref<10000x128xf32, #tpu.memory_space<hbm>>
      tpu.wait_indirect_dma semaphore(%arg12 : memref<!tpu.dma_semaphore, #tpu.memory_space<semaphore_mem>>) src(%dma_wait3A_95 : memref<10000x128xf32, #tpu.memory_space<hbm>>) dst(%arg9 : memref<80x128xf32, #tpu.memory_space<vmem>>)
      %add3A_96 = arith.constant 2 : i32
      %add3A_97 = arith.addi %mul3A_73, %add3A_96 : i32
      %dma_start3A_98 = arith.constant 0 : i32
      %dma_start3A_99 = tpu.memref_slice %arg6[%add3A_97, %dma_start3A_98] : memref<64x80xi32, #tpu.memory_space<vmem>> -> memref<1x80xi32, #tpu.memory_space<vmem>>
      %dma_start3A_100 = tpu.memref_squeeze %dma_start3A_99 : memref<1x80xi32, #tpu.memory_space<vmem>> -> memref<80xi32, #tpu.memory_space<vmem>>
      %dma_start3A_101 = arith.constant 0 : i32
      %dma_start3A_102 = arith.constant 0 : i32
      %dma_start3A_103 = tpu.memref_slice %arg2[%dma_start3A_101, %dma_start3A_102] : memref<10000x128xf32, #tpu.memory_space<hbm>> -> memref<10000x128xf32, #tpu.memory_space<hbm>>
      tpu.enqueue_indirect_dma source(%dma_start3A_103 : memref<10000x128xf32, #tpu.memory_space<hbm>>) target(%arg8 : memref<80x128xf32, #tpu.memory_space<vmem>>) offsets(%dma_start3A_100 : memref<80xi32, #tpu.memory_space<vmem>>) semaphore(%arg11 : memref<!tpu.dma_semaphore, #tpu.memory_space<semaphore_mem>>)
      %add3A_104 = arith.constant 1 : i32
      %add3A_105 = arith.addi %mul3A_73, %add3A_104 : i32
      "tpu.region"() ({
        %run_scoped3A_106 = tpu.sem_alloc : memref<!tpu.dma_semaphore, #tpu.memory_space<semaphore_mem>>
        %dma_start3A_107 = arith.constant 0 : i32
        %dma_start3A_108 = tpu.memref_slice %arg7[%add3A_105, %dma_start3A_107] : memref<64x80xi32, #tpu.memory_space<vmem>> -> memref<1x80xi32, #tpu.memory_space<vmem>>
        %dma_start3A_109 = tpu.memref_squeeze %dma_start3A_108 : memref<1x80xi32, #tpu.memory_space<vmem>> -> memref<80xi32, #tpu.memory_space<vmem>>
        %dma_start3A_110 = arith.constant 0 : i32
        %dma_start3A_111 = arith.constant 0 : i32
        %dma_start3A_112 = tpu.memref_slice %arg10[%dma_start3A_110, %dma_start3A_111] : memref<10112x128xf32, #tpu.memory_space<vmem_shared>> -> memref<10112x128xf32, #tpu.memory_space<vmem_shared>>
        tpu.enqueue_indirect_dma source(%arg9 : memref<80x128xf32, #tpu.memory_space<vmem>>) target(%dma_start3A_112 : memref<10112x128xf32, #tpu.memory_space<vmem_shared>>) offsets(%dma_start3A_109 : memref<80xi32, #tpu.memory_space<vmem>>) semaphore(%run_scoped3A_106 : memref<!tpu.dma_semaphore, #tpu.memory_space<semaphore_mem>>) {add = true}
        %dma_wait3A_113 = arith.constant 0 : i32
        %dma_wait3A_114 = tpu.memref_slice %arg7[%add3A_105, %dma_wait3A_113] : memref<64x80xi32, #tpu.memory_space<vmem>> -> memref<1x80xi32, #tpu.memory_space<vmem>>
        %dma_wait3A_115 = tpu.memref_squeeze %dma_wait3A_114 : memref<1x80xi32, #tpu.memory_space<vmem>> -> memref<80xi32, #tpu.memory_space<vmem>>
        %dma_wait3A_116 = arith.constant 0 : i32
        %dma_wait3A_117 = arith.constant 0 : i32
        %dma_wait3A_118 = tpu.memref_slice %arg10[%dma_wait3A_116, %dma_wait3A_117] : memref<10112x128xf32, #tpu.memory_space<vmem_shared>> -> memref<10112x128xf32, #tpu.memory_space<vmem_shared>>
        tpu.wait_indirect_dma semaphore(%run_scoped3A_106 : memref<!tpu.dma_semaphore, #tpu.memory_space<semaphore_mem>>) src(%arg9 : memref<80x128xf32, #tpu.memory_space<vmem>>) dst(%dma_wait3A_118 : memref<10112x128xf32, #tpu.memory_space<vmem_shared>>)
        tpu.yield
      }) : () -> ()
    }
    %scan3A_57 = arith.constant 30 : i32
    %dma_wait3A_58 = arith.constant 0 : i32
    %dma_wait3A_59 = arith.constant 0 : i32
    %dma_wait3A_60 = tpu.memref_slice %arg6[%dma_wait3A_58, %dma_wait3A_59] : memref<64x80xi32, #tpu.memory_space<vmem>> -> memref<1x80xi32, #tpu.memory_space<vmem>>
    %dma_wait3A_61 = tpu.memref_squeeze %dma_wait3A_60 : memref<1x80xi32, #tpu.memory_space<vmem>> -> memref<80xi32, #tpu.memory_space<vmem>>
    %dma_wait3A_62 = arith.constant 0 : i32
    %dma_wait3A_63 = arith.constant 0 : i32
    %dma_wait3A_64 = tpu.memref_slice %arg2[%dma_wait3A_62, %dma_wait3A_63] : memref<10000x128xf32, #tpu.memory_space<hbm>> -> memref<10000x128xf32, #tpu.memory_space<hbm>>
    tpu.wait_indirect_dma semaphore(%arg11 : memref<!tpu.dma_semaphore, #tpu.memory_space<semaphore_mem>>) src(%dma_wait3A_64 : memref<10000x128xf32, #tpu.memory_space<hbm>>) dst(%arg8 : memref<80x128xf32, #tpu.memory_space<vmem>>)
    %run_scoped3A_65 = arith.constant 60 : i32
    "tpu.region"() ({
      %run_scoped3A_67 = tpu.sem_alloc : memref<!tpu.dma_semaphore, #tpu.memory_space<semaphore_mem>>
      %dma_start3A_68 = arith.constant 0 : i32
      %dma_start3A_69 = tpu.memref_slice %arg7[%run_scoped3A_65, %dma_start3A_68] : memref<64x80xi32, #tpu.memory_space<vmem>> -> memref<1x80xi32, #tpu.memory_space<vmem>>
      %dma_start3A_70 = tpu.memref_squeeze %dma_start3A_69 : memref<1x80xi32, #tpu.memory_space<vmem>> -> memref<80xi32, #tpu.memory_space<vmem>>
      %dma_start3A_71 = arith.constant 0 : i32
      %dma_start3A_72 = arith.constant 0 : i32
      %dma_start3A_73 = tpu.memref_slice %arg10[%dma_start3A_71, %dma_start3A_72] : memref<10112x128xf32, #tpu.memory_space<vmem_shared>> -> memref<10112x128xf32, #tpu.memory_space<vmem_shared>>
      tpu.enqueue_indirect_dma source(%arg8 : memref<80x128xf32, #tpu.memory_space<vmem>>) target(%dma_start3A_73 : memref<10112x128xf32, #tpu.memory_space<vmem_shared>>) offsets(%dma_start3A_70 : memref<80xi32, #tpu.memory_space<vmem>>) semaphore(%run_scoped3A_67 : memref<!tpu.dma_semaphore, #tpu.memory_space<semaphore_mem>>) {add = true}
      %dma_wait3A_74 = arith.constant 0 : i32
      %dma_wait3A_75 = tpu.memref_slice %arg7[%run_scoped3A_65, %dma_wait3A_74] : memref<64x80xi32, #tpu.memory_space<vmem>> -> memref<1x80xi32, #tpu.memory_space<vmem>>
      %dma_wait3A_76 = tpu.memref_squeeze %dma_wait3A_75 : memref<1x80xi32, #tpu.memory_space<vmem>> -> memref<80xi32, #tpu.memory_space<vmem>>
      %dma_wait3A_77 = arith.constant 0 : i32
      %dma_wait3A_78 = arith.constant 0 : i32
      %dma_wait3A_79 = tpu.memref_slice %arg10[%dma_wait3A_77, %dma_wait3A_78] : memref<10112x128xf32, #tpu.memory_space<vmem_shared>> -> memref<10112x128xf32, #tpu.memory_space<vmem_shared>>
      tpu.wait_indirect_dma semaphore(%run_scoped3A_67 : memref<!tpu.dma_semaphore, #tpu.memory_space<semaphore_mem>>) src(%arg8 : memref<80x128xf32, #tpu.memory_space<vmem>>) dst(%dma_wait3A_79 : memref<10112x128xf32, #tpu.memory_space<vmem_shared>>)
      tpu.yield
    }) : () -> ()
    %barrier3A_66 = arith.constant 0 : index
    tpu.barrier barrier_id(%barrier3A_66)
    "tpu.region"() ({
      %run_scoped3A_67 = tpu.sem_alloc : memref<!tpu.dma_semaphore, #tpu.memory_space<semaphore_mem>>
      %dma_start3A_68 = arith.constant 0 : i32
      %dma_start3A_69 = tpu.memref_slice %arg5[%arg0, %mul3A_6, %dma_start3A_68] : memref<2x10112x128xf32, #tpu.memory_space<hbm>> -> memref<1x632x128xf32, #tpu.memory_space<hbm>>
      %dma_start3A_70 = tpu.memref_squeeze %dma_start3A_69 : memref<1x632x128xf32, #tpu.memory_space<hbm>> -> memref<632x128xf32, #tpu.memory_space<hbm>>
      %dma_start3A_71 = arith.constant 0 : i32
      %dma_start3A_72 = tpu.memref_slice %arg10[%mul3A_6, %dma_start3A_71] : memref<10112x128xf32, #tpu.memory_space<vmem_shared>> -> memref<632x128xf32, #tpu.memory_space<vmem_shared>>
      tpu.enqueue_dma source(%dma_start3A_72 : memref<632x128xf32, #tpu.memory_space<vmem_shared>>) target(%dma_start3A_70 : memref<632x128xf32, #tpu.memory_space<hbm>>) target_semaphore(%run_scoped3A_67 : memref<!tpu.dma_semaphore, #tpu.memory_space<semaphore_mem>>)
      %dma_wait3A_73 = arith.constant 0 : i32
      %dma_wait3A_74 = tpu.memref_slice %arg5[%arg0, %mul3A_6, %dma_wait3A_73] : memref<2x10112x128xf32, #tpu.memory_space<hbm>> -> memref<1x632x128xf32, #tpu.memory_space<hbm>>
      %dma_wait3A_75 = tpu.memref_squeeze %dma_wait3A_74 : memref<1x632x128xf32, #tpu.memory_space<hbm>> -> memref<632x128xf32, #tpu.memory_space<hbm>>
      %dma_wait3A_76 = arith.constant 0 : i32
      %dma_wait3A_77 = tpu.memref_slice %arg10[%mul3A_6, %dma_wait3A_76] : memref<10112x128xf32, #tpu.memory_space<vmem_shared>> -> memref<632x128xf32, #tpu.memory_space<vmem_shared>>
      tpu.wait_dma2 semaphore(%run_scoped3A_67 : memref<!tpu.dma_semaphore, #tpu.memory_space<semaphore_mem>>) src(%dma_wait3A_77 : memref<632x128xf32, #tpu.memory_space<vmem_shared>>) dst(%dma_wait3A_75 : memref<632x128xf32, #tpu.memory_space<hbm>>)
      tpu.yield
    }) : () -> ()
    return
  }
}

#map = affine_map<(d0, d1) -> (0, 0)>
#map1 = affine_map<(d0, d1) -> (0, 0, 0)>
module attributes {stable_mosaic.version = 14 : i64} {
  func.func @k(%arg0: i32, %arg1: i32, %arg2: memref<10000x128xf32, #tpu.memory_space<hbm>>, %arg3: memref<32x128x80xi32, #tpu.memory_space<hbm>>, %arg4: memref<32x128x80xi32, #tpu.memory_space<hbm>>, %arg5: memref<2x10112x128xf32, #tpu.memory_space<hbm>>, %arg6: memref<64x80xi32, #tpu.memory_space<vmem>>, %arg7: memref<64x80xi32, #tpu.memory_space<vmem>>, %arg8: memref<80x128xf32, #tpu.memory_space<vmem>>, %arg9: memref<80x128xf32, #tpu.memory_space<vmem>>, %arg10: memref<10112x128xf32, #tpu.memory_space<vmem_shared>>, %arg11: memref<!tpu.dma_semaphore, #tpu.memory_space<semaphore_mem>>, %arg12: memref<!tpu.dma_semaphore, #tpu.memory_space<semaphore_mem>>, %arg13: memref<!tpu.dma_semaphore, #tpu.memory_space<semaphore_mem>>, %arg14: memref<!tpu.dma_semaphore, #tpu.memory_space<semaphore_mem>>) attributes {dimension_semantics = [#tpu.dimension_semantics<core_parallel>, #tpu.dimension_semantics<subcore_parallel>], iteration_bounds = array<i64: 2, 16>, scalar_prefetch = 0 : i64, scratch_operands = 9 : i64, tpu.core_type = #tpu.core_type<sc_vector_subcore>, window_params = [{transform_indices = #map}, {transform_indices = #map1}, {transform_indices = #map1}, {transform_indices = #map1}]} {
    %mul3A = arith.constant 2 : i32
    %mul3A_0 = arith.muli %arg1, %mul3A : i32
    %add3A = arith.addi %mul3A_0, %arg0 : i32
    %scan3A = arith.constant 0 : i32
    %scan3A_1 = arith.constant 80 : i32
    %scan3A_2 = arith.addi %scan3A, %scan3A_1 : i32
    %scan3A_3 = arith.constant 1 : i32
    scf.for %scan3A_67 = %scan3A to %scan3A_2 step %scan3A_3  : i32 {
      %mul3A_68 = arith.constant 1 : i32
      %mul3A_69 = arith.muli %scan3A_67, %mul3A_68 : i32
      %add3A_70 = arith.constant 0 : i32
      %add3A_71 = arith.addi %add3A_70, %mul3A_69 : i32
      %scan3A_72 = arith.constant 0 : i32
      %scan3A_73 = arith.constant 8 : i32
      %scan3A_74 = arith.addi %scan3A_72, %scan3A_73 : i32
      %scan3A_75 = arith.constant 1 : i32
      scf.for %scan3A_77 = %scan3A_72 to %scan3A_74 step %scan3A_75  : i32 {
        %mul3A_78 = arith.constant 1 : i32
        %mul3A_79 = arith.muli %scan3A_77, %mul3A_78 : i32
        %add3A_80 = arith.constant 0 : i32
        %add3A_81 = arith.addi %add3A_80, %mul3A_79 : i32
        %broadcast_in_dim3A = arith.constant 0.000000e+00 : f32
        %broadcast_in_dim3A_82 = vector.broadcast %broadcast_in_dim3A : f32 to vector<16xf32>
        %mul3A_83 = arith.constant 16 : i32
        %mul3A_84 = arith.muli %add3A_81, %mul3A_83 : i32
        %swap3A = arith.index_cast %add3A_71 : i32 to index
        %swap3A_85 = arith.index_cast %mul3A_84 : i32 to index
        %swap3A_86 = tpu.vector_load %arg8[%swap3A, %swap3A_85] {strides = array<i32>} : memref<80x128xf32, #tpu.memory_space<vmem>>, vector<1x16xf32>,
        %swap3A_87 = vector.shape_cast %swap3A_86 : vector<1x16xf32> to vector<16xf32>
        %swap3A_88 = vector.shape_cast %broadcast_in_dim3A_82 : vector<16xf32> to vector<1x16xf32>
        tpu.vector_store %arg8[%swap3A, %swap3A_85], %swap3A_88 {strides = array<i32>} : memref<80x128xf32, #tpu.memory_space<vmem>>, vector<1x16xf32>,
        %broadcast_in_dim3A_89 = arith.constant 0.000000e+00 : f32
        %broadcast_in_dim3A_90 = vector.broadcast %broadcast_in_dim3A_89 : f32 to vector<16xf32>
        %mul3A_91 = arith.constant 16 : i32
        %mul3A_92 = arith.muli %add3A_81, %mul3A_91 : i32
        %swap3A_93 = arith.index_cast %add3A_71 : i32 to index
        %swap3A_94 = arith.index_cast %mul3A_92 : i32 to index
        %swap3A_95 = tpu.vector_load %arg9[%swap3A_93, %swap3A_94] {strides = array<i32>} : memref<80x128xf32, #tpu.memory_space<vmem>>, vector<1x16xf32>,
        %swap3A_96 = vector.shape_cast %swap3A_95 : vector<1x16xf32> to vector<16xf32>
        %swap3A_97 = vector.shape_cast %broadcast_in_dim3A_90 : vector<16xf32> to vector<1x16xf32>
        tpu.vector_store %arg9[%swap3A_93, %swap3A_94], %swap3A_97 {strides = array<i32>} : memref<80x128xf32, #tpu.memory_space<vmem>>, vector<1x16xf32>,
      }
      %scan3A_76 = arith.constant 8 : i32
    }
    %scan3A_4 = arith.constant 80 : i32
    %mul3A_5 = arith.constant 632 : i32
    %mul3A_6 = arith.muli %arg1, %mul3A_5 : i32
    %scan3A_7 = arith.constant 0 : i32
    %scan3A_8 = arith.constant 7 : i32
    %scan3A_9 = arith.addi %scan3A_7, %scan3A_8 : i32
    %scan3A_10 = arith.constant 1 : i32
    scf.for %scan3A_67 = %scan3A_7 to %scan3A_9 step %scan3A_10  : i32 {
      %mul3A_68 = arith.constant 1 : i32
      %mul3A_69 = arith.muli %scan3A_67, %mul3A_68 : i32
      %add3A_70 = arith.constant 0 : i32
      %add3A_71 = arith.addi %add3A_70, %mul3A_69 : i32
      %mul3A_72 = arith.constant 80 : i32
      %mul3A_73 = arith.muli %add3A_71, %mul3A_72 : i32
      %add3A_74 = arith.addi %mul3A_6, %mul3A_73 : i32
      "tpu.region"() ({
        %run_scoped3A_75 = tpu.sem_alloc : memref<!tpu.dma_semaphore, #tpu.memory_space<semaphore_mem>>
        %dma_start3A_76 = arith.constant 0 : i32
        %dma_start3A_77 = tpu.memref_slice %arg10[%add3A_74, %dma_start3A_76] : memref<10112x128xf32, #tpu.memory_space<vmem_shared>> -> memref<80x128xf32, #tpu.memory_space<vmem_shared>>
        %dma_start3A_78 = arith.constant 0 : i32
        %dma_start3A_79 = tpu.memref_slice %arg10[%add3A_74, %dma_start3A_78] : memref<10112x128xf32, #tpu.memory_space<vmem_shared>> -> memref<80x128xf32, #tpu.memory_space<vmem_shared>>
        tpu.enqueue_dma source(%arg8 : memref<80x128xf32, #tpu.memory_space<vmem>>) target(%dma_start3A_79 : memref<80x128xf32, #tpu.memory_space<vmem_shared>>) target_semaphore(%run_scoped3A_75 : memref<!tpu.dma_semaphore, #tpu.memory_space<semaphore_mem>>)
        %dma_wait3A_80 = arith.constant 0 : i32
        %dma_wait3A_81 = tpu.memref_slice %arg10[%add3A_74, %dma_wait3A_80] : memref<10112x128xf32, #tpu.memory_space<vmem_shared>> -> memref<80x128xf32, #tpu.memory_space<vmem_shared>>
        %dma_wait3A_82 = arith.constant 0 : i32
        %dma_wait3A_83 = tpu.memref_slice %arg10[%add3A_74, %dma_wait3A_82] : memref<10112x128xf32, #tpu.memory_space<vmem_shared>> -> memref<80x128xf32, #tpu.memory_space<vmem_shared>>
        tpu.wait_dma2 semaphore(%run_scoped3A_75 : memref<!tpu.dma_semaphore, #tpu.memory_space<semaphore_mem>>) src(%arg8 : memref<80x128xf32, #tpu.memory_space<vmem>>) dst(%dma_wait3A_83 : memref<80x128xf32, #tpu.memory_space<vmem_shared>>)
        tpu.yield
      }) : () -> ()
    }
    %scan3A_11 = arith.constant 7 : i32
    %add3A_12 = arith.constant 560 : i32
    %add3A_13 = arith.addi %mul3A_6, %add3A_12 : i32
    "tpu.region"() ({
      %run_scoped3A_67 = tpu.sem_alloc : memref<!tpu.dma_semaphore, #tpu.memory_space<semaphore_mem>>
      %dma_start3A_68 = arith.constant 0 : i32
      %dma_start3A_69 = arith.constant 0 : i32
      %dma_start3A_70 = tpu.memref_slice %arg8[%dma_start3A_68, %dma_start3A_69] : memref<80x128xf32, #tpu.memory_space<vmem>> -> memref<72x128xf32, #tpu.memory_space<vmem>>
      %dma_start3A_71 = arith.constant 0 : i32
      %dma_start3A_72 = tpu.memref_slice %arg10[%add3A_13, %dma_start3A_71] : memref<10112x128xf32, #tpu.memory_space<vmem_shared>> -> memref<72x128xf32, #tpu.memory_space<vmem_shared>>
      %dma_start3A_73 = arith.constant 0 : i32
      %dma_start3A_74 = tpu.memref_slice %arg10[%add3A_13, %dma_start3A_73] : memref<10112x128xf32, #tpu.memory_space<vmem_shared>> -> memref<72x128xf32, #tpu.memory_space<vmem_shared>>
      %dma_start3A_75 = arith.constant 0 : i32
      %dma_start3A_76 = arith.constant 0 : i32
      %dma_start3A_77 = tpu.memref_slice %arg8[%dma_start3A_75, %dma_start3A_76] : memref<80x128xf32, #tpu.memory_space<vmem>> -> memref<72x128xf32, #tpu.memory_space<vmem>>
      tpu.enqueue_dma source(%dma_start3A_77 : memref<72x128xf32, #tpu.memory_space<vmem>>) target(%dma_start3A_74 : memref<72x128xf32, #tpu.memory_space<vmem_shared>>) target_semaphore(%run_scoped3A_67 : memref<!tpu.dma_semaphore, #tpu.memory_space<semaphore_mem>>)
      %dma_wait3A_78 = arith.constant 0 : i32
      %dma_wait3A_79 = arith.constant 0 : i32
      %dma_wait3A_80 = tpu.memref_slice %arg8[%dma_wait3A_78, %dma_wait3A_79] : memref<80x128xf32, #tpu.memory_space<vmem>> -> memref<72x128xf32, #tpu.memory_space<vmem>>
      %dma_wait3A_81 = arith.constant 0 : i32
      %dma_wait3A_82 = tpu.memref_slice %arg10[%add3A_13, %dma_wait3A_81] : memref<10112x128xf32, #tpu.memory_space<vmem_shared>> -> memref<72x128xf32, #tpu.memory_space<vmem_shared>>
      %dma_wait3A_83 = arith.constant 0 : i32
      %dma_wait3A_84 = tpu.memref_slice %arg10[%add3A_13, %dma_wait3A_83] : memref<10112x128xf32, #tpu.memory_space<vmem_shared>> -> memref<72x128xf32, #tpu.memory_space<vmem_shared>>
      %dma_wait3A_85 = arith.constant 0 : i32
      %dma_wait3A_86 = arith.constant 0 : i32
      %dma_wait3A_87 = tpu.memref_slice %arg8[%dma_wait3A_85, %dma_wait3A_86] : memref<80x128xf32, #tpu.memory_space<vmem>> -> memref<72x128xf32, #tpu.memory_space<vmem>>
      tpu.wait_dma2 semaphore(%run_scoped3A_67 : memref<!tpu.dma_semaphore, #tpu.memory_space<semaphore_mem>>) src(%dma_wait3A_87 : memref<72x128xf32, #tpu.memory_space<vmem>>) dst(%dma_wait3A_84 : memref<72x128xf32, #tpu.memory_space<vmem_shared>>)
      tpu.yield
    }) : () -> ()
    %barrier3A = arith.constant 0 : index
    tpu.barrier barrier_id(%barrier3A)
    "tpu.region"() ({
      %run_scoped3A_67 = tpu.sem_alloc : memref<!tpu.dma_semaphore, #tpu.memory_space<semaphore_mem>>
      %dma_start3A_68 = arith.constant 0 : i32
      %dma_start3A_69 = arith.constant 0 : i32
      %dma_start3A_70 = tpu.memref_slice %arg3[%add3A, %dma_start3A_68, %dma_start3A_69] : memref<32x128x80xi32, #tpu.memory_space<hbm>> -> memref<1x64x80xi32, #tpu.memory_space<hbm>>
      %dma_start3A_71 = tpu.memref_squeeze %dma_start3A_70 : memref<1x64x80xi32, #tpu.memory_space<hbm>> -> memref<64x80xi32, #tpu.memory_space<hbm>>
      %dma_start3A_72 = arith.constant 0 : i32
      %dma_start3A_73 = arith.constant 0 : i32
      %dma_start3A_74 = tpu.memref_slice %arg3[%add3A, %dma_start3A_72, %dma_start3A_73] : memref<32x128x80xi32, #tpu.memory_space<hbm>> -> memref<1x64x80xi32, #tpu.memory_space<hbm>>
      %dma_start3A_75 = tpu.memref_squeeze %dma_start3A_74 : memref<1x64x80xi32, #tpu.memory_space<hbm>> -> memref<64x80xi32, #tpu.memory_space<hbm>>
      tpu.enqueue_dma source(%dma_start3A_75 : memref<64x80xi32, #tpu.memory_space<hbm>>) target(%arg6 : memref<64x80xi32, #tpu.memory_space<vmem>>) target_semaphore(%run_scoped3A_67 : memref<!tpu.dma_semaphore, #tpu.memory_space<semaphore_mem>>)
      %dma_wait3A_76 = arith.constant 0 : i32
      %dma_wait3A_77 = arith.constant 0 : i32
      %dma_wait3A_78 = tpu.memref_slice %arg3[%add3A, %dma_wait3A_76, %dma_wait3A_77] : memref<32x128x80xi32, #tpu.memory_space<hbm>> -> memref<1x64x80xi32, #tpu.memory_space<hbm>>
      %dma_wait3A_79 = tpu.memref_squeeze %dma_wait3A_78 : memref<1x64x80xi32, #tpu.memory_space<hbm>> -> memref<64x80xi32, #tpu.memory_space<hbm>>
      %dma_wait3A_80 = arith.constant 0 : i32
      %dma_wait3A_81 = arith.constant 0 : i32
      %dma_wait3A_82 = tpu.memref_slice %arg3[%add3A, %dma_wait3A_80, %dma_wait3A_81] : memref<32x128x80xi32, #tpu.memory_space<hbm>> -> memref<1x64x80xi32, #tpu.memory_space<hbm>>
      %dma_wait3A_83 = tpu.memref_squeeze %dma_wait3A_82 : memref<1x64x80xi32, #tpu.memory_space<hbm>> -> memref<64x80xi32, #tpu.memory_space<hbm>>
      tpu.wait_dma2 semaphore(%run_scoped3A_67 : memref<!tpu.dma_semaphore, #tpu.memory_space<semaphore_mem>>) src(%dma_wait3A_83 : memref<64x80xi32, #tpu.memory_space<hbm>>) dst(%arg6 : memref<64x80xi32, #tpu.memory_space<vmem>>)
      tpu.yield
    }) : () -> ()
    "tpu.region"() ({
      %run_scoped3A_67 = tpu.sem_alloc : memref<!tpu.dma_semaphore, #tpu.memory_space<semaphore_mem>>
      %dma_start3A_68 = arith.constant 0 : i32
      %dma_start3A_69 = arith.constant 0 : i32
      %dma_start3A_70 = tpu.memref_slice %arg4[%add3A, %dma_start3A_68, %dma_start3A_69] : memref<32x128x80xi32, #tpu.memory_space<hbm>> -> memref<1x64x80xi32, #tpu.memory_space<hbm>>
      %dma_start3A_71 = tpu.memref_squeeze %dma_start3A_70 : memref<1x64x80xi32, #tpu.memory_space<hbm>> -> memref<64x80xi32, #tpu.memory_space<hbm>>
      %dma_start3A_72 = arith.constant 0 : i32
      %dma_start3A_73 = arith.constant 0 : i32
      %dma_start3A_74 = tpu.memref_slice %arg4[%add3A, %dma_start3A_72, %dma_start3A_73] : memref<32x128x80xi32, #tpu.memory_space<hbm>> -> memref<1x64x80xi32, #tpu.memory_space<hbm>>
      %dma_start3A_75 = tpu.memref_squeeze %dma_start3A_74 : memref<1x64x80xi32, #tpu.memory_space<hbm>> -> memref<64x80xi32, #tpu.memory_space<hbm>>
      tpu.enqueue_dma source(%dma_start3A_75 : memref<64x80xi32, #tpu.memory_space<hbm>>) target(%arg7 : memref<64x80xi32, #tpu.memory_space<vmem>>) target_semaphore(%run_scoped3A_67 : memref<!tpu.dma_semaphore, #tpu.memory_space<semaphore_mem>>)
      %dma_wait3A_76 = arith.constant 0 : i32
      %dma_wait3A_77 = arith.constant 0 : i32
      %dma_wait3A_78 = tpu.memref_slice %arg4[%add3A, %dma_wait3A_76, %dma_wait3A_77] : memref<32x128x80xi32, #tpu.memory_space<hbm>> -> memref<1x64x80xi32, #tpu.memory_space<hbm>>
      %dma_wait3A_79 = tpu.memref_squeeze %dma_wait3A_78 : memref<1x64x80xi32, #tpu.memory_space<hbm>> -> memref<64x80xi32, #tpu.memory_space<hbm>>
      %dma_wait3A_80 = arith.constant 0 : i32
      %dma_wait3A_81 = arith.constant 0 : i32
      %dma_wait3A_82 = tpu.memref_slice %arg4[%add3A, %dma_wait3A_80, %dma_wait3A_81] : memref<32x128x80xi32, #tpu.memory_space<hbm>> -> memref<1x64x80xi32, #tpu.memory_space<hbm>>
      %dma_wait3A_83 = tpu.memref_squeeze %dma_wait3A_82 : memref<1x64x80xi32, #tpu.memory_space<hbm>> -> memref<64x80xi32, #tpu.memory_space<hbm>>
      tpu.wait_dma2 semaphore(%run_scoped3A_67 : memref<!tpu.dma_semaphore, #tpu.memory_space<semaphore_mem>>) src(%dma_wait3A_83 : memref<64x80xi32, #tpu.memory_space<hbm>>) dst(%arg7 : memref<64x80xi32, #tpu.memory_space<vmem>>)
      tpu.yield
    }) : () -> ()
    %dma_start3A = arith.constant 0 : i32
    %dma_start3A_14 = arith.constant 0 : i32
    %dma_start3A_15 = tpu.memref_slice %arg6[%dma_start3A, %dma_start3A_14] : memref<64x80xi32, #tpu.memory_space<vmem>> -> memref<1x80xi32, #tpu.memory_space<vmem>>
    %dma_start3A_16 = tpu.memref_squeeze %dma_start3A_15 : memref<1x80xi32, #tpu.memory_space<vmem>> -> memref<80xi32, #tpu.memory_space<vmem>>
    %dma_start3A_17 = arith.constant 0 : i32
    %dma_start3A_18 = arith.constant 0 : i32
    %dma_start3A_19 = tpu.memref_slice %arg2[%dma_start3A_17, %dma_start3A_18] : memref<10000x128xf32, #tpu.memory_space<hbm>> -> memref<10000x128xf32, #tpu.memory_space<hbm>>
    tpu.enqueue_indirect_dma source(%dma_start3A_19 : memref<10000x128xf32, #tpu.memory_space<hbm>>) target(%arg8 : memref<80x128xf32, #tpu.memory_space<vmem>>) offsets(%dma_start3A_16 : memref<80xi32, #tpu.memory_space<vmem>>) semaphore(%arg11 : memref<!tpu.dma_semaphore, #tpu.memory_space<semaphore_mem>>)
    %scan3A_20 = arith.constant 0 : i32
    %scan3A_21 = arith.constant 31 : i32
    %scan3A_22 = arith.addi %scan3A_20, %scan3A_21 : i32
    %scan3A_23 = arith.constant 1 : i32
    scf.for %scan3A_67 = %scan3A_20 to %scan3A_22 step %scan3A_23  : i32 {
      %mul3A_68 = arith.constant 1 : i32
      %mul3A_69 = arith.muli %scan3A_67, %mul3A_68 : i32
      %add3A_70 = arith.constant 0 : i32
      %add3A_71 = arith.addi %add3A_70, %mul3A_69 : i32
      %mul3A_72 = arith.constant 2 : i32
      %mul3A_73 = arith.muli %add3A_71, %mul3A_72 : i32
      %dma_wait3A_74 = arith.constant 0 : i32
      %dma_wait3A_75 = arith.constant 0 : i32
      %dma_wait3A_76 = tpu.memref_slice %arg6[%dma_wait3A_74, %dma_wait3A_75] : memref<64x80xi32, #tpu.memory_space<vmem>> -> memref<1x80xi32, #tpu.memory_space<vmem>>
      %dma_wait3A_77 = tpu.memref_squeeze %dma_wait3A_76 : memref<1x80xi32, #tpu.memory_space<vmem>> -> memref<80xi32, #tpu.memory_space<vmem>>
      %dma_wait3A_78 = arith.constant 0 : i32
      %dma_wait3A_79 = arith.constant 0 : i32
      %dma_wait3A_80 = tpu.memref_slice %arg2[%dma_wait3A_78, %dma_wait3A_79] : memref<10000x128xf32, #tpu.memory_space<hbm>> -> memref<10000x128xf32, #tpu.memory_space<hbm>>
      tpu.wait_indirect_dma semaphore(%arg11 : memref<!tpu.dma_semaphore, #tpu.memory_space<semaphore_mem>>) src(%dma_wait3A_80 : memref<10000x128xf32, #tpu.memory_space<hbm>>) dst(%arg8 : memref<80x128xf32, #tpu.memory_space<vmem>>)
      %add3A_81 = arith.constant 1 : i32
      %add3A_82 = arith.addi %mul3A_73, %add3A_81 : i32
      %dma_start3A_83 = arith.constant 0 : i32
      %dma_start3A_84 = tpu.memref_slice %arg6[%add3A_82, %dma_start3A_83] : memref<64x80xi32, #tpu.memory_space<vmem>> -> memref<1x80xi32, #tpu.memory_space<vmem>>
      %dma_start3A_85 = tpu.memref_squeeze %dma_start3A_84 : memref<1x80xi32, #tpu.memory_space<vmem>> -> memref<80xi32, #tpu.memory_space<vmem>>
      %dma_start3A_86 = arith.constant 0 : i32
      %dma_start3A_87 = arith.constant 0 : i32
      %dma_start3A_88 = tpu.memref_slice %arg2[%dma_start3A_86, %dma_start3A_87] : memref<10000x128xf32, #tpu.memory_space<hbm>> -> memref<10000x128xf32, #tpu.memory_space<hbm>>
      tpu.enqueue_indirect_dma source(%dma_start3A_88 : memref<10000x128xf32, #tpu.memory_space<hbm>>) target(%arg9 : memref<80x128xf32, #tpu.memory_space<vmem>>) offsets(%dma_start3A_85 : memref<80xi32, #tpu.memory_space<vmem>>) semaphore(%arg12 : memref<!tpu.dma_semaphore, #tpu.memory_space<semaphore_mem>>)
      "tpu.region"() ({
        %run_scoped3A_106 = tpu.sem_alloc : memref<!tpu.dma_semaphore, #tpu.memory_space<semaphore_mem>>
        %dma_start3A_107 = arith.constant 0 : i32
        %dma_start3A_108 = tpu.memref_slice %arg7[%mul3A_73, %dma_start3A_107] : memref<64x80xi32, #tpu.memory_space<vmem>> -> memref<1x80xi32, #tpu.memory_space<vmem>>
        %dma_start3A_109 = tpu.memref_squeeze %dma_start3A_108 : memref<1x80xi32, #tpu.memory_space<vmem>> -> memref<80xi32, #tpu.memory_space<vmem>>
        %dma_start3A_110 = arith.constant 0 : i32
        %dma_start3A_111 = arith.constant 0 : i32
        %dma_start3A_112 = tpu.memref_slice %arg10[%dma_start3A_110, %dma_start3A_111] : memref<10112x128xf32, #tpu.memory_space<vmem_shared>> -> memref<10112x128xf32, #tpu.memory_space<vmem_shared>>
        tpu.enqueue_indirect_dma source(%arg8 : memref<80x128xf32, #tpu.memory_space<vmem>>) target(%dma_start3A_112 : memref<10112x128xf32, #tpu.memory_space<vmem_shared>>) offsets(%dma_start3A_109 : memref<80xi32, #tpu.memory_space<vmem>>) semaphore(%run_scoped3A_106 : memref<!tpu.dma_semaphore, #tpu.memory_space<semaphore_mem>>) {add = true}
        %dma_wait3A_113 = arith.constant 0 : i32
        %dma_wait3A_114 = tpu.memref_slice %arg7[%mul3A_73, %dma_wait3A_113] : memref<64x80xi32, #tpu.memory_space<vmem>> -> memref<1x80xi32, #tpu.memory_space<vmem>>
        %dma_wait3A_115 = tpu.memref_squeeze %dma_wait3A_114 : memref<1x80xi32, #tpu.memory_space<vmem>> -> memref<80xi32, #tpu.memory_space<vmem>>
        %dma_wait3A_116 = arith.constant 0 : i32
        %dma_wait3A_117 = arith.constant 0 : i32
        %dma_wait3A_118 = tpu.memref_slice %arg10[%dma_wait3A_116, %dma_wait3A_117] : memref<10112x128xf32, #tpu.memory_space<vmem_shared>> -> memref<10112x128xf32, #tpu.memory_space<vmem_shared>>
        tpu.wait_indirect_dma semaphore(%run_scoped3A_106 : memref<!tpu.dma_semaphore, #tpu.memory_space<semaphore_mem>>) src(%arg8 : memref<80x128xf32, #tpu.memory_space<vmem>>) dst(%dma_wait3A_118 : memref<10112x128xf32, #tpu.memory_space<vmem_shared>>)
        tpu.yield
      }) : () -> ()
      %dma_wait3A_89 = arith.constant 0 : i32
      %dma_wait3A_90 = arith.constant 0 : i32
      %dma_wait3A_91 = tpu.memref_slice %arg6[%dma_wait3A_89, %dma_wait3A_90] : memref<64x80xi32, #tpu.memory_space<vmem>> -> memref<1x80xi32, #tpu.memory_space<vmem>>
      %dma_wait3A_92 = tpu.memref_squeeze %dma_wait3A_91 : memref<1x80xi32, #tpu.memory_space<vmem>> -> memref<80xi32, #tpu.memory_space<vmem>>
      %dma_wait3A_93 = arith.constant 0 : i32
      %dma_wait3A_94 = arith.constant 0 : i32
      %dma_wait3A_95 = tpu.memref_slice %arg2[%dma_wait3A_93, %dma_wait3A_94] : memref<10000x128xf32, #tpu.memory_space<hbm>> -> memref<10000x128xf32, #tpu.memory_space<hbm>>
      tpu.wait_indirect_dma semaphore(%arg12 : memref<!tpu.dma_semaphore, #tpu.memory_space<semaphore_mem>>) src(%dma_wait3A_95 : memref<10000x128xf32, #tpu.memory_space<hbm>>) dst(%arg9 : memref<80x128xf32, #tpu.memory_space<vmem>>)
      %add3A_96 = arith.constant 2 : i32
      %add3A_97 = arith.addi %mul3A_73, %add3A_96 : i32
      %dma_start3A_98 = arith.constant 0 : i32
      %dma_start3A_99 = tpu.memref_slice %arg6[%add3A_97, %dma_start3A_98] : memref<64x80xi32, #tpu.memory_space<vmem>> -> memref<1x80xi32, #tpu.memory_space<vmem>>
      %dma_start3A_100 = tpu.memref_squeeze %dma_start3A_99 : memref<1x80xi32, #tpu.memory_space<vmem>> -> memref<80xi32, #tpu.memory_space<vmem>>
      %dma_start3A_101 = arith.constant 0 : i32
      %dma_start3A_102 = arith.constant 0 : i32
      %dma_start3A_103 = tpu.memref_slice %arg2[%dma_start3A_101, %dma_start3A_102] : memref<10000x128xf32, #tpu.memory_space<hbm>> -> memref<10000x128xf32, #tpu.memory_space<hbm>>
      tpu.enqueue_indirect_dma source(%dma_start3A_103 : memref<10000x128xf32, #tpu.memory_space<hbm>>) target(%arg8 : memref<80x128xf32, #tpu.memory_space<vmem>>) offsets(%dma_start3A_100 : memref<80xi32, #tpu.memory_space<vmem>>) semaphore(%arg11 : memref<!tpu.dma_semaphore, #tpu.memory_space<semaphore_mem>>)
      %add3A_104 = arith.constant 1 : i32
      %add3A_105 = arith.addi %mul3A_73, %add3A_104 : i32
      "tpu.region"() ({
        %run_scoped3A_106 = tpu.sem_alloc : memref<!tpu.dma_semaphore, #tpu.memory_space<semaphore_mem>>
        %dma_start3A_107 = arith.constant 0 : i32
        %dma_start3A_108 = tpu.memref_slice %arg7[%add3A_105, %dma_start3A_107] : memref<64x80xi32, #tpu.memory_space<vmem>> -> memref<1x80xi32, #tpu.memory_space<vmem>>
        %dma_start3A_109 = tpu.memref_squeeze %dma_start3A_108 : memref<1x80xi32, #tpu.memory_space<vmem>> -> memref<80xi32, #tpu.memory_space<vmem>>
        %dma_start3A_110 = arith.constant 0 : i32
        %dma_start3A_111 = arith.constant 0 : i32
        %dma_start3A_112 = tpu.memref_slice %arg10[%dma_start3A_110, %dma_start3A_111] : memref<10112x128xf32, #tpu.memory_space<vmem_shared>> -> memref<10112x128xf32, #tpu.memory_space<vmem_shared>>
        tpu.enqueue_indirect_dma source(%arg9 : memref<80x128xf32, #tpu.memory_space<vmem>>) target(%dma_start3A_112 : memref<10112x128xf32, #tpu.memory_space<vmem_shared>>) offsets(%dma_start3A_109 : memref<80xi32, #tpu.memory_space<vmem>>) semaphore(%run_scoped3A_106 : memref<!tpu.dma_semaphore, #tpu.memory_space<semaphore_mem>>) {add = true}
        %dma_wait3A_113 = arith.constant 0 : i32
        %dma_wait3A_114 = tpu.memref_slice %arg7[%add3A_105, %dma_wait3A_113] : memref<64x80xi32, #tpu.memory_space<vmem>> -> memref<1x80xi32, #tpu.memory_space<vmem>>
        %dma_wait3A_115 = tpu.memref_squeeze %dma_wait3A_114 : memref<1x80xi32, #tpu.memory_space<vmem>> -> memref<80xi32, #tpu.memory_space<vmem>>
        %dma_wait3A_116 = arith.constant 0 : i32
        %dma_wait3A_117 = arith.constant 0 : i32
        %dma_wait3A_118 = tpu.memref_slice %arg10[%dma_wait3A_116, %dma_wait3A_117] : memref<10112x128xf32, #tpu.memory_space<vmem_shared>> -> memref<10112x128xf32, #tpu.memory_space<vmem_shared>>
        tpu.wait_indirect_dma semaphore(%run_scoped3A_106 : memref<!tpu.dma_semaphore, #tpu.memory_space<semaphore_mem>>) src(%arg9 : memref<80x128xf32, #tpu.memory_space<vmem>>) dst(%dma_wait3A_118 : memref<10112x128xf32, #tpu.memory_space<vmem_shared>>)
        tpu.yield
      }) : () -> ()
    }
    %scan3A_24 = arith.constant 31 : i32
    %dma_wait3A = arith.constant 0 : i32
    %dma_wait3A_25 = arith.constant 0 : i32
    %dma_wait3A_26 = tpu.memref_slice %arg6[%dma_wait3A, %dma_wait3A_25] : memref<64x80xi32, #tpu.memory_space<vmem>> -> memref<1x80xi32, #tpu.memory_space<vmem>>
    %dma_wait3A_27 = tpu.memref_squeeze %dma_wait3A_26 : memref<1x80xi32, #tpu.memory_space<vmem>> -> memref<80xi32, #tpu.memory_space<vmem>>
    %dma_wait3A_28 = arith.constant 0 : i32
    %dma_wait3A_29 = arith.constant 0 : i32
    %dma_wait3A_30 = tpu.memref_slice %arg2[%dma_wait3A_28, %dma_wait3A_29] : memref<10000x128xf32, #tpu.memory_space<hbm>> -> memref<10000x128xf32, #tpu.memory_space<hbm>>
    tpu.wait_indirect_dma semaphore(%arg11 : memref<!tpu.dma_semaphore, #tpu.memory_space<semaphore_mem>>) src(%dma_wait3A_30 : memref<10000x128xf32, #tpu.memory_space<hbm>>) dst(%arg8 : memref<80x128xf32, #tpu.memory_space<vmem>>)
    %dma_start3A_31 = arith.constant 63 : i32
    %dma_start3A_32 = arith.constant 0 : i32
    %dma_start3A_33 = tpu.memref_slice %arg6[%dma_start3A_31, %dma_start3A_32] : memref<64x80xi32, #tpu.memory_space<vmem>> -> memref<1x80xi32, #tpu.memory_space<vmem>>
    %dma_start3A_34 = tpu.memref_squeeze %dma_start3A_33 : memref<1x80xi32, #tpu.memory_space<vmem>> -> memref<80xi32, #tpu.memory_space<vmem>>
    %dma_start3A_35 = arith.constant 0 : i32
    %dma_start3A_36 = arith.constant 0 : i32
    %dma_start3A_37 = tpu.memref_slice %arg2[%dma_start3A_35, %dma_start3A_36] : memref<10000x128xf32, #tpu.memory_space<hbm>> -> memref<10000x128xf32, #tpu.memory_space<hbm>>
    tpu.enqueue_indirect_dma source(%dma_start3A_37 : memref<10000x128xf32, #tpu.memory_space<hbm>>) target(%arg9 : memref<80x128xf32, #tpu.memory_space<vmem>>) offsets(%dma_start3A_34 : memref<80xi32, #tpu.memory_space<vmem>>) semaphore(%arg12 : memref<!tpu.dma_semaphore, #tpu.memory_space<semaphore_mem>>)
    %run_scoped3A = arith.constant 62 : i32
    "tpu.region"() ({
      %run_scoped3A_67 = tpu.sem_alloc : memref<!tpu.dma_semaphore, #tpu.memory_space<semaphore_mem>>
      %dma_start3A_68 = arith.constant 0 : i32
      %dma_start3A_69 = tpu.memref_slice %arg7[%run_scoped3A, %dma_start3A_68] : memref<64x80xi32, #tpu.memory_space<vmem>> -> memref<1x80xi32, #tpu.memory_space<vmem>>
      %dma_start3A_70 = tpu.memref_squeeze %dma_start3A_69 : memref<1x80xi32, #tpu.memory_space<vmem>> -> memref<80xi32, #tpu.memory_space<vmem>>
      %dma_start3A_71 = arith.constant 0 : i32
      %dma_start3A_72 = arith.constant 0 : i32
      %dma_start3A_73 = tpu.memref_slice %arg10[%dma_start3A_71, %dma_start3A_72] : memref<10112x128xf32, #tpu.memory_space<vmem_shared>> -> memref<10112x128xf32, #tpu.memory_space<vmem_shared>>
      tpu.enqueue_indirect_dma source(%arg8 : memref<80x128xf32, #tpu.memory_space<vmem>>) target(%dma_start3A_73 : memref<10112x128xf32, #tpu.memory_space<vmem_shared>>) offsets(%dma_start3A_70 : memref<80xi32, #tpu.memory_space<vmem>>) semaphore(%run_scoped3A_67 : memref<!tpu.dma_semaphore, #tpu.memory_space<semaphore_mem>>) {add = true}
      %dma_wait3A_74 = arith.constant 0 : i32
      %dma_wait3A_75 = tpu.memref_slice %arg7[%run_scoped3A, %dma_wait3A_74] : memref<64x80xi32, #tpu.memory_space<vmem>> -> memref<1x80xi32, #tpu.memory_space<vmem>>
      %dma_wait3A_76 = tpu.memref_squeeze %dma_wait3A_75 : memref<1x80xi32, #tpu.memory_space<vmem>> -> memref<80xi32, #tpu.memory_space<vmem>>
      %dma_wait3A_77 = arith.constant 0 : i32
      %dma_wait3A_78 = arith.constant 0 : i32
      %dma_wait3A_79 = tpu.memref_slice %arg10[%dma_wait3A_77, %dma_wait3A_78] : memref<10112x128xf32, #tpu.memory_space<vmem_shared>> -> memref<10112x128xf32, #tpu.memory_space<vmem_shared>>
      tpu.wait_indirect_dma semaphore(%run_scoped3A_67 : memref<!tpu.dma_semaphore, #tpu.memory_space<semaphore_mem>>) src(%arg8 : memref<80x128xf32, #tpu.memory_space<vmem>>) dst(%dma_wait3A_79 : memref<10112x128xf32, #tpu.memory_space<vmem_shared>>)
      tpu.yield
    }) : () -> ()
    %dma_wait3A_38 = arith.constant 0 : i32
    %dma_wait3A_39 = arith.constant 0 : i32
    %dma_wait3A_40 = tpu.memref_slice %arg6[%dma_wait3A_38, %dma_wait3A_39] : memref<64x80xi32, #tpu.memory_space<vmem>> -> memref<1x80xi32, #tpu.memory_space<vmem>>
    %dma_wait3A_41 = tpu.memref_squeeze %dma_wait3A_40 : memref<1x80xi32, #tpu.memory_space<vmem>> -> memref<80xi32, #tpu.memory_space<vmem>>
    %dma_wait3A_42 = arith.constant 0 : i32
    %dma_wait3A_43 = arith.constant 0 : i32
    %dma_wait3A_44 = tpu.memref_slice %arg2[%dma_wait3A_42, %dma_wait3A_43] : memref<10000x128xf32, #tpu.memory_space<hbm>> -> memref<10000x128xf32, #tpu.memory_space<hbm>>
    tpu.wait_indirect_dma semaphore(%arg12 : memref<!tpu.dma_semaphore, #tpu.memory_space<semaphore_mem>>) src(%dma_wait3A_44 : memref<10000x128xf32, #tpu.memory_space<hbm>>) dst(%arg9 : memref<80x128xf32, #tpu.memory_space<vmem>>)
    %run_scoped3A_45 = arith.constant 63 : i32
    "tpu.region"() ({
      %run_scoped3A_67 = tpu.sem_alloc : memref<!tpu.dma_semaphore, #tpu.memory_space<semaphore_mem>>
      %dma_start3A_68 = arith.constant 0 : i32
      %dma_start3A_69 = tpu.memref_slice %arg7[%run_scoped3A_45, %dma_start3A_68] : memref<64x80xi32, #tpu.memory_space<vmem>> -> memref<1x80xi32, #tpu.memory_space<vmem>>
      %dma_start3A_70 = tpu.memref_squeeze %dma_start3A_69 : memref<1x80xi32, #tpu.memory_space<vmem>> -> memref<80xi32, #tpu.memory_space<vmem>>
      %dma_start3A_71 = arith.constant 0 : i32
      %dma_start3A_72 = arith.constant 0 : i32
      %dma_start3A_73 = tpu.memref_slice %arg10[%dma_start3A_71, %dma_start3A_72] : memref<10112x128xf32, #tpu.memory_space<vmem_shared>> -> memref<10112x128xf32, #tpu.memory_space<vmem_shared>>
      tpu.enqueue_indirect_dma source(%arg9 : memref<80x128xf32, #tpu.memory_space<vmem>>) target(%dma_start3A_73 : memref<10112x128xf32, #tpu.memory_space<vmem_shared>>) offsets(%dma_start3A_70 : memref<80xi32, #tpu.memory_space<vmem>>) semaphore(%run_scoped3A_67 : memref<!tpu.dma_semaphore, #tpu.memory_space<semaphore_mem>>) {add = true}
      %dma_wait3A_74 = arith.constant 0 : i32
      %dma_wait3A_75 = tpu.memref_slice %arg7[%run_scoped3A_45, %dma_wait3A_74] : memref<64x80xi32, #tpu.memory_space<vmem>> -> memref<1x80xi32, #tpu.memory_space<vmem>>
      %dma_wait3A_76 = tpu.memref_squeeze %dma_wait3A_75 : memref<1x80xi32, #tpu.memory_space<vmem>> -> memref<80xi32, #tpu.memory_space<vmem>>
      %dma_wait3A_77 = arith.constant 0 : i32
      %dma_wait3A_78 = arith.constant 0 : i32
      %dma_wait3A_79 = tpu.memref_slice %arg10[%dma_wait3A_77, %dma_wait3A_78] : memref<10112x128xf32, #tpu.memory_space<vmem_shared>> -> memref<10112x128xf32, #tpu.memory_space<vmem_shared>>
      tpu.wait_indirect_dma semaphore(%run_scoped3A_67 : memref<!tpu.dma_semaphore, #tpu.memory_space<semaphore_mem>>) src(%arg9 : memref<80x128xf32, #tpu.memory_space<vmem>>) dst(%dma_wait3A_79 : memref<10112x128xf32, #tpu.memory_space<vmem_shared>>)
      tpu.yield
    }) : () -> ()
    "tpu.region"() ({
      %run_scoped3A_67 = tpu.sem_alloc : memref<!tpu.dma_semaphore, #tpu.memory_space<semaphore_mem>>
      %dma_start3A_68 = arith.constant 64 : i32
      %dma_start3A_69 = arith.constant 0 : i32
      %dma_start3A_70 = tpu.memref_slice %arg3[%add3A, %dma_start3A_68, %dma_start3A_69] : memref<32x128x80xi32, #tpu.memory_space<hbm>> -> memref<1x64x80xi32, #tpu.memory_space<hbm>>
      %dma_start3A_71 = tpu.memref_squeeze %dma_start3A_70 : memref<1x64x80xi32, #tpu.memory_space<hbm>> -> memref<64x80xi32, #tpu.memory_space<hbm>>
      %dma_start3A_72 = arith.constant 64 : i32
      %dma_start3A_73 = arith.constant 0 : i32
      %dma_start3A_74 = tpu.memref_slice %arg3[%add3A, %dma_start3A_72, %dma_start3A_73] : memref<32x128x80xi32, #tpu.memory_space<hbm>> -> memref<1x64x80xi32, #tpu.memory_space<hbm>>
      %dma_start3A_75 = tpu.memref_squeeze %dma_start3A_74 : memref<1x64x80xi32, #tpu.memory_space<hbm>> -> memref<64x80xi32, #tpu.memory_space<hbm>>
      tpu.enqueue_dma source(%dma_start3A_75 : memref<64x80xi32, #tpu.memory_space<hbm>>) target(%arg6 : memref<64x80xi32, #tpu.memory_space<vmem>>) target_semaphore(%run_scoped3A_67 : memref<!tpu.dma_semaphore, #tpu.memory_space<semaphore_mem>>)
      %dma_wait3A_76 = arith.constant 64 : i32
      %dma_wait3A_77 = arith.constant 0 : i32
      %dma_wait3A_78 = tpu.memref_slice %arg3[%add3A, %dma_wait3A_76, %dma_wait3A_77] : memref<32x128x80xi32, #tpu.memory_space<hbm>> -> memref<1x64x80xi32, #tpu.memory_space<hbm>>
      %dma_wait3A_79 = tpu.memref_squeeze %dma_wait3A_78 : memref<1x64x80xi32, #tpu.memory_space<hbm>> -> memref<64x80xi32, #tpu.memory_space<hbm>>
      %dma_wait3A_80 = arith.constant 64 : i32
      %dma_wait3A_81 = arith.constant 0 : i32
      %dma_wait3A_82 = tpu.memref_slice %arg3[%add3A, %dma_wait3A_80, %dma_wait3A_81] : memref<32x128x80xi32, #tpu.memory_space<hbm>> -> memref<1x64x80xi32, #tpu.memory_space<hbm>>
      %dma_wait3A_83 = tpu.memref_squeeze %dma_wait3A_82 : memref<1x64x80xi32, #tpu.memory_space<hbm>> -> memref<64x80xi32, #tpu.memory_space<hbm>>
      tpu.wait_dma2 semaphore(%run_scoped3A_67 : memref<!tpu.dma_semaphore, #tpu.memory_space<semaphore_mem>>) src(%dma_wait3A_83 : memref<64x80xi32, #tpu.memory_space<hbm>>) dst(%arg6 : memref<64x80xi32, #tpu.memory_space<vmem>>)
      tpu.yield
    }) : () -> ()
    "tpu.region"() ({
      %run_scoped3A_67 = tpu.sem_alloc : memref<!tpu.dma_semaphore, #tpu.memory_space<semaphore_mem>>
      %dma_start3A_68 = arith.constant 64 : i32
      %dma_start3A_69 = arith.constant 0 : i32
      %dma_start3A_70 = tpu.memref_slice %arg4[%add3A, %dma_start3A_68, %dma_start3A_69] : memref<32x128x80xi32, #tpu.memory_space<hbm>> -> memref<1x64x80xi32, #tpu.memory_space<hbm>>
      %dma_start3A_71 = tpu.memref_squeeze %dma_start3A_70 : memref<1x64x80xi32, #tpu.memory_space<hbm>> -> memref<64x80xi32, #tpu.memory_space<hbm>>
      %dma_start3A_72 = arith.constant 64 : i32
      %dma_start3A_73 = arith.constant 0 : i32
      %dma_start3A_74 = tpu.memref_slice %arg4[%add3A, %dma_start3A_72, %dma_start3A_73] : memref<32x128x80xi32, #tpu.memory_space<hbm>> -> memref<1x64x80xi32, #tpu.memory_space<hbm>>
      %dma_start3A_75 = tpu.memref_squeeze %dma_start3A_74 : memref<1x64x80xi32, #tpu.memory_space<hbm>> -> memref<64x80xi32, #tpu.memory_space<hbm>>
      tpu.enqueue_dma source(%dma_start3A_75 : memref<64x80xi32, #tpu.memory_space<hbm>>) target(%arg7 : memref<64x80xi32, #tpu.memory_space<vmem>>) target_semaphore(%run_scoped3A_67 : memref<!tpu.dma_semaphore, #tpu.memory_space<semaphore_mem>>)
      %dma_wait3A_76 = arith.constant 64 : i32
      %dma_wait3A_77 = arith.constant 0 : i32
      %dma_wait3A_78 = tpu.memref_slice %arg4[%add3A, %dma_wait3A_76, %dma_wait3A_77] : memref<32x128x80xi32, #tpu.memory_space<hbm>> -> memref<1x64x80xi32, #tpu.memory_space<hbm>>
      %dma_wait3A_79 = tpu.memref_squeeze %dma_wait3A_78 : memref<1x64x80xi32, #tpu.memory_space<hbm>> -> memref<64x80xi32, #tpu.memory_space<hbm>>
      %dma_wait3A_80 = arith.constant 64 : i32
      %dma_wait3A_81 = arith.constant 0 : i32
      %dma_wait3A_82 = tpu.memref_slice %arg4[%add3A, %dma_wait3A_80, %dma_wait3A_81] : memref<32x128x80xi32, #tpu.memory_space<hbm>> -> memref<1x64x80xi32, #tpu.memory_space<hbm>>
      %dma_wait3A_83 = tpu.memref_squeeze %dma_wait3A_82 : memref<1x64x80xi32, #tpu.memory_space<hbm>> -> memref<64x80xi32, #tpu.memory_space<hbm>>
      tpu.wait_dma2 semaphore(%run_scoped3A_67 : memref<!tpu.dma_semaphore, #tpu.memory_space<semaphore_mem>>) src(%dma_wait3A_83 : memref<64x80xi32, #tpu.memory_space<hbm>>) dst(%arg7 : memref<64x80xi32, #tpu.memory_space<vmem>>)
      tpu.yield
    }) : () -> ()
    %dma_start3A_46 = arith.constant 0 : i32
    %dma_start3A_47 = arith.constant 0 : i32
    %dma_start3A_48 = tpu.memref_slice %arg6[%dma_start3A_46, %dma_start3A_47] : memref<64x80xi32, #tpu.memory_space<vmem>> -> memref<1x80xi32, #tpu.memory_space<vmem>>
    %dma_start3A_49 = tpu.memref_squeeze %dma_start3A_48 : memref<1x80xi32, #tpu.memory_space<vmem>> -> memref<80xi32, #tpu.memory_space<vmem>>
    %dma_start3A_50 = arith.constant 0 : i32
    %dma_start3A_51 = arith.constant 0 : i32
    %dma_start3A_52 = tpu.memref_slice %arg2[%dma_start3A_50, %dma_start3A_51] : memref<10000x128xf32, #tpu.memory_space<hbm>> -> memref<10000x128xf32, #tpu.memory_space<hbm>>
    tpu.enqueue_indirect_dma source(%dma_start3A_52 : memref<10000x128xf32, #tpu.memory_space<hbm>>) target(%arg8 : memref<80x128xf32, #tpu.memory_space<vmem>>) offsets(%dma_start3A_49 : memref<80xi32, #tpu.memory_space<vmem>>) semaphore(%arg11 : memref<!tpu.dma_semaphore, #tpu.memory_space<semaphore_mem>>)
    %scan3A_53 = arith.constant 0 : i32
    %scan3A_54 = arith.constant 30 : i32
    %scan3A_55 = arith.addi %scan3A_53, %scan3A_54 : i32
    %scan3A_56 = arith.constant 1 : i32
    scf.for %scan3A_67 = %scan3A_53 to %scan3A_55 step %scan3A_56  : i32 {
      %mul3A_68 = arith.constant 1 : i32
      %mul3A_69 = arith.muli %scan3A_67, %mul3A_68 : i32
      %add3A_70 = arith.constant 0 : i32
      %add3A_71 = arith.addi %add3A_70, %mul3A_69 : i32
      %mul3A_72 = arith.constant 2 : i32
      %mul3A_73 = arith.muli %add3A_71, %mul3A_72 : i32
      %dma_wait3A_74 = arith.constant 0 : i32
      %dma_wait3A_75 = arith.constant 0 : i32
      %dma_wait3A_76 = tpu.memref_slice %arg6[%dma_wait3A_74, %dma_wait3A_75] : memref<64x80xi32, #tpu.memory_space<vmem>> -> memref<1x80xi32, #tpu.memory_space<vmem>>
      %dma_wait3A_77 = tpu.memref_squeeze %dma_wait3A_76 : memref<1x80xi32, #tpu.memory_space<vmem>> -> memref<80xi32, #tpu.memory_space<vmem>>
      %dma_wait3A_78 = arith.constant 0 : i32
      %dma_wait3A_79 = arith.constant 0 : i32
      %dma_wait3A_80 = tpu.memref_slice %arg2[%dma_wait3A_78, %dma_wait3A_79] : memref<10000x128xf32, #tpu.memory_space<hbm>> -> memref<10000x128xf32, #tpu.memory_space<hbm>>
      tpu.wait_indirect_dma semaphore(%arg11 : memref<!tpu.dma_semaphore, #tpu.memory_space<semaphore_mem>>) src(%dma_wait3A_80 : memref<10000x128xf32, #tpu.memory_space<hbm>>) dst(%arg8 : memref<80x128xf32, #tpu.memory_space<vmem>>)
      %add3A_81 = arith.constant 1 : i32
      %add3A_82 = arith.addi %mul3A_73, %add3A_81 : i32
      %dma_start3A_83 = arith.constant 0 : i32
      %dma_start3A_84 = tpu.memref_slice %arg6[%add3A_82, %dma_start3A_83] : memref<64x80xi32, #tpu.memory_space<vmem>> -> memref<1x80xi32, #tpu.memory_space<vmem>>
      %dma_start3A_85 = tpu.memref_squeeze %dma_start3A_84 : memref<1x80xi32, #tpu.memory_space<vmem>> -> memref<80xi32, #tpu.memory_space<vmem>>
      %dma_start3A_86 = arith.constant 0 : i32
      %dma_start3A_87 = arith.constant 0 : i32
      %dma_start3A_88 = tpu.memref_slice %arg2[%dma_start3A_86, %dma_start3A_87] : memref<10000x128xf32, #tpu.memory_space<hbm>> -> memref<10000x128xf32, #tpu.memory_space<hbm>>
      tpu.enqueue_indirect_dma source(%dma_start3A_88 : memref<10000x128xf32, #tpu.memory_space<hbm>>) target(%arg9 : memref<80x128xf32, #tpu.memory_space<vmem>>) offsets(%dma_start3A_85 : memref<80xi32, #tpu.memory_space<vmem>>) semaphore(%arg12 : memref<!tpu.dma_semaphore, #tpu.memory_space<semaphore_mem>>)
      "tpu.region"() ({
        %run_scoped3A_106 = tpu.sem_alloc : memref<!tpu.dma_semaphore, #tpu.memory_space<semaphore_mem>>
        %dma_start3A_107 = arith.constant 0 : i32
        %dma_start3A_108 = tpu.memref_slice %arg7[%mul3A_73, %dma_start3A_107] : memref<64x80xi32, #tpu.memory_space<vmem>> -> memref<1x80xi32, #tpu.memory_space<vmem>>
        %dma_start3A_109 = tpu.memref_squeeze %dma_start3A_108 : memref<1x80xi32, #tpu.memory_space<vmem>> -> memref<80xi32, #tpu.memory_space<vmem>>
        %dma_start3A_110 = arith.constant 0 : i32
        %dma_start3A_111 = arith.constant 0 : i32
        %dma_start3A_112 = tpu.memref_slice %arg10[%dma_start3A_110, %dma_start3A_111] : memref<10112x128xf32, #tpu.memory_space<vmem_shared>> -> memref<10112x128xf32, #tpu.memory_space<vmem_shared>>
        tpu.enqueue_indirect_dma source(%arg8 : memref<80x128xf32, #tpu.memory_space<vmem>>) target(%dma_start3A_112 : memref<10112x128xf32, #tpu.memory_space<vmem_shared>>) offsets(%dma_start3A_109 : memref<80xi32, #tpu.memory_space<vmem>>) semaphore(%run_scoped3A_106 : memref<!tpu.dma_semaphore, #tpu.memory_space<semaphore_mem>>) {add = true}
        %dma_wait3A_113 = arith.constant 0 : i32
        %dma_wait3A_114 = tpu.memref_slice %arg7[%mul3A_73, %dma_wait3A_113] : memref<64x80xi32, #tpu.memory_space<vmem>> -> memref<1x80xi32, #tpu.memory_space<vmem>>
        %dma_wait3A_115 = tpu.memref_squeeze %dma_wait3A_114 : memref<1x80xi32, #tpu.memory_space<vmem>> -> memref<80xi32, #tpu.memory_space<vmem>>
        %dma_wait3A_116 = arith.constant 0 : i32
        %dma_wait3A_117 = arith.constant 0 : i32
        %dma_wait3A_118 = tpu.memref_slice %arg10[%dma_wait3A_116, %dma_wait3A_117] : memref<10112x128xf32, #tpu.memory_space<vmem_shared>> -> memref<10112x128xf32, #tpu.memory_space<vmem_shared>>
        tpu.wait_indirect_dma semaphore(%run_scoped3A_106 : memref<!tpu.dma_semaphore, #tpu.memory_space<semaphore_mem>>) src(%arg8 : memref<80x128xf32, #tpu.memory_space<vmem>>) dst(%dma_wait3A_118 : memref<10112x128xf32, #tpu.memory_space<vmem_shared>>)
        tpu.yield
      }) : () -> ()
      %dma_wait3A_89 = arith.constant 0 : i32
      %dma_wait3A_90 = arith.constant 0 : i32
      %dma_wait3A_91 = tpu.memref_slice %arg6[%dma_wait3A_89, %dma_wait3A_90] : memref<64x80xi32, #tpu.memory_space<vmem>> -> memref<1x80xi32, #tpu.memory_space<vmem>>
      %dma_wait3A_92 = tpu.memref_squeeze %dma_wait3A_91 : memref<1x80xi32, #tpu.memory_space<vmem>> -> memref<80xi32, #tpu.memory_space<vmem>>
      %dma_wait3A_93 = arith.constant 0 : i32
      %dma_wait3A_94 = arith.constant 0 : i32
      %dma_wait3A_95 = tpu.memref_slice %arg2[%dma_wait3A_93, %dma_wait3A_94] : memref<10000x128xf32, #tpu.memory_space<hbm>> -> memref<10000x128xf32, #tpu.memory_space<hbm>>
      tpu.wait_indirect_dma semaphore(%arg12 : memref<!tpu.dma_semaphore, #tpu.memory_space<semaphore_mem>>) src(%dma_wait3A_95 : memref<10000x128xf32, #tpu.memory_space<hbm>>) dst(%arg9 : memref<80x128xf32, #tpu.memory_space<vmem>>)
      %add3A_96 = arith.constant 2 : i32
      %add3A_97 = arith.addi %mul3A_73, %add3A_96 : i32
      %dma_start3A_98 = arith.constant 0 : i32
      %dma_start3A_99 = tpu.memref_slice %arg6[%add3A_97, %dma_start3A_98] : memref<64x80xi32, #tpu.memory_space<vmem>> -> memref<1x80xi32, #tpu.memory_space<vmem>>
      %dma_start3A_100 = tpu.memref_squeeze %dma_start3A_99 : memref<1x80xi32, #tpu.memory_space<vmem>> -> memref<80xi32, #tpu.memory_space<vmem>>
      %dma_start3A_101 = arith.constant 0 : i32
      %dma_start3A_102 = arith.constant 0 : i32
      %dma_start3A_103 = tpu.memref_slice %arg2[%dma_start3A_101, %dma_start3A_102] : memref<10000x128xf32, #tpu.memory_space<hbm>> -> memref<10000x128xf32, #tpu.memory_space<hbm>>
      tpu.enqueue_indirect_dma source(%dma_start3A_103 : memref<10000x128xf32, #tpu.memory_space<hbm>>) target(%arg8 : memref<80x128xf32, #tpu.memory_space<vmem>>) offsets(%dma_start3A_100 : memref<80xi32, #tpu.memory_space<vmem>>) semaphore(%arg11 : memref<!tpu.dma_semaphore, #tpu.memory_space<semaphore_mem>>)
      %add3A_104 = arith.constant 1 : i32
      %add3A_105 = arith.addi %mul3A_73, %add3A_104 : i32
      "tpu.region"() ({
        %run_scoped3A_106 = tpu.sem_alloc : memref<!tpu.dma_semaphore, #tpu.memory_space<semaphore_mem>>
        %dma_start3A_107 = arith.constant 0 : i32
        %dma_start3A_108 = tpu.memref_slice %arg7[%add3A_105, %dma_start3A_107] : memref<64x80xi32, #tpu.memory_space<vmem>> -> memref<1x80xi32, #tpu.memory_space<vmem>>
        %dma_start3A_109 = tpu.memref_squeeze %dma_start3A_108 : memref<1x80xi32, #tpu.memory_space<vmem>> -> memref<80xi32, #tpu.memory_space<vmem>>
        %dma_start3A_110 = arith.constant 0 : i32
        %dma_start3A_111 = arith.constant 0 : i32
        %dma_start3A_112 = tpu.memref_slice %arg10[%dma_start3A_110, %dma_start3A_111] : memref<10112x128xf32, #tpu.memory_space<vmem_shared>> -> memref<10112x128xf32, #tpu.memory_space<vmem_shared>>
        tpu.enqueue_indirect_dma source(%arg9 : memref<80x128xf32, #tpu.memory_space<vmem>>) target(%dma_start3A_112 : memref<10112x128xf32, #tpu.memory_space<vmem_shared>>) offsets(%dma_start3A_109 : memref<80xi32, #tpu.memory_space<vmem>>) semaphore(%run_scoped3A_106 : memref<!tpu.dma_semaphore, #tpu.memory_space<semaphore_mem>>) {add = true}
        %dma_wait3A_113 = arith.constant 0 : i32
        %dma_wait3A_114 = tpu.memref_slice %arg7[%add3A_105, %dma_wait3A_113] : memref<64x80xi32, #tpu.memory_space<vmem>> -> memref<1x80xi32, #tpu.memory_space<vmem>>
        %dma_wait3A_115 = tpu.memref_squeeze %dma_wait3A_114 : memref<1x80xi32, #tpu.memory_space<vmem>> -> memref<80xi32, #tpu.memory_space<vmem>>
        %dma_wait3A_116 = arith.constant 0 : i32
        %dma_wait3A_117 = arith.constant 0 : i32
        %dma_wait3A_118 = tpu.memref_slice %arg10[%dma_wait3A_116, %dma_wait3A_117] : memref<10112x128xf32, #tpu.memory_space<vmem_shared>> -> memref<10112x128xf32, #tpu.memory_space<vmem_shared>>
        tpu.wait_indirect_dma semaphore(%run_scoped3A_106 : memref<!tpu.dma_semaphore, #tpu.memory_space<semaphore_mem>>) src(%arg9 : memref<80x128xf32, #tpu.memory_space<vmem>>) dst(%dma_wait3A_118 : memref<10112x128xf32, #tpu.memory_space<vmem_shared>>)
        tpu.yield
      }) : () -> ()
    }
    %scan3A_57 = arith.constant 30 : i32
    %dma_wait3A_58 = arith.constant 0 : i32
    %dma_wait3A_59 = arith.constant 0 : i32
    %dma_wait3A_60 = tpu.memref_slice %arg6[%dma_wait3A_58, %dma_wait3A_59] : memref<64x80xi32, #tpu.memory_space<vmem>> -> memref<1x80xi32, #tpu.memory_space<vmem>>
    %dma_wait3A_61 = tpu.memref_squeeze %dma_wait3A_60 : memref<1x80xi32, #tpu.memory_space<vmem>> -> memref<80xi32, #tpu.memory_space<vmem>>
    %dma_wait3A_62 = arith.constant 0 : i32
    %dma_wait3A_63 = arith.constant 0 : i32
    %dma_wait3A_64 = tpu.memref_slice %arg2[%dma_wait3A_62, %dma_wait3A_63] : memref<10000x128xf32, #tpu.memory_space<hbm>> -> memref<10000x128xf32, #tpu.memory_space<hbm>>
    tpu.wait_indirect_dma semaphore(%arg11 : memref<!tpu.dma_semaphore, #tpu.memory_space<semaphore_mem>>) src(%dma_wait3A_64 : memref<10000x128xf32, #tpu.memory_space<hbm>>) dst(%arg8 : memref<80x128xf32, #tpu.memory_space<vmem>>)
    %run_scoped3A_65 = arith.constant 60 : i32
    "tpu.region"() ({
      %run_scoped3A_67 = tpu.sem_alloc : memref<!tpu.dma_semaphore, #tpu.memory_space<semaphore_mem>>
      %dma_start3A_68 = arith.constant 0 : i32
      %dma_start3A_69 = tpu.memref_slice %arg7[%run_scoped3A_65, %dma_start3A_68] : memref<64x80xi32, #tpu.memory_space<vmem>> -> memref<1x80xi32, #tpu.memory_space<vmem>>
      %dma_start3A_70 = tpu.memref_squeeze %dma_start3A_69 : memref<1x80xi32, #tpu.memory_space<vmem>> -> memref<80xi32, #tpu.memory_space<vmem>>
      %dma_start3A_71 = arith.constant 0 : i32
      %dma_start3A_72 = arith.constant 0 : i32
      %dma_start3A_73 = tpu.memref_slice %arg10[%dma_start3A_71, %dma_start3A_72] : memref<10112x128xf32, #tpu.memory_space<vmem_shared>> -> memref<10112x128xf32, #tpu.memory_space<vmem_shared>>
      tpu.enqueue_indirect_dma source(%arg8 : memref<80x128xf32, #tpu.memory_space<vmem>>) target(%dma_start3A_73 : memref<10112x128xf32, #tpu.memory_space<vmem_shared>>) offsets(%dma_start3A_70 : memref<80xi32, #tpu.memory_space<vmem>>) semaphore(%run_scoped3A_67 : memref<!tpu.dma_semaphore, #tpu.memory_space<semaphore_mem>>) {add = true}
      %dma_wait3A_74 = arith.constant 0 : i32
      %dma_wait3A_75 = tpu.memref_slice %arg7[%run_scoped3A_65, %dma_wait3A_74] : memref<64x80xi32, #tpu.memory_space<vmem>> -> memref<1x80xi32, #tpu.memory_space<vmem>>
      %dma_wait3A_76 = tpu.memref_squeeze %dma_wait3A_75 : memref<1x80xi32, #tpu.memory_space<vmem>> -> memref<80xi32, #tpu.memory_space<vmem>>
      %dma_wait3A_77 = arith.constant 0 : i32
      %dma_wait3A_78 = arith.constant 0 : i32
      %dma_wait3A_79 = tpu.memref_slice %arg10[%dma_wait3A_77, %dma_wait3A_78] : memref<10112x128xf32, #tpu.memory_space<vmem_shared>> -> memref<10112x128xf32, #tpu.memory_space<vmem_shared>>
      tpu.wait_indirect_dma semaphore(%run_scoped3A_67 : memref<!tpu.dma_semaphore, #tpu.memory_space<semaphore_mem>>) src(%arg8 : memref<80x128xf32, #tpu.memory_space<vmem>>) dst(%dma_wait3A_79 : memref<10112x128xf32, #tpu.memory_space<vmem_shared>>)
      tpu.yield
    }) : () -> ()
    %barrier3A_66 = arith.constant 0 : index
    tpu.barrier barrier_id(%barrier3A_66)
    "tpu.region"() ({
      %run_scoped3A_67 = tpu.sem_alloc : memref<!tpu.dma_semaphore, #tpu.memory_space<semaphore_mem>>
      %dma_start3A_68 = arith.constant 0 : i32
      %dma_start3A_69 = tpu.memref_slice %arg5[%arg0, %mul3A_6, %dma_start3A_68] : memref<2x10112x128xf32, #tpu.memory_space<hbm>> -> memref<1x632x128xf32, #tpu.memory_space<hbm>>
      %dma_start3A_70 = tpu.memref_squeeze %dma_start3A_69 : memref<1x632x128xf32, #tpu.memory_space<hbm>> -> memref<632x128xf32, #tpu.memory_space<hbm>>
      %dma_start3A_71 = arith.constant 0 : i32
      %dma_start3A_72 = tpu.memref_slice %arg10[%mul3A_6, %dma_start3A_71] : memref<10112x128xf32, #tpu.memory_space<vmem_shared>> -> memref<632x128xf32, #tpu.memory_space<vmem_shared>>
      tpu.enqueue_dma source(%dma_start3A_72 : memref<632x128xf32, #tpu.memory_space<vmem_shared>>) target(%dma_start3A_70 : memref<632x128xf32, #tpu.memory_space<hbm>>) target_semaphore(%run_scoped3A_67 : memref<!tpu.dma_semaphore, #tpu.memory_space<semaphore_mem>>)
      %dma_wait3A_73 = arith.constant 0 : i32
      %dma_wait3A_74 = tpu.memref_slice %arg5[%arg0, %mul3A_6, %dma_wait3A_73] : memref<2x10112x128xf32, #tpu.memory_space<hbm>> -> memref<1x632x128xf32, #tpu.memory_space<hbm>>
      %dma_wait3A_75 = tpu.memref_squeeze %dma_wait3A_74 : memref<1x632x128xf32, #tpu.memory_space<hbm>> -> memref<632x128xf32, #tpu.memory_space<hbm>>
      %dma_wait3A_76 = arith.constant 0 : i32
      %dma_wait3A_77 = tpu.memref_slice %arg10[%mul3A_6, %dma_wait3A_76] : memref<10112x128xf32, #tpu.memory_space<vmem_shared>> -> memref<632x128xf32, #tpu.memory_space<vmem_shared>>
      tpu.wait_dma2 semaphore(%run_scoped3A_67 : memref<!tpu.dma_semaphore, #tpu.memory_space<semaphore_mem>>) src(%dma_wait3A_77 : memref<632x128xf32, #tpu.memory_space<vmem_shared>>) dst(%dma_wait3A_75 : memref<632x128xf32, #tpu.memory_space<hbm>>)
      tpu.yield
    }) : () -> ()
    return
  }
}

#map = affine_map<(d0, d1) -> (0, 0)>
#map1 = affine_map<(d0, d1) -> (0, 0, 0)>
module attributes {stable_mosaic.version = 14 : i64} {
  func.func @k(%arg0: i32, %arg1: i32, %arg2: memref<10000x128xf32, #tpu.memory_space<hbm>>, %arg3: memref<32x128x80xi32, #tpu.memory_space<hbm>>, %arg4: memref<32x128x80xi32, #tpu.memory_space<hbm>>, %arg5: memref<2x10112x128xf32, #tpu.memory_space<hbm>>, %arg6: memref<64x80xi32, #tpu.memory_space<vmem>>, %arg7: memref<64x80xi32, #tpu.memory_space<vmem>>, %arg8: memref<80x128xf32, #tpu.memory_space<vmem>>, %arg9: memref<80x128xf32, #tpu.memory_space<vmem>>, %arg10: memref<10112x128xf32, #tpu.memory_space<vmem_shared>>, %arg11: memref<!tpu.dma_semaphore, #tpu.memory_space<semaphore_mem>>, %arg12: memref<!tpu.dma_semaphore, #tpu.memory_space<semaphore_mem>>, %arg13: memref<!tpu.dma_semaphore, #tpu.memory_space<semaphore_mem>>, %arg14: memref<!tpu.dma_semaphore, #tpu.memory_space<semaphore_mem>>) attributes {dimension_semantics = [#tpu.dimension_semantics<core_parallel>, #tpu.dimension_semantics<subcore_parallel>], iteration_bounds = array<i64: 2, 16>, scalar_prefetch = 0 : i64, scratch_operands = 9 : i64, tpu.core_type = #tpu.core_type<sc_vector_subcore>, window_params = [{transform_indices = #map}, {transform_indices = #map1}, {transform_indices = #map1}, {transform_indices = #map1}]} {
    %mul3A = arith.constant 2 : i32
    %mul3A_0 = arith.muli %arg1, %mul3A : i32
    %add3A = arith.addi %mul3A_0, %arg0 : i32
    %scan3A = arith.constant 0 : i32
    %scan3A_1 = arith.constant 80 : i32
    %scan3A_2 = arith.addi %scan3A, %scan3A_1 : i32
    %scan3A_3 = arith.constant 1 : i32
    scf.for %scan3A_67 = %scan3A to %scan3A_2 step %scan3A_3  : i32 {
      %mul3A_68 = arith.constant 1 : i32
      %mul3A_69 = arith.muli %scan3A_67, %mul3A_68 : i32
      %add3A_70 = arith.constant 0 : i32
      %add3A_71 = arith.addi %add3A_70, %mul3A_69 : i32
      %scan3A_72 = arith.constant 0 : i32
      %scan3A_73 = arith.constant 8 : i32
      %scan3A_74 = arith.addi %scan3A_72, %scan3A_73 : i32
      %scan3A_75 = arith.constant 1 : i32
      scf.for %scan3A_77 = %scan3A_72 to %scan3A_74 step %scan3A_75  : i32 {
        %mul3A_78 = arith.constant 1 : i32
        %mul3A_79 = arith.muli %scan3A_77, %mul3A_78 : i32
        %add3A_80 = arith.constant 0 : i32
        %add3A_81 = arith.addi %add3A_80, %mul3A_79 : i32
        %broadcast_in_dim3A = arith.constant 0.000000e+00 : f32
        %broadcast_in_dim3A_82 = vector.broadcast %broadcast_in_dim3A : f32 to vector<16xf32>
        %mul3A_83 = arith.constant 16 : i32
        %mul3A_84 = arith.muli %add3A_81, %mul3A_83 : i32
        %swap3A = arith.index_cast %add3A_71 : i32 to index
        %swap3A_85 = arith.index_cast %mul3A_84 : i32 to index
        %swap3A_86 = tpu.vector_load %arg8[%swap3A, %swap3A_85] {strides = array<i32>} : memref<80x128xf32, #tpu.memory_space<vmem>>, vector<1x16xf32>,
        %swap3A_87 = vector.shape_cast %swap3A_86 : vector<1x16xf32> to vector<16xf32>
        %swap3A_88 = vector.shape_cast %broadcast_in_dim3A_82 : vector<16xf32> to vector<1x16xf32>
        tpu.vector_store %arg8[%swap3A, %swap3A_85], %swap3A_88 {strides = array<i32>} : memref<80x128xf32, #tpu.memory_space<vmem>>, vector<1x16xf32>,
        %broadcast_in_dim3A_89 = arith.constant 0.000000e+00 : f32
        %broadcast_in_dim3A_90 = vector.broadcast %broadcast_in_dim3A_89 : f32 to vector<16xf32>
        %mul3A_91 = arith.constant 16 : i32
        %mul3A_92 = arith.muli %add3A_81, %mul3A_91 : i32
        %swap3A_93 = arith.index_cast %add3A_71 : i32 to index
        %swap3A_94 = arith.index_cast %mul3A_92 : i32 to index
        %swap3A_95 = tpu.vector_load %arg9[%swap3A_93, %swap3A_94] {strides = array<i32>} : memref<80x128xf32, #tpu.memory_space<vmem>>, vector<1x16xf32>,
        %swap3A_96 = vector.shape_cast %swap3A_95 : vector<1x16xf32> to vector<16xf32>
        %swap3A_97 = vector.shape_cast %broadcast_in_dim3A_90 : vector<16xf32> to vector<1x16xf32>
        tpu.vector_store %arg9[%swap3A_93, %swap3A_94], %swap3A_97 {strides = array<i32>} : memref<80x128xf32, #tpu.memory_space<vmem>>, vector<1x16xf32>,
      }
      %scan3A_76 = arith.constant 8 : i32
    }
    %scan3A_4 = arith.constant 80 : i32
    %mul3A_5 = arith.constant 632 : i32
    %mul3A_6 = arith.muli %arg1, %mul3A_5 : i32
    %scan3A_7 = arith.constant 0 : i32
    %scan3A_8 = arith.constant 7 : i32
    %scan3A_9 = arith.addi %scan3A_7, %scan3A_8 : i32
    %scan3A_10 = arith.constant 1 : i32
    scf.for %scan3A_67 = %scan3A_7 to %scan3A_9 step %scan3A_10  : i32 {
      %mul3A_68 = arith.constant 1 : i32
      %mul3A_69 = arith.muli %scan3A_67, %mul3A_68 : i32
      %add3A_70 = arith.constant 0 : i32
      %add3A_71 = arith.addi %add3A_70, %mul3A_69 : i32
      %mul3A_72 = arith.constant 80 : i32
      %mul3A_73 = arith.muli %add3A_71, %mul3A_72 : i32
      %add3A_74 = arith.addi %mul3A_6, %mul3A_73 : i32
      "tpu.region"() ({
        %run_scoped3A_75 = tpu.sem_alloc : memref<!tpu.dma_semaphore, #tpu.memory_space<semaphore_mem>>
        %dma_start3A_76 = arith.constant 0 : i32
        %dma_start3A_77 = tpu.memref_slice %arg10[%add3A_74, %dma_start3A_76] : memref<10112x128xf32, #tpu.memory_space<vmem_shared>> -> memref<80x128xf32, #tpu.memory_space<vmem_shared>>
        %dma_start3A_78 = arith.constant 0 : i32
        %dma_start3A_79 = tpu.memref_slice %arg10[%add3A_74, %dma_start3A_78] : memref<10112x128xf32, #tpu.memory_space<vmem_shared>> -> memref<80x128xf32, #tpu.memory_space<vmem_shared>>
        tpu.enqueue_dma source(%arg8 : memref<80x128xf32, #tpu.memory_space<vmem>>) target(%dma_start3A_79 : memref<80x128xf32, #tpu.memory_space<vmem_shared>>) target_semaphore(%run_scoped3A_75 : memref<!tpu.dma_semaphore, #tpu.memory_space<semaphore_mem>>)
        %dma_wait3A_80 = arith.constant 0 : i32
        %dma_wait3A_81 = tpu.memref_slice %arg10[%add3A_74, %dma_wait3A_80] : memref<10112x128xf32, #tpu.memory_space<vmem_shared>> -> memref<80x128xf32, #tpu.memory_space<vmem_shared>>
        %dma_wait3A_82 = arith.constant 0 : i32
        %dma_wait3A_83 = tpu.memref_slice %arg10[%add3A_74, %dma_wait3A_82] : memref<10112x128xf32, #tpu.memory_space<vmem_shared>> -> memref<80x128xf32, #tpu.memory_space<vmem_shared>>
        tpu.wait_dma2 semaphore(%run_scoped3A_75 : memref<!tpu.dma_semaphore, #tpu.memory_space<semaphore_mem>>) src(%arg8 : memref<80x128xf32, #tpu.memory_space<vmem>>) dst(%dma_wait3A_83 : memref<80x128xf32, #tpu.memory_space<vmem_shared>>)
        tpu.yield
      }) : () -> ()
    }
    %scan3A_11 = arith.constant 7 : i32
    %add3A_12 = arith.constant 560 : i32
    %add3A_13 = arith.addi %mul3A_6, %add3A_12 : i32
    "tpu.region"() ({
      %run_scoped3A_67 = tpu.sem_alloc : memref<!tpu.dma_semaphore, #tpu.memory_space<semaphore_mem>>
      %dma_start3A_68 = arith.constant 0 : i32
      %dma_start3A_69 = arith.constant 0 : i32
      %dma_start3A_70 = tpu.memref_slice %arg8[%dma_start3A_68, %dma_start3A_69] : memref<80x128xf32, #tpu.memory_space<vmem>> -> memref<72x128xf32, #tpu.memory_space<vmem>>
      %dma_start3A_71 = arith.constant 0 : i32
      %dma_start3A_72 = tpu.memref_slice %arg10[%add3A_13, %dma_start3A_71] : memref<10112x128xf32, #tpu.memory_space<vmem_shared>> -> memref<72x128xf32, #tpu.memory_space<vmem_shared>>
      %dma_start3A_73 = arith.constant 0 : i32
      %dma_start3A_74 = tpu.memref_slice %arg10[%add3A_13, %dma_start3A_73] : memref<10112x128xf32, #tpu.memory_space<vmem_shared>> -> memref<72x128xf32, #tpu.memory_space<vmem_shared>>
      %dma_start3A_75 = arith.constant 0 : i32
      %dma_start3A_76 = arith.constant 0 : i32
      %dma_start3A_77 = tpu.memref_slice %arg8[%dma_start3A_75, %dma_start3A_76] : memref<80x128xf32, #tpu.memory_space<vmem>> -> memref<72x128xf32, #tpu.memory_space<vmem>>
      tpu.enqueue_dma source(%dma_start3A_77 : memref<72x128xf32, #tpu.memory_space<vmem>>) target(%dma_start3A_74 : memref<72x128xf32, #tpu.memory_space<vmem_shared>>) target_semaphore(%run_scoped3A_67 : memref<!tpu.dma_semaphore, #tpu.memory_space<semaphore_mem>>)
      %dma_wait3A_78 = arith.constant 0 : i32
      %dma_wait3A_79 = arith.constant 0 : i32
      %dma_wait3A_80 = tpu.memref_slice %arg8[%dma_wait3A_78, %dma_wait3A_79] : memref<80x128xf32, #tpu.memory_space<vmem>> -> memref<72x128xf32, #tpu.memory_space<vmem>>
      %dma_wait3A_81 = arith.constant 0 : i32
      %dma_wait3A_82 = tpu.memref_slice %arg10[%add3A_13, %dma_wait3A_81] : memref<10112x128xf32, #tpu.memory_space<vmem_shared>> -> memref<72x128xf32, #tpu.memory_space<vmem_shared>>
      %dma_wait3A_83 = arith.constant 0 : i32
      %dma_wait3A_84 = tpu.memref_slice %arg10[%add3A_13, %dma_wait3A_83] : memref<10112x128xf32, #tpu.memory_space<vmem_shared>> -> memref<72x128xf32, #tpu.memory_space<vmem_shared>>
      %dma_wait3A_85 = arith.constant 0 : i32
      %dma_wait3A_86 = arith.constant 0 : i32
      %dma_wait3A_87 = tpu.memref_slice %arg8[%dma_wait3A_85, %dma_wait3A_86] : memref<80x128xf32, #tpu.memory_space<vmem>> -> memref<72x128xf32, #tpu.memory_space<vmem>>
      tpu.wait_dma2 semaphore(%run_scoped3A_67 : memref<!tpu.dma_semaphore, #tpu.memory_space<semaphore_mem>>) src(%dma_wait3A_87 : memref<72x128xf32, #tpu.memory_space<vmem>>) dst(%dma_wait3A_84 : memref<72x128xf32, #tpu.memory_space<vmem_shared>>)
      tpu.yield
    }) : () -> ()
    %barrier3A = arith.constant 0 : index
    tpu.barrier barrier_id(%barrier3A)
    "tpu.region"() ({
      %run_scoped3A_67 = tpu.sem_alloc : memref<!tpu.dma_semaphore, #tpu.memory_space<semaphore_mem>>
      %dma_start3A_68 = arith.constant 0 : i32
      %dma_start3A_69 = arith.constant 0 : i32
      %dma_start3A_70 = tpu.memref_slice %arg3[%add3A, %dma_start3A_68, %dma_start3A_69] : memref<32x128x80xi32, #tpu.memory_space<hbm>> -> memref<1x64x80xi32, #tpu.memory_space<hbm>>
      %dma_start3A_71 = tpu.memref_squeeze %dma_start3A_70 : memref<1x64x80xi32, #tpu.memory_space<hbm>> -> memref<64x80xi32, #tpu.memory_space<hbm>>
      %dma_start3A_72 = arith.constant 0 : i32
      %dma_start3A_73 = arith.constant 0 : i32
      %dma_start3A_74 = tpu.memref_slice %arg3[%add3A, %dma_start3A_72, %dma_start3A_73] : memref<32x128x80xi32, #tpu.memory_space<hbm>> -> memref<1x64x80xi32, #tpu.memory_space<hbm>>
      %dma_start3A_75 = tpu.memref_squeeze %dma_start3A_74 : memref<1x64x80xi32, #tpu.memory_space<hbm>> -> memref<64x80xi32, #tpu.memory_space<hbm>>
      tpu.enqueue_dma source(%dma_start3A_75 : memref<64x80xi32, #tpu.memory_space<hbm>>) target(%arg6 : memref<64x80xi32, #tpu.memory_space<vmem>>) target_semaphore(%run_scoped3A_67 : memref<!tpu.dma_semaphore, #tpu.memory_space<semaphore_mem>>)
      %dma_wait3A_76 = arith.constant 0 : i32
      %dma_wait3A_77 = arith.constant 0 : i32
      %dma_wait3A_78 = tpu.memref_slice %arg3[%add3A, %dma_wait3A_76, %dma_wait3A_77] : memref<32x128x80xi32, #tpu.memory_space<hbm>> -> memref<1x64x80xi32, #tpu.memory_space<hbm>>
      %dma_wait3A_79 = tpu.memref_squeeze %dma_wait3A_78 : memref<1x64x80xi32, #tpu.memory_space<hbm>> -> memref<64x80xi32, #tpu.memory_space<hbm>>
      %dma_wait3A_80 = arith.constant 0 : i32
      %dma_wait3A_81 = arith.constant 0 : i32
      %dma_wait3A_82 = tpu.memref_slice %arg3[%add3A, %dma_wait3A_80, %dma_wait3A_81] : memref<32x128x80xi32, #tpu.memory_space<hbm>> -> memref<1x64x80xi32, #tpu.memory_space<hbm>>
      %dma_wait3A_83 = tpu.memref_squeeze %dma_wait3A_82 : memref<1x64x80xi32, #tpu.memory_space<hbm>> -> memref<64x80xi32, #tpu.memory_space<hbm>>
      tpu.wait_dma2 semaphore(%run_scoped3A_67 : memref<!tpu.dma_semaphore, #tpu.memory_space<semaphore_mem>>) src(%dma_wait3A_83 : memref<64x80xi32, #tpu.memory_space<hbm>>) dst(%arg6 : memref<64x80xi32, #tpu.memory_space<vmem>>)
      tpu.yield
    }) : () -> ()
    "tpu.region"() ({
      %run_scoped3A_67 = tpu.sem_alloc : memref<!tpu.dma_semaphore, #tpu.memory_space<semaphore_mem>>
      %dma_start3A_68 = arith.constant 0 : i32
      %dma_start3A_69 = arith.constant 0 : i32
      %dma_start3A_70 = tpu.memref_slice %arg4[%add3A, %dma_start3A_68, %dma_start3A_69] : memref<32x128x80xi32, #tpu.memory_space<hbm>> -> memref<1x64x80xi32, #tpu.memory_space<hbm>>
      %dma_start3A_71 = tpu.memref_squeeze %dma_start3A_70 : memref<1x64x80xi32, #tpu.memory_space<hbm>> -> memref<64x80xi32, #tpu.memory_space<hbm>>
      %dma_start3A_72 = arith.constant 0 : i32
      %dma_start3A_73 = arith.constant 0 : i32
      %dma_start3A_74 = tpu.memref_slice %arg4[%add3A, %dma_start3A_72, %dma_start3A_73] : memref<32x128x80xi32, #tpu.memory_space<hbm>> -> memref<1x64x80xi32, #tpu.memory_space<hbm>>
      %dma_start3A_75 = tpu.memref_squeeze %dma_start3A_74 : memref<1x64x80xi32, #tpu.memory_space<hbm>> -> memref<64x80xi32, #tpu.memory_space<hbm>>
      tpu.enqueue_dma source(%dma_start3A_75 : memref<64x80xi32, #tpu.memory_space<hbm>>) target(%arg7 : memref<64x80xi32, #tpu.memory_space<vmem>>) target_semaphore(%run_scoped3A_67 : memref<!tpu.dma_semaphore, #tpu.memory_space<semaphore_mem>>)
      %dma_wait3A_76 = arith.constant 0 : i32
      %dma_wait3A_77 = arith.constant 0 : i32
      %dma_wait3A_78 = tpu.memref_slice %arg4[%add3A, %dma_wait3A_76, %dma_wait3A_77] : memref<32x128x80xi32, #tpu.memory_space<hbm>> -> memref<1x64x80xi32, #tpu.memory_space<hbm>>
      %dma_wait3A_79 = tpu.memref_squeeze %dma_wait3A_78 : memref<1x64x80xi32, #tpu.memory_space<hbm>> -> memref<64x80xi32, #tpu.memory_space<hbm>>
      %dma_wait3A_80 = arith.constant 0 : i32
      %dma_wait3A_81 = arith.constant 0 : i32
      %dma_wait3A_82 = tpu.memref_slice %arg4[%add3A, %dma_wait3A_80, %dma_wait3A_81] : memref<32x128x80xi32, #tpu.memory_space<hbm>> -> memref<1x64x80xi32, #tpu.memory_space<hbm>>
      %dma_wait3A_83 = tpu.memref_squeeze %dma_wait3A_82 : memref<1x64x80xi32, #tpu.memory_space<hbm>> -> memref<64x80xi32, #tpu.memory_space<hbm>>
      tpu.wait_dma2 semaphore(%run_scoped3A_67 : memref<!tpu.dma_semaphore, #tpu.memory_space<semaphore_mem>>) src(%dma_wait3A_83 : memref<64x80xi32, #tpu.memory_space<hbm>>) dst(%arg7 : memref<64x80xi32, #tpu.memory_space<vmem>>)
      tpu.yield
    }) : () -> ()
    %dma_start3A = arith.constant 0 : i32
    %dma_start3A_14 = arith.constant 0 : i32
    %dma_start3A_15 = tpu.memref_slice %arg6[%dma_start3A, %dma_start3A_14] : memref<64x80xi32, #tpu.memory_space<vmem>> -> memref<1x80xi32, #tpu.memory_space<vmem>>
    %dma_start3A_16 = tpu.memref_squeeze %dma_start3A_15 : memref<1x80xi32, #tpu.memory_space<vmem>> -> memref<80xi32, #tpu.memory_space<vmem>>
    %dma_start3A_17 = arith.constant 0 : i32
    %dma_start3A_18 = arith.constant 0 : i32
    %dma_start3A_19 = tpu.memref_slice %arg2[%dma_start3A_17, %dma_start3A_18] : memref<10000x128xf32, #tpu.memory_space<hbm>> -> memref<10000x128xf32, #tpu.memory_space<hbm>>
    tpu.enqueue_indirect_dma source(%dma_start3A_19 : memref<10000x128xf32, #tpu.memory_space<hbm>>) target(%arg8 : memref<80x128xf32, #tpu.memory_space<vmem>>) offsets(%dma_start3A_16 : memref<80xi32, #tpu.memory_space<vmem>>) semaphore(%arg11 : memref<!tpu.dma_semaphore, #tpu.memory_space<semaphore_mem>>)
    %scan3A_20 = arith.constant 0 : i32
    %scan3A_21 = arith.constant 31 : i32
    %scan3A_22 = arith.addi %scan3A_20, %scan3A_21 : i32
    %scan3A_23 = arith.constant 1 : i32
    scf.for %scan3A_67 = %scan3A_20 to %scan3A_22 step %scan3A_23  : i32 {
      %mul3A_68 = arith.constant 1 : i32
      %mul3A_69 = arith.muli %scan3A_67, %mul3A_68 : i32
      %add3A_70 = arith.constant 0 : i32
      %add3A_71 = arith.addi %add3A_70, %mul3A_69 : i32
      %mul3A_72 = arith.constant 2 : i32
      %mul3A_73 = arith.muli %add3A_71, %mul3A_72 : i32
      %dma_wait3A_74 = arith.constant 0 : i32
      %dma_wait3A_75 = arith.constant 0 : i32
      %dma_wait3A_76 = tpu.memref_slice %arg6[%dma_wait3A_74, %dma_wait3A_75] : memref<64x80xi32, #tpu.memory_space<vmem>> -> memref<1x80xi32, #tpu.memory_space<vmem>>
      %dma_wait3A_77 = tpu.memref_squeeze %dma_wait3A_76 : memref<1x80xi32, #tpu.memory_space<vmem>> -> memref<80xi32, #tpu.memory_space<vmem>>
      %dma_wait3A_78 = arith.constant 0 : i32
      %dma_wait3A_79 = arith.constant 0 : i32
      %dma_wait3A_80 = tpu.memref_slice %arg2[%dma_wait3A_78, %dma_wait3A_79] : memref<10000x128xf32, #tpu.memory_space<hbm>> -> memref<10000x128xf32, #tpu.memory_space<hbm>>
      tpu.wait_indirect_dma semaphore(%arg11 : memref<!tpu.dma_semaphore, #tpu.memory_space<semaphore_mem>>) src(%dma_wait3A_80 : memref<10000x128xf32, #tpu.memory_space<hbm>>) dst(%arg8 : memref<80x128xf32, #tpu.memory_space<vmem>>)
      %add3A_81 = arith.constant 1 : i32
      %add3A_82 = arith.addi %mul3A_73, %add3A_81 : i32
      %dma_start3A_83 = arith.constant 0 : i32
      %dma_start3A_84 = tpu.memref_slice %arg6[%add3A_82, %dma_start3A_83] : memref<64x80xi32, #tpu.memory_space<vmem>> -> memref<1x80xi32, #tpu.memory_space<vmem>>
      %dma_start3A_85 = tpu.memref_squeeze %dma_start3A_84 : memref<1x80xi32, #tpu.memory_space<vmem>> -> memref<80xi32, #tpu.memory_space<vmem>>
      %dma_start3A_86 = arith.constant 0 : i32
      %dma_start3A_87 = arith.constant 0 : i32
      %dma_start3A_88 = tpu.memref_slice %arg2[%dma_start3A_86, %dma_start3A_87] : memref<10000x128xf32, #tpu.memory_space<hbm>> -> memref<10000x128xf32, #tpu.memory_space<hbm>>
      tpu.enqueue_indirect_dma source(%dma_start3A_88 : memref<10000x128xf32, #tpu.memory_space<hbm>>) target(%arg9 : memref<80x128xf32, #tpu.memory_space<vmem>>) offsets(%dma_start3A_85 : memref<80xi32, #tpu.memory_space<vmem>>) semaphore(%arg12 : memref<!tpu.dma_semaphore, #tpu.memory_space<semaphore_mem>>)
      "tpu.region"() ({
        %run_scoped3A_106 = tpu.sem_alloc : memref<!tpu.dma_semaphore, #tpu.memory_space<semaphore_mem>>
        %dma_start3A_107 = arith.constant 0 : i32
        %dma_start3A_108 = tpu.memref_slice %arg7[%mul3A_73, %dma_start3A_107] : memref<64x80xi32, #tpu.memory_space<vmem>> -> memref<1x80xi32, #tpu.memory_space<vmem>>
        %dma_start3A_109 = tpu.memref_squeeze %dma_start3A_108 : memref<1x80xi32, #tpu.memory_space<vmem>> -> memref<80xi32, #tpu.memory_space<vmem>>
        %dma_start3A_110 = arith.constant 0 : i32
        %dma_start3A_111 = arith.constant 0 : i32
        %dma_start3A_112 = tpu.memref_slice %arg10[%dma_start3A_110, %dma_start3A_111] : memref<10112x128xf32, #tpu.memory_space<vmem_shared>> -> memref<10112x128xf32, #tpu.memory_space<vmem_shared>>
        tpu.enqueue_indirect_dma source(%arg8 : memref<80x128xf32, #tpu.memory_space<vmem>>) target(%dma_start3A_112 : memref<10112x128xf32, #tpu.memory_space<vmem_shared>>) offsets(%dma_start3A_109 : memref<80xi32, #tpu.memory_space<vmem>>) semaphore(%run_scoped3A_106 : memref<!tpu.dma_semaphore, #tpu.memory_space<semaphore_mem>>) {add = true}
        %dma_wait3A_113 = arith.constant 0 : i32
        %dma_wait3A_114 = tpu.memref_slice %arg7[%mul3A_73, %dma_wait3A_113] : memref<64x80xi32, #tpu.memory_space<vmem>> -> memref<1x80xi32, #tpu.memory_space<vmem>>
        %dma_wait3A_115 = tpu.memref_squeeze %dma_wait3A_114 : memref<1x80xi32, #tpu.memory_space<vmem>> -> memref<80xi32, #tpu.memory_space<vmem>>
        %dma_wait3A_116 = arith.constant 0 : i32
        %dma_wait3A_117 = arith.constant 0 : i32
        %dma_wait3A_118 = tpu.memref_slice %arg10[%dma_wait3A_116, %dma_wait3A_117] : memref<10112x128xf32, #tpu.memory_space<vmem_shared>> -> memref<10112x128xf32, #tpu.memory_space<vmem_shared>>
        tpu.wait_indirect_dma semaphore(%run_scoped3A_106 : memref<!tpu.dma_semaphore, #tpu.memory_space<semaphore_mem>>) src(%arg8 : memref<80x128xf32, #tpu.memory_space<vmem>>) dst(%dma_wait3A_118 : memref<10112x128xf32, #tpu.memory_space<vmem_shared>>)
        tpu.yield
      }) : () -> ()
      %dma_wait3A_89 = arith.constant 0 : i32
      %dma_wait3A_90 = arith.constant 0 : i32
      %dma_wait3A_91 = tpu.memref_slice %arg6[%dma_wait3A_89, %dma_wait3A_90] : memref<64x80xi32, #tpu.memory_space<vmem>> -> memref<1x80xi32, #tpu.memory_space<vmem>>
      %dma_wait3A_92 = tpu.memref_squeeze %dma_wait3A_91 : memref<1x80xi32, #tpu.memory_space<vmem>> -> memref<80xi32, #tpu.memory_space<vmem>>
      %dma_wait3A_93 = arith.constant 0 : i32
      %dma_wait3A_94 = arith.constant 0 : i32
      %dma_wait3A_95 = tpu.memref_slice %arg2[%dma_wait3A_93, %dma_wait3A_94] : memref<10000x128xf32, #tpu.memory_space<hbm>> -> memref<10000x128xf32, #tpu.memory_space<hbm>>
      tpu.wait_indirect_dma semaphore(%arg12 : memref<!tpu.dma_semaphore, #tpu.memory_space<semaphore_mem>>) src(%dma_wait3A_95 : memref<10000x128xf32, #tpu.memory_space<hbm>>) dst(%arg9 : memref<80x128xf32, #tpu.memory_space<vmem>>)
      %add3A_96 = arith.constant 2 : i32
      %add3A_97 = arith.addi %mul3A_73, %add3A_96 : i32
      %dma_start3A_98 = arith.constant 0 : i32
      %dma_start3A_99 = tpu.memref_slice %arg6[%add3A_97, %dma_start3A_98] : memref<64x80xi32, #tpu.memory_space<vmem>> -> memref<1x80xi32, #tpu.memory_space<vmem>>
      %dma_start3A_100 = tpu.memref_squeeze %dma_start3A_99 : memref<1x80xi32, #tpu.memory_space<vmem>> -> memref<80xi32, #tpu.memory_space<vmem>>
      %dma_start3A_101 = arith.constant 0 : i32
      %dma_start3A_102 = arith.constant 0 : i32
      %dma_start3A_103 = tpu.memref_slice %arg2[%dma_start3A_101, %dma_start3A_102] : memref<10000x128xf32, #tpu.memory_space<hbm>> -> memref<10000x128xf32, #tpu.memory_space<hbm>>
      tpu.enqueue_indirect_dma source(%dma_start3A_103 : memref<10000x128xf32, #tpu.memory_space<hbm>>) target(%arg8 : memref<80x128xf32, #tpu.memory_space<vmem>>) offsets(%dma_start3A_100 : memref<80xi32, #tpu.memory_space<vmem>>) semaphore(%arg11 : memref<!tpu.dma_semaphore, #tpu.memory_space<semaphore_mem>>)
      %add3A_104 = arith.constant 1 : i32
      %add3A_105 = arith.addi %mul3A_73, %add3A_104 : i32
      "tpu.region"() ({
        %run_scoped3A_106 = tpu.sem_alloc : memref<!tpu.dma_semaphore, #tpu.memory_space<semaphore_mem>>
        %dma_start3A_107 = arith.constant 0 : i32
        %dma_start3A_108 = tpu.memref_slice %arg7[%add3A_105, %dma_start3A_107] : memref<64x80xi32, #tpu.memory_space<vmem>> -> memref<1x80xi32, #tpu.memory_space<vmem>>
        %dma_start3A_109 = tpu.memref_squeeze %dma_start3A_108 : memref<1x80xi32, #tpu.memory_space<vmem>> -> memref<80xi32, #tpu.memory_space<vmem>>
        %dma_start3A_110 = arith.constant 0 : i32
        %dma_start3A_111 = arith.constant 0 : i32
        %dma_start3A_112 = tpu.memref_slice %arg10[%dma_start3A_110, %dma_start3A_111] : memref<10112x128xf32, #tpu.memory_space<vmem_shared>> -> memref<10112x128xf32, #tpu.memory_space<vmem_shared>>
        tpu.enqueue_indirect_dma source(%arg9 : memref<80x128xf32, #tpu.memory_space<vmem>>) target(%dma_start3A_112 : memref<10112x128xf32, #tpu.memory_space<vmem_shared>>) offsets(%dma_start3A_109 : memref<80xi32, #tpu.memory_space<vmem>>) semaphore(%run_scoped3A_106 : memref<!tpu.dma_semaphore, #tpu.memory_space<semaphore_mem>>) {add = true}
        %dma_wait3A_113 = arith.constant 0 : i32
        %dma_wait3A_114 = tpu.memref_slice %arg7[%add3A_105, %dma_wait3A_113] : memref<64x80xi32, #tpu.memory_space<vmem>> -> memref<1x80xi32, #tpu.memory_space<vmem>>
        %dma_wait3A_115 = tpu.memref_squeeze %dma_wait3A_114 : memref<1x80xi32, #tpu.memory_space<vmem>> -> memref<80xi32, #tpu.memory_space<vmem>>
        %dma_wait3A_116 = arith.constant 0 : i32
        %dma_wait3A_117 = arith.constant 0 : i32
        %dma_wait3A_118 = tpu.memref_slice %arg10[%dma_wait3A_116, %dma_wait3A_117] : memref<10112x128xf32, #tpu.memory_space<vmem_shared>> -> memref<10112x128xf32, #tpu.memory_space<vmem_shared>>
        tpu.wait_indirect_dma semaphore(%run_scoped3A_106 : memref<!tpu.dma_semaphore, #tpu.memory_space<semaphore_mem>>) src(%arg9 : memref<80x128xf32, #tpu.memory_space<vmem>>) dst(%dma_wait3A_118 : memref<10112x128xf32, #tpu.memory_space<vmem_shared>>)
        tpu.yield
      }) : () -> ()
    }
    %scan3A_24 = arith.constant 31 : i32
    %dma_wait3A = arith.constant 0 : i32
    %dma_wait3A_25 = arith.constant 0 : i32
    %dma_wait3A_26 = tpu.memref_slice %arg6[%dma_wait3A, %dma_wait3A_25] : memref<64x80xi32, #tpu.memory_space<vmem>> -> memref<1x80xi32, #tpu.memory_space<vmem>>
    %dma_wait3A_27 = tpu.memref_squeeze %dma_wait3A_26 : memref<1x80xi32, #tpu.memory_space<vmem>> -> memref<80xi32, #tpu.memory_space<vmem>>
    %dma_wait3A_28 = arith.constant 0 : i32
    %dma_wait3A_29 = arith.constant 0 : i32
    %dma_wait3A_30 = tpu.memref_slice %arg2[%dma_wait3A_28, %dma_wait3A_29] : memref<10000x128xf32, #tpu.memory_space<hbm>> -> memref<10000x128xf32, #tpu.memory_space<hbm>>
    tpu.wait_indirect_dma semaphore(%arg11 : memref<!tpu.dma_semaphore, #tpu.memory_space<semaphore_mem>>) src(%dma_wait3A_30 : memref<10000x128xf32, #tpu.memory_space<hbm>>) dst(%arg8 : memref<80x128xf32, #tpu.memory_space<vmem>>)
    %dma_start3A_31 = arith.constant 63 : i32
    %dma_start3A_32 = arith.constant 0 : i32
    %dma_start3A_33 = tpu.memref_slice %arg6[%dma_start3A_31, %dma_start3A_32] : memref<64x80xi32, #tpu.memory_space<vmem>> -> memref<1x80xi32, #tpu.memory_space<vmem>>
    %dma_start3A_34 = tpu.memref_squeeze %dma_start3A_33 : memref<1x80xi32, #tpu.memory_space<vmem>> -> memref<80xi32, #tpu.memory_space<vmem>>
    %dma_start3A_35 = arith.constant 0 : i32
    %dma_start3A_36 = arith.constant 0 : i32
    %dma_start3A_37 = tpu.memref_slice %arg2[%dma_start3A_35, %dma_start3A_36] : memref<10000x128xf32, #tpu.memory_space<hbm>> -> memref<10000x128xf32, #tpu.memory_space<hbm>>
    tpu.enqueue_indirect_dma source(%dma_start3A_37 : memref<10000x128xf32, #tpu.memory_space<hbm>>) target(%arg9 : memref<80x128xf32, #tpu.memory_space<vmem>>) offsets(%dma_start3A_34 : memref<80xi32, #tpu.memory_space<vmem>>) semaphore(%arg12 : memref<!tpu.dma_semaphore, #tpu.memory_space<semaphore_mem>>)
    %run_scoped3A = arith.constant 62 : i32
    "tpu.region"() ({
      %run_scoped3A_67 = tpu.sem_alloc : memref<!tpu.dma_semaphore, #tpu.memory_space<semaphore_mem>>
      %dma_start3A_68 = arith.constant 0 : i32
      %dma_start3A_69 = tpu.memref_slice %arg7[%run_scoped3A, %dma_start3A_68] : memref<64x80xi32, #tpu.memory_space<vmem>> -> memref<1x80xi32, #tpu.memory_space<vmem>>
      %dma_start3A_70 = tpu.memref_squeeze %dma_start3A_69 : memref<1x80xi32, #tpu.memory_space<vmem>> -> memref<80xi32, #tpu.memory_space<vmem>>
      %dma_start3A_71 = arith.constant 0 : i32
      %dma_start3A_72 = arith.constant 0 : i32
      %dma_start3A_73 = tpu.memref_slice %arg10[%dma_start3A_71, %dma_start3A_72] : memref<10112x128xf32, #tpu.memory_space<vmem_shared>> -> memref<10112x128xf32, #tpu.memory_space<vmem_shared>>
      tpu.enqueue_indirect_dma source(%arg8 : memref<80x128xf32, #tpu.memory_space<vmem>>) target(%dma_start3A_73 : memref<10112x128xf32, #tpu.memory_space<vmem_shared>>) offsets(%dma_start3A_70 : memref<80xi32, #tpu.memory_space<vmem>>) semaphore(%run_scoped3A_67 : memref<!tpu.dma_semaphore, #tpu.memory_space<semaphore_mem>>) {add = true}
      %dma_wait3A_74 = arith.constant 0 : i32
      %dma_wait3A_75 = tpu.memref_slice %arg7[%run_scoped3A, %dma_wait3A_74] : memref<64x80xi32, #tpu.memory_space<vmem>> -> memref<1x80xi32, #tpu.memory_space<vmem>>
      %dma_wait3A_76 = tpu.memref_squeeze %dma_wait3A_75 : memref<1x80xi32, #tpu.memory_space<vmem>> -> memref<80xi32, #tpu.memory_space<vmem>>
      %dma_wait3A_77 = arith.constant 0 : i32
      %dma_wait3A_78 = arith.constant 0 : i32
      %dma_wait3A_79 = tpu.memref_slice %arg10[%dma_wait3A_77, %dma_wait3A_78] : memref<10112x128xf32, #tpu.memory_space<vmem_shared>> -> memref<10112x128xf32, #tpu.memory_space<vmem_shared>>
      tpu.wait_indirect_dma semaphore(%run_scoped3A_67 : memref<!tpu.dma_semaphore, #tpu.memory_space<semaphore_mem>>) src(%arg8 : memref<80x128xf32, #tpu.memory_space<vmem>>) dst(%dma_wait3A_79 : memref<10112x128xf32, #tpu.memory_space<vmem_shared>>)
      tpu.yield
    }) : () -> ()
    %dma_wait3A_38 = arith.constant 0 : i32
    %dma_wait3A_39 = arith.constant 0 : i32
    %dma_wait3A_40 = tpu.memref_slice %arg6[%dma_wait3A_38, %dma_wait3A_39] : memref<64x80xi32, #tpu.memory_space<vmem>> -> memref<1x80xi32, #tpu.memory_space<vmem>>
    %dma_wait3A_41 = tpu.memref_squeeze %dma_wait3A_40 : memref<1x80xi32, #tpu.memory_space<vmem>> -> memref<80xi32, #tpu.memory_space<vmem>>
    %dma_wait3A_42 = arith.constant 0 : i32
    %dma_wait3A_43 = arith.constant 0 : i32
    %dma_wait3A_44 = tpu.memref_slice %arg2[%dma_wait3A_42, %dma_wait3A_43] : memref<10000x128xf32, #tpu.memory_space<hbm>> -> memref<10000x128xf32, #tpu.memory_space<hbm>>
    tpu.wait_indirect_dma semaphore(%arg12 : memref<!tpu.dma_semaphore, #tpu.memory_space<semaphore_mem>>) src(%dma_wait3A_44 : memref<10000x128xf32, #tpu.memory_space<hbm>>) dst(%arg9 : memref<80x128xf32, #tpu.memory_space<vmem>>)
    %run_scoped3A_45 = arith.constant 63 : i32
    "tpu.region"() ({
      %run_scoped3A_67 = tpu.sem_alloc : memref<!tpu.dma_semaphore, #tpu.memory_space<semaphore_mem>>
      %dma_start3A_68 = arith.constant 0 : i32
      %dma_start3A_69 = tpu.memref_slice %arg7[%run_scoped3A_45, %dma_start3A_68] : memref<64x80xi32, #tpu.memory_space<vmem>> -> memref<1x80xi32, #tpu.memory_space<vmem>>
      %dma_start3A_70 = tpu.memref_squeeze %dma_start3A_69 : memref<1x80xi32, #tpu.memory_space<vmem>> -> memref<80xi32, #tpu.memory_space<vmem>>
      %dma_start3A_71 = arith.constant 0 : i32
      %dma_start3A_72 = arith.constant 0 : i32
      %dma_start3A_73 = tpu.memref_slice %arg10[%dma_start3A_71, %dma_start3A_72] : memref<10112x128xf32, #tpu.memory_space<vmem_shared>> -> memref<10112x128xf32, #tpu.memory_space<vmem_shared>>
      tpu.enqueue_indirect_dma source(%arg9 : memref<80x128xf32, #tpu.memory_space<vmem>>) target(%dma_start3A_73 : memref<10112x128xf32, #tpu.memory_space<vmem_shared>>) offsets(%dma_start3A_70 : memref<80xi32, #tpu.memory_space<vmem>>) semaphore(%run_scoped3A_67 : memref<!tpu.dma_semaphore, #tpu.memory_space<semaphore_mem>>) {add = true}
      %dma_wait3A_74 = arith.constant 0 : i32
      %dma_wait3A_75 = tpu.memref_slice %arg7[%run_scoped3A_45, %dma_wait3A_74] : memref<64x80xi32, #tpu.memory_space<vmem>> -> memref<1x80xi32, #tpu.memory_space<vmem>>
      %dma_wait3A_76 = tpu.memref_squeeze %dma_wait3A_75 : memref<1x80xi32, #tpu.memory_space<vmem>> -> memref<80xi32, #tpu.memory_space<vmem>>
      %dma_wait3A_77 = arith.constant 0 : i32
      %dma_wait3A_78 = arith.constant 0 : i32
      %dma_wait3A_79 = tpu.memref_slice %arg10[%dma_wait3A_77, %dma_wait3A_78] : memref<10112x128xf32, #tpu.memory_space<vmem_shared>> -> memref<10112x128xf32, #tpu.memory_space<vmem_shared>>
      tpu.wait_indirect_dma semaphore(%run_scoped3A_67 : memref<!tpu.dma_semaphore, #tpu.memory_space<semaphore_mem>>) src(%arg9 : memref<80x128xf32, #tpu.memory_space<vmem>>) dst(%dma_wait3A_79 : memref<10112x128xf32, #tpu.memory_space<vmem_shared>>)
      tpu.yield
    }) : () -> ()
    "tpu.region"() ({
      %run_scoped3A_67 = tpu.sem_alloc : memref<!tpu.dma_semaphore, #tpu.memory_space<semaphore_mem>>
      %dma_start3A_68 = arith.constant 64 : i32
      %dma_start3A_69 = arith.constant 0 : i32
      %dma_start3A_70 = tpu.memref_slice %arg3[%add3A, %dma_start3A_68, %dma_start3A_69] : memref<32x128x80xi32, #tpu.memory_space<hbm>> -> memref<1x64x80xi32, #tpu.memory_space<hbm>>
      %dma_start3A_71 = tpu.memref_squeeze %dma_start3A_70 : memref<1x64x80xi32, #tpu.memory_space<hbm>> -> memref<64x80xi32, #tpu.memory_space<hbm>>
      %dma_start3A_72 = arith.constant 64 : i32
      %dma_start3A_73 = arith.constant 0 : i32
      %dma_start3A_74 = tpu.memref_slice %arg3[%add3A, %dma_start3A_72, %dma_start3A_73] : memref<32x128x80xi32, #tpu.memory_space<hbm>> -> memref<1x64x80xi32, #tpu.memory_space<hbm>>
      %dma_start3A_75 = tpu.memref_squeeze %dma_start3A_74 : memref<1x64x80xi32, #tpu.memory_space<hbm>> -> memref<64x80xi32, #tpu.memory_space<hbm>>
      tpu.enqueue_dma source(%dma_start3A_75 : memref<64x80xi32, #tpu.memory_space<hbm>>) target(%arg6 : memref<64x80xi32, #tpu.memory_space<vmem>>) target_semaphore(%run_scoped3A_67 : memref<!tpu.dma_semaphore, #tpu.memory_space<semaphore_mem>>)
      %dma_wait3A_76 = arith.constant 64 : i32
      %dma_wait3A_77 = arith.constant 0 : i32
      %dma_wait3A_78 = tpu.memref_slice %arg3[%add3A, %dma_wait3A_76, %dma_wait3A_77] : memref<32x128x80xi32, #tpu.memory_space<hbm>> -> memref<1x64x80xi32, #tpu.memory_space<hbm>>
      %dma_wait3A_79 = tpu.memref_squeeze %dma_wait3A_78 : memref<1x64x80xi32, #tpu.memory_space<hbm>> -> memref<64x80xi32, #tpu.memory_space<hbm>>
      %dma_wait3A_80 = arith.constant 64 : i32
      %dma_wait3A_81 = arith.constant 0 : i32
      %dma_wait3A_82 = tpu.memref_slice %arg3[%add3A, %dma_wait3A_80, %dma_wait3A_81] : memref<32x128x80xi32, #tpu.memory_space<hbm>> -> memref<1x64x80xi32, #tpu.memory_space<hbm>>
      %dma_wait3A_83 = tpu.memref_squeeze %dma_wait3A_82 : memref<1x64x80xi32, #tpu.memory_space<hbm>> -> memref<64x80xi32, #tpu.memory_space<hbm>>
      tpu.wait_dma2 semaphore(%run_scoped3A_67 : memref<!tpu.dma_semaphore, #tpu.memory_space<semaphore_mem>>) src(%dma_wait3A_83 : memref<64x80xi32, #tpu.memory_space<hbm>>) dst(%arg6 : memref<64x80xi32, #tpu.memory_space<vmem>>)
      tpu.yield
    }) : () -> ()
    "tpu.region"() ({
      %run_scoped3A_67 = tpu.sem_alloc : memref<!tpu.dma_semaphore, #tpu.memory_space<semaphore_mem>>
      %dma_start3A_68 = arith.constant 64 : i32
      %dma_start3A_69 = arith.constant 0 : i32
      %dma_start3A_70 = tpu.memref_slice %arg4[%add3A, %dma_start3A_68, %dma_start3A_69] : memref<32x128x80xi32, #tpu.memory_space<hbm>> -> memref<1x64x80xi32, #tpu.memory_space<hbm>>
      %dma_start3A_71 = tpu.memref_squeeze %dma_start3A_70 : memref<1x64x80xi32, #tpu.memory_space<hbm>> -> memref<64x80xi32, #tpu.memory_space<hbm>>
      %dma_start3A_72 = arith.constant 64 : i32
      %dma_start3A_73 = arith.constant 0 : i32
      %dma_start3A_74 = tpu.memref_slice %arg4[%add3A, %dma_start3A_72, %dma_start3A_73] : memref<32x128x80xi32, #tpu.memory_space<hbm>> -> memref<1x64x80xi32, #tpu.memory_space<hbm>>
      %dma_start3A_75 = tpu.memref_squeeze %dma_start3A_74 : memref<1x64x80xi32, #tpu.memory_space<hbm>> -> memref<64x80xi32, #tpu.memory_space<hbm>>
      tpu.enqueue_dma source(%dma_start3A_75 : memref<64x80xi32, #tpu.memory_space<hbm>>) target(%arg7 : memref<64x80xi32, #tpu.memory_space<vmem>>) target_semaphore(%run_scoped3A_67 : memref<!tpu.dma_semaphore, #tpu.memory_space<semaphore_mem>>)
      %dma_wait3A_76 = arith.constant 64 : i32
      %dma_wait3A_77 = arith.constant 0 : i32
      %dma_wait3A_78 = tpu.memref_slice %arg4[%add3A, %dma_wait3A_76, %dma_wait3A_77] : memref<32x128x80xi32, #tpu.memory_space<hbm>> -> memref<1x64x80xi32, #tpu.memory_space<hbm>>
      %dma_wait3A_79 = tpu.memref_squeeze %dma_wait3A_78 : memref<1x64x80xi32, #tpu.memory_space<hbm>> -> memref<64x80xi32, #tpu.memory_space<hbm>>
      %dma_wait3A_80 = arith.constant 64 : i32
      %dma_wait3A_81 = arith.constant 0 : i32
      %dma_wait3A_82 = tpu.memref_slice %arg4[%add3A, %dma_wait3A_80, %dma_wait3A_81] : memref<32x128x80xi32, #tpu.memory_space<hbm>> -> memref<1x64x80xi32, #tpu.memory_space<hbm>>
      %dma_wait3A_83 = tpu.memref_squeeze %dma_wait3A_82 : memref<1x64x80xi32, #tpu.memory_space<hbm>> -> memref<64x80xi32, #tpu.memory_space<hbm>>
      tpu.wait_dma2 semaphore(%run_scoped3A_67 : memref<!tpu.dma_semaphore, #tpu.memory_space<semaphore_mem>>) src(%dma_wait3A_83 : memref<64x80xi32, #tpu.memory_space<hbm>>) dst(%arg7 : memref<64x80xi32, #tpu.memory_space<vmem>>)
      tpu.yield
    }) : () -> ()
    %dma_start3A_46 = arith.constant 0 : i32
    %dma_start3A_47 = arith.constant 0 : i32
    %dma_start3A_48 = tpu.memref_slice %arg6[%dma_start3A_46, %dma_start3A_47] : memref<64x80xi32, #tpu.memory_space<vmem>> -> memref<1x80xi32, #tpu.memory_space<vmem>>
    %dma_start3A_49 = tpu.memref_squeeze %dma_start3A_48 : memref<1x80xi32, #tpu.memory_space<vmem>> -> memref<80xi32, #tpu.memory_space<vmem>>
    %dma_start3A_50 = arith.constant 0 : i32
    %dma_start3A_51 = arith.constant 0 : i32
    %dma_start3A_52 = tpu.memref_slice %arg2[%dma_start3A_50, %dma_start3A_51] : memref<10000x128xf32, #tpu.memory_space<hbm>> -> memref<10000x128xf32, #tpu.memory_space<hbm>>
    tpu.enqueue_indirect_dma source(%dma_start3A_52 : memref<10000x128xf32, #tpu.memory_space<hbm>>) target(%arg8 : memref<80x128xf32, #tpu.memory_space<vmem>>) offsets(%dma_start3A_49 : memref<80xi32, #tpu.memory_space<vmem>>) semaphore(%arg11 : memref<!tpu.dma_semaphore, #tpu.memory_space<semaphore_mem>>)
    %scan3A_53 = arith.constant 0 : i32
    %scan3A_54 = arith.constant 30 : i32
    %scan3A_55 = arith.addi %scan3A_53, %scan3A_54 : i32
    %scan3A_56 = arith.constant 1 : i32
    scf.for %scan3A_67 = %scan3A_53 to %scan3A_55 step %scan3A_56  : i32 {
      %mul3A_68 = arith.constant 1 : i32
      %mul3A_69 = arith.muli %scan3A_67, %mul3A_68 : i32
      %add3A_70 = arith.constant 0 : i32
      %add3A_71 = arith.addi %add3A_70, %mul3A_69 : i32
      %mul3A_72 = arith.constant 2 : i32
      %mul3A_73 = arith.muli %add3A_71, %mul3A_72 : i32
      %dma_wait3A_74 = arith.constant 0 : i32
      %dma_wait3A_75 = arith.constant 0 : i32
      %dma_wait3A_76 = tpu.memref_slice %arg6[%dma_wait3A_74, %dma_wait3A_75] : memref<64x80xi32, #tpu.memory_space<vmem>> -> memref<1x80xi32, #tpu.memory_space<vmem>>
      %dma_wait3A_77 = tpu.memref_squeeze %dma_wait3A_76 : memref<1x80xi32, #tpu.memory_space<vmem>> -> memref<80xi32, #tpu.memory_space<vmem>>
      %dma_wait3A_78 = arith.constant 0 : i32
      %dma_wait3A_79 = arith.constant 0 : i32
      %dma_wait3A_80 = tpu.memref_slice %arg2[%dma_wait3A_78, %dma_wait3A_79] : memref<10000x128xf32, #tpu.memory_space<hbm>> -> memref<10000x128xf32, #tpu.memory_space<hbm>>
      tpu.wait_indirect_dma semaphore(%arg11 : memref<!tpu.dma_semaphore, #tpu.memory_space<semaphore_mem>>) src(%dma_wait3A_80 : memref<10000x128xf32, #tpu.memory_space<hbm>>) dst(%arg8 : memref<80x128xf32, #tpu.memory_space<vmem>>)
      %add3A_81 = arith.constant 1 : i32
      %add3A_82 = arith.addi %mul3A_73, %add3A_81 : i32
      %dma_start3A_83 = arith.constant 0 : i32
      %dma_start3A_84 = tpu.memref_slice %arg6[%add3A_82, %dma_start3A_83] : memref<64x80xi32, #tpu.memory_space<vmem>> -> memref<1x80xi32, #tpu.memory_space<vmem>>
      %dma_start3A_85 = tpu.memref_squeeze %dma_start3A_84 : memref<1x80xi32, #tpu.memory_space<vmem>> -> memref<80xi32, #tpu.memory_space<vmem>>
      %dma_start3A_86 = arith.constant 0 : i32
      %dma_start3A_87 = arith.constant 0 : i32
      %dma_start3A_88 = tpu.memref_slice %arg2[%dma_start3A_86, %dma_start3A_87] : memref<10000x128xf32, #tpu.memory_space<hbm>> -> memref<10000x128xf32, #tpu.memory_space<hbm>>
      tpu.enqueue_indirect_dma source(%dma_start3A_88 : memref<10000x128xf32, #tpu.memory_space<hbm>>) target(%arg9 : memref<80x128xf32, #tpu.memory_space<vmem>>) offsets(%dma_start3A_85 : memref<80xi32, #tpu.memory_space<vmem>>) semaphore(%arg12 : memref<!tpu.dma_semaphore, #tpu.memory_space<semaphore_mem>>)
      "tpu.region"() ({
        %run_scoped3A_106 = tpu.sem_alloc : memref<!tpu.dma_semaphore, #tpu.memory_space<semaphore_mem>>
        %dma_start3A_107 = arith.constant 0 : i32
        %dma_start3A_108 = tpu.memref_slice %arg7[%mul3A_73, %dma_start3A_107] : memref<64x80xi32, #tpu.memory_space<vmem>> -> memref<1x80xi32, #tpu.memory_space<vmem>>
        %dma_start3A_109 = tpu.memref_squeeze %dma_start3A_108 : memref<1x80xi32, #tpu.memory_space<vmem>> -> memref<80xi32, #tpu.memory_space<vmem>>
        %dma_start3A_110 = arith.constant 0 : i32
        %dma_start3A_111 = arith.constant 0 : i32
        %dma_start3A_112 = tpu.memref_slice %arg10[%dma_start3A_110, %dma_start3A_111] : memref<10112x128xf32, #tpu.memory_space<vmem_shared>> -> memref<10112x128xf32, #tpu.memory_space<vmem_shared>>
        tpu.enqueue_indirect_dma source(%arg8 : memref<80x128xf32, #tpu.memory_space<vmem>>) target(%dma_start3A_112 : memref<10112x128xf32, #tpu.memory_space<vmem_shared>>) offsets(%dma_start3A_109 : memref<80xi32, #tpu.memory_space<vmem>>) semaphore(%run_scoped3A_106 : memref<!tpu.dma_semaphore, #tpu.memory_space<semaphore_mem>>) {add = true}
        %dma_wait3A_113 = arith.constant 0 : i32
        %dma_wait3A_114 = tpu.memref_slice %arg7[%mul3A_73, %dma_wait3A_113] : memref<64x80xi32, #tpu.memory_space<vmem>> -> memref<1x80xi32, #tpu.memory_space<vmem>>
        %dma_wait3A_115 = tpu.memref_squeeze %dma_wait3A_114 : memref<1x80xi32, #tpu.memory_space<vmem>> -> memref<80xi32, #tpu.memory_space<vmem>>
        %dma_wait3A_116 = arith.constant 0 : i32
        %dma_wait3A_117 = arith.constant 0 : i32
        %dma_wait3A_118 = tpu.memref_slice %arg10[%dma_wait3A_116, %dma_wait3A_117] : memref<10112x128xf32, #tpu.memory_space<vmem_shared>> -> memref<10112x128xf32, #tpu.memory_space<vmem_shared>>
        tpu.wait_indirect_dma semaphore(%run_scoped3A_106 : memref<!tpu.dma_semaphore, #tpu.memory_space<semaphore_mem>>) src(%arg8 : memref<80x128xf32, #tpu.memory_space<vmem>>) dst(%dma_wait3A_118 : memref<10112x128xf32, #tpu.memory_space<vmem_shared>>)
        tpu.yield
      }) : () -> ()
      %dma_wait3A_89 = arith.constant 0 : i32
      %dma_wait3A_90 = arith.constant 0 : i32
      %dma_wait3A_91 = tpu.memref_slice %arg6[%dma_wait3A_89, %dma_wait3A_90] : memref<64x80xi32, #tpu.memory_space<vmem>> -> memref<1x80xi32, #tpu.memory_space<vmem>>
      %dma_wait3A_92 = tpu.memref_squeeze %dma_wait3A_91 : memref<1x80xi32, #tpu.memory_space<vmem>> -> memref<80xi32, #tpu.memory_space<vmem>>
      %dma_wait3A_93 = arith.constant 0 : i32
      %dma_wait3A_94 = arith.constant 0 : i32
      %dma_wait3A_95 = tpu.memref_slice %arg2[%dma_wait3A_93, %dma_wait3A_94] : memref<10000x128xf32, #tpu.memory_space<hbm>> -> memref<10000x128xf32, #tpu.memory_space<hbm>>
      tpu.wait_indirect_dma semaphore(%arg12 : memref<!tpu.dma_semaphore, #tpu.memory_space<semaphore_mem>>) src(%dma_wait3A_95 : memref<10000x128xf32, #tpu.memory_space<hbm>>) dst(%arg9 : memref<80x128xf32, #tpu.memory_space<vmem>>)
      %add3A_96 = arith.constant 2 : i32
      %add3A_97 = arith.addi %mul3A_73, %add3A_96 : i32
      %dma_start3A_98 = arith.constant 0 : i32
      %dma_start3A_99 = tpu.memref_slice %arg6[%add3A_97, %dma_start3A_98] : memref<64x80xi32, #tpu.memory_space<vmem>> -> memref<1x80xi32, #tpu.memory_space<vmem>>
      %dma_start3A_100 = tpu.memref_squeeze %dma_start3A_99 : memref<1x80xi32, #tpu.memory_space<vmem>> -> memref<80xi32, #tpu.memory_space<vmem>>
      %dma_start3A_101 = arith.constant 0 : i32
      %dma_start3A_102 = arith.constant 0 : i32
      %dma_start3A_103 = tpu.memref_slice %arg2[%dma_start3A_101, %dma_start3A_102] : memref<10000x128xf32, #tpu.memory_space<hbm>> -> memref<10000x128xf32, #tpu.memory_space<hbm>>
      tpu.enqueue_indirect_dma source(%dma_start3A_103 : memref<10000x128xf32, #tpu.memory_space<hbm>>) target(%arg8 : memref<80x128xf32, #tpu.memory_space<vmem>>) offsets(%dma_start3A_100 : memref<80xi32, #tpu.memory_space<vmem>>) semaphore(%arg11 : memref<!tpu.dma_semaphore, #tpu.memory_space<semaphore_mem>>)
      %add3A_104 = arith.constant 1 : i32
      %add3A_105 = arith.addi %mul3A_73, %add3A_104 : i32
      "tpu.region"() ({
        %run_scoped3A_106 = tpu.sem_alloc : memref<!tpu.dma_semaphore, #tpu.memory_space<semaphore_mem>>
        %dma_start3A_107 = arith.constant 0 : i32
        %dma_start3A_108 = tpu.memref_slice %arg7[%add3A_105, %dma_start3A_107] : memref<64x80xi32, #tpu.memory_space<vmem>> -> memref<1x80xi32, #tpu.memory_space<vmem>>
        %dma_start3A_109 = tpu.memref_squeeze %dma_start3A_108 : memref<1x80xi32, #tpu.memory_space<vmem>> -> memref<80xi32, #tpu.memory_space<vmem>>
        %dma_start3A_110 = arith.constant 0 : i32
        %dma_start3A_111 = arith.constant 0 : i32
        %dma_start3A_112 = tpu.memref_slice %arg10[%dma_start3A_110, %dma_start3A_111] : memref<10112x128xf32, #tpu.memory_space<vmem_shared>> -> memref<10112x128xf32, #tpu.memory_space<vmem_shared>>
        tpu.enqueue_indirect_dma source(%arg9 : memref<80x128xf32, #tpu.memory_space<vmem>>) target(%dma_start3A_112 : memref<10112x128xf32, #tpu.memory_space<vmem_shared>>) offsets(%dma_start3A_109 : memref<80xi32, #tpu.memory_space<vmem>>) semaphore(%run_scoped3A_106 : memref<!tpu.dma_semaphore, #tpu.memory_space<semaphore_mem>>) {add = true}
        %dma_wait3A_113 = arith.constant 0 : i32
        %dma_wait3A_114 = tpu.memref_slice %arg7[%add3A_105, %dma_wait3A_113] : memref<64x80xi32, #tpu.memory_space<vmem>> -> memref<1x80xi32, #tpu.memory_space<vmem>>
        %dma_wait3A_115 = tpu.memref_squeeze %dma_wait3A_114 : memref<1x80xi32, #tpu.memory_space<vmem>> -> memref<80xi32, #tpu.memory_space<vmem>>
        %dma_wait3A_116 = arith.constant 0 : i32
        %dma_wait3A_117 = arith.constant 0 : i32
        %dma_wait3A_118 = tpu.memref_slice %arg10[%dma_wait3A_116, %dma_wait3A_117] : memref<10112x128xf32, #tpu.memory_space<vmem_shared>> -> memref<10112x128xf32, #tpu.memory_space<vmem_shared>>
        tpu.wait_indirect_dma semaphore(%run_scoped3A_106 : memref<!tpu.dma_semaphore, #tpu.memory_space<semaphore_mem>>) src(%arg9 : memref<80x128xf32, #tpu.memory_space<vmem>>) dst(%dma_wait3A_118 : memref<10112x128xf32, #tpu.memory_space<vmem_shared>>)
        tpu.yield
      }) : () -> ()
    }
    %scan3A_57 = arith.constant 30 : i32
    %dma_wait3A_58 = arith.constant 0 : i32
    %dma_wait3A_59 = arith.constant 0 : i32
    %dma_wait3A_60 = tpu.memref_slice %arg6[%dma_wait3A_58, %dma_wait3A_59] : memref<64x80xi32, #tpu.memory_space<vmem>> -> memref<1x80xi32, #tpu.memory_space<vmem>>
    %dma_wait3A_61 = tpu.memref_squeeze %dma_wait3A_60 : memref<1x80xi32, #tpu.memory_space<vmem>> -> memref<80xi32, #tpu.memory_space<vmem>>
    %dma_wait3A_62 = arith.constant 0 : i32
    %dma_wait3A_63 = arith.constant 0 : i32
    %dma_wait3A_64 = tpu.memref_slice %arg2[%dma_wait3A_62, %dma_wait3A_63] : memref<10000x128xf32, #tpu.memory_space<hbm>> -> memref<10000x128xf32, #tpu.memory_space<hbm>>
    tpu.wait_indirect_dma semaphore(%arg11 : memref<!tpu.dma_semaphore, #tpu.memory_space<semaphore_mem>>) src(%dma_wait3A_64 : memref<10000x128xf32, #tpu.memory_space<hbm>>) dst(%arg8 : memref<80x128xf32, #tpu.memory_space<vmem>>)
    %run_scoped3A_65 = arith.constant 60 : i32
    "tpu.region"() ({
      %run_scoped3A_67 = tpu.sem_alloc : memref<!tpu.dma_semaphore, #tpu.memory_space<semaphore_mem>>
      %dma_start3A_68 = arith.constant 0 : i32
      %dma_start3A_69 = tpu.memref_slice %arg7[%run_scoped3A_65, %dma_start3A_68] : memref<64x80xi32, #tpu.memory_space<vmem>> -> memref<1x80xi32, #tpu.memory_space<vmem>>
      %dma_start3A_70 = tpu.memref_squeeze %dma_start3A_69 : memref<1x80xi32, #tpu.memory_space<vmem>> -> memref<80xi32, #tpu.memory_space<vmem>>
      %dma_start3A_71 = arith.constant 0 : i32
      %dma_start3A_72 = arith.constant 0 : i32
      %dma_start3A_73 = tpu.memref_slice %arg10[%dma_start3A_71, %dma_start3A_72] : memref<10112x128xf32, #tpu.memory_space<vmem_shared>> -> memref<10112x128xf32, #tpu.memory_space<vmem_shared>>
      tpu.enqueue_indirect_dma source(%arg8 : memref<80x128xf32, #tpu.memory_space<vmem>>) target(%dma_start3A_73 : memref<10112x128xf32, #tpu.memory_space<vmem_shared>>) offsets(%dma_start3A_70 : memref<80xi32, #tpu.memory_space<vmem>>) semaphore(%run_scoped3A_67 : memref<!tpu.dma_semaphore, #tpu.memory_space<semaphore_mem>>) {add = true}
      %dma_wait3A_74 = arith.constant 0 : i32
      %dma_wait3A_75 = tpu.memref_slice %arg7[%run_scoped3A_65, %dma_wait3A_74] : memref<64x80xi32, #tpu.memory_space<vmem>> -> memref<1x80xi32, #tpu.memory_space<vmem>>
      %dma_wait3A_76 = tpu.memref_squeeze %dma_wait3A_75 : memref<1x80xi32, #tpu.memory_space<vmem>> -> memref<80xi32, #tpu.memory_space<vmem>>
      %dma_wait3A_77 = arith.constant 0 : i32
      %dma_wait3A_78 = arith.constant 0 : i32
      %dma_wait3A_79 = tpu.memref_slice %arg10[%dma_wait3A_77, %dma_wait3A_78] : memref<10112x128xf32, #tpu.memory_space<vmem_shared>> -> memref<10112x128xf32, #tpu.memory_space<vmem_shared>>
      tpu.wait_indirect_dma semaphore(%run_scoped3A_67 : memref<!tpu.dma_semaphore, #tpu.memory_space<semaphore_mem>>) src(%arg8 : memref<80x128xf32, #tpu.memory_space<vmem>>) dst(%dma_wait3A_79 : memref<10112x128xf32, #tpu.memory_space<vmem_shared>>)
      tpu.yield
    }) : () -> ()
    %barrier3A_66 = arith.constant 0 : index
    tpu.barrier barrier_id(%barrier3A_66)
    "tpu.region"() ({
      %run_scoped3A_67 = tpu.sem_alloc : memref<!tpu.dma_semaphore, #tpu.memory_space<semaphore_mem>>
      %dma_start3A_68 = arith.constant 0 : i32
      %dma_start3A_69 = tpu.memref_slice %arg5[%arg0, %mul3A_6, %dma_start3A_68] : memref<2x10112x128xf32, #tpu.memory_space<hbm>> -> memref<1x632x128xf32, #tpu.memory_space<hbm>>
      %dma_start3A_70 = tpu.memref_squeeze %dma_start3A_69 : memref<1x632x128xf32, #tpu.memory_space<hbm>> -> memref<632x128xf32, #tpu.memory_space<hbm>>
      %dma_start3A_71 = arith.constant 0 : i32
      %dma_start3A_72 = tpu.memref_slice %arg10[%mul3A_6, %dma_start3A_71] : memref<10112x128xf32, #tpu.memory_space<vmem_shared>> -> memref<632x128xf32, #tpu.memory_space<vmem_shared>>
      tpu.enqueue_dma source(%dma_start3A_72 : memref<632x128xf32, #tpu.memory_space<vmem_shared>>) target(%dma_start3A_70 : memref<632x128xf32, #tpu.memory_space<hbm>>) target_semaphore(%run_scoped3A_67 : memref<!tpu.dma_semaphore, #tpu.memory_space<semaphore_mem>>)
      %dma_wait3A_73 = arith.constant 0 : i32
      %dma_wait3A_74 = tpu.memref_slice %arg5[%arg0, %mul3A_6, %dma_wait3A_73] : memref<2x10112x128xf32, #tpu.memory_space<hbm>> -> memref<1x632x128xf32, #tpu.memory_space<hbm>>
      %dma_wait3A_75 = tpu.memref_squeeze %dma_wait3A_74 : memref<1x632x128xf32, #tpu.memory_space<hbm>> -> memref<632x128xf32, #tpu.memory_space<hbm>>
      %dma_wait3A_76 = arith.constant 0 : i32
      %dma_wait3A_77 = tpu.memref_slice %arg10[%mul3A_6, %dma_wait3A_76] : memref<10112x128xf32, #tpu.memory_space<vmem_shared>> -> memref<632x128xf32, #tpu.memory_space<vmem_shared>>
      tpu.wait_dma2 semaphore(%run_scoped3A_67 : memref<!tpu.dma_semaphore, #tpu.memory_space<semaphore_mem>>) src(%dma_wait3A_77 : memref<632x128xf32, #tpu.memory_space<vmem_shared>>) dst(%dma_wait3A_75 : memref<632x128xf32, #tpu.memory_space<hbm>>)
      tpu.yield
    }) : () -> ()
    return
  }
}

#map = affine_map<(d0, d1) -> (0, 0)>
#map1 = affine_map<(d0, d1) -> (0, 0, 0)>
module attributes {stable_mosaic.version = 14 : i64} {
  func.func @k(%arg0: i32, %arg1: i32, %arg2: memref<10000x128xf32, #tpu.memory_space<hbm>>, %arg3: memref<32x128x80xi32, #tpu.memory_space<hbm>>, %arg4: memref<32x128x80xi32, #tpu.memory_space<hbm>>, %arg5: memref<2x10112x128xf32, #tpu.memory_space<hbm>>, %arg6: memref<64x80xi32, #tpu.memory_space<vmem>>, %arg7: memref<64x80xi32, #tpu.memory_space<vmem>>, %arg8: memref<80x128xf32, #tpu.memory_space<vmem>>, %arg9: memref<80x128xf32, #tpu.memory_space<vmem>>, %arg10: memref<10112x128xf32, #tpu.memory_space<vmem_shared>>, %arg11: memref<!tpu.dma_semaphore, #tpu.memory_space<semaphore_mem>>, %arg12: memref<!tpu.dma_semaphore, #tpu.memory_space<semaphore_mem>>, %arg13: memref<!tpu.dma_semaphore, #tpu.memory_space<semaphore_mem>>, %arg14: memref<!tpu.dma_semaphore, #tpu.memory_space<semaphore_mem>>) attributes {dimension_semantics = [#tpu.dimension_semantics<core_parallel>, #tpu.dimension_semantics<subcore_parallel>], iteration_bounds = array<i64: 2, 16>, scalar_prefetch = 0 : i64, scratch_operands = 9 : i64, tpu.core_type = #tpu.core_type<sc_vector_subcore>, window_params = [{transform_indices = #map}, {transform_indices = #map1}, {transform_indices = #map1}, {transform_indices = #map1}]} {
    %mul3A = arith.constant 2 : i32
    %mul3A_0 = arith.muli %arg1, %mul3A : i32
    %add3A = arith.addi %mul3A_0, %arg0 : i32
    %scan3A = arith.constant 0 : i32
    %scan3A_1 = arith.constant 80 : i32
    %scan3A_2 = arith.addi %scan3A, %scan3A_1 : i32
    %scan3A_3 = arith.constant 1 : i32
    scf.for %scan3A_67 = %scan3A to %scan3A_2 step %scan3A_3  : i32 {
      %mul3A_68 = arith.constant 1 : i32
      %mul3A_69 = arith.muli %scan3A_67, %mul3A_68 : i32
      %add3A_70 = arith.constant 0 : i32
      %add3A_71 = arith.addi %add3A_70, %mul3A_69 : i32
      %scan3A_72 = arith.constant 0 : i32
      %scan3A_73 = arith.constant 8 : i32
      %scan3A_74 = arith.addi %scan3A_72, %scan3A_73 : i32
      %scan3A_75 = arith.constant 1 : i32
      scf.for %scan3A_77 = %scan3A_72 to %scan3A_74 step %scan3A_75  : i32 {
        %mul3A_78 = arith.constant 1 : i32
        %mul3A_79 = arith.muli %scan3A_77, %mul3A_78 : i32
        %add3A_80 = arith.constant 0 : i32
        %add3A_81 = arith.addi %add3A_80, %mul3A_79 : i32
        %broadcast_in_dim3A = arith.constant 0.000000e+00 : f32
        %broadcast_in_dim3A_82 = vector.broadcast %broadcast_in_dim3A : f32 to vector<16xf32>
        %mul3A_83 = arith.constant 16 : i32
        %mul3A_84 = arith.muli %add3A_81, %mul3A_83 : i32
        %swap3A = arith.index_cast %add3A_71 : i32 to index
        %swap3A_85 = arith.index_cast %mul3A_84 : i32 to index
        %swap3A_86 = tpu.vector_load %arg8[%swap3A, %swap3A_85] {strides = array<i32>} : memref<80x128xf32, #tpu.memory_space<vmem>>, vector<1x16xf32>,
        %swap3A_87 = vector.shape_cast %swap3A_86 : vector<1x16xf32> to vector<16xf32>
        %swap3A_88 = vector.shape_cast %broadcast_in_dim3A_82 : vector<16xf32> to vector<1x16xf32>
        tpu.vector_store %arg8[%swap3A, %swap3A_85], %swap3A_88 {strides = array<i32>} : memref<80x128xf32, #tpu.memory_space<vmem>>, vector<1x16xf32>,
        %broadcast_in_dim3A_89 = arith.constant 0.000000e+00 : f32
        %broadcast_in_dim3A_90 = vector.broadcast %broadcast_in_dim3A_89 : f32 to vector<16xf32>
        %mul3A_91 = arith.constant 16 : i32
        %mul3A_92 = arith.muli %add3A_81, %mul3A_91 : i32
        %swap3A_93 = arith.index_cast %add3A_71 : i32 to index
        %swap3A_94 = arith.index_cast %mul3A_92 : i32 to index
        %swap3A_95 = tpu.vector_load %arg9[%swap3A_93, %swap3A_94] {strides = array<i32>} : memref<80x128xf32, #tpu.memory_space<vmem>>, vector<1x16xf32>,
        %swap3A_96 = vector.shape_cast %swap3A_95 : vector<1x16xf32> to vector<16xf32>
        %swap3A_97 = vector.shape_cast %broadcast_in_dim3A_90 : vector<16xf32> to vector<1x16xf32>
        tpu.vector_store %arg9[%swap3A_93, %swap3A_94], %swap3A_97 {strides = array<i32>} : memref<80x128xf32, #tpu.memory_space<vmem>>, vector<1x16xf32>,
      }
      %scan3A_76 = arith.constant 8 : i32
    }
    %scan3A_4 = arith.constant 80 : i32
    %mul3A_5 = arith.constant 632 : i32
    %mul3A_6 = arith.muli %arg1, %mul3A_5 : i32
    %scan3A_7 = arith.constant 0 : i32
    %scan3A_8 = arith.constant 7 : i32
    %scan3A_9 = arith.addi %scan3A_7, %scan3A_8 : i32
    %scan3A_10 = arith.constant 1 : i32
    scf.for %scan3A_67 = %scan3A_7 to %scan3A_9 step %scan3A_10  : i32 {
      %mul3A_68 = arith.constant 1 : i32
      %mul3A_69 = arith.muli %scan3A_67, %mul3A_68 : i32
      %add3A_70 = arith.constant 0 : i32
      %add3A_71 = arith.addi %add3A_70, %mul3A_69 : i32
      %mul3A_72 = arith.constant 80 : i32
      %mul3A_73 = arith.muli %add3A_71, %mul3A_72 : i32
      %add3A_74 = arith.addi %mul3A_6, %mul3A_73 : i32
      "tpu.region"() ({
        %run_scoped3A_75 = tpu.sem_alloc : memref<!tpu.dma_semaphore, #tpu.memory_space<semaphore_mem>>
        %dma_start3A_76 = arith.constant 0 : i32
        %dma_start3A_77 = tpu.memref_slice %arg10[%add3A_74, %dma_start3A_76] : memref<10112x128xf32, #tpu.memory_space<vmem_shared>> -> memref<80x128xf32, #tpu.memory_space<vmem_shared>>
        %dma_start3A_78 = arith.constant 0 : i32
        %dma_start3A_79 = tpu.memref_slice %arg10[%add3A_74, %dma_start3A_78] : memref<10112x128xf32, #tpu.memory_space<vmem_shared>> -> memref<80x128xf32, #tpu.memory_space<vmem_shared>>
        tpu.enqueue_dma source(%arg8 : memref<80x128xf32, #tpu.memory_space<vmem>>) target(%dma_start3A_79 : memref<80x128xf32, #tpu.memory_space<vmem_shared>>) target_semaphore(%run_scoped3A_75 : memref<!tpu.dma_semaphore, #tpu.memory_space<semaphore_mem>>)
        %dma_wait3A_80 = arith.constant 0 : i32
        %dma_wait3A_81 = tpu.memref_slice %arg10[%add3A_74, %dma_wait3A_80] : memref<10112x128xf32, #tpu.memory_space<vmem_shared>> -> memref<80x128xf32, #tpu.memory_space<vmem_shared>>
        %dma_wait3A_82 = arith.constant 0 : i32
        %dma_wait3A_83 = tpu.memref_slice %arg10[%add3A_74, %dma_wait3A_82] : memref<10112x128xf32, #tpu.memory_space<vmem_shared>> -> memref<80x128xf32, #tpu.memory_space<vmem_shared>>
        tpu.wait_dma2 semaphore(%run_scoped3A_75 : memref<!tpu.dma_semaphore, #tpu.memory_space<semaphore_mem>>) src(%arg8 : memref<80x128xf32, #tpu.memory_space<vmem>>) dst(%dma_wait3A_83 : memref<80x128xf32, #tpu.memory_space<vmem_shared>>)
        tpu.yield
      }) : () -> ()
    }
    %scan3A_11 = arith.constant 7 : i32
    %add3A_12 = arith.constant 560 : i32
    %add3A_13 = arith.addi %mul3A_6, %add3A_12 : i32
    "tpu.region"() ({
      %run_scoped3A_67 = tpu.sem_alloc : memref<!tpu.dma_semaphore, #tpu.memory_space<semaphore_mem>>
      %dma_start3A_68 = arith.constant 0 : i32
      %dma_start3A_69 = arith.constant 0 : i32
      %dma_start3A_70 = tpu.memref_slice %arg8[%dma_start3A_68, %dma_start3A_69] : memref<80x128xf32, #tpu.memory_space<vmem>> -> memref<72x128xf32, #tpu.memory_space<vmem>>
      %dma_start3A_71 = arith.constant 0 : i32
      %dma_start3A_72 = tpu.memref_slice %arg10[%add3A_13, %dma_start3A_71] : memref<10112x128xf32, #tpu.memory_space<vmem_shared>> -> memref<72x128xf32, #tpu.memory_space<vmem_shared>>
      %dma_start3A_73 = arith.constant 0 : i32
      %dma_start3A_74 = tpu.memref_slice %arg10[%add3A_13, %dma_start3A_73] : memref<10112x128xf32, #tpu.memory_space<vmem_shared>> -> memref<72x128xf32, #tpu.memory_space<vmem_shared>>
      %dma_start3A_75 = arith.constant 0 : i32
      %dma_start3A_76 = arith.constant 0 : i32
      %dma_start3A_77 = tpu.memref_slice %arg8[%dma_start3A_75, %dma_start3A_76] : memref<80x128xf32, #tpu.memory_space<vmem>> -> memref<72x128xf32, #tpu.memory_space<vmem>>
      tpu.enqueue_dma source(%dma_start3A_77 : memref<72x128xf32, #tpu.memory_space<vmem>>) target(%dma_start3A_74 : memref<72x128xf32, #tpu.memory_space<vmem_shared>>) target_semaphore(%run_scoped3A_67 : memref<!tpu.dma_semaphore, #tpu.memory_space<semaphore_mem>>)
      %dma_wait3A_78 = arith.constant 0 : i32
      %dma_wait3A_79 = arith.constant 0 : i32
      %dma_wait3A_80 = tpu.memref_slice %arg8[%dma_wait3A_78, %dma_wait3A_79] : memref<80x128xf32, #tpu.memory_space<vmem>> -> memref<72x128xf32, #tpu.memory_space<vmem>>
      %dma_wait3A_81 = arith.constant 0 : i32
      %dma_wait3A_82 = tpu.memref_slice %arg10[%add3A_13, %dma_wait3A_81] : memref<10112x128xf32, #tpu.memory_space<vmem_shared>> -> memref<72x128xf32, #tpu.memory_space<vmem_shared>>
      %dma_wait3A_83 = arith.constant 0 : i32
      %dma_wait3A_84 = tpu.memref_slice %arg10[%add3A_13, %dma_wait3A_83] : memref<10112x128xf32, #tpu.memory_space<vmem_shared>> -> memref<72x128xf32, #tpu.memory_space<vmem_shared>>
      %dma_wait3A_85 = arith.constant 0 : i32
      %dma_wait3A_86 = arith.constant 0 : i32
      %dma_wait3A_87 = tpu.memref_slice %arg8[%dma_wait3A_85, %dma_wait3A_86] : memref<80x128xf32, #tpu.memory_space<vmem>> -> memref<72x128xf32, #tpu.memory_space<vmem>>
      tpu.wait_dma2 semaphore(%run_scoped3A_67 : memref<!tpu.dma_semaphore, #tpu.memory_space<semaphore_mem>>) src(%dma_wait3A_87 : memref<72x128xf32, #tpu.memory_space<vmem>>) dst(%dma_wait3A_84 : memref<72x128xf32, #tpu.memory_space<vmem_shared>>)
      tpu.yield
    }) : () -> ()
    %barrier3A = arith.constant 0 : index
    tpu.barrier barrier_id(%barrier3A)
    "tpu.region"() ({
      %run_scoped3A_67 = tpu.sem_alloc : memref<!tpu.dma_semaphore, #tpu.memory_space<semaphore_mem>>
      %dma_start3A_68 = arith.constant 0 : i32
      %dma_start3A_69 = arith.constant 0 : i32
      %dma_start3A_70 = tpu.memref_slice %arg3[%add3A, %dma_start3A_68, %dma_start3A_69] : memref<32x128x80xi32, #tpu.memory_space<hbm>> -> memref<1x64x80xi32, #tpu.memory_space<hbm>>
      %dma_start3A_71 = tpu.memref_squeeze %dma_start3A_70 : memref<1x64x80xi32, #tpu.memory_space<hbm>> -> memref<64x80xi32, #tpu.memory_space<hbm>>
      %dma_start3A_72 = arith.constant 0 : i32
      %dma_start3A_73 = arith.constant 0 : i32
      %dma_start3A_74 = tpu.memref_slice %arg3[%add3A, %dma_start3A_72, %dma_start3A_73] : memref<32x128x80xi32, #tpu.memory_space<hbm>> -> memref<1x64x80xi32, #tpu.memory_space<hbm>>
      %dma_start3A_75 = tpu.memref_squeeze %dma_start3A_74 : memref<1x64x80xi32, #tpu.memory_space<hbm>> -> memref<64x80xi32, #tpu.memory_space<hbm>>
      tpu.enqueue_dma source(%dma_start3A_75 : memref<64x80xi32, #tpu.memory_space<hbm>>) target(%arg6 : memref<64x80xi32, #tpu.memory_space<vmem>>) target_semaphore(%run_scoped3A_67 : memref<!tpu.dma_semaphore, #tpu.memory_space<semaphore_mem>>)
      %dma_wait3A_76 = arith.constant 0 : i32
      %dma_wait3A_77 = arith.constant 0 : i32
      %dma_wait3A_78 = tpu.memref_slice %arg3[%add3A, %dma_wait3A_76, %dma_wait3A_77] : memref<32x128x80xi32, #tpu.memory_space<hbm>> -> memref<1x64x80xi32, #tpu.memory_space<hbm>>
      %dma_wait3A_79 = tpu.memref_squeeze %dma_wait3A_78 : memref<1x64x80xi32, #tpu.memory_space<hbm>> -> memref<64x80xi32, #tpu.memory_space<hbm>>
      %dma_wait3A_80 = arith.constant 0 : i32
      %dma_wait3A_81 = arith.constant 0 : i32
      %dma_wait3A_82 = tpu.memref_slice %arg3[%add3A, %dma_wait3A_80, %dma_wait3A_81] : memref<32x128x80xi32, #tpu.memory_space<hbm>> -> memref<1x64x80xi32, #tpu.memory_space<hbm>>
      %dma_wait3A_83 = tpu.memref_squeeze %dma_wait3A_82 : memref<1x64x80xi32, #tpu.memory_space<hbm>> -> memref<64x80xi32, #tpu.memory_space<hbm>>
      tpu.wait_dma2 semaphore(%run_scoped3A_67 : memref<!tpu.dma_semaphore, #tpu.memory_space<semaphore_mem>>) src(%dma_wait3A_83 : memref<64x80xi32, #tpu.memory_space<hbm>>) dst(%arg6 : memref<64x80xi32, #tpu.memory_space<vmem>>)
      tpu.yield
    }) : () -> ()
    "tpu.region"() ({
      %run_scoped3A_67 = tpu.sem_alloc : memref<!tpu.dma_semaphore, #tpu.memory_space<semaphore_mem>>
      %dma_start3A_68 = arith.constant 0 : i32
      %dma_start3A_69 = arith.constant 0 : i32
      %dma_start3A_70 = tpu.memref_slice %arg4[%add3A, %dma_start3A_68, %dma_start3A_69] : memref<32x128x80xi32, #tpu.memory_space<hbm>> -> memref<1x64x80xi32, #tpu.memory_space<hbm>>
      %dma_start3A_71 = tpu.memref_squeeze %dma_start3A_70 : memref<1x64x80xi32, #tpu.memory_space<hbm>> -> memref<64x80xi32, #tpu.memory_space<hbm>>
      %dma_start3A_72 = arith.constant 0 : i32
      %dma_start3A_73 = arith.constant 0 : i32
      %dma_start3A_74 = tpu.memref_slice %arg4[%add3A, %dma_start3A_72, %dma_start3A_73] : memref<32x128x80xi32, #tpu.memory_space<hbm>> -> memref<1x64x80xi32, #tpu.memory_space<hbm>>
      %dma_start3A_75 = tpu.memref_squeeze %dma_start3A_74 : memref<1x64x80xi32, #tpu.memory_space<hbm>> -> memref<64x80xi32, #tpu.memory_space<hbm>>
      tpu.enqueue_dma source(%dma_start3A_75 : memref<64x80xi32, #tpu.memory_space<hbm>>) target(%arg7 : memref<64x80xi32, #tpu.memory_space<vmem>>) target_semaphore(%run_scoped3A_67 : memref<!tpu.dma_semaphore, #tpu.memory_space<semaphore_mem>>)
      %dma_wait3A_76 = arith.constant 0 : i32
      %dma_wait3A_77 = arith.constant 0 : i32
      %dma_wait3A_78 = tpu.memref_slice %arg4[%add3A, %dma_wait3A_76, %dma_wait3A_77] : memref<32x128x80xi32, #tpu.memory_space<hbm>> -> memref<1x64x80xi32, #tpu.memory_space<hbm>>
      %dma_wait3A_79 = tpu.memref_squeeze %dma_wait3A_78 : memref<1x64x80xi32, #tpu.memory_space<hbm>> -> memref<64x80xi32, #tpu.memory_space<hbm>>
      %dma_wait3A_80 = arith.constant 0 : i32
      %dma_wait3A_81 = arith.constant 0 : i32
      %dma_wait3A_82 = tpu.memref_slice %arg4[%add3A, %dma_wait3A_80, %dma_wait3A_81] : memref<32x128x80xi32, #tpu.memory_space<hbm>> -> memref<1x64x80xi32, #tpu.memory_space<hbm>>
      %dma_wait3A_83 = tpu.memref_squeeze %dma_wait3A_82 : memref<1x64x80xi32, #tpu.memory_space<hbm>> -> memref<64x80xi32, #tpu.memory_space<hbm>>
      tpu.wait_dma2 semaphore(%run_scoped3A_67 : memref<!tpu.dma_semaphore, #tpu.memory_space<semaphore_mem>>) src(%dma_wait3A_83 : memref<64x80xi32, #tpu.memory_space<hbm>>) dst(%arg7 : memref<64x80xi32, #tpu.memory_space<vmem>>)
      tpu.yield
    }) : () -> ()
    %dma_start3A = arith.constant 0 : i32
    %dma_start3A_14 = arith.constant 0 : i32
    %dma_start3A_15 = tpu.memref_slice %arg6[%dma_start3A, %dma_start3A_14] : memref<64x80xi32, #tpu.memory_space<vmem>> -> memref<1x80xi32, #tpu.memory_space<vmem>>
    %dma_start3A_16 = tpu.memref_squeeze %dma_start3A_15 : memref<1x80xi32, #tpu.memory_space<vmem>> -> memref<80xi32, #tpu.memory_space<vmem>>
    %dma_start3A_17 = arith.constant 0 : i32
    %dma_start3A_18 = arith.constant 0 : i32
    %dma_start3A_19 = tpu.memref_slice %arg2[%dma_start3A_17, %dma_start3A_18] : memref<10000x128xf32, #tpu.memory_space<hbm>> -> memref<10000x128xf32, #tpu.memory_space<hbm>>
    tpu.enqueue_indirect_dma source(%dma_start3A_19 : memref<10000x128xf32, #tpu.memory_space<hbm>>) target(%arg8 : memref<80x128xf32, #tpu.memory_space<vmem>>) offsets(%dma_start3A_16 : memref<80xi32, #tpu.memory_space<vmem>>) semaphore(%arg11 : memref<!tpu.dma_semaphore, #tpu.memory_space<semaphore_mem>>)
    %scan3A_20 = arith.constant 0 : i32
    %scan3A_21 = arith.constant 31 : i32
    %scan3A_22 = arith.addi %scan3A_20, %scan3A_21 : i32
    %scan3A_23 = arith.constant 1 : i32
    scf.for %scan3A_67 = %scan3A_20 to %scan3A_22 step %scan3A_23  : i32 {
      %mul3A_68 = arith.constant 1 : i32
      %mul3A_69 = arith.muli %scan3A_67, %mul3A_68 : i32
      %add3A_70 = arith.constant 0 : i32
      %add3A_71 = arith.addi %add3A_70, %mul3A_69 : i32
      %mul3A_72 = arith.constant 2 : i32
      %mul3A_73 = arith.muli %add3A_71, %mul3A_72 : i32
      %dma_wait3A_74 = arith.constant 0 : i32
      %dma_wait3A_75 = arith.constant 0 : i32
      %dma_wait3A_76 = tpu.memref_slice %arg6[%dma_wait3A_74, %dma_wait3A_75] : memref<64x80xi32, #tpu.memory_space<vmem>> -> memref<1x80xi32, #tpu.memory_space<vmem>>
      %dma_wait3A_77 = tpu.memref_squeeze %dma_wait3A_76 : memref<1x80xi32, #tpu.memory_space<vmem>> -> memref<80xi32, #tpu.memory_space<vmem>>
      %dma_wait3A_78 = arith.constant 0 : i32
      %dma_wait3A_79 = arith.constant 0 : i32
      %dma_wait3A_80 = tpu.memref_slice %arg2[%dma_wait3A_78, %dma_wait3A_79] : memref<10000x128xf32, #tpu.memory_space<hbm>> -> memref<10000x128xf32, #tpu.memory_space<hbm>>
      tpu.wait_indirect_dma semaphore(%arg11 : memref<!tpu.dma_semaphore, #tpu.memory_space<semaphore_mem>>) src(%dma_wait3A_80 : memref<10000x128xf32, #tpu.memory_space<hbm>>) dst(%arg8 : memref<80x128xf32, #tpu.memory_space<vmem>>)
      %add3A_81 = arith.constant 1 : i32
      %add3A_82 = arith.addi %mul3A_73, %add3A_81 : i32
      %dma_start3A_83 = arith.constant 0 : i32
      %dma_start3A_84 = tpu.memref_slice %arg6[%add3A_82, %dma_start3A_83] : memref<64x80xi32, #tpu.memory_space<vmem>> -> memref<1x80xi32, #tpu.memory_space<vmem>>
      %dma_start3A_85 = tpu.memref_squeeze %dma_start3A_84 : memref<1x80xi32, #tpu.memory_space<vmem>> -> memref<80xi32, #tpu.memory_space<vmem>>
      %dma_start3A_86 = arith.constant 0 : i32
      %dma_start3A_87 = arith.constant 0 : i32
      %dma_start3A_88 = tpu.memref_slice %arg2[%dma_start3A_86, %dma_start3A_87] : memref<10000x128xf32, #tpu.memory_space<hbm>> -> memref<10000x128xf32, #tpu.memory_space<hbm>>
      tpu.enqueue_indirect_dma source(%dma_start3A_88 : memref<10000x128xf32, #tpu.memory_space<hbm>>) target(%arg9 : memref<80x128xf32, #tpu.memory_space<vmem>>) offsets(%dma_start3A_85 : memref<80xi32, #tpu.memory_space<vmem>>) semaphore(%arg12 : memref<!tpu.dma_semaphore, #tpu.memory_space<semaphore_mem>>)
      "tpu.region"() ({
        %run_scoped3A_106 = tpu.sem_alloc : memref<!tpu.dma_semaphore, #tpu.memory_space<semaphore_mem>>
        %dma_start3A_107 = arith.constant 0 : i32
        %dma_start3A_108 = tpu.memref_slice %arg7[%mul3A_73, %dma_start3A_107] : memref<64x80xi32, #tpu.memory_space<vmem>> -> memref<1x80xi32, #tpu.memory_space<vmem>>
        %dma_start3A_109 = tpu.memref_squeeze %dma_start3A_108 : memref<1x80xi32, #tpu.memory_space<vmem>> -> memref<80xi32, #tpu.memory_space<vmem>>
        %dma_start3A_110 = arith.constant 0 : i32
        %dma_start3A_111 = arith.constant 0 : i32
        %dma_start3A_112 = tpu.memref_slice %arg10[%dma_start3A_110, %dma_start3A_111] : memref<10112x128xf32, #tpu.memory_space<vmem_shared>> -> memref<10112x128xf32, #tpu.memory_space<vmem_shared>>
        tpu.enqueue_indirect_dma source(%arg8 : memref<80x128xf32, #tpu.memory_space<vmem>>) target(%dma_start3A_112 : memref<10112x128xf32, #tpu.memory_space<vmem_shared>>) offsets(%dma_start3A_109 : memref<80xi32, #tpu.memory_space<vmem>>) semaphore(%run_scoped3A_106 : memref<!tpu.dma_semaphore, #tpu.memory_space<semaphore_mem>>) {add = true}
        %dma_wait3A_113 = arith.constant 0 : i32
        %dma_wait3A_114 = tpu.memref_slice %arg7[%mul3A_73, %dma_wait3A_113] : memref<64x80xi32, #tpu.memory_space<vmem>> -> memref<1x80xi32, #tpu.memory_space<vmem>>
        %dma_wait3A_115 = tpu.memref_squeeze %dma_wait3A_114 : memref<1x80xi32, #tpu.memory_space<vmem>> -> memref<80xi32, #tpu.memory_space<vmem>>
        %dma_wait3A_116 = arith.constant 0 : i32
        %dma_wait3A_117 = arith.constant 0 : i32
        %dma_wait3A_118 = tpu.memref_slice %arg10[%dma_wait3A_116, %dma_wait3A_117] : memref<10112x128xf32, #tpu.memory_space<vmem_shared>> -> memref<10112x128xf32, #tpu.memory_space<vmem_shared>>
        tpu.wait_indirect_dma semaphore(%run_scoped3A_106 : memref<!tpu.dma_semaphore, #tpu.memory_space<semaphore_mem>>) src(%arg8 : memref<80x128xf32, #tpu.memory_space<vmem>>) dst(%dma_wait3A_118 : memref<10112x128xf32, #tpu.memory_space<vmem_shared>>)
        tpu.yield
      }) : () -> ()
      %dma_wait3A_89 = arith.constant 0 : i32
      %dma_wait3A_90 = arith.constant 0 : i32
      %dma_wait3A_91 = tpu.memref_slice %arg6[%dma_wait3A_89, %dma_wait3A_90] : memref<64x80xi32, #tpu.memory_space<vmem>> -> memref<1x80xi32, #tpu.memory_space<vmem>>
      %dma_wait3A_92 = tpu.memref_squeeze %dma_wait3A_91 : memref<1x80xi32, #tpu.memory_space<vmem>> -> memref<80xi32, #tpu.memory_space<vmem>>
      %dma_wait3A_93 = arith.constant 0 : i32
      %dma_wait3A_94 = arith.constant 0 : i32
      %dma_wait3A_95 = tpu.memref_slice %arg2[%dma_wait3A_93, %dma_wait3A_94] : memref<10000x128xf32, #tpu.memory_space<hbm>> -> memref<10000x128xf32, #tpu.memory_space<hbm>>
      tpu.wait_indirect_dma semaphore(%arg12 : memref<!tpu.dma_semaphore, #tpu.memory_space<semaphore_mem>>) src(%dma_wait3A_95 : memref<10000x128xf32, #tpu.memory_space<hbm>>) dst(%arg9 : memref<80x128xf32, #tpu.memory_space<vmem>>)
      %add3A_96 = arith.constant 2 : i32
      %add3A_97 = arith.addi %mul3A_73, %add3A_96 : i32
      %dma_start3A_98 = arith.constant 0 : i32
      %dma_start3A_99 = tpu.memref_slice %arg6[%add3A_97, %dma_start3A_98] : memref<64x80xi32, #tpu.memory_space<vmem>> -> memref<1x80xi32, #tpu.memory_space<vmem>>
      %dma_start3A_100 = tpu.memref_squeeze %dma_start3A_99 : memref<1x80xi32, #tpu.memory_space<vmem>> -> memref<80xi32, #tpu.memory_space<vmem>>
      %dma_start3A_101 = arith.constant 0 : i32
      %dma_start3A_102 = arith.constant 0 : i32
      %dma_start3A_103 = tpu.memref_slice %arg2[%dma_start3A_101, %dma_start3A_102] : memref<10000x128xf32, #tpu.memory_space<hbm>> -> memref<10000x128xf32, #tpu.memory_space<hbm>>
      tpu.enqueue_indirect_dma source(%dma_start3A_103 : memref<10000x128xf32, #tpu.memory_space<hbm>>) target(%arg8 : memref<80x128xf32, #tpu.memory_space<vmem>>) offsets(%dma_start3A_100 : memref<80xi32, #tpu.memory_space<vmem>>) semaphore(%arg11 : memref<!tpu.dma_semaphore, #tpu.memory_space<semaphore_mem>>)
      %add3A_104 = arith.constant 1 : i32
      %add3A_105 = arith.addi %mul3A_73, %add3A_104 : i32
      "tpu.region"() ({
        %run_scoped3A_106 = tpu.sem_alloc : memref<!tpu.dma_semaphore, #tpu.memory_space<semaphore_mem>>
        %dma_start3A_107 = arith.constant 0 : i32
        %dma_start3A_108 = tpu.memref_slice %arg7[%add3A_105, %dma_start3A_107] : memref<64x80xi32, #tpu.memory_space<vmem>> -> memref<1x80xi32, #tpu.memory_space<vmem>>
        %dma_start3A_109 = tpu.memref_squeeze %dma_start3A_108 : memref<1x80xi32, #tpu.memory_space<vmem>> -> memref<80xi32, #tpu.memory_space<vmem>>
        %dma_start3A_110 = arith.constant 0 : i32
        %dma_start3A_111 = arith.constant 0 : i32
        %dma_start3A_112 = tpu.memref_slice %arg10[%dma_start3A_110, %dma_start3A_111] : memref<10112x128xf32, #tpu.memory_space<vmem_shared>> -> memref<10112x128xf32, #tpu.memory_space<vmem_shared>>
        tpu.enqueue_indirect_dma source(%arg9 : memref<80x128xf32, #tpu.memory_space<vmem>>) target(%dma_start3A_112 : memref<10112x128xf32, #tpu.memory_space<vmem_shared>>) offsets(%dma_start3A_109 : memref<80xi32, #tpu.memory_space<vmem>>) semaphore(%run_scoped3A_106 : memref<!tpu.dma_semaphore, #tpu.memory_space<semaphore_mem>>) {add = true}
        %dma_wait3A_113 = arith.constant 0 : i32
        %dma_wait3A_114 = tpu.memref_slice %arg7[%add3A_105, %dma_wait3A_113] : memref<64x80xi32, #tpu.memory_space<vmem>> -> memref<1x80xi32, #tpu.memory_space<vmem>>
        %dma_wait3A_115 = tpu.memref_squeeze %dma_wait3A_114 : memref<1x80xi32, #tpu.memory_space<vmem>> -> memref<80xi32, #tpu.memory_space<vmem>>
        %dma_wait3A_116 = arith.constant 0 : i32
        %dma_wait3A_117 = arith.constant 0 : i32
        %dma_wait3A_118 = tpu.memref_slice %arg10[%dma_wait3A_116, %dma_wait3A_117] : memref<10112x128xf32, #tpu.memory_space<vmem_shared>> -> memref<10112x128xf32, #tpu.memory_space<vmem_shared>>
        tpu.wait_indirect_dma semaphore(%run_scoped3A_106 : memref<!tpu.dma_semaphore, #tpu.memory_space<semaphore_mem>>) src(%arg9 : memref<80x128xf32, #tpu.memory_space<vmem>>) dst(%dma_wait3A_118 : memref<10112x128xf32, #tpu.memory_space<vmem_shared>>)
        tpu.yield
      }) : () -> ()
    }
    %scan3A_24 = arith.constant 31 : i32
    %dma_wait3A = arith.constant 0 : i32
    %dma_wait3A_25 = arith.constant 0 : i32
    %dma_wait3A_26 = tpu.memref_slice %arg6[%dma_wait3A, %dma_wait3A_25] : memref<64x80xi32, #tpu.memory_space<vmem>> -> memref<1x80xi32, #tpu.memory_space<vmem>>
    %dma_wait3A_27 = tpu.memref_squeeze %dma_wait3A_26 : memref<1x80xi32, #tpu.memory_space<vmem>> -> memref<80xi32, #tpu.memory_space<vmem>>
    %dma_wait3A_28 = arith.constant 0 : i32
    %dma_wait3A_29 = arith.constant 0 : i32
    %dma_wait3A_30 = tpu.memref_slice %arg2[%dma_wait3A_28, %dma_wait3A_29] : memref<10000x128xf32, #tpu.memory_space<hbm>> -> memref<10000x128xf32, #tpu.memory_space<hbm>>
    tpu.wait_indirect_dma semaphore(%arg11 : memref<!tpu.dma_semaphore, #tpu.memory_space<semaphore_mem>>) src(%dma_wait3A_30 : memref<10000x128xf32, #tpu.memory_space<hbm>>) dst(%arg8 : memref<80x128xf32, #tpu.memory_space<vmem>>)
    %dma_start3A_31 = arith.constant 63 : i32
    %dma_start3A_32 = arith.constant 0 : i32
    %dma_start3A_33 = tpu.memref_slice %arg6[%dma_start3A_31, %dma_start3A_32] : memref<64x80xi32, #tpu.memory_space<vmem>> -> memref<1x80xi32, #tpu.memory_space<vmem>>
    %dma_start3A_34 = tpu.memref_squeeze %dma_start3A_33 : memref<1x80xi32, #tpu.memory_space<vmem>> -> memref<80xi32, #tpu.memory_space<vmem>>
    %dma_start3A_35 = arith.constant 0 : i32
    %dma_start3A_36 = arith.constant 0 : i32
    %dma_start3A_37 = tpu.memref_slice %arg2[%dma_start3A_35, %dma_start3A_36] : memref<10000x128xf32, #tpu.memory_space<hbm>> -> memref<10000x128xf32, #tpu.memory_space<hbm>>
    tpu.enqueue_indirect_dma source(%dma_start3A_37 : memref<10000x128xf32, #tpu.memory_space<hbm>>) target(%arg9 : memref<80x128xf32, #tpu.memory_space<vmem>>) offsets(%dma_start3A_34 : memref<80xi32, #tpu.memory_space<vmem>>) semaphore(%arg12 : memref<!tpu.dma_semaphore, #tpu.memory_space<semaphore_mem>>)
    %run_scoped3A = arith.constant 62 : i32
    "tpu.region"() ({
      %run_scoped3A_67 = tpu.sem_alloc : memref<!tpu.dma_semaphore, #tpu.memory_space<semaphore_mem>>
      %dma_start3A_68 = arith.constant 0 : i32
      %dma_start3A_69 = tpu.memref_slice %arg7[%run_scoped3A, %dma_start3A_68] : memref<64x80xi32, #tpu.memory_space<vmem>> -> memref<1x80xi32, #tpu.memory_space<vmem>>
      %dma_start3A_70 = tpu.memref_squeeze %dma_start3A_69 : memref<1x80xi32, #tpu.memory_space<vmem>> -> memref<80xi32, #tpu.memory_space<vmem>>
      %dma_start3A_71 = arith.constant 0 : i32
      %dma_start3A_72 = arith.constant 0 : i32
      %dma_start3A_73 = tpu.memref_slice %arg10[%dma_start3A_71, %dma_start3A_72] : memref<10112x128xf32, #tpu.memory_space<vmem_shared>> -> memref<10112x128xf32, #tpu.memory_space<vmem_shared>>
      tpu.enqueue_indirect_dma source(%arg8 : memref<80x128xf32, #tpu.memory_space<vmem>>) target(%dma_start3A_73 : memref<10112x128xf32, #tpu.memory_space<vmem_shared>>) offsets(%dma_start3A_70 : memref<80xi32, #tpu.memory_space<vmem>>) semaphore(%run_scoped3A_67 : memref<!tpu.dma_semaphore, #tpu.memory_space<semaphore_mem>>) {add = true}
      %dma_wait3A_74 = arith.constant 0 : i32
      %dma_wait3A_75 = tpu.memref_slice %arg7[%run_scoped3A, %dma_wait3A_74] : memref<64x80xi32, #tpu.memory_space<vmem>> -> memref<1x80xi32, #tpu.memory_space<vmem>>
      %dma_wait3A_76 = tpu.memref_squeeze %dma_wait3A_75 : memref<1x80xi32, #tpu.memory_space<vmem>> -> memref<80xi32, #tpu.memory_space<vmem>>
      %dma_wait3A_77 = arith.constant 0 : i32
      %dma_wait3A_78 = arith.constant 0 : i32
      %dma_wait3A_79 = tpu.memref_slice %arg10[%dma_wait3A_77, %dma_wait3A_78] : memref<10112x128xf32, #tpu.memory_space<vmem_shared>> -> memref<10112x128xf32, #tpu.memory_space<vmem_shared>>
      tpu.wait_indirect_dma semaphore(%run_scoped3A_67 : memref<!tpu.dma_semaphore, #tpu.memory_space<semaphore_mem>>) src(%arg8 : memref<80x128xf32, #tpu.memory_space<vmem>>) dst(%dma_wait3A_79 : memref<10112x128xf32, #tpu.memory_space<vmem_shared>>)
      tpu.yield
    }) : () -> ()
    %dma_wait3A_38 = arith.constant 0 : i32
    %dma_wait3A_39 = arith.constant 0 : i32
    %dma_wait3A_40 = tpu.memref_slice %arg6[%dma_wait3A_38, %dma_wait3A_39] : memref<64x80xi32, #tpu.memory_space<vmem>> -> memref<1x80xi32, #tpu.memory_space<vmem>>
    %dma_wait3A_41 = tpu.memref_squeeze %dma_wait3A_40 : memref<1x80xi32, #tpu.memory_space<vmem>> -> memref<80xi32, #tpu.memory_space<vmem>>
    %dma_wait3A_42 = arith.constant 0 : i32
    %dma_wait3A_43 = arith.constant 0 : i32
    %dma_wait3A_44 = tpu.memref_slice %arg2[%dma_wait3A_42, %dma_wait3A_43] : memref<10000x128xf32, #tpu.memory_space<hbm>> -> memref<10000x128xf32, #tpu.memory_space<hbm>>
    tpu.wait_indirect_dma semaphore(%arg12 : memref<!tpu.dma_semaphore, #tpu.memory_space<semaphore_mem>>) src(%dma_wait3A_44 : memref<10000x128xf32, #tpu.memory_space<hbm>>) dst(%arg9 : memref<80x128xf32, #tpu.memory_space<vmem>>)
    %run_scoped3A_45 = arith.constant 63 : i32
    "tpu.region"() ({
      %run_scoped3A_67 = tpu.sem_alloc : memref<!tpu.dma_semaphore, #tpu.memory_space<semaphore_mem>>
      %dma_start3A_68 = arith.constant 0 : i32
      %dma_start3A_69 = tpu.memref_slice %arg7[%run_scoped3A_45, %dma_start3A_68] : memref<64x80xi32, #tpu.memory_space<vmem>> -> memref<1x80xi32, #tpu.memory_space<vmem>>
      %dma_start3A_70 = tpu.memref_squeeze %dma_start3A_69 : memref<1x80xi32, #tpu.memory_space<vmem>> -> memref<80xi32, #tpu.memory_space<vmem>>
      %dma_start3A_71 = arith.constant 0 : i32
      %dma_start3A_72 = arith.constant 0 : i32
      %dma_start3A_73 = tpu.memref_slice %arg10[%dma_start3A_71, %dma_start3A_72] : memref<10112x128xf32, #tpu.memory_space<vmem_shared>> -> memref<10112x128xf32, #tpu.memory_space<vmem_shared>>
      tpu.enqueue_indirect_dma source(%arg9 : memref<80x128xf32, #tpu.memory_space<vmem>>) target(%dma_start3A_73 : memref<10112x128xf32, #tpu.memory_space<vmem_shared>>) offsets(%dma_start3A_70 : memref<80xi32, #tpu.memory_space<vmem>>) semaphore(%run_scoped3A_67 : memref<!tpu.dma_semaphore, #tpu.memory_space<semaphore_mem>>) {add = true}
      %dma_wait3A_74 = arith.constant 0 : i32
      %dma_wait3A_75 = tpu.memref_slice %arg7[%run_scoped3A_45, %dma_wait3A_74] : memref<64x80xi32, #tpu.memory_space<vmem>> -> memref<1x80xi32, #tpu.memory_space<vmem>>
      %dma_wait3A_76 = tpu.memref_squeeze %dma_wait3A_75 : memref<1x80xi32, #tpu.memory_space<vmem>> -> memref<80xi32, #tpu.memory_space<vmem>>
      %dma_wait3A_77 = arith.constant 0 : i32
      %dma_wait3A_78 = arith.constant 0 : i32
      %dma_wait3A_79 = tpu.memref_slice %arg10[%dma_wait3A_77, %dma_wait3A_78] : memref<10112x128xf32, #tpu.memory_space<vmem_shared>> -> memref<10112x128xf32, #tpu.memory_space<vmem_shared>>
      tpu.wait_indirect_dma semaphore(%run_scoped3A_67 : memref<!tpu.dma_semaphore, #tpu.memory_space<semaphore_mem>>) src(%arg9 : memref<80x128xf32, #tpu.memory_space<vmem>>) dst(%dma_wait3A_79 : memref<10112x128xf32, #tpu.memory_space<vmem_shared>>)
      tpu.yield
    }) : () -> ()
    "tpu.region"() ({
      %run_scoped3A_67 = tpu.sem_alloc : memref<!tpu.dma_semaphore, #tpu.memory_space<semaphore_mem>>
      %dma_start3A_68 = arith.constant 64 : i32
      %dma_start3A_69 = arith.constant 0 : i32
      %dma_start3A_70 = tpu.memref_slice %arg3[%add3A, %dma_start3A_68, %dma_start3A_69] : memref<32x128x80xi32, #tpu.memory_space<hbm>> -> memref<1x64x80xi32, #tpu.memory_space<hbm>>
      %dma_start3A_71 = tpu.memref_squeeze %dma_start3A_70 : memref<1x64x80xi32, #tpu.memory_space<hbm>> -> memref<64x80xi32, #tpu.memory_space<hbm>>
      %dma_start3A_72 = arith.constant 64 : i32
      %dma_start3A_73 = arith.constant 0 : i32
      %dma_start3A_74 = tpu.memref_slice %arg3[%add3A, %dma_start3A_72, %dma_start3A_73] : memref<32x128x80xi32, #tpu.memory_space<hbm>> -> memref<1x64x80xi32, #tpu.memory_space<hbm>>
      %dma_start3A_75 = tpu.memref_squeeze %dma_start3A_74 : memref<1x64x80xi32, #tpu.memory_space<hbm>> -> memref<64x80xi32, #tpu.memory_space<hbm>>
      tpu.enqueue_dma source(%dma_start3A_75 : memref<64x80xi32, #tpu.memory_space<hbm>>) target(%arg6 : memref<64x80xi32, #tpu.memory_space<vmem>>) target_semaphore(%run_scoped3A_67 : memref<!tpu.dma_semaphore, #tpu.memory_space<semaphore_mem>>)
      %dma_wait3A_76 = arith.constant 64 : i32
      %dma_wait3A_77 = arith.constant 0 : i32
      %dma_wait3A_78 = tpu.memref_slice %arg3[%add3A, %dma_wait3A_76, %dma_wait3A_77] : memref<32x128x80xi32, #tpu.memory_space<hbm>> -> memref<1x64x80xi32, #tpu.memory_space<hbm>>
      %dma_wait3A_79 = tpu.memref_squeeze %dma_wait3A_78 : memref<1x64x80xi32, #tpu.memory_space<hbm>> -> memref<64x80xi32, #tpu.memory_space<hbm>>
      %dma_wait3A_80 = arith.constant 64 : i32
      %dma_wait3A_81 = arith.constant 0 : i32
      %dma_wait3A_82 = tpu.memref_slice %arg3[%add3A, %dma_wait3A_80, %dma_wait3A_81] : memref<32x128x80xi32, #tpu.memory_space<hbm>> -> memref<1x64x80xi32, #tpu.memory_space<hbm>>
      %dma_wait3A_83 = tpu.memref_squeeze %dma_wait3A_82 : memref<1x64x80xi32, #tpu.memory_space<hbm>> -> memref<64x80xi32, #tpu.memory_space<hbm>>
      tpu.wait_dma2 semaphore(%run_scoped3A_67 : memref<!tpu.dma_semaphore, #tpu.memory_space<semaphore_mem>>) src(%dma_wait3A_83 : memref<64x80xi32, #tpu.memory_space<hbm>>) dst(%arg6 : memref<64x80xi32, #tpu.memory_space<vmem>>)
      tpu.yield
    }) : () -> ()
    "tpu.region"() ({
      %run_scoped3A_67 = tpu.sem_alloc : memref<!tpu.dma_semaphore, #tpu.memory_space<semaphore_mem>>
      %dma_start3A_68 = arith.constant 64 : i32
      %dma_start3A_69 = arith.constant 0 : i32
      %dma_start3A_70 = tpu.memref_slice %arg4[%add3A, %dma_start3A_68, %dma_start3A_69] : memref<32x128x80xi32, #tpu.memory_space<hbm>> -> memref<1x64x80xi32, #tpu.memory_space<hbm>>
      %dma_start3A_71 = tpu.memref_squeeze %dma_start3A_70 : memref<1x64x80xi32, #tpu.memory_space<hbm>> -> memref<64x80xi32, #tpu.memory_space<hbm>>
      %dma_start3A_72 = arith.constant 64 : i32
      %dma_start3A_73 = arith.constant 0 : i32
      %dma_start3A_74 = tpu.memref_slice %arg4[%add3A, %dma_start3A_72, %dma_start3A_73] : memref<32x128x80xi32, #tpu.memory_space<hbm>> -> memref<1x64x80xi32, #tpu.memory_space<hbm>>
      %dma_start3A_75 = tpu.memref_squeeze %dma_start3A_74 : memref<1x64x80xi32, #tpu.memory_space<hbm>> -> memref<64x80xi32, #tpu.memory_space<hbm>>
      tpu.enqueue_dma source(%dma_start3A_75 : memref<64x80xi32, #tpu.memory_space<hbm>>) target(%arg7 : memref<64x80xi32, #tpu.memory_space<vmem>>) target_semaphore(%run_scoped3A_67 : memref<!tpu.dma_semaphore, #tpu.memory_space<semaphore_mem>>)
      %dma_wait3A_76 = arith.constant 64 : i32
      %dma_wait3A_77 = arith.constant 0 : i32
      %dma_wait3A_78 = tpu.memref_slice %arg4[%add3A, %dma_wait3A_76, %dma_wait3A_77] : memref<32x128x80xi32, #tpu.memory_space<hbm>> -> memref<1x64x80xi32, #tpu.memory_space<hbm>>
      %dma_wait3A_79 = tpu.memref_squeeze %dma_wait3A_78 : memref<1x64x80xi32, #tpu.memory_space<hbm>> -> memref<64x80xi32, #tpu.memory_space<hbm>>
      %dma_wait3A_80 = arith.constant 64 : i32
      %dma_wait3A_81 = arith.constant 0 : i32
      %dma_wait3A_82 = tpu.memref_slice %arg4[%add3A, %dma_wait3A_80, %dma_wait3A_81] : memref<32x128x80xi32, #tpu.memory_space<hbm>> -> memref<1x64x80xi32, #tpu.memory_space<hbm>>
      %dma_wait3A_83 = tpu.memref_squeeze %dma_wait3A_82 : memref<1x64x80xi32, #tpu.memory_space<hbm>> -> memref<64x80xi32, #tpu.memory_space<hbm>>
      tpu.wait_dma2 semaphore(%run_scoped3A_67 : memref<!tpu.dma_semaphore, #tpu.memory_space<semaphore_mem>>) src(%dma_wait3A_83 : memref<64x80xi32, #tpu.memory_space<hbm>>) dst(%arg7 : memref<64x80xi32, #tpu.memory_space<vmem>>)
      tpu.yield
    }) : () -> ()
    %dma_start3A_46 = arith.constant 0 : i32
    %dma_start3A_47 = arith.constant 0 : i32
    %dma_start3A_48 = tpu.memref_slice %arg6[%dma_start3A_46, %dma_start3A_47] : memref<64x80xi32, #tpu.memory_space<vmem>> -> memref<1x80xi32, #tpu.memory_space<vmem>>
    %dma_start3A_49 = tpu.memref_squeeze %dma_start3A_48 : memref<1x80xi32, #tpu.memory_space<vmem>> -> memref<80xi32, #tpu.memory_space<vmem>>
    %dma_start3A_50 = arith.constant 0 : i32
    %dma_start3A_51 = arith.constant 0 : i32
    %dma_start3A_52 = tpu.memref_slice %arg2[%dma_start3A_50, %dma_start3A_51] : memref<10000x128xf32, #tpu.memory_space<hbm>> -> memref<10000x128xf32, #tpu.memory_space<hbm>>
    tpu.enqueue_indirect_dma source(%dma_start3A_52 : memref<10000x128xf32, #tpu.memory_space<hbm>>) target(%arg8 : memref<80x128xf32, #tpu.memory_space<vmem>>) offsets(%dma_start3A_49 : memref<80xi32, #tpu.memory_space<vmem>>) semaphore(%arg11 : memref<!tpu.dma_semaphore, #tpu.memory_space<semaphore_mem>>)
    %scan3A_53 = arith.constant 0 : i32
    %scan3A_54 = arith.constant 30 : i32
    %scan3A_55 = arith.addi %scan3A_53, %scan3A_54 : i32
    %scan3A_56 = arith.constant 1 : i32
    scf.for %scan3A_67 = %scan3A_53 to %scan3A_55 step %scan3A_56  : i32 {
      %mul3A_68 = arith.constant 1 : i32
      %mul3A_69 = arith.muli %scan3A_67, %mul3A_68 : i32
      %add3A_70 = arith.constant 0 : i32
      %add3A_71 = arith.addi %add3A_70, %mul3A_69 : i32
      %mul3A_72 = arith.constant 2 : i32
      %mul3A_73 = arith.muli %add3A_71, %mul3A_72 : i32
      %dma_wait3A_74 = arith.constant 0 : i32
      %dma_wait3A_75 = arith.constant 0 : i32
      %dma_wait3A_76 = tpu.memref_slice %arg6[%dma_wait3A_74, %dma_wait3A_75] : memref<64x80xi32, #tpu.memory_space<vmem>> -> memref<1x80xi32, #tpu.memory_space<vmem>>
      %dma_wait3A_77 = tpu.memref_squeeze %dma_wait3A_76 : memref<1x80xi32, #tpu.memory_space<vmem>> -> memref<80xi32, #tpu.memory_space<vmem>>
      %dma_wait3A_78 = arith.constant 0 : i32
      %dma_wait3A_79 = arith.constant 0 : i32
      %dma_wait3A_80 = tpu.memref_slice %arg2[%dma_wait3A_78, %dma_wait3A_79] : memref<10000x128xf32, #tpu.memory_space<hbm>> -> memref<10000x128xf32, #tpu.memory_space<hbm>>
      tpu.wait_indirect_dma semaphore(%arg11 : memref<!tpu.dma_semaphore, #tpu.memory_space<semaphore_mem>>) src(%dma_wait3A_80 : memref<10000x128xf32, #tpu.memory_space<hbm>>) dst(%arg8 : memref<80x128xf32, #tpu.memory_space<vmem>>)
      %add3A_81 = arith.constant 1 : i32
      %add3A_82 = arith.addi %mul3A_73, %add3A_81 : i32
      %dma_start3A_83 = arith.constant 0 : i32
      %dma_start3A_84 = tpu.memref_slice %arg6[%add3A_82, %dma_start3A_83] : memref<64x80xi32, #tpu.memory_space<vmem>> -> memref<1x80xi32, #tpu.memory_space<vmem>>
      %dma_start3A_85 = tpu.memref_squeeze %dma_start3A_84 : memref<1x80xi32, #tpu.memory_space<vmem>> -> memref<80xi32, #tpu.memory_space<vmem>>
      %dma_start3A_86 = arith.constant 0 : i32
      %dma_start3A_87 = arith.constant 0 : i32
      %dma_start3A_88 = tpu.memref_slice %arg2[%dma_start3A_86, %dma_start3A_87] : memref<10000x128xf32, #tpu.memory_space<hbm>> -> memref<10000x128xf32, #tpu.memory_space<hbm>>
      tpu.enqueue_indirect_dma source(%dma_start3A_88 : memref<10000x128xf32, #tpu.memory_space<hbm>>) target(%arg9 : memref<80x128xf32, #tpu.memory_space<vmem>>) offsets(%dma_start3A_85 : memref<80xi32, #tpu.memory_space<vmem>>) semaphore(%arg12 : memref<!tpu.dma_semaphore, #tpu.memory_space<semaphore_mem>>)
      "tpu.region"() ({
        %run_scoped3A_106 = tpu.sem_alloc : memref<!tpu.dma_semaphore, #tpu.memory_space<semaphore_mem>>
        %dma_start3A_107 = arith.constant 0 : i32
        %dma_start3A_108 = tpu.memref_slice %arg7[%mul3A_73, %dma_start3A_107] : memref<64x80xi32, #tpu.memory_space<vmem>> -> memref<1x80xi32, #tpu.memory_space<vmem>>
        %dma_start3A_109 = tpu.memref_squeeze %dma_start3A_108 : memref<1x80xi32, #tpu.memory_space<vmem>> -> memref<80xi32, #tpu.memory_space<vmem>>
        %dma_start3A_110 = arith.constant 0 : i32
        %dma_start3A_111 = arith.constant 0 : i32
        %dma_start3A_112 = tpu.memref_slice %arg10[%dma_start3A_110, %dma_start3A_111] : memref<10112x128xf32, #tpu.memory_space<vmem_shared>> -> memref<10112x128xf32, #tpu.memory_space<vmem_shared>>
        tpu.enqueue_indirect_dma source(%arg8 : memref<80x128xf32, #tpu.memory_space<vmem>>) target(%dma_start3A_112 : memref<10112x128xf32, #tpu.memory_space<vmem_shared>>) offsets(%dma_start3A_109 : memref<80xi32, #tpu.memory_space<vmem>>) semaphore(%run_scoped3A_106 : memref<!tpu.dma_semaphore, #tpu.memory_space<semaphore_mem>>) {add = true}
        %dma_wait3A_113 = arith.constant 0 : i32
        %dma_wait3A_114 = tpu.memref_slice %arg7[%mul3A_73, %dma_wait3A_113] : memref<64x80xi32, #tpu.memory_space<vmem>> -> memref<1x80xi32, #tpu.memory_space<vmem>>
        %dma_wait3A_115 = tpu.memref_squeeze %dma_wait3A_114 : memref<1x80xi32, #tpu.memory_space<vmem>> -> memref<80xi32, #tpu.memory_space<vmem>>
        %dma_wait3A_116 = arith.constant 0 : i32
        %dma_wait3A_117 = arith.constant 0 : i32
        %dma_wait3A_118 = tpu.memref_slice %arg10[%dma_wait3A_116, %dma_wait3A_117] : memref<10112x128xf32, #tpu.memory_space<vmem_shared>> -> memref<10112x128xf32, #tpu.memory_space<vmem_shared>>
        tpu.wait_indirect_dma semaphore(%run_scoped3A_106 : memref<!tpu.dma_semaphore, #tpu.memory_space<semaphore_mem>>) src(%arg8 : memref<80x128xf32, #tpu.memory_space<vmem>>) dst(%dma_wait3A_118 : memref<10112x128xf32, #tpu.memory_space<vmem_shared>>)
        tpu.yield
      }) : () -> ()
      %dma_wait3A_89 = arith.constant 0 : i32
      %dma_wait3A_90 = arith.constant 0 : i32
      %dma_wait3A_91 = tpu.memref_slice %arg6[%dma_wait3A_89, %dma_wait3A_90] : memref<64x80xi32, #tpu.memory_space<vmem>> -> memref<1x80xi32, #tpu.memory_space<vmem>>
      %dma_wait3A_92 = tpu.memref_squeeze %dma_wait3A_91 : memref<1x80xi32, #tpu.memory_space<vmem>> -> memref<80xi32, #tpu.memory_space<vmem>>
      %dma_wait3A_93 = arith.constant 0 : i32
      %dma_wait3A_94 = arith.constant 0 : i32
      %dma_wait3A_95 = tpu.memref_slice %arg2[%dma_wait3A_93, %dma_wait3A_94] : memref<10000x128xf32, #tpu.memory_space<hbm>> -> memref<10000x128xf32, #tpu.memory_space<hbm>>
      tpu.wait_indirect_dma semaphore(%arg12 : memref<!tpu.dma_semaphore, #tpu.memory_space<semaphore_mem>>) src(%dma_wait3A_95 : memref<10000x128xf32, #tpu.memory_space<hbm>>) dst(%arg9 : memref<80x128xf32, #tpu.memory_space<vmem>>)
      %add3A_96 = arith.constant 2 : i32
      %add3A_97 = arith.addi %mul3A_73, %add3A_96 : i32
      %dma_start3A_98 = arith.constant 0 : i32
      %dma_start3A_99 = tpu.memref_slice %arg6[%add3A_97, %dma_start3A_98] : memref<64x80xi32, #tpu.memory_space<vmem>> -> memref<1x80xi32, #tpu.memory_space<vmem>>
      %dma_start3A_100 = tpu.memref_squeeze %dma_start3A_99 : memref<1x80xi32, #tpu.memory_space<vmem>> -> memref<80xi32, #tpu.memory_space<vmem>>
      %dma_start3A_101 = arith.constant 0 : i32
      %dma_start3A_102 = arith.constant 0 : i32
      %dma_start3A_103 = tpu.memref_slice %arg2[%dma_start3A_101, %dma_start3A_102] : memref<10000x128xf32, #tpu.memory_space<hbm>> -> memref<10000x128xf32, #tpu.memory_space<hbm>>
      tpu.enqueue_indirect_dma source(%dma_start3A_103 : memref<10000x128xf32, #tpu.memory_space<hbm>>) target(%arg8 : memref<80x128xf32, #tpu.memory_space<vmem>>) offsets(%dma_start3A_100 : memref<80xi32, #tpu.memory_space<vmem>>) semaphore(%arg11 : memref<!tpu.dma_semaphore, #tpu.memory_space<semaphore_mem>>)
      %add3A_104 = arith.constant 1 : i32
      %add3A_105 = arith.addi %mul3A_73, %add3A_104 : i32
      "tpu.region"() ({
        %run_scoped3A_106 = tpu.sem_alloc : memref<!tpu.dma_semaphore, #tpu.memory_space<semaphore_mem>>
        %dma_start3A_107 = arith.constant 0 : i32
        %dma_start3A_108 = tpu.memref_slice %arg7[%add3A_105, %dma_start3A_107] : memref<64x80xi32, #tpu.memory_space<vmem>> -> memref<1x80xi32, #tpu.memory_space<vmem>>
        %dma_start3A_109 = tpu.memref_squeeze %dma_start3A_108 : memref<1x80xi32, #tpu.memory_space<vmem>> -> memref<80xi32, #tpu.memory_space<vmem>>
        %dma_start3A_110 = arith.constant 0 : i32
        %dma_start3A_111 = arith.constant 0 : i32
        %dma_start3A_112 = tpu.memref_slice %arg10[%dma_start3A_110, %dma_start3A_111] : memref<10112x128xf32, #tpu.memory_space<vmem_shared>> -> memref<10112x128xf32, #tpu.memory_space<vmem_shared>>
        tpu.enqueue_indirect_dma source(%arg9 : memref<80x128xf32, #tpu.memory_space<vmem>>) target(%dma_start3A_112 : memref<10112x128xf32, #tpu.memory_space<vmem_shared>>) offsets(%dma_start3A_109 : memref<80xi32, #tpu.memory_space<vmem>>) semaphore(%run_scoped3A_106 : memref<!tpu.dma_semaphore, #tpu.memory_space<semaphore_mem>>) {add = true}
        %dma_wait3A_113 = arith.constant 0 : i32
        %dma_wait3A_114 = tpu.memref_slice %arg7[%add3A_105, %dma_wait3A_113] : memref<64x80xi32, #tpu.memory_space<vmem>> -> memref<1x80xi32, #tpu.memory_space<vmem>>
        %dma_wait3A_115 = tpu.memref_squeeze %dma_wait3A_114 : memref<1x80xi32, #tpu.memory_space<vmem>> -> memref<80xi32, #tpu.memory_space<vmem>>
        %dma_wait3A_116 = arith.constant 0 : i32
        %dma_wait3A_117 = arith.constant 0 : i32
        %dma_wait3A_118 = tpu.memref_slice %arg10[%dma_wait3A_116, %dma_wait3A_117] : memref<10112x128xf32, #tpu.memory_space<vmem_shared>> -> memref<10112x128xf32, #tpu.memory_space<vmem_shared>>
        tpu.wait_indirect_dma semaphore(%run_scoped3A_106 : memref<!tpu.dma_semaphore, #tpu.memory_space<semaphore_mem>>) src(%arg9 : memref<80x128xf32, #tpu.memory_space<vmem>>) dst(%dma_wait3A_118 : memref<10112x128xf32, #tpu.memory_space<vmem_shared>>)
        tpu.yield
      }) : () -> ()
    }
    %scan3A_57 = arith.constant 30 : i32
    %dma_wait3A_58 = arith.constant 0 : i32
    %dma_wait3A_59 = arith.constant 0 : i32
    %dma_wait3A_60 = tpu.memref_slice %arg6[%dma_wait3A_58, %dma_wait3A_59] : memref<64x80xi32, #tpu.memory_space<vmem>> -> memref<1x80xi32, #tpu.memory_space<vmem>>
    %dma_wait3A_61 = tpu.memref_squeeze %dma_wait3A_60 : memref<1x80xi32, #tpu.memory_space<vmem>> -> memref<80xi32, #tpu.memory_space<vmem>>
    %dma_wait3A_62 = arith.constant 0 : i32
    %dma_wait3A_63 = arith.constant 0 : i32
    %dma_wait3A_64 = tpu.memref_slice %arg2[%dma_wait3A_62, %dma_wait3A_63] : memref<10000x128xf32, #tpu.memory_space<hbm>> -> memref<10000x128xf32, #tpu.memory_space<hbm>>
    tpu.wait_indirect_dma semaphore(%arg11 : memref<!tpu.dma_semaphore, #tpu.memory_space<semaphore_mem>>) src(%dma_wait3A_64 : memref<10000x128xf32, #tpu.memory_space<hbm>>) dst(%arg8 : memref<80x128xf32, #tpu.memory_space<vmem>>)
    %run_scoped3A_65 = arith.constant 60 : i32
    "tpu.region"() ({
      %run_scoped3A_67 = tpu.sem_alloc : memref<!tpu.dma_semaphore, #tpu.memory_space<semaphore_mem>>
      %dma_start3A_68 = arith.constant 0 : i32
      %dma_start3A_69 = tpu.memref_slice %arg7[%run_scoped3A_65, %dma_start3A_68] : memref<64x80xi32, #tpu.memory_space<vmem>> -> memref<1x80xi32, #tpu.memory_space<vmem>>
      %dma_start3A_70 = tpu.memref_squeeze %dma_start3A_69 : memref<1x80xi32, #tpu.memory_space<vmem>> -> memref<80xi32, #tpu.memory_space<vmem>>
      %dma_start3A_71 = arith.constant 0 : i32
      %dma_start3A_72 = arith.constant 0 : i32
      %dma_start3A_73 = tpu.memref_slice %arg10[%dma_start3A_71, %dma_start3A_72] : memref<10112x128xf32, #tpu.memory_space<vmem_shared>> -> memref<10112x128xf32, #tpu.memory_space<vmem_shared>>
      tpu.enqueue_indirect_dma source(%arg8 : memref<80x128xf32, #tpu.memory_space<vmem>>) target(%dma_start3A_73 : memref<10112x128xf32, #tpu.memory_space<vmem_shared>>) offsets(%dma_start3A_70 : memref<80xi32, #tpu.memory_space<vmem>>) semaphore(%run_scoped3A_67 : memref<!tpu.dma_semaphore, #tpu.memory_space<semaphore_mem>>) {add = true}
      %dma_wait3A_74 = arith.constant 0 : i32
      %dma_wait3A_75 = tpu.memref_slice %arg7[%run_scoped3A_65, %dma_wait3A_74] : memref<64x80xi32, #tpu.memory_space<vmem>> -> memref<1x80xi32, #tpu.memory_space<vmem>>
      %dma_wait3A_76 = tpu.memref_squeeze %dma_wait3A_75 : memref<1x80xi32, #tpu.memory_space<vmem>> -> memref<80xi32, #tpu.memory_space<vmem>>
      %dma_wait3A_77 = arith.constant 0 : i32
      %dma_wait3A_78 = arith.constant 0 : i32
      %dma_wait3A_79 = tpu.memref_slice %arg10[%dma_wait3A_77, %dma_wait3A_78] : memref<10112x128xf32, #tpu.memory_space<vmem_shared>> -> memref<10112x128xf32, #tpu.memory_space<vmem_shared>>
      tpu.wait_indirect_dma semaphore(%run_scoped3A_67 : memref<!tpu.dma_semaphore, #tpu.memory_space<semaphore_mem>>) src(%arg8 : memref<80x128xf32, #tpu.memory_space<vmem>>) dst(%dma_wait3A_79 : memref<10112x128xf32, #tpu.memory_space<vmem_shared>>)
      tpu.yield
    }) : () -> ()
    %barrier3A_66 = arith.constant 0 : index
    tpu.barrier barrier_id(%barrier3A_66)
    "tpu.region"() ({
      %run_scoped3A_67 = tpu.sem_alloc : memref<!tpu.dma_semaphore, #tpu.memory_space<semaphore_mem>>
      %dma_start3A_68 = arith.constant 0 : i32
      %dma_start3A_69 = tpu.memref_slice %arg5[%arg0, %mul3A_6, %dma_start3A_68] : memref<2x10112x128xf32, #tpu.memory_space<hbm>> -> memref<1x632x128xf32, #tpu.memory_space<hbm>>
      %dma_start3A_70 = tpu.memref_squeeze %dma_start3A_69 : memref<1x632x128xf32, #tpu.memory_space<hbm>> -> memref<632x128xf32, #tpu.memory_space<hbm>>
      %dma_start3A_71 = arith.constant 0 : i32
      %dma_start3A_72 = tpu.memref_slice %arg10[%mul3A_6, %dma_start3A_71] : memref<10112x128xf32, #tpu.memory_space<vmem_shared>> -> memref<632x128xf32, #tpu.memory_space<vmem_shared>>
      tpu.enqueue_dma source(%dma_start3A_72 : memref<632x128xf32, #tpu.memory_space<vmem_shared>>) target(%dma_start3A_70 : memref<632x128xf32, #tpu.memory_space<hbm>>) target_semaphore(%run_scoped3A_67 : memref<!tpu.dma_semaphore, #tpu.memory_space<semaphore_mem>>)
      %dma_wait3A_73 = arith.constant 0 : i32
      %dma_wait3A_74 = tpu.memref_slice %arg5[%arg0, %mul3A_6, %dma_wait3A_73] : memref<2x10112x128xf32, #tpu.memory_space<hbm>> -> memref<1x632x128xf32, #tpu.memory_space<hbm>>
      %dma_wait3A_75 = tpu.memref_squeeze %dma_wait3A_74 : memref<1x632x128xf32, #tpu.memory_space<hbm>> -> memref<632x128xf32, #tpu.memory_space<hbm>>
      %dma_wait3A_76 = arith.constant 0 : i32
      %dma_wait3A_77 = tpu.memref_slice %arg10[%mul3A_6, %dma_wait3A_76] : memref<10112x128xf32, #tpu.memory_space<vmem_shared>> -> memref<632x128xf32, #tpu.memory_space<vmem_shared>>
      tpu.wait_dma2 semaphore(%run_scoped3A_67 : memref<!tpu.dma_semaphore, #tpu.memory_space<semaphore_mem>>) src(%dma_wait3A_77 : memref<632x128xf32, #tpu.memory_space<vmem_shared>>) dst(%dma_wait3A_75 : memref<632x128xf32, #tpu.memory_space<hbm>>)
      tpu.yield
    }) : () -> ()
    return
  }
}

module attributes {stable_mosaic.version = 14 : i64} {
  func.func @_tc_layer_body(%arg0: i32, %arg1: memref<1000x128xf32, #tpu.memory_space<vmem>>, %arg2: memref<2x1000x128xf32, #tpu.memory_space<vmem>>, %arg3: memref<128x128xf32, #tpu.memory_space<vmem>>, %arg4: memref<1x128xf32, #tpu.memory_space<vmem>>, %arg5: memref<1x128xf32, #tpu.memory_space<vmem>>, %arg6: memref<1x128xf32, #tpu.memory_space<vmem>>, %arg7: memref<128x128xf32, #tpu.memory_space<vmem>>, %arg8: memref<1x128xf32, #tpu.memory_space<vmem>>, %arg9: memref<1x128xf32, #tpu.memory_space<vmem>>, %arg10: memref<1x128xf32, #tpu.memory_space<vmem>>, %arg11: memref<1x1xf32, #tpu.memory_space<vmem>>, %arg12: memref<1x128xf32, #tpu.memory_space<vmem>>, %arg13: memref<1x128xf32, #tpu.memory_space<vmem>>, %arg14: memref<1000x128xf32, #tpu.memory_space<vmem>>, %arg15: memref<1x128xf32, #tpu.memory_space<vmem>>, %arg16: memref<1x128xf32, #tpu.memory_space<vmem>>) attributes {dimension_semantics = [#tpu.dimension_semantics<arbitrary>], iteration_bounds = array<i64: 10>, scalar_prefetch = 0 : i64, scratch_operands = 0 : i64, tpu.core_type = #tpu.core_type<tc>, window_params = [{transform_indices = @transform_0, window_bounds = array<i64: 1000, 128>}, {transform_indices = @transform_1, window_bounds = array<i64: 2, 1000, 128>}, {pipeline_mode = #tpu.pipeline_mode<synchronous>, transform_indices = @transform_2, window_bounds = array<i64: 128, 128>}, {pipeline_mode = #tpu.pipeline_mode<synchronous>, transform_indices = @transform_3, window_bounds = array<i64: 1, 128>}, {pipeline_mode = #tpu.pipeline_mode<synchronous>, transform_indices = @transform_4, window_bounds = array<i64: 1, 128>}, {pipeline_mode = #tpu.pipeline_mode<synchronous>, transform_indices = @transform_5, window_bounds = array<i64: 1, 128>}, {pipeline_mode = #tpu.pipeline_mode<synchronous>, transform_indices = @transform_6, window_bounds = array<i64: 128, 128>}, {pipeline_mode = #tpu.pipeline_mode<synchronous>, transform_indices = @transform_7, window_bounds = array<i64: 1, 128>}, {pipeline_mode = #tpu.pipeline_mode<synchronous>, transform_indices = @transform_8, window_bounds = array<i64: 1, 128>}, {pipeline_mode = #tpu.pipeline_mode<synchronous>, transform_indices = @transform_9, window_bounds = array<i64: 1, 128>}, {pipeline_mode = #tpu.pipeline_mode<synchronous>, transform_indices = @transform_10, window_bounds = array<i64: 1, 1>}, {pipeline_mode = #tpu.pipeline_mode<synchronous>, transform_indices = @transform_11, window_bounds = array<i64: 1, 128>}, {pipeline_mode = #tpu.pipeline_mode<synchronous>, transform_indices = @transform_12, window_bounds = array<i64: 1, 128>}, {transform_indices = @transform_13, window_bounds = array<i64: 1000, 128>}, {pipeline_mode = #tpu.pipeline_mode<synchronous>, transform_indices = @transform_14, window_bounds = array<i64: 1, 128>}, {pipeline_mode = #tpu.pipeline_mode<synchronous>, transform_indices = @transform_15, window_bounds = array<i64: 1, 128>}]} {
    %get3A = arith.constant 0 : index
    %get3A_0 = arith.constant 0 : index
    %get3A_1 = vector.load %arg11[%get3A, %get3A_0] : memref<1x1xf32, #tpu.memory_space<vmem>>, vector<1x1xf32>
    %get3A_2 = vector.extract %get3A_1[0, 0] : f32 from vector<1x1xf32>
    %add3A = arith.constant 1.000000e+00 : f32
    %add3A_3 = arith.addf %add3A, %get3A_2 : f32
    %get3A_4 = arith.constant 0 : index
    %get3A_5 = arith.constant 0 : index
    %get3A_6 = vector.load %arg1[%get3A_4, %get3A_5] : memref<1000x128xf32, #tpu.memory_space<vmem>>, vector<1000x128xf32>
    %mul3A = vector.broadcast %add3A_3 : f32 to vector<1000x128xf32>
    %mul3A_7 = arith.mulf %mul3A, %get3A_6 : vector<1000x128xf32>
    %get3A_8 = arith.constant 0 : index
    %get3A_9 = arith.constant 0 : index
    %get3A_10 = arith.constant 0 : index
    %get3A_11 = vector.load %arg2[%get3A_8, %get3A_9, %get3A_10] : memref<2x1000x128xf32, #tpu.memory_space<vmem>>, vector<1x1000x128xf32>
    %get3A_12 = vector.shape_cast %get3A_11 : vector<1x1000x128xf32> to vector<1000x128xf32>
    %add3A_13 = arith.addf %mul3A_7, %get3A_12 : vector<1000x128xf32>
    %get3A_14 = arith.constant 1 : index
    %get3A_15 = arith.constant 0 : index
    %get3A_16 = arith.constant 0 : index
    %get3A_17 = vector.load %arg2[%get3A_14, %get3A_15, %get3A_16] : memref<2x1000x128xf32, #tpu.memory_space<vmem>>, vector<1x1000x128xf32>
    %get3A_18 = vector.shape_cast %get3A_17 : vector<1x1000x128xf32> to vector<1000x128xf32>
    %add3A_19 = arith.addf %add3A_13, %get3A_18 : vector<1000x128xf32>
    %get3A_20 = arith.constant 0 : index
    %get3A_21 = arith.constant 0 : index
    %get3A_22 = vector.load %arg3[%get3A_20, %get3A_21] : memref<128x128xf32, #tpu.memory_space<vmem>>, vector<128x128xf32>
    %dot_general3A = arith.constant dense<0.000000e+00> : vector<1000x128xf32>
    %dot_general3A_23 = tpu.matmul %add3A_19, %get3A_22, %dot_general3A {dimension_numbers = #tpu.dot_dimension_numbers<[1], [0], [0], [1], [0, 0, 1, 1], [], []>, precision = #tpu.contract_precision<fp32>, transpose_lhs_hint = false} : vector<1000x128xf32>, vector<128x128xf32>, vector<1000x128xf32> -> vector<1000x128xf32>
    %get3A_24 = arith.constant 0 : index
    %get3A_25 = arith.constant 0 : index
    %get3A_26 = vector.load %arg4[%get3A_24, %get3A_25] : memref<1x128xf32, #tpu.memory_space<vmem>>, vector<1x128xf32>
    %add3A_27 = vector.broadcast %get3A_26 : vector<1x128xf32> to vector<1000x128xf32>
    %add3A_28 = arith.addf %dot_general3A_23, %add3A_27 : vector<1000x128xf32>
    %get3A_29 = arith.constant 0 : index
    %get3A_30 = arith.constant 0 : index
    %get3A_31 = vector.load %arg5[%get3A_29, %get3A_30] : memref<1x128xf32, #tpu.memory_space<vmem>>, vector<1x128xf32>
    %get3A_32 = arith.constant 0 : index
    %get3A_33 = arith.constant 0 : index
    %get3A_34 = vector.load %arg6[%get3A_32, %get3A_33] : memref<1x128xf32, #tpu.memory_space<vmem>>, vector<1x128xf32>
    %reduce_sum3A = arith.constant dense<0.000000e+00> : vector<1000xf32>
    %reduce_sum3A_35 = vector.multi_reduction <add>, %add3A_28, %reduce_sum3A [1] : vector<1000x128xf32> to vector<1000xf32>
    %broadcast_in_dim3A = vector.shape_cast %reduce_sum3A_35 : vector<1000xf32> to vector<1000x1xf32>
    %div3A = arith.constant 1.280000e+02 : f32
    %div3A_36 = vector.broadcast %div3A : f32 to vector<1000x1xf32>
    %div3A_37 = arith.divf %broadcast_in_dim3A, %div3A_36 : vector<1000x1xf32>
    %sub3A = vector.broadcast %div3A_37 : vector<1000x1xf32> to vector<1000x128xf32>
    %sub3A_38 = arith.subf %add3A_28, %sub3A : vector<1000x128xf32>
    %integer_pow3A = arith.mulf %sub3A_38, %sub3A_38 : vector<1000x128xf32>
    %reduce_sum3A_39 = arith.constant dense<0.000000e+00> : vector<1000xf32>
    %reduce_sum3A_40 = vector.multi_reduction <add>, %integer_pow3A, %reduce_sum3A_39 [1] : vector<1000x128xf32> to vector<1000xf32>
    %broadcast_in_dim3A_41 = vector.shape_cast %reduce_sum3A_40 : vector<1000xf32> to vector<1000x1xf32>
    %div3A_42 = arith.constant 1.280000e+02 : f32
    %div3A_43 = vector.broadcast %div3A_42 : f32 to vector<1000x1xf32>
    %div3A_44 = arith.divf %broadcast_in_dim3A_41, %div3A_43 : vector<1000x1xf32>
    %sub3A_45 = vector.broadcast %div3A_37 : vector<1000x1xf32> to vector<1000x128xf32>
    %sub3A_46 = arith.subf %add3A_28, %sub3A_45 : vector<1000x128xf32>
    %add3A_47 = arith.constant 9.99999974E-6 : f32
    %add3A_48 = vector.broadcast %add3A_47 : f32 to vector<1000x1xf32>
    %add3A_49 = arith.addf %div3A_44, %add3A_48 : vector<1000x1xf32>
    %sqrt3A = math.sqrt %add3A_49 : vector<1000x1xf32>
    %div3A_50 = vector.broadcast %sqrt3A : vector<1000x1xf32> to vector<1000x128xf32>
    %div3A_51 = arith.divf %sub3A_46, %div3A_50 : vector<1000x128xf32>
    %mul3A_52 = vector.broadcast %get3A_31 : vector<1x128xf32> to vector<1000x128xf32>
    %mul3A_53 = arith.mulf %div3A_51, %mul3A_52 : vector<1000x128xf32>
    %add3A_54 = vector.broadcast %get3A_34 : vector<1x128xf32> to vector<1000x128xf32>
    %add3A_55 = arith.addf %mul3A_53, %add3A_54 : vector<1000x128xf32>
    %max3A = arith.constant 0.000000e+00 : f32
    %max3A_56 = vector.broadcast %max3A : f32 to vector<1000x128xf32>
    %max3A_57 = arith.maximumf %add3A_55, %max3A_56 : vector<1000x128xf32>
    %get3A_58 = arith.constant 0 : index
    %get3A_59 = arith.constant 0 : index
    %get3A_60 = vector.load %arg7[%get3A_58, %get3A_59] : memref<128x128xf32, #tpu.memory_space<vmem>>, vector<128x128xf32>
    %dot_general3A_61 = arith.constant dense<0.000000e+00> : vector<1000x128xf32>
    %dot_general3A_62 = tpu.matmul %max3A_57, %get3A_60, %dot_general3A_61 {dimension_numbers = #tpu.dot_dimension_numbers<[1], [0], [0], [1], [0, 0, 1, 1], [], []>, precision = #tpu.contract_precision<fp32>, transpose_lhs_hint = false} : vector<1000x128xf32>, vector<128x128xf32>, vector<1000x128xf32> -> vector<1000x128xf32>
    %get3A_63 = arith.constant 0 : index
    %get3A_64 = arith.constant 0 : index
    %get3A_65 = vector.load %arg8[%get3A_63, %get3A_64] : memref<1x128xf32, #tpu.memory_space<vmem>>, vector<1x128xf32>
    %add3A_66 = vector.broadcast %get3A_65 : vector<1x128xf32> to vector<1000x128xf32>
    %add3A_67 = arith.addf %dot_general3A_62, %add3A_66 : vector<1000x128xf32>
    %get3A_68 = arith.constant 0 : index
    %get3A_69 = arith.constant 0 : index
    %get3A_70 = vector.load %arg9[%get3A_68, %get3A_69] : memref<1x128xf32, #tpu.memory_space<vmem>>, vector<1x128xf32>
    %get3A_71 = arith.constant 0 : index
    %get3A_72 = arith.constant 0 : index
    %get3A_73 = vector.load %arg10[%get3A_71, %get3A_72] : memref<1x128xf32, #tpu.memory_space<vmem>>, vector<1x128xf32>
    %reduce_sum3A_74 = arith.constant dense<0.000000e+00> : vector<1000xf32>
    %reduce_sum3A_75 = vector.multi_reduction <add>, %add3A_67, %reduce_sum3A_74 [1] : vector<1000x128xf32> to vector<1000xf32>
    %broadcast_in_dim3A_76 = vector.shape_cast %reduce_sum3A_75 : vector<1000xf32> to vector<1000x1xf32>
    %div3A_77 = arith.constant 1.280000e+02 : f32
    %div3A_78 = vector.broadcast %div3A_77 : f32 to vector<1000x1xf32>
    %div3A_79 = arith.divf %broadcast_in_dim3A_76, %div3A_78 : vector<1000x1xf32>
    %sub3A_80 = vector.broadcast %div3A_79 : vector<1000x1xf32> to vector<1000x128xf32>
    %sub3A_81 = arith.subf %add3A_67, %sub3A_80 : vector<1000x128xf32>
    %integer_pow3A_82 = arith.mulf %sub3A_81, %sub3A_81 : vector<1000x128xf32>
    %reduce_sum3A_83 = arith.constant dense<0.000000e+00> : vector<1000xf32>
    %reduce_sum3A_84 = vector.multi_reduction <add>, %integer_pow3A_82, %reduce_sum3A_83 [1] : vector<1000x128xf32> to vector<1000xf32>
    %broadcast_in_dim3A_85 = vector.shape_cast %reduce_sum3A_84 : vector<1000xf32> to vector<1000x1xf32>
    %div3A_86 = arith.constant 1.280000e+02 : f32
    %div3A_87 = vector.broadcast %div3A_86 : f32 to vector<1000x1xf32>
    %div3A_88 = arith.divf %broadcast_in_dim3A_85, %div3A_87 : vector<1000x1xf32>
    %sub3A_89 = vector.broadcast %div3A_79 : vector<1000x1xf32> to vector<1000x128xf32>
    %sub3A_90 = arith.subf %add3A_67, %sub3A_89 : vector<1000x128xf32>
    %add3A_91 = arith.constant 9.99999974E-6 : f32
    %add3A_92 = vector.broadcast %add3A_91 : f32 to vector<1000x1xf32>
    %add3A_93 = arith.addf %div3A_88, %add3A_92 : vector<1000x1xf32>
    %sqrt3A_94 = math.sqrt %add3A_93 : vector<1000x1xf32>
    %div3A_95 = vector.broadcast %sqrt3A_94 : vector<1000x1xf32> to vector<1000x128xf32>
    %div3A_96 = arith.divf %sub3A_90, %div3A_95 : vector<1000x128xf32>
    %mul3A_97 = vector.broadcast %get3A_70 : vector<1x128xf32> to vector<1000x128xf32>
    %mul3A_98 = arith.mulf %div3A_96, %mul3A_97 : vector<1000x128xf32>
    %add3A_99 = vector.broadcast %get3A_73 : vector<1x128xf32> to vector<1000x128xf32>
    %add3A_100 = arith.addf %mul3A_98, %add3A_99 : vector<1000x128xf32>
    %max3A_101 = arith.constant 0.000000e+00 : f32
    %max3A_102 = vector.broadcast %max3A_101 : f32 to vector<1000x128xf32>
    %max3A_103 = arith.maximumf %add3A_100, %max3A_102 : vector<1000x128xf32>
    %get3A_104 = arith.constant 0 : index
    %get3A_105 = arith.constant 0 : index
    %get3A_106 = vector.load %arg12[%get3A_104, %get3A_105] : memref<1x128xf32, #tpu.memory_space<vmem>>, vector<1x128xf32>
    %get3A_107 = arith.constant 0 : index
    %get3A_108 = arith.constant 0 : index
    %get3A_109 = vector.load %arg13[%get3A_107, %get3A_108] : memref<1x128xf32, #tpu.memory_space<vmem>>, vector<1x128xf32>
    %reduce_sum3A_110 = arith.constant dense<0.000000e+00> : vector<1000xf32>
    %reduce_sum3A_111 = vector.multi_reduction <add>, %max3A_103, %reduce_sum3A_110 [1] : vector<1000x128xf32> to vector<1000xf32>
    %broadcast_in_dim3A_112 = vector.shape_cast %reduce_sum3A_111 : vector<1000xf32> to vector<1000x1xf32>
    %div3A_113 = arith.constant 1.280000e+02 : f32
    %div3A_114 = vector.broadcast %div3A_113 : f32 to vector<1000x1xf32>
    %div3A_115 = arith.divf %broadcast_in_dim3A_112, %div3A_114 : vector<1000x1xf32>
    %sub3A_116 = vector.broadcast %div3A_115 : vector<1000x1xf32> to vector<1000x128xf32>
    %sub3A_117 = arith.subf %max3A_103, %sub3A_116 : vector<1000x128xf32>
    %integer_pow3A_118 = arith.mulf %sub3A_117, %sub3A_117 : vector<1000x128xf32>
    %reduce_sum3A_119 = arith.constant dense<0.000000e+00> : vector<1000xf32>
    %reduce_sum3A_120 = vector.multi_reduction <add>, %integer_pow3A_118, %reduce_sum3A_119 [1] : vector<1000x128xf32> to vector<1000xf32>
    %broadcast_in_dim3A_121 = vector.shape_cast %reduce_sum3A_120 : vector<1000xf32> to vector<1000x1xf32>
    %div3A_122 = arith.constant 1.280000e+02 : f32
    %div3A_123 = vector.broadcast %div3A_122 : f32 to vector<1000x1xf32>
    %div3A_124 = arith.divf %broadcast_in_dim3A_121, %div3A_123 : vector<1000x1xf32>
    %sub3A_125 = vector.broadcast %div3A_115 : vector<1000x1xf32> to vector<1000x128xf32>
    %sub3A_126 = arith.subf %max3A_103, %sub3A_125 : vector<1000x128xf32>
    %add3A_127 = arith.constant 9.99999974E-6 : f32
    %add3A_128 = vector.broadcast %add3A_127 : f32 to vector<1000x1xf32>
    %add3A_129 = arith.addf %div3A_124, %add3A_128 : vector<1000x1xf32>
    %sqrt3A_130 = math.sqrt %add3A_129 : vector<1000x1xf32>
    %div3A_131 = vector.broadcast %sqrt3A_130 : vector<1000x1xf32> to vector<1000x128xf32>
    %div3A_132 = arith.divf %sub3A_126, %div3A_131 : vector<1000x128xf32>
    %mul3A_133 = vector.broadcast %get3A_106 : vector<1x128xf32> to vector<1000x128xf32>
    %mul3A_134 = arith.mulf %div3A_132, %mul3A_133 : vector<1000x128xf32>
    %add3A_135 = vector.broadcast %get3A_109 : vector<1x128xf32> to vector<1000x128xf32>
    %add3A_136 = arith.addf %mul3A_134, %add3A_135 : vector<1000x128xf32>
    %max3A_137 = arith.constant 0.000000e+00 : f32
    %max3A_138 = vector.broadcast %max3A_137 : f32 to vector<1000x128xf32>
    %max3A_139 = arith.maximumf %add3A_136, %max3A_138 : vector<1000x128xf32>
    %swap3A = arith.constant 0 : index
    %swap3A_140 = arith.constant 0 : index
    %swap3A_141 = vector.load %arg14[%swap3A, %swap3A_140] : memref<1000x128xf32, #tpu.memory_space<vmem>>, vector<1000x128xf32>
    tpu.vector_store %arg14[%swap3A, %swap3A_140], %max3A_139 {strides = array<i32>} : memref<1000x128xf32, #tpu.memory_space<vmem>>, vector<1000x128xf32>,
    %reduce_sum3A_142 = arith.constant dense<0.000000e+00> : vector<128xf32>
    %reduce_sum3A_143 = vector.multi_reduction <add>, %max3A_139, %reduce_sum3A_142 [0] : vector<1000x128xf32> to vector<128xf32>
    %broadcast_in_dim3A_144 = vector.shape_cast %reduce_sum3A_143 : vector<128xf32> to vector<1x128xf32>
    %reduce_max3A = arith.constant dense<0xFF800000> : vector<128xf32>
    %reduce_max3A_145 = vector.multi_reduction <maximumf>, %max3A_139, %reduce_max3A [0] : vector<1000x128xf32> to vector<128xf32>
    %broadcast_in_dim3A_146 = vector.shape_cast %reduce_max3A_145 : vector<128xf32> to vector<1x128xf32>
    %eq3A = arith.constant 0 : i32
    %eq3A_147 = arith.cmpi eq, %arg0, %eq3A : i32
    %convert_element_type3A = arith.extui %eq3A_147 : i1 to i32
    %cond3A = arith.constant 0 : i32
    %cond3A_148 = arith.cmpi ne, %convert_element_type3A, %cond3A : i32
    scf.if %cond3A_148 {
      %swap3A_153 = arith.constant 0 : index
      %swap3A_154 = arith.constant 0 : index
      %swap3A_155 = vector.load %arg15[%swap3A_153, %swap3A_154] : memref<1x128xf32, #tpu.memory_space<vmem>>, vector<1x128xf32>
      tpu.vector_store %arg15[%swap3A_153, %swap3A_154], %broadcast_in_dim3A_144 {strides = array<i32>} : memref<1x128xf32, #tpu.memory_space<vmem>>, vector<1x128xf32>,
      %swap3A_156 = arith.constant 0 : index
      %swap3A_157 = arith.constant 0 : index
      %swap3A_158 = vector.load %arg16[%swap3A_156, %swap3A_157] : memref<1x128xf32, #tpu.memory_space<vmem>>, vector<1x128xf32>
      tpu.vector_store %arg16[%swap3A_156, %swap3A_157], %broadcast_in_dim3A_146 {strides = array<i32>} : memref<1x128xf32, #tpu.memory_space<vmem>>, vector<1x128xf32>,
    } else {
    }
    %ne3A = arith.constant 0 : i32
    %ne3A_149 = arith.cmpi ne, %arg0, %ne3A : i32
    %convert_element_type3A_150 = arith.extui %ne3A_149 : i1 to i32
    %cond3A_151 = arith.constant 0 : i32
    %cond3A_152 = arith.cmpi ne, %convert_element_type3A_150, %cond3A_151 : i32
    scf.if %cond3A_152 {
      %get3A_153 = arith.constant 0 : index
      %get3A_154 = arith.constant 0 : index
      %get3A_155 = vector.load %arg15[%get3A_153, %get3A_154] : memref<1x128xf32, #tpu.memory_space<vmem>>, vector<1x128xf32>
      %add3A_156 = arith.addf %get3A_155, %broadcast_in_dim3A_144 : vector<1x128xf32>
      %swap3A_157 = arith.constant 0 : index
      %swap3A_158 = arith.constant 0 : index
      %swap3A_159 = vector.load %arg15[%swap3A_157, %swap3A_158] : memref<1x128xf32, #tpu.memory_space<vmem>>, vector<1x128xf32>
      tpu.vector_store %arg15[%swap3A_157, %swap3A_158], %add3A_156 {strides = array<i32>} : memref<1x128xf32, #tpu.memory_space<vmem>>, vector<1x128xf32>,
      %get3A_160 = arith.constant 0 : index
      %get3A_161 = arith.constant 0 : index
      %get3A_162 = vector.load %arg16[%get3A_160, %get3A_161] : memref<1x128xf32, #tpu.memory_space<vmem>>, vector<1x128xf32>
      %max3A_163 = arith.maximumf %get3A_162, %broadcast_in_dim3A_146 : vector<1x128xf32>
      %swap3A_164 = arith.constant 0 : index
      %swap3A_165 = arith.constant 0 : index
      %swap3A_166 = vector.load %arg16[%swap3A_164, %swap3A_165] : memref<1x128xf32, #tpu.memory_space<vmem>>, vector<1x128xf32>
      tpu.vector_store %arg16[%swap3A_164, %swap3A_165], %max3A_163 {strides = array<i32>} : memref<1x128xf32, #tpu.memory_space<vmem>>, vector<1x128xf32>,
    } else {
    }
    return
  }
  func.func @transform_0(%arg0: i32) -> (i32, i32) {
    %c0_i32 = arith.constant 0 : i32
    %c0_i32_0 = arith.constant 0 : i32
    return %arg0, %c0_i32 : i32, i32
  }
  func.func @transform_1(%arg0: i32) -> (i32, i32, i32) {
    %c0_i32 = arith.constant 0 : i32
    %c0_i32_0 = arith.constant 0 : i32
    %c0_i32_1 = arith.constant 0 : i32
    return %c0_i32, %arg0, %c0_i32_0 : i32, i32, i32
  }
  func.func @transform_2(%arg0: i32) -> (i32, i32) {
    %c0_i32 = arith.constant 0 : i32
    %c0_i32_0 = arith.constant 0 : i32
    %c0_i32_1 = arith.constant 0 : i32
    return %c0_i32, %c0_i32_0 : i32, i32
  }
  func.func @transform_3(%arg0: i32) -> (i32, i32) {
    %c0_i32 = arith.constant 0 : i32
    %c0_i32_0 = arith.constant 0 : i32
    %c0_i32_1 = arith.constant 0 : i32
    return %c0_i32, %c0_i32_0 : i32, i32
  }
  func.func @transform_4(%arg0: i32) -> (i32, i32) {
    %c0_i32 = arith.constant 0 : i32
    %c0_i32_0 = arith.constant 0 : i32
    %c0_i32_1 = arith.constant 0 : i32
    return %c0_i32, %c0_i32_0 : i32, i32
  }
  func.func @transform_5(%arg0: i32) -> (i32, i32) {
    %c0_i32 = arith.constant 0 : i32
    %c0_i32_0 = arith.constant 0 : i32
    %c0_i32_1 = arith.constant 0 : i32
    return %c0_i32, %c0_i32_0 : i32, i32
  }
  func.func @transform_6(%arg0: i32) -> (i32, i32) {
    %c0_i32 = arith.constant 0 : i32
    %c0_i32_0 = arith.constant 0 : i32
    %c0_i32_1 = arith.constant 0 : i32
    return %c0_i32, %c0_i32_0 : i32, i32
  }
  func.func @transform_7(%arg0: i32) -> (i32, i32) {
    %c0_i32 = arith.constant 0 : i32
    %c0_i32_0 = arith.constant 0 : i32
    %c0_i32_1 = arith.constant 0 : i32
    return %c0_i32, %c0_i32_0 : i32, i32
  }
  func.func @transform_8(%arg0: i32) -> (i32, i32) {
    %c0_i32 = arith.constant 0 : i32
    %c0_i32_0 = arith.constant 0 : i32
    %c0_i32_1 = arith.constant 0 : i32
    return %c0_i32, %c0_i32_0 : i32, i32
  }
  func.func @transform_9(%arg0: i32) -> (i32, i32) {
    %c0_i32 = arith.constant 0 : i32
    %c0_i32_0 = arith.constant 0 : i32
    %c0_i32_1 = arith.constant 0 : i32
    return %c0_i32, %c0_i32_0 : i32, i32
  }
  func.func @transform_10(%arg0: i32) -> (i32, i32) {
    %c0_i32 = arith.constant 0 : i32
    %c0_i32_0 = arith.constant 0 : i32
    %c0_i32_1 = arith.constant 0 : i32
    return %c0_i32, %c0_i32_0 : i32, i32
  }
  func.func @transform_11(%arg0: i32) -> (i32, i32) {
    %c0_i32 = arith.constant 0 : i32
    %c0_i32_0 = arith.constant 0 : i32
    %c0_i32_1 = arith.constant 0 : i32
    return %c0_i32, %c0_i32_0 : i32, i32
  }
  func.func @transform_12(%arg0: i32) -> (i32, i32) {
    %c0_i32 = arith.constant 0 : i32
    %c0_i32_0 = arith.constant 0 : i32
    %c0_i32_1 = arith.constant 0 : i32
    return %c0_i32, %c0_i32_0 : i32, i32
  }
  func.func @transform_13(%arg0: i32) -> (i32, i32) {
    %c0_i32 = arith.constant 0 : i32
    %c0_i32_0 = arith.constant 0 : i32
    return %arg0, %c0_i32 : i32, i32
  }
  func.func @transform_14(%arg0: i32) -> (i32, i32) {
    %c0_i32 = arith.constant 0 : i32
    %c0_i32_0 = arith.constant 0 : i32
    %c0_i32_1 = arith.constant 0 : i32
    return %c0_i32, %c0_i32_0 : i32, i32
  }
  func.func @transform_15(%arg0: i32) -> (i32, i32) {
    %c0_i32 = arith.constant 0 : i32
    %c0_i32_0 = arith.constant 0 : i32
    %c0_i32_1 = arith.constant 0 : i32
    return %c0_i32, %c0_i32_0 : i32, i32
  }
}

module attributes {stable_mosaic.version = 14 : i64} {
  func.func @_tc_layer_body(%arg0: i32, %arg1: memref<1000x128xf32, #tpu.memory_space<vmem>>, %arg2: memref<2x1000x128xf32, #tpu.memory_space<vmem>>, %arg3: memref<128x128xf32, #tpu.memory_space<vmem>>, %arg4: memref<1x128xf32, #tpu.memory_space<vmem>>, %arg5: memref<1x128xf32, #tpu.memory_space<vmem>>, %arg6: memref<1x128xf32, #tpu.memory_space<vmem>>, %arg7: memref<128x128xf32, #tpu.memory_space<vmem>>, %arg8: memref<1x128xf32, #tpu.memory_space<vmem>>, %arg9: memref<1x128xf32, #tpu.memory_space<vmem>>, %arg10: memref<1x128xf32, #tpu.memory_space<vmem>>, %arg11: memref<1x1xf32, #tpu.memory_space<vmem>>, %arg12: memref<1x128xf32, #tpu.memory_space<vmem>>, %arg13: memref<1x128xf32, #tpu.memory_space<vmem>>, %arg14: memref<1000x128xf32, #tpu.memory_space<vmem>>, %arg15: memref<1x128xf32, #tpu.memory_space<vmem>>, %arg16: memref<1x128xf32, #tpu.memory_space<vmem>>) attributes {dimension_semantics = [#tpu.dimension_semantics<arbitrary>], iteration_bounds = array<i64: 10>, scalar_prefetch = 0 : i64, scratch_operands = 0 : i64, tpu.core_type = #tpu.core_type<tc>, window_params = [{transform_indices = @transform_0, window_bounds = array<i64: 1000, 128>}, {transform_indices = @transform_1, window_bounds = array<i64: 2, 1000, 128>}, {pipeline_mode = #tpu.pipeline_mode<synchronous>, transform_indices = @transform_2, window_bounds = array<i64: 128, 128>}, {pipeline_mode = #tpu.pipeline_mode<synchronous>, transform_indices = @transform_3, window_bounds = array<i64: 1, 128>}, {pipeline_mode = #tpu.pipeline_mode<synchronous>, transform_indices = @transform_4, window_bounds = array<i64: 1, 128>}, {pipeline_mode = #tpu.pipeline_mode<synchronous>, transform_indices = @transform_5, window_bounds = array<i64: 1, 128>}, {pipeline_mode = #tpu.pipeline_mode<synchronous>, transform_indices = @transform_6, window_bounds = array<i64: 128, 128>}, {pipeline_mode = #tpu.pipeline_mode<synchronous>, transform_indices = @transform_7, window_bounds = array<i64: 1, 128>}, {pipeline_mode = #tpu.pipeline_mode<synchronous>, transform_indices = @transform_8, window_bounds = array<i64: 1, 128>}, {pipeline_mode = #tpu.pipeline_mode<synchronous>, transform_indices = @transform_9, window_bounds = array<i64: 1, 128>}, {pipeline_mode = #tpu.pipeline_mode<synchronous>, transform_indices = @transform_10, window_bounds = array<i64: 1, 1>}, {pipeline_mode = #tpu.pipeline_mode<synchronous>, transform_indices = @transform_11, window_bounds = array<i64: 1, 128>}, {pipeline_mode = #tpu.pipeline_mode<synchronous>, transform_indices = @transform_12, window_bounds = array<i64: 1, 128>}, {transform_indices = @transform_13, window_bounds = array<i64: 1000, 128>}, {pipeline_mode = #tpu.pipeline_mode<synchronous>, transform_indices = @transform_14, window_bounds = array<i64: 1, 128>}, {pipeline_mode = #tpu.pipeline_mode<synchronous>, transform_indices = @transform_15, window_bounds = array<i64: 1, 128>}]} {
    %get3A = arith.constant 0 : index
    %get3A_0 = arith.constant 0 : index
    %get3A_1 = vector.load %arg11[%get3A, %get3A_0] : memref<1x1xf32, #tpu.memory_space<vmem>>, vector<1x1xf32>
    %get3A_2 = vector.extract %get3A_1[0, 0] : f32 from vector<1x1xf32>
    %add3A = arith.constant 1.000000e+00 : f32
    %add3A_3 = arith.addf %add3A, %get3A_2 : f32
    %get3A_4 = arith.constant 0 : index
    %get3A_5 = arith.constant 0 : index
    %get3A_6 = vector.load %arg1[%get3A_4, %get3A_5] : memref<1000x128xf32, #tpu.memory_space<vmem>>, vector<1000x128xf32>
    %mul3A = vector.broadcast %add3A_3 : f32 to vector<1000x128xf32>
    %mul3A_7 = arith.mulf %mul3A, %get3A_6 : vector<1000x128xf32>
    %get3A_8 = arith.constant 0 : index
    %get3A_9 = arith.constant 0 : index
    %get3A_10 = arith.constant 0 : index
    %get3A_11 = vector.load %arg2[%get3A_8, %get3A_9, %get3A_10] : memref<2x1000x128xf32, #tpu.memory_space<vmem>>, vector<1x1000x128xf32>
    %get3A_12 = vector.shape_cast %get3A_11 : vector<1x1000x128xf32> to vector<1000x128xf32>
    %add3A_13 = arith.addf %mul3A_7, %get3A_12 : vector<1000x128xf32>
    %get3A_14 = arith.constant 1 : index
    %get3A_15 = arith.constant 0 : index
    %get3A_16 = arith.constant 0 : index
    %get3A_17 = vector.load %arg2[%get3A_14, %get3A_15, %get3A_16] : memref<2x1000x128xf32, #tpu.memory_space<vmem>>, vector<1x1000x128xf32>
    %get3A_18 = vector.shape_cast %get3A_17 : vector<1x1000x128xf32> to vector<1000x128xf32>
    %add3A_19 = arith.addf %add3A_13, %get3A_18 : vector<1000x128xf32>
    %get3A_20 = arith.constant 0 : index
    %get3A_21 = arith.constant 0 : index
    %get3A_22 = vector.load %arg3[%get3A_20, %get3A_21] : memref<128x128xf32, #tpu.memory_space<vmem>>, vector<128x128xf32>
    %dot_general3A = arith.constant dense<0.000000e+00> : vector<1000x128xf32>
    %dot_general3A_23 = tpu.matmul %add3A_19, %get3A_22, %dot_general3A {dimension_numbers = #tpu.dot_dimension_numbers<[1], [0], [0], [1], [0, 0, 1, 1], [], []>, precision = #tpu.contract_precision<fp32>, transpose_lhs_hint = false} : vector<1000x128xf32>, vector<128x128xf32>, vector<1000x128xf32> -> vector<1000x128xf32>
    %get3A_24 = arith.constant 0 : index
    %get3A_25 = arith.constant 0 : index
    %get3A_26 = vector.load %arg4[%get3A_24, %get3A_25] : memref<1x128xf32, #tpu.memory_space<vmem>>, vector<1x128xf32>
    %add3A_27 = vector.broadcast %get3A_26 : vector<1x128xf32> to vector<1000x128xf32>
    %add3A_28 = arith.addf %dot_general3A_23, %add3A_27 : vector<1000x128xf32>
    %get3A_29 = arith.constant 0 : index
    %get3A_30 = arith.constant 0 : index
    %get3A_31 = vector.load %arg5[%get3A_29, %get3A_30] : memref<1x128xf32, #tpu.memory_space<vmem>>, vector<1x128xf32>
    %get3A_32 = arith.constant 0 : index
    %get3A_33 = arith.constant 0 : index
    %get3A_34 = vector.load %arg6[%get3A_32, %get3A_33] : memref<1x128xf32, #tpu.memory_space<vmem>>, vector<1x128xf32>
    %reduce_sum3A = arith.constant dense<0.000000e+00> : vector<1000xf32>
    %reduce_sum3A_35 = vector.multi_reduction <add>, %add3A_28, %reduce_sum3A [1] : vector<1000x128xf32> to vector<1000xf32>
    %broadcast_in_dim3A = vector.shape_cast %reduce_sum3A_35 : vector<1000xf32> to vector<1000x1xf32>
    %div3A = arith.constant 1.280000e+02 : f32
    %div3A_36 = vector.broadcast %div3A : f32 to vector<1000x1xf32>
    %div3A_37 = arith.divf %broadcast_in_dim3A, %div3A_36 : vector<1000x1xf32>
    %sub3A = vector.broadcast %div3A_37 : vector<1000x1xf32> to vector<1000x128xf32>
    %sub3A_38 = arith.subf %add3A_28, %sub3A : vector<1000x128xf32>
    %integer_pow3A = arith.mulf %sub3A_38, %sub3A_38 : vector<1000x128xf32>
    %reduce_sum3A_39 = arith.constant dense<0.000000e+00> : vector<1000xf32>
    %reduce_sum3A_40 = vector.multi_reduction <add>, %integer_pow3A, %reduce_sum3A_39 [1] : vector<1000x128xf32> to vector<1000xf32>
    %broadcast_in_dim3A_41 = vector.shape_cast %reduce_sum3A_40 : vector<1000xf32> to vector<1000x1xf32>
    %div3A_42 = arith.constant 1.280000e+02 : f32
    %div3A_43 = vector.broadcast %div3A_42 : f32 to vector<1000x1xf32>
    %div3A_44 = arith.divf %broadcast_in_dim3A_41, %div3A_43 : vector<1000x1xf32>
    %sub3A_45 = vector.broadcast %div3A_37 : vector<1000x1xf32> to vector<1000x128xf32>
    %sub3A_46 = arith.subf %add3A_28, %sub3A_45 : vector<1000x128xf32>
    %add3A_47 = arith.constant 9.99999974E-6 : f32
    %add3A_48 = vector.broadcast %add3A_47 : f32 to vector<1000x1xf32>
    %add3A_49 = arith.addf %div3A_44, %add3A_48 : vector<1000x1xf32>
    %sqrt3A = math.sqrt %add3A_49 : vector<1000x1xf32>
    %div3A_50 = vector.broadcast %sqrt3A : vector<1000x1xf32> to vector<1000x128xf32>
    %div3A_51 = arith.divf %sub3A_46, %div3A_50 : vector<1000x128xf32>
    %mul3A_52 = vector.broadcast %get3A_31 : vector<1x128xf32> to vector<1000x128xf32>
    %mul3A_53 = arith.mulf %div3A_51, %mul3A_52 : vector<1000x128xf32>
    %add3A_54 = vector.broadcast %get3A_34 : vector<1x128xf32> to vector<1000x128xf32>
    %add3A_55 = arith.addf %mul3A_53, %add3A_54 : vector<1000x128xf32>
    %max3A = arith.constant 0.000000e+00 : f32
    %max3A_56 = vector.broadcast %max3A : f32 to vector<1000x128xf32>
    %max3A_57 = arith.maximumf %add3A_55, %max3A_56 : vector<1000x128xf32>
    %get3A_58 = arith.constant 0 : index
    %get3A_59 = arith.constant 0 : index
    %get3A_60 = vector.load %arg7[%get3A_58, %get3A_59] : memref<128x128xf32, #tpu.memory_space<vmem>>, vector<128x128xf32>
    %dot_general3A_61 = arith.constant dense<0.000000e+00> : vector<1000x128xf32>
    %dot_general3A_62 = tpu.matmul %max3A_57, %get3A_60, %dot_general3A_61 {dimension_numbers = #tpu.dot_dimension_numbers<[1], [0], [0], [1], [0, 0, 1, 1], [], []>, precision = #tpu.contract_precision<fp32>, transpose_lhs_hint = false} : vector<1000x128xf32>, vector<128x128xf32>, vector<1000x128xf32> -> vector<1000x128xf32>
    %get3A_63 = arith.constant 0 : index
    %get3A_64 = arith.constant 0 : index
    %get3A_65 = vector.load %arg8[%get3A_63, %get3A_64] : memref<1x128xf32, #tpu.memory_space<vmem>>, vector<1x128xf32>
    %add3A_66 = vector.broadcast %get3A_65 : vector<1x128xf32> to vector<1000x128xf32>
    %add3A_67 = arith.addf %dot_general3A_62, %add3A_66 : vector<1000x128xf32>
    %get3A_68 = arith.constant 0 : index
    %get3A_69 = arith.constant 0 : index
    %get3A_70 = vector.load %arg9[%get3A_68, %get3A_69] : memref<1x128xf32, #tpu.memory_space<vmem>>, vector<1x128xf32>
    %get3A_71 = arith.constant 0 : index
    %get3A_72 = arith.constant 0 : index
    %get3A_73 = vector.load %arg10[%get3A_71, %get3A_72] : memref<1x128xf32, #tpu.memory_space<vmem>>, vector<1x128xf32>
    %reduce_sum3A_74 = arith.constant dense<0.000000e+00> : vector<1000xf32>
    %reduce_sum3A_75 = vector.multi_reduction <add>, %add3A_67, %reduce_sum3A_74 [1] : vector<1000x128xf32> to vector<1000xf32>
    %broadcast_in_dim3A_76 = vector.shape_cast %reduce_sum3A_75 : vector<1000xf32> to vector<1000x1xf32>
    %div3A_77 = arith.constant 1.280000e+02 : f32
    %div3A_78 = vector.broadcast %div3A_77 : f32 to vector<1000x1xf32>
    %div3A_79 = arith.divf %broadcast_in_dim3A_76, %div3A_78 : vector<1000x1xf32>
    %sub3A_80 = vector.broadcast %div3A_79 : vector<1000x1xf32> to vector<1000x128xf32>
    %sub3A_81 = arith.subf %add3A_67, %sub3A_80 : vector<1000x128xf32>
    %integer_pow3A_82 = arith.mulf %sub3A_81, %sub3A_81 : vector<1000x128xf32>
    %reduce_sum3A_83 = arith.constant dense<0.000000e+00> : vector<1000xf32>
    %reduce_sum3A_84 = vector.multi_reduction <add>, %integer_pow3A_82, %reduce_sum3A_83 [1] : vector<1000x128xf32> to vector<1000xf32>
    %broadcast_in_dim3A_85 = vector.shape_cast %reduce_sum3A_84 : vector<1000xf32> to vector<1000x1xf32>
    %div3A_86 = arith.constant 1.280000e+02 : f32
    %div3A_87 = vector.broadcast %div3A_86 : f32 to vector<1000x1xf32>
    %div3A_88 = arith.divf %broadcast_in_dim3A_85, %div3A_87 : vector<1000x1xf32>
    %sub3A_89 = vector.broadcast %div3A_79 : vector<1000x1xf32> to vector<1000x128xf32>
    %sub3A_90 = arith.subf %add3A_67, %sub3A_89 : vector<1000x128xf32>
    %add3A_91 = arith.constant 9.99999974E-6 : f32
    %add3A_92 = vector.broadcast %add3A_91 : f32 to vector<1000x1xf32>
    %add3A_93 = arith.addf %div3A_88, %add3A_92 : vector<1000x1xf32>
    %sqrt3A_94 = math.sqrt %add3A_93 : vector<1000x1xf32>
    %div3A_95 = vector.broadcast %sqrt3A_94 : vector<1000x1xf32> to vector<1000x128xf32>
    %div3A_96 = arith.divf %sub3A_90, %div3A_95 : vector<1000x128xf32>
    %mul3A_97 = vector.broadcast %get3A_70 : vector<1x128xf32> to vector<1000x128xf32>
    %mul3A_98 = arith.mulf %div3A_96, %mul3A_97 : vector<1000x128xf32>
    %add3A_99 = vector.broadcast %get3A_73 : vector<1x128xf32> to vector<1000x128xf32>
    %add3A_100 = arith.addf %mul3A_98, %add3A_99 : vector<1000x128xf32>
    %max3A_101 = arith.constant 0.000000e+00 : f32
    %max3A_102 = vector.broadcast %max3A_101 : f32 to vector<1000x128xf32>
    %max3A_103 = arith.maximumf %add3A_100, %max3A_102 : vector<1000x128xf32>
    %get3A_104 = arith.constant 0 : index
    %get3A_105 = arith.constant 0 : index
    %get3A_106 = vector.load %arg12[%get3A_104, %get3A_105] : memref<1x128xf32, #tpu.memory_space<vmem>>, vector<1x128xf32>
    %get3A_107 = arith.constant 0 : index
    %get3A_108 = arith.constant 0 : index
    %get3A_109 = vector.load %arg13[%get3A_107, %get3A_108] : memref<1x128xf32, #tpu.memory_space<vmem>>, vector<1x128xf32>
    %reduce_sum3A_110 = arith.constant dense<0.000000e+00> : vector<1000xf32>
    %reduce_sum3A_111 = vector.multi_reduction <add>, %max3A_103, %reduce_sum3A_110 [1] : vector<1000x128xf32> to vector<1000xf32>
    %broadcast_in_dim3A_112 = vector.shape_cast %reduce_sum3A_111 : vector<1000xf32> to vector<1000x1xf32>
    %div3A_113 = arith.constant 1.280000e+02 : f32
    %div3A_114 = vector.broadcast %div3A_113 : f32 to vector<1000x1xf32>
    %div3A_115 = arith.divf %broadcast_in_dim3A_112, %div3A_114 : vector<1000x1xf32>
    %sub3A_116 = vector.broadcast %div3A_115 : vector<1000x1xf32> to vector<1000x128xf32>
    %sub3A_117 = arith.subf %max3A_103, %sub3A_116 : vector<1000x128xf32>
    %integer_pow3A_118 = arith.mulf %sub3A_117, %sub3A_117 : vector<1000x128xf32>
    %reduce_sum3A_119 = arith.constant dense<0.000000e+00> : vector<1000xf32>
    %reduce_sum3A_120 = vector.multi_reduction <add>, %integer_pow3A_118, %reduce_sum3A_119 [1] : vector<1000x128xf32> to vector<1000xf32>
    %broadcast_in_dim3A_121 = vector.shape_cast %reduce_sum3A_120 : vector<1000xf32> to vector<1000x1xf32>
    %div3A_122 = arith.constant 1.280000e+02 : f32
    %div3A_123 = vector.broadcast %div3A_122 : f32 to vector<1000x1xf32>
    %div3A_124 = arith.divf %broadcast_in_dim3A_121, %div3A_123 : vector<1000x1xf32>
    %sub3A_125 = vector.broadcast %div3A_115 : vector<1000x1xf32> to vector<1000x128xf32>
    %sub3A_126 = arith.subf %max3A_103, %sub3A_125 : vector<1000x128xf32>
    %add3A_127 = arith.constant 9.99999974E-6 : f32
    %add3A_128 = vector.broadcast %add3A_127 : f32 to vector<1000x1xf32>
    %add3A_129 = arith.addf %div3A_124, %add3A_128 : vector<1000x1xf32>
    %sqrt3A_130 = math.sqrt %add3A_129 : vector<1000x1xf32>
    %div3A_131 = vector.broadcast %sqrt3A_130 : vector<1000x1xf32> to vector<1000x128xf32>
    %div3A_132 = arith.divf %sub3A_126, %div3A_131 : vector<1000x128xf32>
    %mul3A_133 = vector.broadcast %get3A_106 : vector<1x128xf32> to vector<1000x128xf32>
    %mul3A_134 = arith.mulf %div3A_132, %mul3A_133 : vector<1000x128xf32>
    %add3A_135 = vector.broadcast %get3A_109 : vector<1x128xf32> to vector<1000x128xf32>
    %add3A_136 = arith.addf %mul3A_134, %add3A_135 : vector<1000x128xf32>
    %max3A_137 = arith.constant 0.000000e+00 : f32
    %max3A_138 = vector.broadcast %max3A_137 : f32 to vector<1000x128xf32>
    %max3A_139 = arith.maximumf %add3A_136, %max3A_138 : vector<1000x128xf32>
    %swap3A = arith.constant 0 : index
    %swap3A_140 = arith.constant 0 : index
    %swap3A_141 = vector.load %arg14[%swap3A, %swap3A_140] : memref<1000x128xf32, #tpu.memory_space<vmem>>, vector<1000x128xf32>
    tpu.vector_store %arg14[%swap3A, %swap3A_140], %max3A_139 {strides = array<i32>} : memref<1000x128xf32, #tpu.memory_space<vmem>>, vector<1000x128xf32>,
    %reduce_sum3A_142 = arith.constant dense<0.000000e+00> : vector<128xf32>
    %reduce_sum3A_143 = vector.multi_reduction <add>, %max3A_139, %reduce_sum3A_142 [0] : vector<1000x128xf32> to vector<128xf32>
    %broadcast_in_dim3A_144 = vector.shape_cast %reduce_sum3A_143 : vector<128xf32> to vector<1x128xf32>
    %reduce_max3A = arith.constant dense<0xFF800000> : vector<128xf32>
    %reduce_max3A_145 = vector.multi_reduction <maximumf>, %max3A_139, %reduce_max3A [0] : vector<1000x128xf32> to vector<128xf32>
    %broadcast_in_dim3A_146 = vector.shape_cast %reduce_max3A_145 : vector<128xf32> to vector<1x128xf32>
    %eq3A = arith.constant 0 : i32
    %eq3A_147 = arith.cmpi eq, %arg0, %eq3A : i32
    %convert_element_type3A = arith.extui %eq3A_147 : i1 to i32
    %cond3A = arith.constant 0 : i32
    %cond3A_148 = arith.cmpi ne, %convert_element_type3A, %cond3A : i32
    scf.if %cond3A_148 {
      %swap3A_153 = arith.constant 0 : index
      %swap3A_154 = arith.constant 0 : index
      %swap3A_155 = vector.load %arg15[%swap3A_153, %swap3A_154] : memref<1x128xf32, #tpu.memory_space<vmem>>, vector<1x128xf32>
      tpu.vector_store %arg15[%swap3A_153, %swap3A_154], %broadcast_in_dim3A_144 {strides = array<i32>} : memref<1x128xf32, #tpu.memory_space<vmem>>, vector<1x128xf32>,
      %swap3A_156 = arith.constant 0 : index
      %swap3A_157 = arith.constant 0 : index
      %swap3A_158 = vector.load %arg16[%swap3A_156, %swap3A_157] : memref<1x128xf32, #tpu.memory_space<vmem>>, vector<1x128xf32>
      tpu.vector_store %arg16[%swap3A_156, %swap3A_157], %broadcast_in_dim3A_146 {strides = array<i32>} : memref<1x128xf32, #tpu.memory_space<vmem>>, vector<1x128xf32>,
    } else {
    }
    %ne3A = arith.constant 0 : i32
    %ne3A_149 = arith.cmpi ne, %arg0, %ne3A : i32
    %convert_element_type3A_150 = arith.extui %ne3A_149 : i1 to i32
    %cond3A_151 = arith.constant 0 : i32
    %cond3A_152 = arith.cmpi ne, %convert_element_type3A_150, %cond3A_151 : i32
    scf.if %cond3A_152 {
      %get3A_153 = arith.constant 0 : index
      %get3A_154 = arith.constant 0 : index
      %get3A_155 = vector.load %arg15[%get3A_153, %get3A_154] : memref<1x128xf32, #tpu.memory_space<vmem>>, vector<1x128xf32>
      %add3A_156 = arith.addf %get3A_155, %broadcast_in_dim3A_144 : vector<1x128xf32>
      %swap3A_157 = arith.constant 0 : index
      %swap3A_158 = arith.constant 0 : index
      %swap3A_159 = vector.load %arg15[%swap3A_157, %swap3A_158] : memref<1x128xf32, #tpu.memory_space<vmem>>, vector<1x128xf32>
      tpu.vector_store %arg15[%swap3A_157, %swap3A_158], %add3A_156 {strides = array<i32>} : memref<1x128xf32, #tpu.memory_space<vmem>>, vector<1x128xf32>,
      %get3A_160 = arith.constant 0 : index
      %get3A_161 = arith.constant 0 : index
      %get3A_162 = vector.load %arg16[%get3A_160, %get3A_161] : memref<1x128xf32, #tpu.memory_space<vmem>>, vector<1x128xf32>
      %max3A_163 = arith.maximumf %get3A_162, %broadcast_in_dim3A_146 : vector<1x128xf32>
      %swap3A_164 = arith.constant 0 : index
      %swap3A_165 = arith.constant 0 : index
      %swap3A_166 = vector.load %arg16[%swap3A_164, %swap3A_165] : memref<1x128xf32, #tpu.memory_space<vmem>>, vector<1x128xf32>
      tpu.vector_store %arg16[%swap3A_164, %swap3A_165], %max3A_163 {strides = array<i32>} : memref<1x128xf32, #tpu.memory_space<vmem>>, vector<1x128xf32>,
    } else {
    }
    return
  }
  func.func @transform_0(%arg0: i32) -> (i32, i32) {
    %c0_i32 = arith.constant 0 : i32
    %c0_i32_0 = arith.constant 0 : i32
    return %arg0, %c0_i32 : i32, i32
  }
  func.func @transform_1(%arg0: i32) -> (i32, i32, i32) {
    %c0_i32 = arith.constant 0 : i32
    %c0_i32_0 = arith.constant 0 : i32
    %c0_i32_1 = arith.constant 0 : i32
    return %c0_i32, %arg0, %c0_i32_0 : i32, i32, i32
  }
  func.func @transform_2(%arg0: i32) -> (i32, i32) {
    %c0_i32 = arith.constant 0 : i32
    %c0_i32_0 = arith.constant 0 : i32
    %c0_i32_1 = arith.constant 0 : i32
    return %c0_i32, %c0_i32_0 : i32, i32
  }
  func.func @transform_3(%arg0: i32) -> (i32, i32) {
    %c0_i32 = arith.constant 0 : i32
    %c0_i32_0 = arith.constant 0 : i32
    %c0_i32_1 = arith.constant 0 : i32
    return %c0_i32, %c0_i32_0 : i32, i32
  }
  func.func @transform_4(%arg0: i32) -> (i32, i32) {
    %c0_i32 = arith.constant 0 : i32
    %c0_i32_0 = arith.constant 0 : i32
    %c0_i32_1 = arith.constant 0 : i32
    return %c0_i32, %c0_i32_0 : i32, i32
  }
  func.func @transform_5(%arg0: i32) -> (i32, i32) {
    %c0_i32 = arith.constant 0 : i32
    %c0_i32_0 = arith.constant 0 : i32
    %c0_i32_1 = arith.constant 0 : i32
    return %c0_i32, %c0_i32_0 : i32, i32
  }
  func.func @transform_6(%arg0: i32) -> (i32, i32) {
    %c0_i32 = arith.constant 0 : i32
    %c0_i32_0 = arith.constant 0 : i32
    %c0_i32_1 = arith.constant 0 : i32
    return %c0_i32, %c0_i32_0 : i32, i32
  }
  func.func @transform_7(%arg0: i32) -> (i32, i32) {
    %c0_i32 = arith.constant 0 : i32
    %c0_i32_0 = arith.constant 0 : i32
    %c0_i32_1 = arith.constant 0 : i32
    return %c0_i32, %c0_i32_0 : i32, i32
  }
  func.func @transform_8(%arg0: i32) -> (i32, i32) {
    %c0_i32 = arith.constant 0 : i32
    %c0_i32_0 = arith.constant 0 : i32
    %c0_i32_1 = arith.constant 0 : i32
    return %c0_i32, %c0_i32_0 : i32, i32
  }
  func.func @transform_9(%arg0: i32) -> (i32, i32) {
    %c0_i32 = arith.constant 0 : i32
    %c0_i32_0 = arith.constant 0 : i32
    %c0_i32_1 = arith.constant 0 : i32
    return %c0_i32, %c0_i32_0 : i32, i32
  }
  func.func @transform_10(%arg0: i32) -> (i32, i32) {
    %c0_i32 = arith.constant 0 : i32
    %c0_i32_0 = arith.constant 0 : i32
    %c0_i32_1 = arith.constant 0 : i32
    return %c0_i32, %c0_i32_0 : i32, i32
  }
  func.func @transform_11(%arg0: i32) -> (i32, i32) {
    %c0_i32 = arith.constant 0 : i32
    %c0_i32_0 = arith.constant 0 : i32
    %c0_i32_1 = arith.constant 0 : i32
    return %c0_i32, %c0_i32_0 : i32, i32
  }
  func.func @transform_12(%arg0: i32) -> (i32, i32) {
    %c0_i32 = arith.constant 0 : i32
    %c0_i32_0 = arith.constant 0 : i32
    %c0_i32_1 = arith.constant 0 : i32
    return %c0_i32, %c0_i32_0 : i32, i32
  }
  func.func @transform_13(%arg0: i32) -> (i32, i32) {
    %c0_i32 = arith.constant 0 : i32
    %c0_i32_0 = arith.constant 0 : i32
    return %arg0, %c0_i32 : i32, i32
  }
  func.func @transform_14(%arg0: i32) -> (i32, i32) {
    %c0_i32 = arith.constant 0 : i32
    %c0_i32_0 = arith.constant 0 : i32
    %c0_i32_1 = arith.constant 0 : i32
    return %c0_i32, %c0_i32_0 : i32, i32
  }
  func.func @transform_15(%arg0: i32) -> (i32, i32) {
    %c0_i32 = arith.constant 0 : i32
    %c0_i32_0 = arith.constant 0 : i32
    %c0_i32_1 = arith.constant 0 : i32
    return %c0_i32, %c0_i32_0 : i32, i32
  }
}

module attributes {stable_mosaic.version = 14 : i64} {
  func.func @_head_body(%arg0: memref<1x512xf32, #tpu.memory_space<vmem>>, %arg1: memref<1x512xf32, #tpu.memory_space<vmem>>, %arg2: memref<1536x256xf32, #tpu.memory_space<vmem>>, %arg3: memref<1x256xf32, #tpu.memory_space<vmem>>, %arg4: memref<1x256xf32, #tpu.memory_space<vmem>>, %arg5: memref<1x256xf32, #tpu.memory_space<vmem>>, %arg6: memref<256x128xf32, #tpu.memory_space<vmem>>, %arg7: memref<1x128xf32, #tpu.memory_space<vmem>>, %arg8: memref<1x128xf32, #tpu.memory_space<vmem>>, %arg9: memref<1x128xf32, #tpu.memory_space<vmem>>, %arg10: memref<128x1xf32, #tpu.memory_space<vmem>>, %arg11: memref<1x1xf32, #tpu.memory_space<vmem>>, %arg12: memref<1x1xf32, #tpu.memory_space<vmem>>) attributes {dimension_semantics = [], scalar_prefetch = 0 : i64, scratch_operands = 0 : i64, tpu.core_type = #tpu.core_type<tc>} {
    %get3A = arith.constant 0 : index
    %get3A_0 = arith.constant 0 : index
    %get3A_1 = vector.load %arg0[%get3A, %get3A_0] : memref<1x512xf32, #tpu.memory_space<vmem>>, vector<1x512xf32>
    %mul3A = arith.constant 9.99999974E-5 : f32
    %mul3A_2 = vector.broadcast %mul3A : f32 to vector<1x512xf32>
    %mul3A_3 = arith.mulf %get3A_1, %mul3A_2 : vector<1x512xf32>
    %get3A_4 = arith.constant 0 : index
    %get3A_5 = arith.constant 0 : index
    %get3A_6 = vector.load %arg1[%get3A_4, %get3A_5] : memref<1x512xf32, #tpu.memory_space<vmem>>, vector<1x512xf32>
    %concatenate3A = tpu.concatenate %get3A_1, %mul3A_3, %get3A_6 in 1 : vector<1x512xf32>, vector<1x512xf32>, vector<1x512xf32> -> vector<1x1536xf32>
    %get3A_7 = arith.constant 0 : index
    %get3A_8 = arith.constant 0 : index
    %get3A_9 = vector.load %arg2[%get3A_7, %get3A_8] : memref<1536x256xf32, #tpu.memory_space<vmem>>, vector<1536x256xf32>
    %dot_general3A = arith.constant dense<0.000000e+00> : vector<1x256xf32>
    %dot_general3A_10 = tpu.matmul %concatenate3A, %get3A_9, %dot_general3A {dimension_numbers = #tpu.dot_dimension_numbers<[1], [0], [0], [1], [0, 0, 1, 1], [], []>, precision = #tpu.contract_precision<fp32>, transpose_lhs_hint = false} : vector<1x1536xf32>, vector<1536x256xf32>, vector<1x256xf32> -> vector<1x256xf32>
    %get3A_11 = arith.constant 0 : index
    %get3A_12 = arith.constant 0 : index
    %get3A_13 = vector.load %arg3[%get3A_11, %get3A_12] : memref<1x256xf32, #tpu.memory_space<vmem>>, vector<1x256xf32>
    %add3A = arith.addf %dot_general3A_10, %get3A_13 : vector<1x256xf32>
    %get3A_14 = arith.constant 0 : index
    %get3A_15 = arith.constant 0 : index
    %get3A_16 = vector.load %arg4[%get3A_14, %get3A_15] : memref<1x256xf32, #tpu.memory_space<vmem>>, vector<1x256xf32>
    %get3A_17 = arith.constant 0 : index
    %get3A_18 = arith.constant 0 : index
    %get3A_19 = vector.load %arg5[%get3A_17, %get3A_18] : memref<1x256xf32, #tpu.memory_space<vmem>>, vector<1x256xf32>
    %reduce_sum3A = arith.constant dense<0.000000e+00> : vector<1xf32>
    %reduce_sum3A_20 = vector.multi_reduction <add>, %add3A, %reduce_sum3A [1] : vector<1x256xf32> to vector<1xf32>
    %broadcast_in_dim3A = vector.shape_cast %reduce_sum3A_20 : vector<1xf32> to vector<1x1xf32>
    %div3A = arith.constant 2.560000e+02 : f32
    %div3A_21 = vector.broadcast %div3A : f32 to vector<1x1xf32>
    %div3A_22 = arith.divf %broadcast_in_dim3A, %div3A_21 : vector<1x1xf32>
    %sub3A = vector.broadcast %div3A_22 : vector<1x1xf32> to vector<1x256xf32>
    %sub3A_23 = arith.subf %add3A, %sub3A : vector<1x256xf32>
    %integer_pow3A = arith.mulf %sub3A_23, %sub3A_23 : vector<1x256xf32>
    %reduce_sum3A_24 = arith.constant dense<0.000000e+00> : vector<1xf32>
    %reduce_sum3A_25 = vector.multi_reduction <add>, %integer_pow3A, %reduce_sum3A_24 [1] : vector<1x256xf32> to vector<1xf32>
    %broadcast_in_dim3A_26 = vector.shape_cast %reduce_sum3A_25 : vector<1xf32> to vector<1x1xf32>
    %div3A_27 = arith.constant 2.560000e+02 : f32
    %div3A_28 = vector.broadcast %div3A_27 : f32 to vector<1x1xf32>
    %div3A_29 = arith.divf %broadcast_in_dim3A_26, %div3A_28 : vector<1x1xf32>
    %sub3A_30 = vector.broadcast %div3A_22 : vector<1x1xf32> to vector<1x256xf32>
    %sub3A_31 = arith.subf %add3A, %sub3A_30 : vector<1x256xf32>
    %add3A_32 = arith.constant 9.99999974E-6 : f32
    %add3A_33 = vector.broadcast %add3A_32 : f32 to vector<1x1xf32>
    %add3A_34 = arith.addf %div3A_29, %add3A_33 : vector<1x1xf32>
    %sqrt3A = math.sqrt %add3A_34 : vector<1x1xf32>
    %div3A_35 = vector.broadcast %sqrt3A : vector<1x1xf32> to vector<1x256xf32>
    %div3A_36 = arith.divf %sub3A_31, %div3A_35 : vector<1x256xf32>
    %mul3A_37 = arith.mulf %div3A_36, %get3A_16 : vector<1x256xf32>
    %add3A_38 = arith.addf %mul3A_37, %get3A_19 : vector<1x256xf32>
    %max3A = arith.constant 0.000000e+00 : f32
    %max3A_39 = vector.broadcast %max3A : f32 to vector<1x256xf32>
    %max3A_40 = arith.maximumf %add3A_38, %max3A_39 : vector<1x256xf32>
    %get3A_41 = arith.constant 0 : index
    %get3A_42 = arith.constant 0 : index
    %get3A_43 = vector.load %arg6[%get3A_41, %get3A_42] : memref<256x128xf32, #tpu.memory_space<vmem>>, vector<256x128xf32>
    %dot_general3A_44 = arith.constant dense<0.000000e+00> : vector<1x128xf32>
    %dot_general3A_45 = tpu.matmul %max3A_40, %get3A_43, %dot_general3A_44 {dimension_numbers = #tpu.dot_dimension_numbers<[1], [0], [0], [1], [0, 0, 1, 1], [], []>, precision = #tpu.contract_precision<fp32>, transpose_lhs_hint = false} : vector<1x256xf32>, vector<256x128xf32>, vector<1x128xf32> -> vector<1x128xf32>
    %get3A_46 = arith.constant 0 : index
    %get3A_47 = arith.constant 0 : index
    %get3A_48 = vector.load %arg7[%get3A_46, %get3A_47] : memref<1x128xf32, #tpu.memory_space<vmem>>, vector<1x128xf32>
    %add3A_49 = arith.addf %dot_general3A_45, %get3A_48 : vector<1x128xf32>
    %get3A_50 = arith.constant 0 : index
    %get3A_51 = arith.constant 0 : index
    %get3A_52 = vector.load %arg8[%get3A_50, %get3A_51] : memref<1x128xf32, #tpu.memory_space<vmem>>, vector<1x128xf32>
    %get3A_53 = arith.constant 0 : index
    %get3A_54 = arith.constant 0 : index
    %get3A_55 = vector.load %arg9[%get3A_53, %get3A_54] : memref<1x128xf32, #tpu.memory_space<vmem>>, vector<1x128xf32>
    %reduce_sum3A_56 = arith.constant dense<0.000000e+00> : vector<1xf32>
    %reduce_sum3A_57 = vector.multi_reduction <add>, %add3A_49, %reduce_sum3A_56 [1] : vector<1x128xf32> to vector<1xf32>
    %broadcast_in_dim3A_58 = vector.shape_cast %reduce_sum3A_57 : vector<1xf32> to vector<1x1xf32>
    %div3A_59 = arith.constant 1.280000e+02 : f32
    %div3A_60 = vector.broadcast %div3A_59 : f32 to vector<1x1xf32>
    %div3A_61 = arith.divf %broadcast_in_dim3A_58, %div3A_60 : vector<1x1xf32>
    %sub3A_62 = vector.broadcast %div3A_61 : vector<1x1xf32> to vector<1x128xf32>
    %sub3A_63 = arith.subf %add3A_49, %sub3A_62 : vector<1x128xf32>
    %integer_pow3A_64 = arith.mulf %sub3A_63, %sub3A_63 : vector<1x128xf32>
    %reduce_sum3A_65 = arith.constant dense<0.000000e+00> : vector<1xf32>
    %reduce_sum3A_66 = vector.multi_reduction <add>, %integer_pow3A_64, %reduce_sum3A_65 [1] : vector<1x128xf32> to vector<1xf32>
    %broadcast_in_dim3A_67 = vector.shape_cast %reduce_sum3A_66 : vector<1xf32> to vector<1x1xf32>
    %div3A_68 = arith.constant 1.280000e+02 : f32
    %div3A_69 = vector.broadcast %div3A_68 : f32 to vector<1x1xf32>
    %div3A_70 = arith.divf %broadcast_in_dim3A_67, %div3A_69 : vector<1x1xf32>
    %sub3A_71 = vector.broadcast %div3A_61 : vector<1x1xf32> to vector<1x128xf32>
    %sub3A_72 = arith.subf %add3A_49, %sub3A_71 : vector<1x128xf32>
    %add3A_73 = arith.constant 9.99999974E-6 : f32
    %add3A_74 = vector.broadcast %add3A_73 : f32 to vector<1x1xf32>
    %add3A_75 = arith.addf %div3A_70, %add3A_74 : vector<1x1xf32>
    %sqrt3A_76 = math.sqrt %add3A_75 : vector<1x1xf32>
    %div3A_77 = vector.broadcast %sqrt3A_76 : vector<1x1xf32> to vector<1x128xf32>
    %div3A_78 = arith.divf %sub3A_72, %div3A_77 : vector<1x128xf32>
    %mul3A_79 = arith.mulf %div3A_78, %get3A_52 : vector<1x128xf32>
    %add3A_80 = arith.addf %mul3A_79, %get3A_55 : vector<1x128xf32>
    %max3A_81 = arith.constant 0.000000e+00 : f32
    %max3A_82 = vector.broadcast %max3A_81 : f32 to vector<1x128xf32>
    %max3A_83 = arith.maximumf %add3A_80, %max3A_82 : vector<1x128xf32>
    %get3A_84 = arith.constant 0 : index
    %get3A_85 = arith.constant 0 : index
    %get3A_86 = vector.load %arg10[%get3A_84, %get3A_85] : memref<128x1xf32, #tpu.memory_space<vmem>>, vector<128x1xf32>
    %dot_general3A_87 = arith.constant dense<0.000000e+00> : vector<1x1xf32>
    %dot_general3A_88 = tpu.matmul %max3A_83, %get3A_86, %dot_general3A_87 {dimension_numbers = #tpu.dot_dimension_numbers<[1], [0], [0], [1], [0, 0, 1, 1], [], []>, precision = #tpu.contract_precision<fp32>, transpose_lhs_hint = false} : vector<1x128xf32>, vector<128x1xf32>, vector<1x1xf32> -> vector<1x1xf32>
    %get3A_89 = arith.constant 0 : index
    %get3A_90 = arith.constant 0 : index
    %get3A_91 = vector.load %arg11[%get3A_89, %get3A_90] : memref<1x1xf32, #tpu.memory_space<vmem>>, vector<1x1xf32>
    %add3A_92 = arith.addf %dot_general3A_88, %get3A_91 : vector<1x1xf32>
    %swap3A = arith.constant 0 : index
    %swap3A_93 = arith.constant 0 : index
    %swap3A_94 = vector.load %arg12[%swap3A, %swap3A_93] : memref<1x1xf32, #tpu.memory_space<vmem>>, vector<1x1xf32>
    tpu.vector_store %arg12[%swap3A, %swap3A_93], %add3A_92 {strides = array<i32>} : memref<1x1xf32, #tpu.memory_space<vmem>>, vector<1x1xf32>,
    return
  }
}

</mosaic_0001>

<sc_bundles>
// kernel: kernel.11.cloned.1.call-start
scs
__scs_entry_jumppad:
0x0: {  	(pc) =	sbr.rel $0x88, $3  }
0x1: {  	(tag) =	ssettag $0x0;
	lr =	simm.s32 $0x1  }
0x2: {  	[smem:$0x3F69] =	sst lr;
	_ =	strace $0xD0000000  }
0x3: {  	_ = 	snop  }
0x4: {  	_ = 	snop  }
0x5: {  	_ = 	snop  }
0x6: {  	_ = 	snop  }
0x7: {  	_ = 	snop  }
__scs_overlays_trampoline_lowered:
0x8: {  	[smem:$0x3F78] =	sst s0  }
0x9: {  	[smem:$0x3F79] =	sst s1  }
0xa: {  	[smem:$0x3F7A] =	sst s2  }
0xb: {  	[smem:$0x3F7B] =	sst s3  }
0xc: {  	[smem:$0x3F7C] =	sst s4  }
0xd: {  	[smem:$0x3F7D] =	sst s5  }
0xe: {  	[smem:$0x3F7E] =	sst s6  }
0xf: {  	[smem:$0x3F7F] =	sst s7  }
0x10: {  	[smem:$0x3F80] =	sst s8  }
0x11: {  	[smem:$0x3F81] =	sst s9;
	s0 =	simm.s32 @!p0 $0x0  }
0x12: {  	s1 =	sld [smem:$0x3F67];
	s0 =	simm.s32 @p0 $0x1  }
0x13: {  	[smem:$0x3F82] =	sst s0;
	s0 =	simm.s32 @!p1 $0x0  }
0x14: {  	s2 =	sld [smem:$0x3F66];
	s0 =	simm.s32 @p1 $0x1  }
0x15: {  	[smem:$0x3F83] =	sst s0;
	s0 =	simm.s32 @!p2 $0x0  }
0x16: {  	s3 =	sld [smem:$0x3FDB];
	s0 =	simm.s32 @p2 $0x1  }
0x17: {  	s4 =	simm.s32 $0x1BF5;
	[smem:$0x3F85] =	sst s0  }
0x18: {  	s0 =	sld [smem:$0x3F68];
	_ =	swait.ge [sflag:s4], $0x0  }
0x19: {  	s7 =	sld [smem:$0x3F69]  }
0x1a: {  	s8 =	sadd.s32 $0xFFFFE003, lr  }
0x1b: {  	s9 =	sadd.s32 $0xFFFFFEF7, lr;
	s5 =	simm.s32 $0xFFFFFFFF;
	p2 =	slt.u32 s8, $0xFFFFF086  }
0x1c: {  	p1 =	slt.u32 s9, $0xF7A;
	s5 =	simm.s32 @!p2 $0x0  }
0x1d: {  	s5 =	simm.s32 @p1 $0x1;
	p0 =	seq.s32 s7, s2  }
0x1e: {  	s7 =	smul.u32 @!p0 $0xF7A, s2;
	p2 =	seq.s32 @!p0 s5, $0x0  }
0x1f: {  	s9 =	smul.u32 $0xF7A, s1;
	s8 =	simm.s32 @!p0 $0x1BF5;
	p2 =	por !p2, p0  }
0x20: {  	[sflag:s8] =	ssyncset.s32 @!p0 $0xFFFFF086;
	s6 =	sadd.s32 @!p0 s3, s7;
	s7 =	simm.s32 @!p0 $0x108  }
0x21: {  	s3 =	sadd.s32 s3, s9;
	s6 =	sadd.s32 @!p0 $0x88, s6;
	s7 =	simm.s32 @p2 $0x1082  }
0x22: {  	[simem:s7], [sflag:s8] =	dma.local @!p0 [hbm:s6], $0xF7A  }
0x23: {  	s9 =	sor.u32 $0xD0000000, s2;
	s6 =	simm.s32 $0x108;
	_ =	swait.ge @!p0 [sflag:s8], $0x0  }
0x24: {  	s3 =	sadd.s32 $0x88, s3;
	s6 =	simm.s32 @!p1 $0x1082;
	[sflag:s4] =	ssyncset.s32 $0xFFFFF086  }
0x25: {  	[simem:s6], [sflag:s4] =	dma.local [hbm:s3], $0xF7A  }
0x26: {  	[smem:$0x3F69] =	sst s1;
	(tag) =	ssettag s2;
	_ =	strace s9  }
0x27: {  	s1 =	sld [smem:$0x3F79]  }
0x28: {  	s2 =	sld [smem:$0x3F7A]  }
0x29: {  	s4 =	sld [smem:$0x3F7C]  }
0x2a: {  	p0 =	seq.s32 s5, $0x0;
	s5 =	sld [smem:$0x3F7D]  }
0x2b: {  	s6 =	sld [smem:$0x3F7E]  }
0x2c: {  	s7 =	sld [smem:$0x3F7F]  }
0x2d: {  	s3 =	simm.s32 $0x108;
	s8 =	sld [smem:$0x3F80]  }
0x2e: {  	s3 =	simm.s32 @!p0 $0x1082;
	s9 =	sld [smem:$0x3F81]  }
0x2f: {  	lr =	sadd.s32 s0, s3;
	s0 =	sld [smem:$0x3F78]  }
0x30: {  	s3 =	sld [smem:$0x3F7B]  }
0x31: {  	[smem:$0x3F84] =	sst s10  }
0x32: {  	s10 =	sld [smem:$0x3F82];
	_ =	sdelay $0x3  }
0x33: {  	p0 =	seq.s32 s10, $0x1;
	s10 =	sld [smem:$0x3F84];
	_ =	sdelay $0x3  }
0x34: {  	[smem:$0x3F84] =	sst s10  }
0x35: {  	s10 =	sld [smem:$0x3F83];
	_ =	sdelay $0x3  }
0x36: {  	p1 =	seq.s32 s10, $0x1;
	s10 =	sld [smem:$0x3F84];
	_ =	sdelay $0x3  }
0x37: {  	[smem:$0x3F84] =	sst s10  }
0x38: {  	s10 =	sld [smem:$0x3F85]  }
0x39: {  	_ = 	snop;
	(pc) =	sbr.ind lr, $3  }
0x3a: {  	_ = 	snop  }
0x3b: {  	_ = 	snop  }
0x3c: {  	p2 =	seq.s32 s10, $0x1;
	s10 =	sld [smem:$0x3F84]  }
0x3d: {  	_ =	shalt  }
0x3e: {  	_ =	shalt  }
0x3f: {  	_ =	shalt  }
0x40: {  	_ =	shalt  }
0x41: {  	_ =	shalt  }
0x42: {  	_ =	shalt  }
0x43: {  	_ =	shalt  }
0x44: {  	_ =	shalt  }
0x45: {  	_ =	shalt  }
0x46: {  	_ =	shalt  }
0x47: {  	_ =	shalt  }
0x48: {  	_ =	shalt  }
0x49: {  	_ =	shalt  }
0x4a: {  	_ =	shalt  }
0x4b: {  	_ =	shalt  }
0x4c: {  	_ =	shalt  }
0x4d: {  	_ =	shalt  }
0x4e: {  	_ =	shalt  }
0x4f: {  	_ =	shalt  }
0x50: {  	_ =	shalt  }
0x51: {  	_ =	shalt  }
0x52: {  	_ =	shalt  }
0x53: {  	_ =	shalt  }
0x54: {  	_ =	shalt  }
0x55: {  	_ =	shalt  }
0x56: {  	_ =	shalt  }
0x57: {  	_ =	shalt  }
0x58: {  	_ =	shalt  }
0x59: {  	_ =	shalt  }
0x5a: {  	_ =	shalt  }
0x5b: {  	_ =	shalt  }
0x5c: {  	_ =	shalt  }
0x5d: {  	_ =	shalt  }
0x5e: {  	_ =	shalt  }
0x5f: {  	_ =	shalt  }
0x60: {  	_ =	shalt  }
0x61: {  	_ =	shalt  }
0x62: {  	_ =	shalt  }
0x63: {  	_ =	shalt  }
0x64: {  	_ =	shalt  }
0x65: {  	_ =	shalt  }
0x66: {  	_ =	shalt  }
0x67: {  	_ =	shalt  }
0x68: {  	_ =	shalt  }
0x69: {  	_ =	shalt  }
0x6a: {  	_ =	shalt  }
0x6b: {  	_ =	shalt  }
0x6c: {  	_ =	shalt  }
0x6d: {  	_ =	shalt  }
0x6e: {  	_ =	shalt  }
0x6f: {  	_ =	shalt  }
0x70: {  	_ =	shalt  }
0x71: {  	_ =	shalt  }
0x72: {  	_ =	shalt  }
0x73: {  	_ =	shalt  }
0x74: {  	_ =	shalt  }
0x75: {  	_ =	shalt  }
0x76: {  	_ =	shalt  }
0x77: {  	_ =	shalt  }
0x78: {  	_ =	shalt  }
0x79: {  	_ =	shalt  }
0x7a: {  	_ =	shalt  }
0x7b: {  	_ =	shalt  }
0x7c: {  	_ =	shalt  }
0x7d: {  	_ =	shalt  }
0x7e: {  	_ =	shalt  }
0x7f: {  	_ =	shalt  }
0x80: {  	_ =	shalt  }
0x81: {  	_ =	shalt  }
0x82: {  	_ =	shalt  }
0x83: {  	_ =	shalt  }
0x84: {  	_ =	shalt  }
0x85: {  	_ =	shalt  }
0x86: {  	_ =	shalt  }
0x87: {  	_ =	shalt  }
.Lfunc_end0:
.L_simem_size_0:
called_computation_lowered:
.L_overlay_start_0:
0x88: {  	s2 =	sld [smem:$0x3FD9]  }
0x89: {  	s3 =	sld [smem:$0x3FFE];
	_ =	sdelay $0x1  }
0x8a: {  	s1 =	srdreg.scid  }
0x8b: {  	s0 =	sand.u32 $0x1, s1  }
0x8c: {  	s17 =	sshll.u32 s0, $0xA;
	s2 =	sadd.s32 s3, s2  }
0x8d: {  	s2 =	sadd.s32 s2, s17  }
0x8e: {  	[smem:$0x3F90] =	sst s2  }
0x8f: {  	_ = 	snop  }
0x90: {  	s2 =	sld [smem:$0x3FC9];
	(tm) =	ssettm $0x1  }
0x91: {  	s18 =	sld [smem:$0x3FFB];
	_ =	sdelay $0x3  }
0x92: {  	_ =	strace s18  }
0x93: {  	s3 =	sld [smem:$0x3FFC];
	_ =	sdelay $0x3  }
0x94: {  	_ =	strace s3  }
0x95: {  	s3 =	sld [smem:$0x3FFD];
	_ =	sdelay $0x3  }
0x96: {  	_ =	strace s3  }
0x97: {  	_ =	strace $0x8FFFFFFF  }
0x98: {  	s19 =	sld [smem:$0x3FDB];
	_ =	sdelay $0x1  }
0x99: {  	s4 =	simm.s32 $_scs_section_size  }
0x9a: {  	s5 =	simm.s32 $_size__tile_overlayer_lowered;
	s6 =	simm.s32 $_tile_overlayer_lowered  }
0x9b: {  	s22 =	simm.s32 $0x1BFF;
	s21 =	sshll.u32 s6, $0x1;
	s3 =	sadd.s32 s4, s19  }
0x9c: {  	s7 =	simm.s32 $0x0;
	s20 =	sshll.u32 s5, $0x1;
	s5 =	sadd.s32 s21, s3  }
0x9d: {  	[timem:s7], [sflag:s22] =	dma.local [hbm:s5], s20  }
0x9e: {  	_ =	swait.ge [sflag:s22], s20  }
0x9f: {  	s4 =	ssub.s32 $0x0, s20;
	[sflag:s22] =	ssyncset.done $0x0  }
0xa0: {  	[sflag:s22] =	ssyncadd.s32 s4;
	_ =	sdelay $0x1  }
0xa1: {  	s23 =	simm.s32 $0x1B8B  }
0xa2: {  	_ =	swait.ge [sflag:s23], $0x1  }
0xa3: {  	[sflag:s23] =	ssyncset.done $0x0  }
0xa4: {  	s25 =	simm.s32 $0x1B8E;
	s24 =	sld [smem:$0x3FFE];
	[sflag:s23] =	ssyncadd.s32 $0xFFFFFFFF  }
0xa5: {  	s26 =	simm.s32 $execute0_lowered;
	[smem:$0x3FD2] =	sst s25  }
0xa6: {  	s5 =	sshll.u32 s26, $0x1;
	_ =	strace $0x80000046;
	[dreg:$0x1] =	wrdreg $0xFFFFFFFF  }
0xa7: {  	s28 =	simm.s32 $_size_execute0_lowered;
	s3 =	sadd.s32 s3, s5;
	[dreg:$0x0] =	wrdreg $0x0  }
0xa8: {  	s5 =	sshll.u32 s28, $0x1;
	[dreg:$0x2] =	wrdreg s3  }
0xa9: {  	[dreg:$0x3] =	wrdreg s5  }
0xaa: {  	[dreg:$0x4] =	wrdreg $0xC0  }
0xab: {  	_ =	task [dreg:s7], $0x5FFFF  }
0xac: {  	[dreg:$0x1] =	wrdreg $0xFFFFFFFF  }
0xad: {  	[dreg:$0x0] =	wrdreg $0x60  }
0xae: {  	[dreg:$0x2] =	wrdreg s2  }
0xaf: {  	[dreg:$0x3] =	wrdreg s24  }
0xb0: {  	[dreg:$0x4] =	wrdreg $0x90000  }
0xb1: {  	[dreg:$0x5] =	wrdreg $0x9  }
0xb2: {  	_ =	task.clear_ibuf [dreg:s7], $0x6FFFF;
	_ =	strace $0x90000046  }
0xb3: {  	s29 =	simm.s32 $0x9;
	_ =	strace $0x80000048  }
0xb4: {  	_ =	swait.ge [sflag:s29], $0x1  }
0xb5: {  	[sflag:s29] =	ssyncadd.s32 $0xFFFFFFFF  }
0xb6: {  	_ =	strace $0x90000048  }
0xb7: {  	_ =	sfence  }
0xb8: {  	s30 =	sld [smem:$0x0];
	_ =	sdelay $0x2  }
0xb9: {  	s31 =	sshll.u32 s1, $0xD;
	s1 =	sshrl.u32 s1, $0x2  }
0xba: {  	s3 =	sand.u32 $0x4000, s31;
	s1 =	sadd.s32 s1, s30  }
0xbb: {  	s0 =	sor.u32 s3, s0;
	s1 =	sshll.u32 s1, $0x11  }
0xbc: {  	s0 =	sor.u32 s1, s0  }
0xbd: {  	s0 =	sadd.s32 $0x8F2B, s0  }
0xbe: {  	[sflag:s0] =	ssyncadd.remote.s32 $0x1  }
0xbf: {  	_ =	sfence.sel $0xFFFF  }
0xc0: {  	[dreg:$0x0] =	wrdreg $0xFFFFFFFF;
	(pc) =	sbr.abs _section_cstart, $3  }
0xc1: {  	[dreg:$0x1] =	wrdreg $0xFFFFFFFF  }
0xc2: {  	_ =	task.clear_ibuf [dreg:s7], $0x2FFFF;
	_ =	strace $0x9FFFFFFF  }
0xc3: {  	(tm) =	ssettm $0x7FFFFFFF  }
tec
execute0_lowered:
.L_overlay_start_1:
0x0: {  	(tag) =	ssettag $0x1  }
0x1: {  	s1 =	rddreg [dreg:$0x0]  }
0x2: {  	s0 =	rddreg [dreg:$0x1]  }
0x3: {  	s2 =	rddreg [dreg:$0x2];
	s3 =	srdreg.scid;
	s4 =	simm.s32 $0x0  }
0x4: {  	s23 =	stileid.u32;
	s19 =	simm.s32 $0x4000;
	s20 =	simm.s32 $0x3  }
0x5: {  	s21 =	simm.s32 $0x2000;
	s22 =	simm.s32 $0x50;
	s28 =	simm.s32 $0x3F00  }
0x6: {  	s29 =	simm.s32 $0x3F80;
	s30 =	simm.s32 $0x3E00;
	s6 =	sand.u32 $0x1, s3  }
0x7: {  	[smem:$0x7FF] =	sst s4;
	s7 =	smul.u32 $0x13C00, s23;
	s9 =	sadd.s32 $0xA200, s0  }
0x8: {  	s24 =	smul.u32 $0x4F000, s23;
	s10 =	sadd.s32 $0x1A200, s0;
	s26 =	sshll.u32 s23, $0xC  }
0x9: {  	s23 =	simm.s32 $0x1;
	s5 =	smul.u32 $0x13C000, s6;
	s8 =	ssub.s32 $0x2, s6  }
0xa: {  	_ =	strace $0x80000047;
	s12 =	sshll.u32 s6, $0xB;
	s11 =	sshrl.u32 s8, $0x1  }
0xb: {  	s25 =	sshrl.u32 s24, $0x2;
	s31 =	sor.u32 s12, s26;
	s24 =	simm.s32 $0x6800  }
0xc: {  	s26 =	simm.s32 $0x1F80;
	s5 =	sadd.s32 s7, s5;
	s13 =	ssub.s32 s8, s11  }
0xd: {  	s7 =	sadd.s32 s9, s31;
	s8 =	sadd.s32 s10, s31;
	s11 =	sor.u32 $0x400, s31  }
0xe: {  	s5 =	sshrl.u32 s5, $0x3;
	s9 =	sadd.s32 s9, s11;
	s10 =	sadd.s32 s10, s11  }
0xf: {  	s12 =	smax.u32 s13, $0x1;
	s0 =	sadd.s32 s5, s0;
	s5 =	sadd.s32 s25, s2  }
0x10: {  	s25 =	simm.s32 $0x2;
	s6 =	sadd.s32 $0x11800, s5;
	s11 =	sadd.s32 $0x2A200, s0  }
0x11: {  	s13 =	sadd.s32 $0x2800, s5;
	s14 =	sadd.s32 $0x5000, s5;
	s15 =	sadd.s32 $0x7800, s5  }
0x12: {  	v0 =	vimm.f32 $0.0e+00;
	s16 =	sadd.s32 $0xA000, s5;
	s17 =	sadd.s32 $0xC800, s5;
	s18 =	sadd.s32 $0xF000, s5  }
.LBB2_1:
0x13: {  	s31 =	simm.s32 $0x0;
	s0 =	simm.s32 $0x200  }
.LBB2_2:
0x14: {  	p0 =	sne.s32 s0, $0x9E00;
	[tilespmem:s31+$0x6870] =	vst v0  }
0x15: {  	[tilespmem:s31+$0x4000] =	vst v0  }
0x16: {  	[tilespmem:s31+$0x6800] =	vst v0  }
0x17: {  	[tilespmem:s31+$0x4010] =	vst v0  }
0x18: {  	[tilespmem:s31+$0x6810] =	vst v0  }
0x19: {  	[tilespmem:s31+$0x4020] =	vst v0  }
0x1a: {  	[tilespmem:s31+$0x6820] =	vst v0  }
0x1b: {  	[tilespmem:s31+$0x4030] =	vst v0  }
0x1c: {  	[tilespmem:s31+$0x6830] =	vst v0  }
0x1d: {  	[tilespmem:s31+$0x4040] =	vst v0  }
0x1e: {  	[tilespmem:s31+$0x6840] =	vst v0  }
.Ltmp0:
0x1f: {  	[tilespmem:s31+$0x4050] =	vst v0;
	(pc) =	sbr.rel @p0 .LBB2_2-.Ltmp0, $4  }
0x20: {  	[tilespmem:s31+$0x6850] =	vst v0  }
0x21: {  	[tilespmem:s31+$0x4060] =	vst v0  }
0x22: {  	[tilespmem:s31+$0x6860] =	vst v0  }
0x23: {  	[tilespmem:s31+$0x4070] =	vst v0;
	s31 =	sshra.s32 s0, $0x2;
	s0 =	sadd.s32 $0x200, s0  }
0x24: {  	[tilespmem:s31+$0x6870] =	vst v0  }
0x25: {  	[tilespmem:s31+$0x4000] =	vst v0  }
0x26: {  	[tilespmem:s31+$0x6800] =	vst v0  }
0x27: {  	[tilespmem:s31+$0x4010] =	vst v0  }
0x28: {  	[tilespmem:s31+$0x6810] =	vst v0  }
0x29: {  	[tilespmem:s31+$0x4020] =	vst v0  }
0x2a: {  	[tilespmem:s31+$0x6820] =	vst v0  }
0x2b: {  	[tilespmem:s31+$0x4030] =	vst v0  }
0x2c: {  	[tilespmem:s31+$0x6830] =	vst v0  }
0x2d: {  	[tilespmem:s31+$0x4040] =	vst v0  }
0x2e: {  	[tilespmem:s31+$0x6840] =	vst v0  }
0x2f: {  	[tilespmem:s31+$0x4050] =	vst v0  }
0x30: {  	[tilespmem:s31+$0x6850] =	vst v0  }
0x31: {  	[tilespmem:s31+$0x4060] =	vst v0  }
0x32: {  	[tilespmem:s31+$0x6860] =	vst v0  }
0x33: {  	[tilespmem:s31+$0x4070] =	vst v0  }
0x34: {  	[spmem:s5] =	stream.linear.scatter [tilespmem:s19], [sflag:$0x3], $0x2800, $0x38;
	[tilespmem:$0x1CC00] =	vst v63  }
0x35: {  	_ =	swait.ge [sflag:s20], $0x2800  }
0x36: {  	[sflag:s20] =	ssyncset.done $0x0  }
0x37: {  	[sflag:s20] =	ssyncadd.s32 $0xFFFFD800  }
0x38: {  	[spmem:s13] =	stream.linear.scatter [tilespmem:s19], [sflag:$0x3], $0x2800, $0x38;
	[tilespmem:$0x1CC00] =	vst v63  }
0x39: {  	_ =	swait.ge [sflag:s20], $0x2800  }
0x3a: {  	[sflag:s20] =	ssyncset.done $0x0  }
0x3b: {  	[sflag:s20] =	ssyncadd.s32 $0xFFFFD800  }
0x3c: {  	[spmem:s14] =	stream.linear.scatter [tilespmem:s19], [sflag:$0x3], $0x2800, $0x38;
	[tilespmem:$0x1CC00] =	vst v63  }
0x3d: {  	_ =	swait.ge [sflag:s20], $0x2800  }
0x3e: {  	[sflag:s20] =	ssyncset.done $0x0  }
0x3f: {  	[sflag:s20] =	ssyncadd.s32 $0xFFFFD800  }
0x40: {  	[spmem:s15] =	stream.linear.scatter [tilespmem:s19], [sflag:$0x3], $0x2800, $0x38;
	[tilespmem:$0x1CC00] =	vst v63  }
0x41: {  	_ =	swait.ge [sflag:s20], $0x2800  }
0x42: {  	[sflag:s20] =	ssyncset.done $0x0  }
0x43: {  	[sflag:s20] =	ssyncadd.s32 $0xFFFFD800  }
0x44: {  	[spmem:s16] =	stream.linear.scatter [tilespmem:s19], [sflag:$0x3], $0x2800, $0x38;
	[tilespmem:$0x1CC00] =	vst v63  }
0x45: {  	_ =	swait.ge [sflag:s20], $0x2800  }
0x46: {  	[sflag:s20] =	ssyncset.done $0x0  }
0x47: {  	[sflag:s20] =	ssyncadd.s32 $0xFFFFD800  }
0x48: {  	[spmem:s17] =	stream.linear.scatter [tilespmem:s19], [sflag:$0x3], $0x2800, $0x38;
	[tilespmem:$0x1CC00] =	vst v63  }
0x49: {  	_ =	swait.ge [sflag:s20], $0x2800  }
0x4a: {  	[sflag:s20] =	ssyncset.done $0x0  }
0x4b: {  	[sflag:s20] =	ssyncadd.s32 $0xFFFFD800  }
0x4c: {  	[spmem:s18] =	stream.linear.scatter [tilespmem:s19], [sflag:$0x3], $0x2800, $0x38;
	[tilespmem:$0x1CC00] =	vst v63  }
0x4d: {  	_ =	swait.ge [sflag:s20], $0x2800  }
0x4e: {  	[sflag:s20] =	ssyncset.done $0x0  }
0x4f: {  	[sflag:s20] =	ssyncadd.s32 $0xFFFFD800  }
0x50: {  	[spmem:s6] =	stream.linear.scatter [tilespmem:s19], [sflag:$0x3], $0x2400, $0x38;
	[tilespmem:$0x1CC00] =	vst v63  }
0x51: {  	_ =	swait.ge [sflag:s20], $0x2400  }
0x52: {  	[sflag:s20] =	ssyncset.done $0x0  }
0x53: {  	[sflag:s20] =	ssyncadd.s32 $0xFFFFDC00  }
0x54: {  	s0 =	simm.s32 $0x0;
	[bflag:$0x0] =	sbarrier.arrive $0xFFFF  }
0x55: {  	[tilespmem:s0], [sflag:$0x3] =	stream.linear.gather [hbm4b:s7+s0], $0x2000, $0x38;
	[tilespmem:$0x1CC00] =	vst v63  }
0x56: {  	_ =	swait.ge [sflag:s20], $0x2000  }
0x57: {  	[sflag:s20] =	ssyncset.done $0x0  }
0x58: {  	[sflag:s20] =	ssyncadd.s32 $0xFFFFE000  }
0x59: {  	[tilespmem:s21], [sflag:$0x3] =	stream.linear.gather [hbm4b:s8+s0], $0x2000, $0x38;
	[tilespmem:$0x1CC00] =	vst v63  }
0x5a: {  	_ =	swait.ge [sflag:s20], $0x2000  }
0x5b: {  	[sflag:s20] =	ssyncset.done $0x0  }
0x5c: {  	[sflag:s20] =	ssyncadd.s32 $0xFFFFE000  }
0x5d: {  	[tilespmem:s19], [sflag:$0x1] =	stream.indirect.gather [hbm4b:s1+s22], $0x80, s0, s22, $0xb8;
	[tilespmem:$0x1CC00] =	vst v63  }
0x5e: {  	_ =	swait.ge [sflag:s23], $0x2800  }
0x5f: {  	[sflag:s23] =	ssyncset.done $0x0  }
0x60: {  	s3 =	simm.s32 $0x80;
	[sflag:s23] =	ssyncadd.s32 $0xFFFFD800  }
0x61: {  	[tilespmem:s24], [sflag:$0x2] =	stream.indirect.gather [hbm4b:s1+s22], $0x80, s3, s22, $0xb8;
	[tilespmem:$0x1CC00] =	vst v63  }
0x62: {  	s3 =	simm.s32 $0x2000  }
0x63: {  	[spmem:s2] =	stream.indirect.scatter.add.f32 [tilespmem:s19], [sflag:$0x3], $0x80, s3, s22, $0xb8;
	[tilespmem:$0x1CC00] =	vst v63  }
0x64: {  	_ =	swait.ge [sflag:s20], $0x2800  }
0x65: {  	[sflag:s20] =	ssyncset.done $0x0  }
0x66: {  	[sflag:s20] =	ssyncadd.s32 $0xFFFFD800  }
0x67: {  	_ =	swait.ge [sflag:s25], $0x2800  }
0x68: {  	[sflag:s25] =	ssyncset.done $0x0  }
0x69: {  	s3 =	simm.s32 $0x100;
	[sflag:s25] =	ssyncadd.s32 $0xFFFFD800  }
0x6a: {  	[tilespmem:s19], [sflag:$0x1] =	stream.indirect.gather [hbm4b:s1+s22], $0x80, s3, s22, $0xb8;
	[tilespmem:$0x1CC00] =	vst v63  }
0x6b: {  	s3 =	simm.s32 $0x2080  }
0x6c: {  	[spmem:s2] =	stream.indirect.scatter.add.f32 [tilespmem:s24], [sflag:$0x3], $0x80, s3, s22, $0xb8;
	[tilespmem:$0x1CC00] =	vst v63  }
0x6d: {  	_ =	swait.ge [sflag:s20], $0x2800  }
0x6e: {  	s31 =	simm.s32 $0x400;
	[sflag:s20] =	ssyncset.done $0x0  }
.LBB2_4:
0x6f: {  	p0 =	sne.s32 s31, $0x7800  }
0x70: {  	[sflag:s20] =	ssyncadd.s32 $0xFFFFD800;
	s0 =	smov.u32 s31;
	s31 =	sadd.s32 $0x400, s31  }
0x71: {  	_ = 	snop  }
0x72: {  	_ =	swait.ge [sflag:s23], $0x2800  }
0x73: {  	s0 =	sshra.s32 s0, $0x2;
	[sflag:s23] =	ssyncset.done $0x0  }
0x74: {  	s3 =	sadd.s32 $0x80, s0;
	[sflag:s23] =	ssyncadd.s32 $0xFFFFD800  }
0x75: {  	[tilespmem:s24], [sflag:$0x2] =	stream.indirect.gather [hbm4b:s1+s22], $0x80, s3, s22, $0xb8;
	[tilespmem:$0x1CC00] =	vst v63  }
0x76: {  	s3 =	sadd.s32 $0x2000, s0  }
0x77: {  	[spmem:s2] =	stream.indirect.scatter.add.f32 [tilespmem:s19], [sflag:$0x3], $0x80, s3, s22, $0xb8;
	[tilespmem:$0x1CC00] =	vst v63  }
0x78: {  	_ =	swait.ge [sflag:s20], $0x2800  }
0x79: {  	[sflag:s20] =	ssyncset.done $0x0  }
0x7a: {  	[sflag:s20] =	ssyncadd.s32 $0xFFFFD800  }
0x7b: {  	_ =	swait.ge [sflag:s25], $0x2800  }
0x7c: {  	[sflag:s25] =	ssyncset.done $0x0  }
0x7d: {  	s3 =	sadd.s32 $0x100, s0;
	[sflag:s25] =	ssyncadd.s32 $0xFFFFD800  }
0x7e: {  	[tilespmem:s19], [sflag:$0x1] =	stream.indirect.gather [hbm4b:s1+s22], $0x80, s3, s22, $0xb8;
	[tilespmem:$0x1CC00] =	vst v63  }
.Ltmp1:
0x7f: {  	_ = 	snop;
	(pc) =	sbr.rel @p0 .LBB2_4-.Ltmp1, $4  }
0x80: {  	s0 =	sadd.s32 $0x2080, s0  }
0x81: {  	[spmem:s2] =	stream.indirect.scatter.add.f32 [tilespmem:s24], [sflag:$0x3], $0x80, s0, s22, $0xb8;
	[tilespmem:$0x1CC00] =	vst v63  }
0x82: {  	_ =	swait.ge [sflag:s20], $0x2800  }
0x83: {  	[sflag:s20] =	ssyncset.done $0x0  }
0x84: {  	[sflag:s20] =	ssyncadd.s32 $0xFFFFD800  }
0x85: {  	_ =	swait.ge [sflag:s23], $0x2800  }
0x86: {  	[sflag:s23] =	ssyncset.done $0x0  }
0x87: {  	[sflag:s23] =	ssyncadd.s32 $0xFFFFD800  }
0x88: {  	[tilespmem:s24], [sflag:$0x2] =	stream.indirect.gather [hbm4b:s1+s22], $0x80, s26, s22, $0xb8;
	[tilespmem:$0x1CC00] =	vst v63  }
0x89: {  	_ = 	snop  }
0x8a: {  	[spmem:s2] =	stream.indirect.scatter.add.f32 [tilespmem:s19], [sflag:$0x3], $0x80, s28, s22, $0xb8;
	[tilespmem:$0x1CC00] =	vst v63  }
0x8b: {  	_ =	swait.ge [sflag:s20], $0x2800  }
0x8c: {  	[sflag:s20] =	ssyncset.done $0x0  }
0x8d: {  	[sflag:s20] =	ssyncadd.s32 $0xFFFFD800  }
0x8e: {  	_ =	swait.ge [sflag:s25], $0x2800  }
0x8f: {  	[sflag:s25] =	ssyncset.done $0x0  }
0x90: {  	[sflag:s25] =	ssyncadd.s32 $0xFFFFD800  }
0x91: {  	[spmem:s2] =	stream.indirect.scatter.add.f32 [tilespmem:s24], [sflag:$0x3], $0x80, s29, s22, $0xb8;
	[tilespmem:$0x1CC00] =	vst v63  }
0x92: {  	_ =	swait.ge [sflag:s20], $0x2800  }
0x93: {  	[sflag:s20] =	ssyncset.done $0x0  }
0x94: {  	s0 =	simm.s32 $0x0;
	[sflag:s20] =	ssyncadd.s32 $0xFFFFD800  }
0x95: {  	[tilespmem:s0], [sflag:$0x3] =	stream.linear.gather [hbm4b:s9+s0], $0x2000, $0x38;
	[tilespmem:$0x1CC00] =	vst v63  }
0x96: {  	_ =	swait.ge [sflag:s20], $0x2000  }
0x97: {  	[sflag:s20] =	ssyncset.done $0x0  }
0x98: {  	[sflag:s20] =	ssyncadd.s32 $0xFFFFE000  }
0x99: {  	[tilespmem:s21], [sflag:$0x3] =	stream.linear.gather [hbm4b:s10+s0], $0x2000, $0x38;
	[tilespmem:$0x1CC00] =	vst v63  }
0x9a: {  	_ =	swait.ge [sflag:s20], $0x2000  }
0x9b: {  	[sflag:s20] =	ssyncset.done $0x0  }
0x9c: {  	[sflag:s20] =	ssyncadd.s32 $0xFFFFE000  }
0x9d: {  	[tilespmem:s19], [sflag:$0x1] =	stream.indirect.gather [hbm4b:s1+s22], $0x80, s0, s22, $0xb8;
	[tilespmem:$0x1CC00] =	vst v63  }
0x9e: {  	_ =	swait.ge [sflag:s23], $0x2800  }
0x9f: {  	[sflag:s23] =	ssyncset.done $0x0  }
0xa0: {  	s3 =	simm.s32 $0x80;
	[sflag:s23] =	ssyncadd.s32 $0xFFFFD800  }
0xa1: {  	[tilespmem:s24], [sflag:$0x2] =	stream.indirect.gather [hbm4b:s1+s22], $0x80, s3, s22, $0xb8;
	[tilespmem:$0x1CC00] =	vst v63  }
0xa2: {  	s3 =	simm.s32 $0x2000  }
0xa3: {  	[spmem:s2] =	stream.indirect.scatter.add.f32 [tilespmem:s19], [sflag:$0x3], $0x80, s3, s22, $0xb8;
	[tilespmem:$0x1CC00] =	vst v63  }
0xa4: {  	_ =	swait.ge [sflag:s20], $0x2800  }
0xa5: {  	[sflag:s20] =	ssyncset.done $0x0  }
0xa6: {  	[sflag:s20] =	ssyncadd.s32 $0xFFFFD800  }
0xa7: {  	_ =	swait.ge [sflag:s25], $0x2800  }
0xa8: {  	[sflag:s25] =	ssyncset.done $0x0  }
0xa9: {  	s3 =	simm.s32 $0x100;
	[sflag:s25] =	ssyncadd.s32 $0xFFFFD800  }
0xaa: {  	[tilespmem:s19], [sflag:$0x1] =	stream.indirect.gather [hbm4b:s1+s22], $0x80, s3, s22, $0xb8;
	[tilespmem:$0x1CC00] =	vst v63  }
0xab: {  	s3 =	simm.s32 $0x2080  }
0xac: {  	[spmem:s2] =	stream.indirect.scatter.add.f32 [tilespmem:s24], [sflag:$0x3], $0x80, s3, s22, $0xb8;
	[tilespmem:$0x1CC00] =	vst v63  }
0xad: {  	_ =	swait.ge [sflag:s20], $0x2800  }
0xae: {  	s31 =	simm.s32 $0x400;
	[sflag:s20] =	ssyncset.done $0x0  }
.LBB2_6:
0xaf: {  	p0 =	sne.s32 s31, $0x7400  }
0xb0: {  	[sflag:s20] =	ssyncadd.s32 $0xFFFFD800;
	s0 =	smov.u32 s31;
	s31 =	sadd.s32 $0x400, s31  }
0xb1: {  	_ = 	snop  }
0xb2: {  	_ =	swait.ge [sflag:s23], $0x2800  }
0xb3: {  	s0 =	sshra.s32 s0, $0x2;
	[sflag:s23] =	ssyncset.done $0x0  }
0xb4: {  	s3 =	sadd.s32 $0x80, s0;
	[sflag:s23] =	ssyncadd.s32 $0xFFFFD800  }
0xb5: {  	[tilespmem:s24], [sflag:$0x2] =	stream.indirect.gather [hbm4b:s1+s22], $0x80, s3, s22, $0xb8;
	[tilespmem:$0x1CC00] =	vst v63  }
0xb6: {  	s3 =	sadd.s32 $0x2000, s0  }
0xb7: {  	[spmem:s2] =	stream.indirect.scatter.add.f32 [tilespmem:s19], [sflag:$0x3], $0x80, s3, s22, $0xb8;
	[tilespmem:$0x1CC00] =	vst v63  }
0xb8: {  	_ =	swait.ge [sflag:s20], $0x2800  }
0xb9: {  	[sflag:s20] =	ssyncset.done $0x0  }
0xba: {  	[sflag:s20] =	ssyncadd.s32 $0xFFFFD800  }
0xbb: {  	_ =	swait.ge [sflag:s25], $0x2800  }
0xbc: {  	[sflag:s25] =	ssyncset.done $0x0  }
0xbd: {  	s3 =	sadd.s32 $0x100, s0;
	[sflag:s25] =	ssyncadd.s32 $0xFFFFD800  }
0xbe: {  	[tilespmem:s19], [sflag:$0x1] =	stream.indirect.gather [hbm4b:s1+s22], $0x80, s3, s22, $0xb8;
	[tilespmem:$0x1CC00] =	vst v63  }
.Ltmp2:
0xbf: {  	_ = 	snop;
	(pc) =	sbr.rel @p0 .LBB2_6-.Ltmp2, $4  }
0xc0: {  	s0 =	sadd.s32 $0x2080, s0  }
0xc1: {  	[spmem:s2] =	stream.indirect.scatter.add.f32 [tilespmem:s24], [sflag:$0x3], $0x80, s0, s22, $0xb8;
	[tilespmem:$0x1CC00] =	vst v63  }
0xc2: {  	_ =	swait.ge [sflag:s20], $0x2800  }
0xc3: {  	[sflag:s20] =	ssyncset.done $0x0  }
0xc4: {  	[sflag:s20] =	ssyncadd.s32 $0xFFFFD800  }
0xc5: {  	_ =	swait.ge [sflag:s23], $0x2800  }
0xc6: {  	[sflag:s23] =	ssyncset.done $0x0  }
0xc7: {  	[sflag:s23] =	ssyncadd.s32 $0xFFFFD800  }
0xc8: {  	[spmem:s2] =	stream.indirect.scatter.add.f32 [tilespmem:s19], [sflag:$0x3], $0x80, s30, s22, $0xb8;
	[tilespmem:$0x1CC00] =	vst v63  }
0xc9: {  	s0 =	stileid.u32;
	_ =	swait.ge [sflag:s20], $0x2800  }
0xca: {  	s3 =	sshrl.u32 s5, $0x3;
	s4 =	sadd.s32 $0x1, s4;
	[sflag:s20] =	ssyncset.done $0x0  }
0xcb: {  	s0 =	sshll.u32 s0, $0x6;
	p0 =	sne.s32 s4, s12;
	[sflag:s20] =	ssyncadd.s32 $0xFFFFD800  }
.Ltmp3:
0xcc: {  	s0 =	sor.u32 $0x1C03, s0;
	[bflag:$0x0] =	sbarrier.arrive $0xFFFF;
	(pc) =	sbr.rel @p0 .LBB2_1-.Ltmp3, $4  }
0xcd: {  	[hbm:s11], [sflag:s0] =	dma.local [spmem:s3], $0x2780  }
0xce: {  	_ =	swait.ge [sflag:s20], $0x2780  }
0xcf: {  	[sflag:s20] =	ssyncset.done $0x0  }
0xd0: {  	[sflag:s20] =	ssyncadd.s32 $0xFFFFD880  }
0xd1: {  	_ =	sfence.sel $0x180000  }
0xd2: {  	[bflag:$0x0] =	sbarrier.arrive $0xFFFF  }
0xd3: {  	_ =	strace $0x90000047  }
0xd4: {  	s0 =	stileid.u32;
	[bflag:$0x2] =	sbarrier.arrive $0xFFFF  }
0xd5: {  	p0 =	sne.s32 s0, $0x0;
	s0 =	rddreg [dreg:$0x3]  }
0xd6: {  	s0 =	sadd.s32 @!p0 $0x100000, s0  }
0xd7: {  	[sflag:s0] =	ssyncadd.tile.s32 @!p0 $0x1;
	_ =	shalt  }
.Lfunc_end2:
_tile_overlayer_lowered:
.L_overlay_start_2:
0xd8: {  	(tag) =	ssettag $0x2  }
0xd9: {  	s0 =	rddreg [dreg:$0x0];
	s2 =	stileid.u32  }
0xda: {  	s1 =	rddreg [dreg:$0x1];
	p0 =	sne.s32 s2, $0x0  }
0xdb: {  	s3 =	rddreg [dreg:$0x2];
	[bflag:$0x3] =	sbarrier.arrive $0xFFFF;
	s2 =	simm.s32 @!p0 $0x1C03  }
0xdc: {  	[timem:s3], [sflag:s2] =	dma.local @!p0 [hbm:s0], s1  }
0xdd: {  	s0 =	simm.s32 @!p0 $0x3  }
0xde: {  	_ =	swait.ge @!p0 [sflag:s0], s1  }
0xdf: {  	s1 =	ssub.s32 @!p0 $0x0, s1;
	[sflag:s0] =	ssyncset.done @!p0 $0x0  }
0xe0: {  	[sflag:s0] =	ssyncadd.s32 @!p0 s1  }
0xe1: {  	[bflag:$0x3] =	sbarrier.arrive $0xFFFF  }
0xe2: {  	_ =	shalt  }

// kernel: kernel.14.cloned.1.call-start
scs
__scs_entry_jumppad:
0x0: {  	(pc) =	sbr.rel $0x88, $3  }
0x1: {  	(tag) =	ssettag $0x0;
	lr =	simm.s32 $0x1  }
0x2: {  	[smem:$0x3F69] =	sst lr;
	_ =	strace $0xD0000000  }
0x3: {  	_ = 	snop  }
0x4: {  	_ = 	snop  }
0x5: {  	_ = 	snop  }
0x6: {  	_ = 	snop  }
0x7: {  	_ = 	snop  }
__scs_overlays_trampoline_lowered:
0x8: {  	[smem:$0x3F78] =	sst s0  }
0x9: {  	[smem:$0x3F79] =	sst s1  }
0xa: {  	[smem:$0x3F7A] =	sst s2  }
0xb: {  	[smem:$0x3F7B] =	sst s3  }
0xc: {  	[smem:$0x3F7C] =	sst s4  }
0xd: {  	[smem:$0x3F7D] =	sst s5  }
0xe: {  	[smem:$0x3F7E] =	sst s6  }
0xf: {  	[smem:$0x3F7F] =	sst s7  }
0x10: {  	[smem:$0x3F80] =	sst s8  }
0x11: {  	[smem:$0x3F81] =	sst s9;
	s0 =	simm.s32 @!p0 $0x0  }
0x12: {  	s1 =	sld [smem:$0x3F67];
	s0 =	simm.s32 @p0 $0x1  }
0x13: {  	[smem:$0x3F82] =	sst s0;
	s0 =	simm.s32 @!p1 $0x0  }
0x14: {  	s2 =	sld [smem:$0x3F66];
	s0 =	simm.s32 @p1 $0x1  }
0x15: {  	[smem:$0x3F83] =	sst s0;
	s0 =	simm.s32 @!p2 $0x0  }
0x16: {  	s3 =	sld [smem:$0x3FDB];
	s0 =	simm.s32 @p2 $0x1  }
0x17: {  	s4 =	simm.s32 $0x1BF5;
	[smem:$0x3F85] =	sst s0  }
0x18: {  	s0 =	sld [smem:$0x3F68];
	_ =	swait.ge [sflag:s4], $0x0  }
0x19: {  	s7 =	sld [smem:$0x3F69]  }
0x1a: {  	s8 =	sadd.s32 $0xFFFFE003, lr  }
0x1b: {  	s9 =	sadd.s32 $0xFFFFFEF7, lr;
	s5 =	simm.s32 $0xFFFFFFFF;
	p2 =	slt.u32 s8, $0xFFFFF086  }
0x1c: {  	p1 =	slt.u32 s9, $0xF7A;
	s5 =	simm.s32 @!p2 $0x0  }
0x1d: {  	s5 =	simm.s32 @p1 $0x1;
	p0 =	seq.s32 s7, s2  }
0x1e: {  	s7 =	smul.u32 @!p0 $0xF7A, s2;
	p2 =	seq.s32 @!p0 s5, $0x0  }
0x1f: {  	s9 =	smul.u32 $0xF7A, s1;
	s8 =	simm.s32 @!p0 $0x1BF5;
	p2 =	por !p2, p0  }
0x20: {  	[sflag:s8] =	ssyncset.s32 @!p0 $0xFFFFF086;
	s6 =	sadd.s32 @!p0 s3, s7;
	s7 =	simm.s32 @!p0 $0x108  }
0x21: {  	s3 =	sadd.s32 s3, s9;
	s6 =	sadd.s32 @!p0 $0x88, s6;
	s7 =	simm.s32 @p2 $0x1082  }
0x22: {  	[simem:s7], [sflag:s8] =	dma.local @!p0 [hbm:s6], $0xF7A  }
0x23: {  	s9 =	sor.u32 $0xD0000000, s2;
	s6 =	simm.s32 $0x108;
	_ =	swait.ge @!p0 [sflag:s8], $0x0  }
0x24: {  	s3 =	sadd.s32 $0x88, s3;
	s6 =	simm.s32 @!p1 $0x1082;
	[sflag:s4] =	ssyncset.s32 $0xFFFFF086  }
0x25: {  	[simem:s6], [sflag:s4] =	dma.local [hbm:s3], $0xF7A  }
0x26: {  	[smem:$0x3F69] =	sst s1;
	(tag) =	ssettag s2;
	_ =	strace s9  }
0x27: {  	s1 =	sld [smem:$0x3F79]  }
0x28: {  	s2 =	sld [smem:$0x3F7A]  }
0x29: {  	s4 =	sld [smem:$0x3F7C]  }
0x2a: {  	p0 =	seq.s32 s5, $0x0;
	s5 =	sld [smem:$0x3F7D]  }
0x2b: {  	s6 =	sld [smem:$0x3F7E]  }
0x2c: {  	s7 =	sld [smem:$0x3F7F]  }
0x2d: {  	s3 =	simm.s32 $0x108;
	s8 =	sld [smem:$0x3F80]  }
0x2e: {  	s3 =	simm.s32 @!p0 $0x1082;
	s9 =	sld [smem:$0x3F81]  }
0x2f: {  	lr =	sadd.s32 s0, s3;
	s0 =	sld [smem:$0x3F78]  }
0x30: {  	s3 =	sld [smem:$0x3F7B]  }
0x31: {  	[smem:$0x3F84] =	sst s10  }
0x32: {  	s10 =	sld [smem:$0x3F82];
	_ =	sdelay $0x3  }
0x33: {  	p0 =	seq.s32 s10, $0x1;
	s10 =	sld [smem:$0x3F84];
	_ =	sdelay $0x3  }
0x34: {  	[smem:$0x3F84] =	sst s10  }
0x35: {  	s10 =	sld [smem:$0x3F83];
	_ =	sdelay $0x3  }
0x36: {  	p1 =	seq.s32 s10, $0x1;
	s10 =	sld [smem:$0x3F84];
	_ =	sdelay $0x3  }
0x37: {  	[smem:$0x3F84] =	sst s10  }
0x38: {  	s10 =	sld [smem:$0x3F85]  }
0x39: {  	_ = 	snop;
	(pc) =	sbr.ind lr, $3  }
0x3a: {  	_ = 	snop  }
0x3b: {  	_ = 	snop  }
0x3c: {  	p2 =	seq.s32 s10, $0x1;
	s10 =	sld [smem:$0x3F84]  }
0x3d: {  	_ =	shalt  }
0x3e: {  	_ =	shalt  }
0x3f: {  	_ =	shalt  }
0x40: {  	_ =	shalt  }
0x41: {  	_ =	shalt  }
0x42: {  	_ =	shalt  }
0x43: {  	_ =	shalt  }
0x44: {  	_ =	shalt  }
0x45: {  	_ =	shalt  }
0x46: {  	_ =	shalt  }
0x47: {  	_ =	shalt  }
0x48: {  	_ =	shalt  }
0x49: {  	_ =	shalt  }
0x4a: {  	_ =	shalt  }
0x4b: {  	_ =	shalt  }
0x4c: {  	_ =	shalt  }
0x4d: {  	_ =	shalt  }
0x4e: {  	_ =	shalt  }
0x4f: {  	_ =	shalt  }
0x50: {  	_ =	shalt  }
0x51: {  	_ =	shalt  }
0x52: {  	_ =	shalt  }
0x53: {  	_ =	shalt  }
0x54: {  	_ =	shalt  }
0x55: {  	_ =	shalt  }
0x56: {  	_ =	shalt  }
0x57: {  	_ =	shalt  }
0x58: {  	_ =	shalt  }
0x59: {  	_ =	shalt  }
0x5a: {  	_ =	shalt  }
0x5b: {  	_ =	shalt  }
0x5c: {  	_ =	shalt  }
0x5d: {  	_ =	shalt  }
0x5e: {  	_ =	shalt  }
0x5f: {  	_ =	shalt  }
0x60: {  	_ =	shalt  }
0x61: {  	_ =	shalt  }
0x62: {  	_ =	shalt  }
0x63: {  	_ =	shalt  }
0x64: {  	_ =	shalt  }
0x65: {  	_ =	shalt  }
0x66: {  	_ =	shalt  }
0x67: {  	_ =	shalt  }
0x68: {  	_ =	shalt  }
0x69: {  	_ =	shalt  }
0x6a: {  	_ =	shalt  }
0x6b: {  	_ =	shalt  }
0x6c: {  	_ =	shalt  }
0x6d: {  	_ =	shalt  }
0x6e: {  	_ =	shalt  }
0x6f: {  	_ =	shalt  }
0x70: {  	_ =	shalt  }
0x71: {  	_ =	shalt  }
0x72: {  	_ =	shalt  }
0x73: {  	_ =	shalt  }
0x74: {  	_ =	shalt  }
0x75: {  	_ =	shalt  }
0x76: {  	_ =	shalt  }
0x77: {  	_ =	shalt  }
0x78: {  	_ =	shalt  }
0x79: {  	_ =	shalt  }
0x7a: {  	_ =	shalt  }
0x7b: {  	_ =	shalt  }
0x7c: {  	_ =	shalt  }
0x7d: {  	_ =	shalt  }
0x7e: {  	_ =	shalt  }
0x7f: {  	_ =	shalt  }
0x80: {  	_ =	shalt  }
0x81: {  	_ =	shalt  }
0x82: {  	_ =	shalt  }
0x83: {  	_ =	shalt  }
0x84: {  	_ =	shalt  }
0x85: {  	_ =	shalt  }
0x86: {  	_ =	shalt  }
0x87: {  	_ =	shalt  }
.Lfunc_end0:
.L_simem_size_0:
called_computation.1_lowered:
.L_overlay_start_0:
0x88: {  	s2 =	sld [smem:$0x3FD9]  }
0x89: {  	s3 =	sld [smem:$0x3FFE];
	_ =	sdelay $0x1  }
0x8a: {  	s1 =	srdreg.scid  }
0x8b: {  	s0 =	sand.u32 $0x1, s1  }
0x8c: {  	s16 =	sshll.u32 s0, $0xA;
	s2 =	sadd.s32 s3, s2  }
0x8d: {  	s2 =	sadd.s32 s2, s16  }
0x8e: {  	[smem:$0x3F90] =	sst s2  }
0x8f: {  	_ = 	snop  }
0x90: {  	(tm) =	ssettm $0x1  }
0x91: {  	s17 =	sld [smem:$0x3FFB];
	_ =	sdelay $0x3  }
0x92: {  	_ =	strace s17  }
0x93: {  	s2 =	sld [smem:$0x3FFC];
	_ =	sdelay $0x3  }
0x94: {  	_ =	strace s2  }
0x95: {  	s2 =	sld [smem:$0x3FFD];
	_ =	sdelay $0x3  }
0x96: {  	_ =	strace s2  }
0x97: {  	_ =	strace $0x8FFFFFFF  }
0x98: {  	s18 =	sld [smem:$0x3FDB];
	_ =	sdelay $0x1  }
0x99: {  	s19 =	simm.s32 $_scs_section_size  }
0x9a: {  	s4 =	simm.s32 $_size__tile_overlayer_lowered;
	s5 =	simm.s32 $_tile_overlayer_lowered  }
0x9b: {  	s22 =	simm.s32 $0x1BFF;
	s21 =	sshll.u32 s5, $0x1;
	s2 =	sadd.s32 s19, s18  }
0x9c: {  	s6 =	simm.s32 $0x0;
	s20 =	sshll.u32 s4, $0x1;
	s4 =	sadd.s32 s21, s2  }
0x9d: {  	[timem:s6], [sflag:s22] =	dma.local [hbm:s4], s20  }
0x9e: {  	_ =	swait.ge [sflag:s22], s20  }
0x9f: {  	s3 =	ssub.s32 $0x0, s20;
	[sflag:s22] =	ssyncset.done $0x0  }
0xa0: {  	[sflag:s22] =	ssyncadd.s32 s3;
	_ =	sdelay $0x1  }
0xa1: {  	s23 =	simm.s32 $0x1B8B  }
0xa2: {  	_ =	swait.ge [sflag:s23], $0x1  }
0xa3: {  	[sflag:s23] =	ssyncset.done $0x0  }
0xa4: {  	s25 =	simm.s32 $0x1B8E;
	s24 =	sld [smem:$0x3FFE];
	[sflag:s23] =	ssyncadd.s32 $0xFFFFFFFF  }
0xa5: {  	s26 =	simm.s32 $execute0_lowered;
	[smem:$0x3FD2] =	sst s25  }
0xa6: {  	s4 =	sshll.u32 s26, $0x1;
	_ =	strace $0x80000049;
	[dreg:$0x1] =	wrdreg $0xFFFFFFFF  }
0xa7: {  	s28 =	simm.s32 $_size_execute0_lowered;
	s2 =	sadd.s32 s2, s4;
	[dreg:$0x0] =	wrdreg $0x0  }
0xa8: {  	s4 =	sshll.u32 s28, $0x1;
	[dreg:$0x2] =	wrdreg s2  }
0xa9: {  	[dreg:$0x3] =	wrdreg s4  }
0xaa: {  	[dreg:$0x4] =	wrdreg $0xC0  }
0xab: {  	_ =	task [dreg:s6], $0x5FFFF  }
0xac: {  	[dreg:$0x1] =	wrdreg $0xFFFFFFFF  }
0xad: {  	[dreg:$0x0] =	wrdreg $0x60  }
0xae: {  	[dreg:$0x2] =	wrdreg s24  }
0xaf: {  	[dreg:$0x3] =	wrdreg $0x90000  }
0xb0: {  	[dreg:$0x4] =	wrdreg $0x9  }
0xb1: {  	_ =	task.clear_ibuf [dreg:s6], $0x5FFFF;
	_ =	strace $0x90000049  }
0xb2: {  	s29 =	simm.s32 $0x9;
	_ =	strace $0x8000004B  }
0xb3: {  	_ =	swait.ge [sflag:s29], $0x1  }
0xb4: {  	[sflag:s29] =	ssyncadd.s32 $0xFFFFFFFF  }
0xb5: {  	_ =	strace $0x9000004B  }
0xb6: {  	_ =	sfence  }
0xb7: {  	s30 =	sld [smem:$0x0];
	_ =	sdelay $0x2  }
0xb8: {  	s31 =	sshll.u32 s1, $0xD;
	s1 =	sshrl.u32 s1, $0x2  }
0xb9: {  	s3 =	sand.u32 $0x4000, s31;
	s1 =	sadd.s32 s1, s30  }
0xba: {  	s0 =	sor.u32 s3, s0;
	s1 =	sshll.u32 s1, $0x11  }
0xbb: {  	s0 =	sor.u32 s1, s0  }
0xbc: {  	s0 =	sadd.s32 $0x8F2B, s0  }
0xbd: {  	[sflag:s0] =	ssyncadd.remote.s32 $0x1  }
0xbe: {  	_ =	sfence.sel $0xFFFF  }
0xbf: {  	[dreg:$0x0] =	wrdreg $0xFFFFFFFF;
	(pc) =	sbr.abs _section_cstart, $3  }
0xc0: {  	[dreg:$0x1] =	wrdreg $0xFFFFFFFF  }
0xc1: {  	_ =	task.clear_ibuf [dreg:s6], $0x2FFFF;
	_ =	strace $0x9FFFFFFF  }
0xc2: {  	(tm) =	ssettm $0x7FFFFFFF  }
0xc3: {  	_ =	shalt  }
tec
execute0_lowered:
.L_overlay_start_1:
0x0: {  	(tag) =	ssettag $0x1  }
0x1: {  	s0 =	rddreg [dreg:$0x0]  }
0x2: {  	s1 =	rddreg [dreg:$0x1]  }
0x3: {  	s2 =	srdreg.scid;
	s3 =	simm.s32 $0x0;
	s23 =	stileid.u32  }
0x4: {  	s19 =	simm.s32 $0x4000;
	s20 =	simm.s32 $0x3;
	s21 =	simm.s32 $0x2000  }
0x5: {  	s22 =	simm.s32 $0x50;
	s28 =	simm.s32 $0x3F00;
	s29 =	simm.s32 $0x3F80  }
0x6: {  	s30 =	simm.s32 $0x3E00;
	s6 =	sand.u32 $0x1, s2;
	[smem:$0x7FF] =	sst s3  }
0x7: {  	s7 =	smul.u32 $0x13C00, s23;
	s4 =	sadd.s32 $0x2A200, s0;
	s9 =	sadd.s32 $0xA200, s0  }
0x8: {  	s24 =	smul.u32 $0x4F000, s23;
	s10 =	sadd.s32 $0x1A200, s0;
	s26 =	sshll.u32 s23, $0xC  }
0x9: {  	s23 =	simm.s32 $0x1;
	s5 =	smul.u32 $0x13C000, s6;
	s8 =	ssub.s32 $0x2, s6  }
0xa: {  	_ =	strace $0x8000004A;
	s12 =	sshll.u32 s6, $0xB;
	s11 =	sshrl.u32 s8, $0x1  }
0xb: {  	s25 =	sshrl.u32 s24, $0x2;
	s31 =	sor.u32 s12, s26;
	s24 =	simm.s32 $0x6800  }
0xc: {  	s26 =	simm.s32 $0x1F80;
	s5 =	sadd.s32 s7, s5;
	s13 =	ssub.s32 s8, s11  }
0xd: {  	s7 =	sadd.s32 s9, s31;
	s8 =	sadd.s32 s10, s31;
	s11 =	sor.u32 $0x400, s31  }
0xe: {  	s5 =	sshrl.u32 s5, $0x3;
	s9 =	sadd.s32 s9, s11;
	s10 =	sadd.s32 s10, s11  }
0xf: {  	s12 =	smax.u32 s13, $0x1;
	s0 =	sadd.s32 s5, s0;
	s5 =	sadd.s32 s25, s1  }
0x10: {  	s25 =	simm.s32 $0x2;
	s6 =	sadd.s32 $0x11800, s5;
	s11 =	sadd.s32 $0x51400, s0  }
0x11: {  	s13 =	sadd.s32 $0x2800, s5;
	s14 =	sadd.s32 $0x5000, s5;
	s15 =	sadd.s32 $0x7800, s5  }
0x12: {  	v0 =	vimm.f32 $0.0e+00;
	s16 =	sadd.s32 $0xA000, s5;
	s17 =	sadd.s32 $0xC800, s5;
	s18 =	sadd.s32 $0xF000, s5  }
.LBB2_1:
0x13: {  	s31 =	simm.s32 $0x0;
	s0 =	simm.s32 $0x200  }
.LBB2_2:
0x14: {  	p0 =	sne.s32 s0, $0x9E00;
	[tilespmem:s31+$0x6870] =	vst v0  }
0x15: {  	[tilespmem:s31+$0x4000] =	vst v0  }
0x16: {  	[tilespmem:s31+$0x6800] =	vst v0  }
0x17: {  	[tilespmem:s31+$0x4010] =	vst v0  }
0x18: {  	[tilespmem:s31+$0x6810] =	vst v0  }
0x19: {  	[tilespmem:s31+$0x4020] =	vst v0  }
0x1a: {  	[tilespmem:s31+$0x6820] =	vst v0  }
0x1b: {  	[tilespmem:s31+$0x4030] =	vst v0  }
0x1c: {  	[tilespmem:s31+$0x6830] =	vst v0  }
0x1d: {  	[tilespmem:s31+$0x4040] =	vst v0  }
0x1e: {  	[tilespmem:s31+$0x6840] =	vst v0  }
.Ltmp0:
0x1f: {  	[tilespmem:s31+$0x4050] =	vst v0;
	(pc) =	sbr.rel @p0 .LBB2_2-.Ltmp0, $4  }
0x20: {  	[tilespmem:s31+$0x6850] =	vst v0  }
0x21: {  	[tilespmem:s31+$0x4060] =	vst v0  }
0x22: {  	[tilespmem:s31+$0x6860] =	vst v0  }
0x23: {  	[tilespmem:s31+$0x4070] =	vst v0;
	s31 =	sshra.s32 s0, $0x2;
	s0 =	sadd.s32 $0x200, s0  }
0x24: {  	[tilespmem:s31+$0x6870] =	vst v0  }
0x25: {  	[tilespmem:s31+$0x4000] =	vst v0  }
0x26: {  	[tilespmem:s31+$0x6800] =	vst v0  }
0x27: {  	[tilespmem:s31+$0x4010] =	vst v0  }
0x28: {  	[tilespmem:s31+$0x6810] =	vst v0  }
0x29: {  	[tilespmem:s31+$0x4020] =	vst v0  }
0x2a: {  	[tilespmem:s31+$0x6820] =	vst v0  }
0x2b: {  	[tilespmem:s31+$0x4030] =	vst v0  }
0x2c: {  	[tilespmem:s31+$0x6830] =	vst v0  }
0x2d: {  	[tilespmem:s31+$0x4040] =	vst v0  }
0x2e: {  	[tilespmem:s31+$0x6840] =	vst v0  }
0x2f: {  	[tilespmem:s31+$0x4050] =	vst v0  }
0x30: {  	[tilespmem:s31+$0x6850] =	vst v0  }
0x31: {  	[tilespmem:s31+$0x4060] =	vst v0  }
0x32: {  	[tilespmem:s31+$0x6860] =	vst v0  }
0x33: {  	[tilespmem:s31+$0x4070] =	vst v0  }
0x34: {  	[spmem:s5] =	stream.linear.scatter [tilespmem:s19], [sflag:$0x3], $0x2800, $0x38;
	[tilespmem:$0x1CC00] =	vst v63  }
0x35: {  	_ =	swait.ge [sflag:s20], $0x2800  }
0x36: {  	[sflag:s20] =	ssyncset.done $0x0  }
0x37: {  	[sflag:s20] =	ssyncadd.s32 $0xFFFFD800  }
0x38: {  	[spmem:s13] =	stream.linear.scatter [tilespmem:s19], [sflag:$0x3], $0x2800, $0x38;
	[tilespmem:$0x1CC00] =	vst v63  }
0x39: {  	_ =	swait.ge [sflag:s20], $0x2800  }
0x3a: {  	[sflag:s20] =	ssyncset.done $0x0  }
0x3b: {  	[sflag:s20] =	ssyncadd.s32 $0xFFFFD800  }
0x3c: {  	[spmem:s14] =	stream.linear.scatter [tilespmem:s19], [sflag:$0x3], $0x2800, $0x38;
	[tilespmem:$0x1CC00] =	vst v63  }
0x3d: {  	_ =	swait.ge [sflag:s20], $0x2800  }
0x3e: {  	[sflag:s20] =	ssyncset.done $0x0  }
0x3f: {  	[sflag:s20] =	ssyncadd.s32 $0xFFFFD800  }
0x40: {  	[spmem:s15] =	stream.linear.scatter [tilespmem:s19], [sflag:$0x3], $0x2800, $0x38;
	[tilespmem:$0x1CC00] =	vst v63  }
0x41: {  	_ =	swait.ge [sflag:s20], $0x2800  }
0x42: {  	[sflag:s20] =	ssyncset.done $0x0  }
0x43: {  	[sflag:s20] =	ssyncadd.s32 $0xFFFFD800  }
0x44: {  	[spmem:s16] =	stream.linear.scatter [tilespmem:s19], [sflag:$0x3], $0x2800, $0x38;
	[tilespmem:$0x1CC00] =	vst v63  }
0x45: {  	_ =	swait.ge [sflag:s20], $0x2800  }
0x46: {  	[sflag:s20] =	ssyncset.done $0x0  }
0x47: {  	[sflag:s20] =	ssyncadd.s32 $0xFFFFD800  }
0x48: {  	[spmem:s17] =	stream.linear.scatter [tilespmem:s19], [sflag:$0x3], $0x2800, $0x38;
	[tilespmem:$0x1CC00] =	vst v63  }
0x49: {  	_ =	swait.ge [sflag:s20], $0x2800  }
0x4a: {  	[sflag:s20] =	ssyncset.done $0x0  }
0x4b: {  	[sflag:s20] =	ssyncadd.s32 $0xFFFFD800  }
0x4c: {  	[spmem:s18] =	stream.linear.scatter [tilespmem:s19], [sflag:$0x3], $0x2800, $0x38;
	[tilespmem:$0x1CC00] =	vst v63  }
0x4d: {  	_ =	swait.ge [sflag:s20], $0x2800  }
0x4e: {  	[sflag:s20] =	ssyncset.done $0x0  }
0x4f: {  	[sflag:s20] =	ssyncadd.s32 $0xFFFFD800  }
0x50: {  	[spmem:s6] =	stream.linear.scatter [tilespmem:s19], [sflag:$0x3], $0x2400, $0x38;
	[tilespmem:$0x1CC00] =	vst v63  }
0x51: {  	_ =	swait.ge [sflag:s20], $0x2400  }
0x52: {  	[sflag:s20] =	ssyncset.done $0x0  }
0x53: {  	[sflag:s20] =	ssyncadd.s32 $0xFFFFDC00  }
0x54: {  	s0 =	simm.s32 $0x0;
	[bflag:$0x0] =	sbarrier.arrive $0xFFFF  }
0x55: {  	[tilespmem:s0], [sflag:$0x3] =	stream.linear.gather [hbm4b:s7+s0], $0x2000, $0x38;
	[tilespmem:$0x1CC00] =	vst v63  }
0x56: {  	_ =	swait.ge [sflag:s20], $0x2000  }
0x57: {  	[sflag:s20] =	ssyncset.done $0x0  }
0x58: {  	[sflag:s20] =	ssyncadd.s32 $0xFFFFE000  }
0x59: {  	[tilespmem:s21], [sflag:$0x3] =	stream.linear.gather [hbm4b:s8+s0], $0x2000, $0x38;
	[tilespmem:$0x1CC00] =	vst v63  }
0x5a: {  	_ =	swait.ge [sflag:s20], $0x2000  }
0x5b: {  	[sflag:s20] =	ssyncset.done $0x0  }
0x5c: {  	[sflag:s20] =	ssyncadd.s32 $0xFFFFE000  }
0x5d: {  	[tilespmem:s19], [sflag:$0x1] =	stream.indirect.gather [hbm4b:s4+s22], $0x80, s0, s22, $0xb8;
	[tilespmem:$0x1CC00] =	vst v63  }
0x5e: {  	_ =	swait.ge [sflag:s23], $0x2800  }
0x5f: {  	[sflag:s23] =	ssyncset.done $0x0  }
0x60: {  	s2 =	simm.s32 $0x80;
	[sflag:s23] =	ssyncadd.s32 $0xFFFFD800  }
0x61: {  	[tilespmem:s24], [sflag:$0x2] =	stream.indirect.gather [hbm4b:s4+s22], $0x80, s2, s22, $0xb8;
	[tilespmem:$0x1CC00] =	vst v63  }
0x62: {  	s2 =	simm.s32 $0x2000  }
0x63: {  	[spmem:s1] =	stream.indirect.scatter.add.f32 [tilespmem:s19], [sflag:$0x3], $0x80, s2, s22, $0xb8;
	[tilespmem:$0x1CC00] =	vst v63  }
0x64: {  	_ =	swait.ge [sflag:s20], $0x2800  }
0x65: {  	[sflag:s20] =	ssyncset.done $0x0  }
0x66: {  	[sflag:s20] =	ssyncadd.s32 $0xFFFFD800  }
0x67: {  	_ =	swait.ge [sflag:s25], $0x2800  }
0x68: {  	[sflag:s25] =	ssyncset.done $0x0  }
0x69: {  	s2 =	simm.s32 $0x100;
	[sflag:s25] =	ssyncadd.s32 $0xFFFFD800  }
0x6a: {  	[tilespmem:s19], [sflag:$0x1] =	stream.indirect.gather [hbm4b:s4+s22], $0x80, s2, s22, $0xb8;
	[tilespmem:$0x1CC00] =	vst v63  }
0x6b: {  	s2 =	simm.s32 $0x2080  }
0x6c: {  	[spmem:s1] =	stream.indirect.scatter.add.f32 [tilespmem:s24], [sflag:$0x3], $0x80, s2, s22, $0xb8;
	[tilespmem:$0x1CC00] =	vst v63  }
0x6d: {  	_ =	swait.ge [sflag:s20], $0x2800  }
0x6e: {  	s31 =	simm.s32 $0x400;
	[sflag:s20] =	ssyncset.done $0x0  }
.LBB2_4:
0x6f: {  	p0 =	sne.s32 s31, $0x7800  }
0x70: {  	[sflag:s20] =	ssyncadd.s32 $0xFFFFD800;
	s0 =	smov.u32 s31;
	s31 =	sadd.s32 $0x400, s31  }
0x71: {  	_ = 	snop  }
0x72: {  	_ =	swait.ge [sflag:s23], $0x2800  }
0x73: {  	s0 =	sshra.s32 s0, $0x2;
	[sflag:s23] =	ssyncset.done $0x0  }
0x74: {  	s2 =	sadd.s32 $0x80, s0;
	[sflag:s23] =	ssyncadd.s32 $0xFFFFD800  }
0x75: {  	[tilespmem:s24], [sflag:$0x2] =	stream.indirect.gather [hbm4b:s4+s22], $0x80, s2, s22, $0xb8;
	[tilespmem:$0x1CC00] =	vst v63  }
0x76: {  	s2 =	sadd.s32 $0x2000, s0  }
0x77: {  	[spmem:s1] =	stream.indirect.scatter.add.f32 [tilespmem:s19], [sflag:$0x3], $0x80, s2, s22, $0xb8;
	[tilespmem:$0x1CC00] =	vst v63  }
0x78: {  	_ =	swait.ge [sflag:s20], $0x2800  }
0x79: {  	[sflag:s20] =	ssyncset.done $0x0  }
0x7a: {  	[sflag:s20] =	ssyncadd.s32 $0xFFFFD800  }
0x7b: {  	_ =	swait.ge [sflag:s25], $0x2800  }
0x7c: {  	[sflag:s25] =	ssyncset.done $0x0  }
0x7d: {  	s2 =	sadd.s32 $0x100, s0;
	[sflag:s25] =	ssyncadd.s32 $0xFFFFD800  }
0x7e: {  	[tilespmem:s19], [sflag:$0x1] =	stream.indirect.gather [hbm4b:s4+s22], $0x80, s2, s22, $0xb8;
	[tilespmem:$0x1CC00] =	vst v63  }
.Ltmp1:
0x7f: {  	_ = 	snop;
	(pc) =	sbr.rel @p0 .LBB2_4-.Ltmp1, $4  }
0x80: {  	s0 =	sadd.s32 $0x2080, s0  }
0x81: {  	[spmem:s1] =	stream.indirect.scatter.add.f32 [tilespmem:s24], [sflag:$0x3], $0x80, s0, s22, $0xb8;
	[tilespmem:$0x1CC00] =	vst v63  }
0x82: {  	_ =	swait.ge [sflag:s20], $0x2800  }
0x83: {  	[sflag:s20] =	ssyncset.done $0x0  }
0x84: {  	[sflag:s20] =	ssyncadd.s32 $0xFFFFD800  }
0x85: {  	_ =	swait.ge [sflag:s23], $0x2800  }
0x86: {  	[sflag:s23] =	ssyncset.done $0x0  }
0x87: {  	[sflag:s23] =	ssyncadd.s32 $0xFFFFD800  }
0x88: {  	[tilespmem:s24], [sflag:$0x2] =	stream.indirect.gather [hbm4b:s4+s22], $0x80, s26, s22, $0xb8;
	[tilespmem:$0x1CC00] =	vst v63  }
0x89: {  	_ = 	snop  }
0x8a: {  	[spmem:s1] =	stream.indirect.scatter.add.f32 [tilespmem:s19], [sflag:$0x3], $0x80, s28, s22, $0xb8;
	[tilespmem:$0x1CC00] =	vst v63  }
0x8b: {  	_ =	swait.ge [sflag:s20], $0x2800  }
0x8c: {  	[sflag:s20] =	ssyncset.done $0x0  }
0x8d: {  	[sflag:s20] =	ssyncadd.s32 $0xFFFFD800  }
0x8e: {  	_ =	swait.ge [sflag:s25], $0x2800  }
0x8f: {  	[sflag:s25] =	ssyncset.done $0x0  }
0x90: {  	[sflag:s25] =	ssyncadd.s32 $0xFFFFD800  }
0x91: {  	[spmem:s1] =	stream.indirect.scatter.add.f32 [tilespmem:s24], [sflag:$0x3], $0x80, s29, s22, $0xb8;
	[tilespmem:$0x1CC00] =	vst v63  }
0x92: {  	_ =	swait.ge [sflag:s20], $0x2800  }
0x93: {  	[sflag:s20] =	ssyncset.done $0x0  }
0x94: {  	s0 =	simm.s32 $0x0;
	[sflag:s20] =	ssyncadd.s32 $0xFFFFD800  }
0x95: {  	[tilespmem:s0], [sflag:$0x3] =	stream.linear.gather [hbm4b:s9+s0], $0x2000, $0x38;
	[tilespmem:$0x1CC00] =	vst v63  }
0x96: {  	_ =	swait.ge [sflag:s20], $0x2000  }
0x97: {  	[sflag:s20] =	ssyncset.done $0x0  }
0x98: {  	[sflag:s20] =	ssyncadd.s32 $0xFFFFE000  }
0x99: {  	[tilespmem:s21], [sflag:$0x3] =	stream.linear.gather [hbm4b:s10+s0], $0x2000, $0x38;
	[tilespmem:$0x1CC00] =	vst v63  }
0x9a: {  	_ =	swait.ge [sflag:s20], $0x2000  }
0x9b: {  	[sflag:s20] =	ssyncset.done $0x0  }
0x9c: {  	[sflag:s20] =	ssyncadd.s32 $0xFFFFE000  }
0x9d: {  	[tilespmem:s19], [sflag:$0x1] =	stream.indirect.gather [hbm4b:s4+s22], $0x80, s0, s22, $0xb8;
	[tilespmem:$0x1CC00] =	vst v63  }
0x9e: {  	_ =	swait.ge [sflag:s23], $0x2800  }
0x9f: {  	[sflag:s23] =	ssyncset.done $0x0  }
0xa0: {  	s2 =	simm.s32 $0x80;
	[sflag:s23] =	ssyncadd.s32 $0xFFFFD800  }
0xa1: {  	[tilespmem:s24], [sflag:$0x2] =	stream.indirect.gather [hbm4b:s4+s22], $0x80, s2, s22, $0xb8;
	[tilespmem:$0x1CC00] =	vst v63  }
0xa2: {  	s2 =	simm.s32 $0x2000  }
0xa3: {  	[spmem:s1] =	stream.indirect.scatter.add.f32 [tilespmem:s19], [sflag:$0x3], $0x80, s2, s22, $0xb8;
	[tilespmem:$0x1CC00] =	vst v63  }
0xa4: {  	_ =	swait.ge [sflag:s20], $0x2800  }
0xa5: {  	[sflag:s20] =	ssyncset.done $0x0  }
0xa6: {  	[sflag:s20] =	ssyncadd.s32 $0xFFFFD800  }
0xa7: {  	_ =	swait.ge [sflag:s25], $0x2800  }
0xa8: {  	[sflag:s25] =	ssyncset.done $0x0  }
0xa9: {  	s2 =	simm.s32 $0x100;
	[sflag:s25] =	ssyncadd.s32 $0xFFFFD800  }
0xaa: {  	[tilespmem:s19], [sflag:$0x1] =	stream.indirect.gather [hbm4b:s4+s22], $0x80, s2, s22, $0xb8;
	[tilespmem:$0x1CC00] =	vst v63  }
0xab: {  	s2 =	simm.s32 $0x2080  }
0xac: {  	[spmem:s1] =	stream.indirect.scatter.add.f32 [tilespmem:s24], [sflag:$0x3], $0x80, s2, s22, $0xb8;
	[tilespmem:$0x1CC00] =	vst v63  }
0xad: {  	_ =	swait.ge [sflag:s20], $0x2800  }
0xae: {  	s31 =	simm.s32 $0x400;
	[sflag:s20] =	ssyncset.done $0x0  }
.LBB2_6:
0xaf: {  	p0 =	sne.s32 s31, $0x7400  }
0xb0: {  	[sflag:s20] =	ssyncadd.s32 $0xFFFFD800;
	s0 =	smov.u32 s31;
	s31 =	sadd.s32 $0x400, s31  }
0xb1: {  	_ = 	snop  }
0xb2: {  	_ =	swait.ge [sflag:s23], $0x2800  }
0xb3: {  	s0 =	sshra.s32 s0, $0x2;
	[sflag:s23] =	ssyncset.done $0x0  }
0xb4: {  	s2 =	sadd.s32 $0x80, s0;
	[sflag:s23] =	ssyncadd.s32 $0xFFFFD800  }
0xb5: {  	[tilespmem:s24], [sflag:$0x2] =	stream.indirect.gather [hbm4b:s4+s22], $0x80, s2, s22, $0xb8;
	[tilespmem:$0x1CC00] =	vst v63  }
0xb6: {  	s2 =	sadd.s32 $0x2000, s0  }
0xb7: {  	[spmem:s1] =	stream.indirect.scatter.add.f32 [tilespmem:s19], [sflag:$0x3], $0x80, s2, s22, $0xb8;
	[tilespmem:$0x1CC00] =	vst v63  }
0xb8: {  	_ =	swait.ge [sflag:s20], $0x2800  }
0xb9: {  	[sflag:s20] =	ssyncset.done $0x0  }
0xba: {  	[sflag:s20] =	ssyncadd.s32 $0xFFFFD800  }
0xbb: {  	_ =	swait.ge [sflag:s25], $0x2800  }
0xbc: {  	[sflag:s25] =	ssyncset.done $0x0  }
0xbd: {  	s2 =	sadd.s32 $0x100, s0;
	[sflag:s25] =	ssyncadd.s32 $0xFFFFD800  }
0xbe: {  	[tilespmem:s19], [sflag:$0x1] =	stream.indirect.gather [hbm4b:s4+s22], $0x80, s2, s22, $0xb8;
	[tilespmem:$0x1CC00] =	vst v63  }
.Ltmp2:
0xbf: {  	_ = 	snop;
	(pc) =	sbr.rel @p0 .LBB2_6-.Ltmp2, $4  }
0xc0: {  	s0 =	sadd.s32 $0x2080, s0  }
0xc1: {  	[spmem:s1] =	stream.indirect.scatter.add.f32 [tilespmem:s24], [sflag:$0x3], $0x80, s0, s22, $0xb8;
	[tilespmem:$0x1CC00] =	vst v63  }
0xc2: {  	_ =	swait.ge [sflag:s20], $0x2800  }
0xc3: {  	[sflag:s20] =	ssyncset.done $0x0  }
0xc4: {  	[sflag:s20] =	ssyncadd.s32 $0xFFFFD800  }
0xc5: {  	_ =	swait.ge [sflag:s23], $0x2800  }
0xc6: {  	[sflag:s23] =	ssyncset.done $0x0  }
0xc7: {  	[sflag:s23] =	ssyncadd.s32 $0xFFFFD800  }
0xc8: {  	[spmem:s1] =	stream.indirect.scatter.add.f32 [tilespmem:s19], [sflag:$0x3], $0x80, s30, s22, $0xb8;
	[tilespmem:$0x1CC00] =	vst v63  }
0xc9: {  	s0 =	stileid.u32;
	_ =	swait.ge [sflag:s20], $0x2800  }
0xca: {  	s2 =	sshrl.u32 s5, $0x3;
	s3 =	sadd.s32 $0x1, s3;
	[sflag:s20] =	ssyncset.done $0x0  }
0xcb: {  	s0 =	sshll.u32 s0, $0x6;
	p0 =	sne.s32 s3, s12;
	[sflag:s20] =	ssyncadd.s32 $0xFFFFD800  }
.Ltmp3:
0xcc: {  	s0 =	sor.u32 $0x1C03, s0;
	[bflag:$0x0] =	sbarrier.arrive $0xFFFF;
	(pc) =	sbr.rel @p0 .LBB2_1-.Ltmp3, $4  }
0xcd: {  	[hbm:s11], [sflag:s0] =	dma.local [spmem:s2], $0x2780  }
0xce: {  	_ =	swait.ge [sflag:s20], $0x2780  }
0xcf: {  	[sflag:s20] =	ssyncset.done $0x0  }
0xd0: {  	[sflag:s20] =	ssyncadd.s32 $0xFFFFD880  }
0xd1: {  	_ =	sfence.sel $0x180000  }
0xd2: {  	[bflag:$0x0] =	sbarrier.arrive $0xFFFF  }
0xd3: {  	_ =	strace $0x9000004A  }
0xd4: {  	s0 =	stileid.u32;
	[bflag:$0x2] =	sbarrier.arrive $0xFFFF  }
0xd5: {  	p0 =	sne.s32 s0, $0x0;
	s0 =	rddreg [dreg:$0x2]  }
0xd6: {  	s0 =	sadd.s32 @!p0 $0x100000, s0  }
0xd7: {  	[sflag:s0] =	ssyncadd.tile.s32 @!p0 $0x1;
	_ =	shalt  }
.Lfunc_end2:
_tile_overlayer_lowered:
.L_overlay_start_2:
0xd8: {  	(tag) =	ssettag $0x2  }
0xd9: {  	s0 =	rddreg [dreg:$0x0];
	s2 =	stileid.u32  }
0xda: {  	s1 =	rddreg [dreg:$0x1];
	p0 =	sne.s32 s2, $0x0  }
0xdb: {  	s3 =	rddreg [dreg:$0x2];
	[bflag:$0x3] =	sbarrier.arrive $0xFFFF;
	s2 =	simm.s32 @!p0 $0x1C03  }
0xdc: {  	[timem:s3], [sflag:s2] =	dma.local @!p0 [hbm:s0], s1  }
0xdd: {  	s0 =	simm.s32 @!p0 $0x3  }
0xde: {  	_ =	swait.ge @!p0 [sflag:s0], s1  }
0xdf: {  	s1 =	ssub.s32 @!p0 $0x0, s1;
	[sflag:s0] =	ssyncset.done @!p0 $0x0  }
0xe0: {  	[sflag:s0] =	ssyncadd.s32 @!p0 s1  }
0xe1: {  	[bflag:$0x3] =	sbarrier.arrive $0xFFFF  }
0xe2: {  	_ =	shalt  }

// kernel: kernel.17.cloned.1.call-start
scs
__scs_entry_jumppad:
0x0: {  	(pc) =	sbr.rel $0x88, $3  }
0x1: {  	(tag) =	ssettag $0x0;
	lr =	simm.s32 $0x1  }
0x2: {  	[smem:$0x3F69] =	sst lr;
	_ =	strace $0xD0000000  }
0x3: {  	_ = 	snop  }
0x4: {  	_ = 	snop  }
0x5: {  	_ = 	snop  }
0x6: {  	_ = 	snop  }
0x7: {  	_ = 	snop  }
__scs_overlays_trampoline_lowered:
0x8: {  	[smem:$0x3F78] =	sst s0  }
0x9: {  	[smem:$0x3F79] =	sst s1  }
0xa: {  	[smem:$0x3F7A] =	sst s2  }
0xb: {  	[smem:$0x3F7B] =	sst s3  }
0xc: {  	[smem:$0x3F7C] =	sst s4  }
0xd: {  	[smem:$0x3F7D] =	sst s5  }
0xe: {  	[smem:$0x3F7E] =	sst s6  }
0xf: {  	[smem:$0x3F7F] =	sst s7  }
0x10: {  	[smem:$0x3F80] =	sst s8  }
0x11: {  	[smem:$0x3F81] =	sst s9;
	s0 =	simm.s32 @!p0 $0x0  }
0x12: {  	s1 =	sld [smem:$0x3F67];
	s0 =	simm.s32 @p0 $0x1  }
0x13: {  	[smem:$0x3F82] =	sst s0;
	s0 =	simm.s32 @!p1 $0x0  }
0x14: {  	s2 =	sld [smem:$0x3F66];
	s0 =	simm.s32 @p1 $0x1  }
0x15: {  	[smem:$0x3F83] =	sst s0;
	s0 =	simm.s32 @!p2 $0x0  }
0x16: {  	s3 =	sld [smem:$0x3FDB];
	s0 =	simm.s32 @p2 $0x1  }
0x17: {  	s4 =	simm.s32 $0x1BF5;
	[smem:$0x3F85] =	sst s0  }
0x18: {  	s0 =	sld [smem:$0x3F68];
	_ =	swait.ge [sflag:s4], $0x0  }
0x19: {  	s7 =	sld [smem:$0x3F69]  }
0x1a: {  	s8 =	sadd.s32 $0xFFFFE003, lr  }
0x1b: {  	s9 =	sadd.s32 $0xFFFFFEF7, lr;
	s5 =	simm.s32 $0xFFFFFFFF;
	p2 =	slt.u32 s8, $0xFFFFF086  }
0x1c: {  	p1 =	slt.u32 s9, $0xF7A;
	s5 =	simm.s32 @!p2 $0x0  }
0x1d: {  	s5 =	simm.s32 @p1 $0x1;
	p0 =	seq.s32 s7, s2  }
0x1e: {  	s7 =	smul.u32 @!p0 $0xF7A, s2;
	p2 =	seq.s32 @!p0 s5, $0x0  }
0x1f: {  	s9 =	smul.u32 $0xF7A, s1;
	s8 =	simm.s32 @!p0 $0x1BF5;
	p2 =	por !p2, p0  }
0x20: {  	[sflag:s8] =	ssyncset.s32 @!p0 $0xFFFFF086;
	s6 =	sadd.s32 @!p0 s3, s7;
	s7 =	simm.s32 @!p0 $0x108  }
0x21: {  	s3 =	sadd.s32 s3, s9;
	s6 =	sadd.s32 @!p0 $0x88, s6;
	s7 =	simm.s32 @p2 $0x1082  }
0x22: {  	[simem:s7], [sflag:s8] =	dma.local @!p0 [hbm:s6], $0xF7A  }
0x23: {  	s9 =	sor.u32 $0xD0000000, s2;
	s6 =	simm.s32 $0x108;
	_ =	swait.ge @!p0 [sflag:s8], $0x0  }
0x24: {  	s3 =	sadd.s32 $0x88, s3;
	s6 =	simm.s32 @!p1 $0x1082;
	[sflag:s4] =	ssyncset.s32 $0xFFFFF086  }
0x25: {  	[simem:s6], [sflag:s4] =	dma.local [hbm:s3], $0xF7A  }
0x26: {  	[smem:$0x3F69] =	sst s1;
	(tag) =	ssettag s2;
	_ =	strace s9  }
0x27: {  	s1 =	sld [smem:$0x3F79]  }
0x28: {  	s2 =	sld [smem:$0x3F7A]  }
0x29: {  	s4 =	sld [smem:$0x3F7C]  }
0x2a: {  	p0 =	seq.s32 s5, $0x0;
	s5 =	sld [smem:$0x3F7D]  }
0x2b: {  	s6 =	sld [smem:$0x3F7E]  }
0x2c: {  	s7 =	sld [smem:$0x3F7F]  }
0x2d: {  	s3 =	simm.s32 $0x108;
	s8 =	sld [smem:$0x3F80]  }
0x2e: {  	s3 =	simm.s32 @!p0 $0x1082;
	s9 =	sld [smem:$0x3F81]  }
0x2f: {  	lr =	sadd.s32 s0, s3;
	s0 =	sld [smem:$0x3F78]  }
0x30: {  	s3 =	sld [smem:$0x3F7B]  }
0x31: {  	[smem:$0x3F84] =	sst s10  }
0x32: {  	s10 =	sld [smem:$0x3F82];
	_ =	sdelay $0x3  }
0x33: {  	p0 =	seq.s32 s10, $0x1;
	s10 =	sld [smem:$0x3F84];
	_ =	sdelay $0x3  }
0x34: {  	[smem:$0x3F84] =	sst s10  }
0x35: {  	s10 =	sld [smem:$0x3F83];
	_ =	sdelay $0x3  }
0x36: {  	p1 =	seq.s32 s10, $0x1;
	s10 =	sld [smem:$0x3F84];
	_ =	sdelay $0x3  }
0x37: {  	[smem:$0x3F84] =	sst s10  }
0x38: {  	s10 =	sld [smem:$0x3F85]  }
0x39: {  	_ = 	snop;
	(pc) =	sbr.ind lr, $3  }
0x3a: {  	_ = 	snop  }
0x3b: {  	_ = 	snop  }
0x3c: {  	p2 =	seq.s32 s10, $0x1;
	s10 =	sld [smem:$0x3F84]  }
0x3d: {  	_ =	shalt  }
0x3e: {  	_ =	shalt  }
0x3f: {  	_ =	shalt  }
0x40: {  	_ =	shalt  }
0x41: {  	_ =	shalt  }
0x42: {  	_ =	shalt  }
0x43: {  	_ =	shalt  }
0x44: {  	_ =	shalt  }
0x45: {  	_ =	shalt  }
0x46: {  	_ =	shalt  }
0x47: {  	_ =	shalt  }
0x48: {  	_ =	shalt  }
0x49: {  	_ =	shalt  }
0x4a: {  	_ =	shalt  }
0x4b: {  	_ =	shalt  }
0x4c: {  	_ =	shalt  }
0x4d: {  	_ =	shalt  }
0x4e: {  	_ =	shalt  }
0x4f: {  	_ =	shalt  }
0x50: {  	_ =	shalt  }
0x51: {  	_ =	shalt  }
0x52: {  	_ =	shalt  }
0x53: {  	_ =	shalt  }
0x54: {  	_ =	shalt  }
0x55: {  	_ =	shalt  }
0x56: {  	_ =	shalt  }
0x57: {  	_ =	shalt  }
0x58: {  	_ =	shalt  }
0x59: {  	_ =	shalt  }
0x5a: {  	_ =	shalt  }
0x5b: {  	_ =	shalt  }
0x5c: {  	_ =	shalt  }
0x5d: {  	_ =	shalt  }
0x5e: {  	_ =	shalt  }
0x5f: {  	_ =	shalt  }
0x60: {  	_ =	shalt  }
0x61: {  	_ =	shalt  }
0x62: {  	_ =	shalt  }
0x63: {  	_ =	shalt  }
0x64: {  	_ =	shalt  }
0x65: {  	_ =	shalt  }
0x66: {  	_ =	shalt  }
0x67: {  	_ =	shalt  }
0x68: {  	_ =	shalt  }
0x69: {  	_ =	shalt  }
0x6a: {  	_ =	shalt  }
0x6b: {  	_ =	shalt  }
0x6c: {  	_ =	shalt  }
0x6d: {  	_ =	shalt  }
0x6e: {  	_ =	shalt  }
0x6f: {  	_ =	shalt  }
0x70: {  	_ =	shalt  }
0x71: {  	_ =	shalt  }
0x72: {  	_ =	shalt  }
0x73: {  	_ =	shalt  }
0x74: {  	_ =	shalt  }
0x75: {  	_ =	shalt  }
0x76: {  	_ =	shalt  }
0x77: {  	_ =	shalt  }
0x78: {  	_ =	shalt  }
0x79: {  	_ =	shalt  }
0x7a: {  	_ =	shalt  }
0x7b: {  	_ =	shalt  }
0x7c: {  	_ =	shalt  }
0x7d: {  	_ =	shalt  }
0x7e: {  	_ =	shalt  }
0x7f: {  	_ =	shalt  }
0x80: {  	_ =	shalt  }
0x81: {  	_ =	shalt  }
0x82: {  	_ =	shalt  }
0x83: {  	_ =	shalt  }
0x84: {  	_ =	shalt  }
0x85: {  	_ =	shalt  }
0x86: {  	_ =	shalt  }
0x87: {  	_ =	shalt  }
.Lfunc_end0:
.L_simem_size_0:
called_computation.2_lowered:
.L_overlay_start_0:
0x88: {  	s2 =	sld [smem:$0x3FD9]  }
0x89: {  	s3 =	sld [smem:$0x3FFE];
	_ =	sdelay $0x1  }
0x8a: {  	s1 =	srdreg.scid  }
0x8b: {  	s0 =	sand.u32 $0x1, s1  }
0x8c: {  	s16 =	sshll.u32 s0, $0xA;
	s2 =	sadd.s32 s3, s2  }
0x8d: {  	s2 =	sadd.s32 s2, s16  }
0x8e: {  	[smem:$0x3F90] =	sst s2  }
0x8f: {  	_ = 	snop  }
0x90: {  	(tm) =	ssettm $0x1  }
0x91: {  	s17 =	sld [smem:$0x3FFB];
	_ =	sdelay $0x3  }
0x92: {  	_ =	strace s17  }
0x93: {  	s2 =	sld [smem:$0x3FFC];
	_ =	sdelay $0x3  }
0x94: {  	_ =	strace s2  }
0x95: {  	s2 =	sld [smem:$0x3FFD];
	_ =	sdelay $0x3  }
0x96: {  	_ =	strace s2  }
0x97: {  	_ =	strace $0x8FFFFFFF  }
0x98: {  	s18 =	sld [smem:$0x3FDB];
	_ =	sdelay $0x1  }
0x99: {  	s19 =	simm.s32 $_scs_section_size  }
0x9a: {  	s4 =	simm.s32 $_size__tile_overlayer_lowered;
	s5 =	simm.s32 $_tile_overlayer_lowered  }
0x9b: {  	s22 =	simm.s32 $0x1BFF;
	s21 =	sshll.u32 s5, $0x1;
	s2 =	sadd.s32 s19, s18  }
0x9c: {  	s6 =	simm.s32 $0x0;
	s20 =	sshll.u32 s4, $0x1;
	s4 =	sadd.s32 s21, s2  }
0x9d: {  	[timem:s6], [sflag:s22] =	dma.local [hbm:s4], s20  }
0x9e: {  	_ =	swait.ge [sflag:s22], s20  }
0x9f: {  	s3 =	ssub.s32 $0x0, s20;
	[sflag:s22] =	ssyncset.done $0x0  }
0xa0: {  	[sflag:s22] =	ssyncadd.s32 s3;
	_ =	sdelay $0x1  }
0xa1: {  	s23 =	simm.s32 $0x1B8B  }
0xa2: {  	_ =	swait.ge [sflag:s23], $0x1  }
0xa3: {  	[sflag:s23] =	ssyncset.done $0x0  }
0xa4: {  	s25 =	simm.s32 $0x1B8E;
	s24 =	sld [smem:$0x3FFE];
	[sflag:s23] =	ssyncadd.s32 $0xFFFFFFFF  }
0xa5: {  	s26 =	simm.s32 $execute0_lowered;
	[smem:$0x3FD2] =	sst s25  }
0xa6: {  	s4 =	sshll.u32 s26, $0x1;
	_ =	strace $0x8000004C;
	[dreg:$0x1] =	wrdreg $0xFFFFFFFF  }
0xa7: {  	s28 =	simm.s32 $_size_execute0_lowered;
	s2 =	sadd.s32 s2, s4;
	[dreg:$0x0] =	wrdreg $0x0  }
0xa8: {  	s4 =	sshll.u32 s28, $0x1;
	[dreg:$0x2] =	wrdreg s2  }
0xa9: {  	[dreg:$0x3] =	wrdreg s4  }
0xaa: {  	[dreg:$0x4] =	wrdreg $0xC0  }
0xab: {  	_ =	task [dreg:s6], $0x5FFFF  }
0xac: {  	[dreg:$0x1] =	wrdreg $0xFFFFFFFF  }
0xad: {  	[dreg:$0x0] =	wrdreg $0x60  }
0xae: {  	[dreg:$0x2] =	wrdreg s24  }
0xaf: {  	[dreg:$0x3] =	wrdreg $0x90000  }
0xb0: {  	[dreg:$0x4] =	wrdreg $0x9  }
0xb1: {  	_ =	task.clear_ibuf [dreg:s6], $0x5FFFF;
	_ =	strace $0x9000004C  }
0xb2: {  	s29 =	simm.s32 $0x9;
	_ =	strace $0x8000004E  }
0xb3: {  	_ =	swait.ge [sflag:s29], $0x1  }
0xb4: {  	[sflag:s29] =	ssyncadd.s32 $0xFFFFFFFF  }
0xb5: {  	_ =	strace $0x9000004E  }
0xb6: {  	_ =	sfence  }
0xb7: {  	s30 =	sld [smem:$0x0];
	_ =	sdelay $0x2  }
0xb8: {  	s31 =	sshll.u32 s1, $0xD;
	s1 =	sshrl.u32 s1, $0x2  }
0xb9: {  	s3 =	sand.u32 $0x4000, s31;
	s1 =	sadd.s32 s1, s30  }
0xba: {  	s0 =	sor.u32 s3, s0;
	s1 =	sshll.u32 s1, $0x11  }
0xbb: {  	s0 =	sor.u32 s1, s0  }
0xbc: {  	s0 =	sadd.s32 $0x8F2B, s0  }
0xbd: {  	[sflag:s0] =	ssyncadd.remote.s32 $0x1  }
0xbe: {  	_ =	sfence.sel $0xFFFF  }
0xbf: {  	[dreg:$0x0] =	wrdreg $0xFFFFFFFF;
	(pc) =	sbr.abs _section_cstart, $3  }
0xc0: {  	[dreg:$0x1] =	wrdreg $0xFFFFFFFF  }
0xc1: {  	_ =	task.clear_ibuf [dreg:s6], $0x2FFFF;
	_ =	strace $0x9FFFFFFF  }
0xc2: {  	(tm) =	ssettm $0x7FFFFFFF  }
0xc3: {  	_ =	shalt  }
tec
execute0_lowered:
.L_overlay_start_1:
0x0: {  	(tag) =	ssettag $0x1  }
0x1: {  	s0 =	rddreg [dreg:$0x0]  }
0x2: {  	s1 =	rddreg [dreg:$0x1]  }
0x3: {  	s2 =	srdreg.scid;
	s3 =	simm.s32 $0x0;
	s23 =	stileid.u32  }
0x4: {  	s19 =	simm.s32 $0x4000;
	s20 =	simm.s32 $0x3;
	s21 =	simm.s32 $0x2000  }
0x5: {  	s22 =	simm.s32 $0x50;
	s28 =	simm.s32 $0x3F00;
	s29 =	simm.s32 $0x3F80  }
0x6: {  	s30 =	simm.s32 $0x3E00;
	s6 =	sand.u32 $0x1, s2;
	[smem:$0x7FF] =	sst s3  }
0x7: {  	s7 =	smul.u32 $0x13C00, s23;
	s4 =	sadd.s32 $0x2A200, s0;
	s9 =	sadd.s32 $0xA200, s0  }
0x8: {  	s24 =	smul.u32 $0x4F000, s23;
	s10 =	sadd.s32 $0x1A200, s0;
	s26 =	sshll.u32 s23, $0xC  }
0x9: {  	s23 =	simm.s32 $0x1;
	s5 =	smul.u32 $0x13C000, s6;
	s8 =	ssub.s32 $0x2, s6  }
0xa: {  	_ =	strace $0x8000004D;
	s12 =	sshll.u32 s6, $0xB;
	s11 =	sshrl.u32 s8, $0x1  }
0xb: {  	s25 =	sshrl.u32 s24, $0x2;
	s31 =	sor.u32 s12, s26;
	s24 =	simm.s32 $0x6800  }
0xc: {  	s26 =	simm.s32 $0x1F80;
	s5 =	sadd.s32 s7, s5;
	s13 =	ssub.s32 s8, s11  }
0xd: {  	s7 =	sadd.s32 s9, s31;
	s8 =	sadd.s32 s10, s31;
	s11 =	sor.u32 $0x400, s31  }
0xe: {  	s5 =	sshrl.u32 s5, $0x3;
	s9 =	sadd.s32 s9, s11;
	s10 =	sadd.s32 s10, s11  }
0xf: {  	s12 =	smax.u32 s13, $0x1;
	s0 =	sadd.s32 s5, s0;
	s5 =	sadd.s32 s25, s1  }
0x10: {  	s25 =	simm.s32 $0x2;
	s6 =	sadd.s32 $0x11800, s5;
	s11 =	sadd.s32 $0x51400, s0  }
0x11: {  	s13 =	sadd.s32 $0x2800, s5;
	s14 =	sadd.s32 $0x5000, s5;
	s15 =	sadd.s32 $0x7800, s5  }
0x12: {  	v0 =	vimm.f32 $0.0e+00;
	s16 =	sadd.s32 $0xA000, s5;
	s17 =	sadd.s32 $0xC800, s5;
	s18 =	sadd.s32 $0xF000, s5  }
.LBB2_1:
0x13: {  	s31 =	simm.s32 $0x0;
	s0 =	simm.s32 $0x200  }
.LBB2_2:
0x14: {  	p0 =	sne.s32 s0, $0x9E00;
	[tilespmem:s31+$0x6870] =	vst v0  }
0x15: {  	[tilespmem:s31+$0x4000] =	vst v0  }
0x16: {  	[tilespmem:s31+$0x6800] =	vst v0  }
0x17: {  	[tilespmem:s31+$0x4010] =	vst v0  }
0x18: {  	[tilespmem:s31+$0x6810] =	vst v0  }
0x19: {  	[tilespmem:s31+$0x4020] =	vst v0  }
0x1a: {  	[tilespmem:s31+$0x6820] =	vst v0  }
0x1b: {  	[tilespmem:s31+$0x4030] =	vst v0  }
0x1c: {  	[tilespmem:s31+$0x6830] =	vst v0  }
0x1d: {  	[tilespmem:s31+$0x4040] =	vst v0  }
0x1e: {  	[tilespmem:s31+$0x6840] =	vst v0  }
.Ltmp0:
0x1f: {  	[tilespmem:s31+$0x4050] =	vst v0;
	(pc) =	sbr.rel @p0 .LBB2_2-.Ltmp0, $4  }
0x20: {  	[tilespmem:s31+$0x6850] =	vst v0  }
0x21: {  	[tilespmem:s31+$0x4060] =	vst v0  }
0x22: {  	[tilespmem:s31+$0x6860] =	vst v0  }
0x23: {  	[tilespmem:s31+$0x4070] =	vst v0;
	s31 =	sshra.s32 s0, $0x2;
	s0 =	sadd.s32 $0x200, s0  }
0x24: {  	[tilespmem:s31+$0x6870] =	vst v0  }
0x25: {  	[tilespmem:s31+$0x4000] =	vst v0  }
0x26: {  	[tilespmem:s31+$0x6800] =	vst v0  }
0x27: {  	[tilespmem:s31+$0x4010] =	vst v0  }
0x28: {  	[tilespmem:s31+$0x6810] =	vst v0  }
0x29: {  	[tilespmem:s31+$0x4020] =	vst v0  }
0x2a: {  	[tilespmem:s31+$0x6820] =	vst v0  }
0x2b: {  	[tilespmem:s31+$0x4030] =	vst v0  }
0x2c: {  	[tilespmem:s31+$0x6830] =	vst v0  }
0x2d: {  	[tilespmem:s31+$0x4040] =	vst v0  }
0x2e: {  	[tilespmem:s31+$0x6840] =	vst v0  }
0x2f: {  	[tilespmem:s31+$0x4050] =	vst v0  }
0x30: {  	[tilespmem:s31+$0x6850] =	vst v0  }
0x31: {  	[tilespmem:s31+$0x4060] =	vst v0  }
0x32: {  	[tilespmem:s31+$0x6860] =	vst v0  }
0x33: {  	[tilespmem:s31+$0x4070] =	vst v0  }
0x34: {  	[spmem:s5] =	stream.linear.scatter [tilespmem:s19], [sflag:$0x3], $0x2800, $0x38;
	[tilespmem:$0x1CC00] =	vst v63  }
0x35: {  	_ =	swait.ge [sflag:s20], $0x2800  }
0x36: {  	[sflag:s20] =	ssyncset.done $0x0  }
0x37: {  	[sflag:s20] =	ssyncadd.s32 $0xFFFFD800  }
0x38: {  	[spmem:s13] =	stream.linear.scatter [tilespmem:s19], [sflag:$0x3], $0x2800, $0x38;
	[tilespmem:$0x1CC00] =	vst v63  }
0x39: {  	_ =	swait.ge [sflag:s20], $0x2800  }
0x3a: {  	[sflag:s20] =	ssyncset.done $0x0  }
0x3b: {  	[sflag:s20] =	ssyncadd.s32 $0xFFFFD800  }
0x3c: {  	[spmem:s14] =	stream.linear.scatter [tilespmem:s19], [sflag:$0x3], $0x2800, $0x38;
	[tilespmem:$0x1CC00] =	vst v63  }
0x3d: {  	_ =	swait.ge [sflag:s20], $0x2800  }
0x3e: {  	[sflag:s20] =	ssyncset.done $0x0  }
0x3f: {  	[sflag:s20] =	ssyncadd.s32 $0xFFFFD800  }
0x40: {  	[spmem:s15] =	stream.linear.scatter [tilespmem:s19], [sflag:$0x3], $0x2800, $0x38;
	[tilespmem:$0x1CC00] =	vst v63  }
0x41: {  	_ =	swait.ge [sflag:s20], $0x2800  }
0x42: {  	[sflag:s20] =	ssyncset.done $0x0  }
0x43: {  	[sflag:s20] =	ssyncadd.s32 $0xFFFFD800  }
0x44: {  	[spmem:s16] =	stream.linear.scatter [tilespmem:s19], [sflag:$0x3], $0x2800, $0x38;
	[tilespmem:$0x1CC00] =	vst v63  }
0x45: {  	_ =	swait.ge [sflag:s20], $0x2800  }
0x46: {  	[sflag:s20] =	ssyncset.done $0x0  }
0x47: {  	[sflag:s20] =	ssyncadd.s32 $0xFFFFD800  }
0x48: {  	[spmem:s17] =	stream.linear.scatter [tilespmem:s19], [sflag:$0x3], $0x2800, $0x38;
	[tilespmem:$0x1CC00] =	vst v63  }
0x49: {  	_ =	swait.ge [sflag:s20], $0x2800  }
0x4a: {  	[sflag:s20] =	ssyncset.done $0x0  }
0x4b: {  	[sflag:s20] =	ssyncadd.s32 $0xFFFFD800  }
0x4c: {  	[spmem:s18] =	stream.linear.scatter [tilespmem:s19], [sflag:$0x3], $0x2800, $0x38;
	[tilespmem:$0x1CC00] =	vst v63  }
0x4d: {  	_ =	swait.ge [sflag:s20], $0x2800  }
0x4e: {  	[sflag:s20] =	ssyncset.done $0x0  }
0x4f: {  	[sflag:s20] =	ssyncadd.s32 $0xFFFFD800  }
0x50: {  	[spmem:s6] =	stream.linear.scatter [tilespmem:s19], [sflag:$0x3], $0x2400, $0x38;
	[tilespmem:$0x1CC00] =	vst v63  }
0x51: {  	_ =	swait.ge [sflag:s20], $0x2400  }
0x52: {  	[sflag:s20] =	ssyncset.done $0x0  }
0x53: {  	[sflag:s20] =	ssyncadd.s32 $0xFFFFDC00  }
0x54: {  	s0 =	simm.s32 $0x0;
	[bflag:$0x0] =	sbarrier.arrive $0xFFFF  }
0x55: {  	[tilespmem:s0], [sflag:$0x3] =	stream.linear.gather [hbm4b:s7+s0], $0x2000, $0x38;
	[tilespmem:$0x1CC00] =	vst v63  }
0x56: {  	_ =	swait.ge [sflag:s20], $0x2000  }
0x57: {  	[sflag:s20] =	ssyncset.done $0x0  }
0x58: {  	[sflag:s20] =	ssyncadd.s32 $0xFFFFE000  }
0x59: {  	[tilespmem:s21], [sflag:$0x3] =	stream.linear.gather [hbm4b:s8+s0], $0x2000, $0x38;
	[tilespmem:$0x1CC00] =	vst v63  }
0x5a: {  	_ =	swait.ge [sflag:s20], $0x2000  }
0x5b: {  	[sflag:s20] =	ssyncset.done $0x0  }
0x5c: {  	[sflag:s20] =	ssyncadd.s32 $0xFFFFE000  }
0x5d: {  	[tilespmem:s19], [sflag:$0x1] =	stream.indirect.gather [hbm4b:s4+s22], $0x80, s0, s22, $0xb8;
	[tilespmem:$0x1CC00] =	vst v63  }
0x5e: {  	_ =	swait.ge [sflag:s23], $0x2800  }
0x5f: {  	[sflag:s23] =	ssyncset.done $0x0  }
0x60: {  	s2 =	simm.s32 $0x80;
	[sflag:s23] =	ssyncadd.s32 $0xFFFFD800  }
0x61: {  	[tilespmem:s24], [sflag:$0x2] =	stream.indirect.gather [hbm4b:s4+s22], $0x80, s2, s22, $0xb8;
	[tilespmem:$0x1CC00] =	vst v63  }
0x62: {  	s2 =	simm.s32 $0x2000  }
0x63: {  	[spmem:s1] =	stream.indirect.scatter.add.f32 [tilespmem:s19], [sflag:$0x3], $0x80, s2, s22, $0xb8;
	[tilespmem:$0x1CC00] =	vst v63  }
0x64: {  	_ =	swait.ge [sflag:s20], $0x2800  }
0x65: {  	[sflag:s20] =	ssyncset.done $0x0  }
0x66: {  	[sflag:s20] =	ssyncadd.s32 $0xFFFFD800  }
0x67: {  	_ =	swait.ge [sflag:s25], $0x2800  }
0x68: {  	[sflag:s25] =	ssyncset.done $0x0  }
0x69: {  	s2 =	simm.s32 $0x100;
	[sflag:s25] =	ssyncadd.s32 $0xFFFFD800  }
0x6a: {  	[tilespmem:s19], [sflag:$0x1] =	stream.indirect.gather [hbm4b:s4+s22], $0x80, s2, s22, $0xb8;
	[tilespmem:$0x1CC00] =	vst v63  }
0x6b: {  	s2 =	simm.s32 $0x2080  }
0x6c: {  	[spmem:s1] =	stream.indirect.scatter.add.f32 [tilespmem:s24], [sflag:$0x3], $0x80, s2, s22, $0xb8;
	[tilespmem:$0x1CC00] =	vst v63  }
0x6d: {  	_ =	swait.ge [sflag:s20], $0x2800  }
0x6e: {  	s31 =	simm.s32 $0x400;
	[sflag:s20] =	ssyncset.done $0x0  }
.LBB2_4:
0x6f: {  	p0 =	sne.s32 s31, $0x7800  }
0x70: {  	[sflag:s20] =	ssyncadd.s32 $0xFFFFD800;
	s0 =	smov.u32 s31;
	s31 =	sadd.s32 $0x400, s31  }
0x71: {  	_ = 	snop  }
0x72: {  	_ =	swait.ge [sflag:s23], $0x2800  }
0x73: {  	s0 =	sshra.s32 s0, $0x2;
	[sflag:s23] =	ssyncset.done $0x0  }
0x74: {  	s2 =	sadd.s32 $0x80, s0;
	[sflag:s23] =	ssyncadd.s32 $0xFFFFD800  }
0x75: {  	[tilespmem:s24], [sflag:$0x2] =	stream.indirect.gather [hbm4b:s4+s22], $0x80, s2, s22, $0xb8;
	[tilespmem:$0x1CC00] =	vst v63  }
0x76: {  	s2 =	sadd.s32 $0x2000, s0  }
0x77: {  	[spmem:s1] =	stream.indirect.scatter.add.f32 [tilespmem:s19], [sflag:$0x3], $0x80, s2, s22, $0xb8;
	[tilespmem:$0x1CC00] =	vst v63  }
0x78: {  	_ =	swait.ge [sflag:s20], $0x2800  }
0x79: {  	[sflag:s20] =	ssyncset.done $0x0  }
0x7a: {  	[sflag:s20] =	ssyncadd.s32 $0xFFFFD800  }
0x7b: {  	_ =	swait.ge [sflag:s25], $0x2800  }
0x7c: {  	[sflag:s25] =	ssyncset.done $0x0  }
0x7d: {  	s2 =	sadd.s32 $0x100, s0;
	[sflag:s25] =	ssyncadd.s32 $0xFFFFD800  }
0x7e: {  	[tilespmem:s19], [sflag:$0x1] =	stream.indirect.gather [hbm4b:s4+s22], $0x80, s2, s22, $0xb8;
	[tilespmem:$0x1CC00] =	vst v63  }
.Ltmp1:
0x7f: {  	_ = 	snop;
	(pc) =	sbr.rel @p0 .LBB2_4-.Ltmp1, $4  }
0x80: {  	s0 =	sadd.s32 $0x2080, s0  }
0x81: {  	[spmem:s1] =	stream.indirect.scatter.add.f32 [tilespmem:s24], [sflag:$0x3], $0x80, s0, s22, $0xb8;
	[tilespmem:$0x1CC00] =	vst v63  }
0x82: {  	_ =	swait.ge [sflag:s20], $0x2800  }
0x83: {  	[sflag:s20] =	ssyncset.done $0x0  }
0x84: {  	[sflag:s20] =	ssyncadd.s32 $0xFFFFD800  }
0x85: {  	_ =	swait.ge [sflag:s23], $0x2800  }
0x86: {  	[sflag:s23] =	ssyncset.done $0x0  }
0x87: {  	[sflag:s23] =	ssyncadd.s32 $0xFFFFD800  }
0x88: {  	[tilespmem:s24], [sflag:$0x2] =	stream.indirect.gather [hbm4b:s4+s22], $0x80, s26, s22, $0xb8;
	[tilespmem:$0x1CC00] =	vst v63  }
0x89: {  	_ = 	snop  }
0x8a: {  	[spmem:s1] =	stream.indirect.scatter.add.f32 [tilespmem:s19], [sflag:$0x3], $0x80, s28, s22, $0xb8;
	[tilespmem:$0x1CC00] =	vst v63  }
0x8b: {  	_ =	swait.ge [sflag:s20], $0x2800  }
0x8c: {  	[sflag:s20] =	ssyncset.done $0x0  }
0x8d: {  	[sflag:s20] =	ssyncadd.s32 $0xFFFFD800  }
0x8e: {  	_ =	swait.ge [sflag:s25], $0x2800  }
0x8f: {  	[sflag:s25] =	ssyncset.done $0x0  }
0x90: {  	[sflag:s25] =	ssyncadd.s32 $0xFFFFD800  }
0x91: {  	[spmem:s1] =	stream.indirect.scatter.add.f32 [tilespmem:s24], [sflag:$0x3], $0x80, s29, s22, $0xb8;
	[tilespmem:$0x1CC00] =	vst v63  }
0x92: {  	_ =	swait.ge [sflag:s20], $0x2800  }
0x93: {  	[sflag:s20] =	ssyncset.done $0x0  }
0x94: {  	s0 =	simm.s32 $0x0;
	[sflag:s20] =	ssyncadd.s32 $0xFFFFD800  }
0x95: {  	[tilespmem:s0], [sflag:$0x3] =	stream.linear.gather [hbm4b:s9+s0], $0x2000, $0x38;
	[tilespmem:$0x1CC00] =	vst v63  }
0x96: {  	_ =	swait.ge [sflag:s20], $0x2000  }
0x97: {  	[sflag:s20] =	ssyncset.done $0x0  }
0x98: {  	[sflag:s20] =	ssyncadd.s32 $0xFFFFE000  }
0x99: {  	[tilespmem:s21], [sflag:$0x3] =	stream.linear.gather [hbm4b:s10+s0], $0x2000, $0x38;
	[tilespmem:$0x1CC00] =	vst v63  }
0x9a: {  	_ =	swait.ge [sflag:s20], $0x2000  }
0x9b: {  	[sflag:s20] =	ssyncset.done $0x0  }
0x9c: {  	[sflag:s20] =	ssyncadd.s32 $0xFFFFE000  }
0x9d: {  	[tilespmem:s19], [sflag:$0x1] =	stream.indirect.gather [hbm4b:s4+s22], $0x80, s0, s22, $0xb8;
	[tilespmem:$0x1CC00] =	vst v63  }
0x9e: {  	_ =	swait.ge [sflag:s23], $0x2800  }
0x9f: {  	[sflag:s23] =	ssyncset.done $0x0  }
0xa0: {  	s2 =	simm.s32 $0x80;
	[sflag:s23] =	ssyncadd.s32 $0xFFFFD800  }
0xa1: {  	[tilespmem:s24], [sflag:$0x2] =	stream.indirect.gather [hbm4b:s4+s22], $0x80, s2, s22, $0xb8;
	[tilespmem:$0x1CC00] =	vst v63  }
0xa2: {  	s2 =	simm.s32 $0x2000  }
0xa3: {  	[spmem:s1] =	stream.indirect.scatter.add.f32 [tilespmem:s19], [sflag:$0x3], $0x80, s2, s22, $0xb8;
	[tilespmem:$0x1CC00] =	vst v63  }
0xa4: {  	_ =	swait.ge [sflag:s20], $0x2800  }
0xa5: {  	[sflag:s20] =	ssyncset.done $0x0  }
0xa6: {  	[sflag:s20] =	ssyncadd.s32 $0xFFFFD800  }
0xa7: {  	_ =	swait.ge [sflag:s25], $0x2800  }
0xa8: {  	[sflag:s25] =	ssyncset.done $0x0  }
0xa9: {  	s2 =	simm.s32 $0x100;
	[sflag:s25] =	ssyncadd.s32 $0xFFFFD800  }
0xaa: {  	[tilespmem:s19], [sflag:$0x1] =	stream.indirect.gather [hbm4b:s4+s22], $0x80, s2, s22, $0xb8;
	[tilespmem:$0x1CC00] =	vst v63  }
0xab: {  	s2 =	simm.s32 $0x2080  }
0xac: {  	[spmem:s1] =	stream.indirect.scatter.add.f32 [tilespmem:s24], [sflag:$0x3], $0x80, s2, s22, $0xb8;
	[tilespmem:$0x1CC00] =	vst v63  }
0xad: {  	_ =	swait.ge [sflag:s20], $0x2800  }
0xae: {  	s31 =	simm.s32 $0x400;
	[sflag:s20] =	ssyncset.done $0x0  }
.LBB2_6:
0xaf: {  	p0 =	sne.s32 s31, $0x7400  }
0xb0: {  	[sflag:s20] =	ssyncadd.s32 $0xFFFFD800;
	s0 =	smov.u32 s31;
	s31 =	sadd.s32 $0x400, s31  }
0xb1: {  	_ = 	snop  }
0xb2: {  	_ =	swait.ge [sflag:s23], $0x2800  }
0xb3: {  	s0 =	sshra.s32 s0, $0x2;
	[sflag:s23] =	ssyncset.done $0x0  }
0xb4: {  	s2 =	sadd.s32 $0x80, s0;
	[sflag:s23] =	ssyncadd.s32 $0xFFFFD800  }
0xb5: {  	[tilespmem:s24], [sflag:$0x2] =	stream.indirect.gather [hbm4b:s4+s22], $0x80, s2, s22, $0xb8;
	[tilespmem:$0x1CC00] =	vst v63  }
0xb6: {  	s2 =	sadd.s32 $0x2000, s0  }
0xb7: {  	[spmem:s1] =	stream.indirect.scatter.add.f32 [tilespmem:s19], [sflag:$0x3], $0x80, s2, s22, $0xb8;
	[tilespmem:$0x1CC00] =	vst v63  }
0xb8: {  	_ =	swait.ge [sflag:s20], $0x2800  }
0xb9: {  	[sflag:s20] =	ssyncset.done $0x0  }
0xba: {  	[sflag:s20] =	ssyncadd.s32 $0xFFFFD800  }
0xbb: {  	_ =	swait.ge [sflag:s25], $0x2800  }
0xbc: {  	[sflag:s25] =	ssyncset.done $0x0  }
0xbd: {  	s2 =	sadd.s32 $0x100, s0;
	[sflag:s25] =	ssyncadd.s32 $0xFFFFD800  }
0xbe: {  	[tilespmem:s19], [sflag:$0x1] =	stream.indirect.gather [hbm4b:s4+s22], $0x80, s2, s22, $0xb8;
	[tilespmem:$0x1CC00] =	vst v63  }
.Ltmp2:
0xbf: {  	_ = 	snop;
	(pc) =	sbr.rel @p0 .LBB2_6-.Ltmp2, $4  }
0xc0: {  	s0 =	sadd.s32 $0x2080, s0  }
0xc1: {  	[spmem:s1] =	stream.indirect.scatter.add.f32 [tilespmem:s24], [sflag:$0x3], $0x80, s0, s22, $0xb8;
	[tilespmem:$0x1CC00] =	vst v63  }
0xc2: {  	_ =	swait.ge [sflag:s20], $0x2800  }
0xc3: {  	[sflag:s20] =	ssyncset.done $0x0  }
0xc4: {  	[sflag:s20] =	ssyncadd.s32 $0xFFFFD800  }
0xc5: {  	_ =	swait.ge [sflag:s23], $0x2800  }
0xc6: {  	[sflag:s23] =	ssyncset.done $0x0  }
0xc7: {  	[sflag:s23] =	ssyncadd.s32 $0xFFFFD800  }
0xc8: {  	[spmem:s1] =	stream.indirect.scatter.add.f32 [tilespmem:s19], [sflag:$0x3], $0x80, s30, s22, $0xb8;
	[tilespmem:$0x1CC00] =	vst v63  }
0xc9: {  	s0 =	stileid.u32;
	_ =	swait.ge [sflag:s20], $0x2800  }
0xca: {  	s2 =	sshrl.u32 s5, $0x3;
	s3 =	sadd.s32 $0x1, s3;
	[sflag:s20] =	ssyncset.done $0x0  }
0xcb: {  	s0 =	sshll.u32 s0, $0x6;
	p0 =	sne.s32 s3, s12;
	[sflag:s20] =	ssyncadd.s32 $0xFFFFD800  }
.Ltmp3:
0xcc: {  	s0 =	sor.u32 $0x1C03, s0;
	[bflag:$0x0] =	sbarrier.arrive $0xFFFF;
	(pc) =	sbr.rel @p0 .LBB2_1-.Ltmp3, $4  }
0xcd: {  	[hbm:s11], [sflag:s0] =	dma.local [spmem:s2], $0x2780  }
0xce: {  	_ =	swait.ge [sflag:s20], $0x2780  }
0xcf: {  	[sflag:s20] =	ssyncset.done $0x0  }
0xd0: {  	[sflag:s20] =	ssyncadd.s32 $0xFFFFD880  }
0xd1: {  	_ =	sfence.sel $0x180000  }
0xd2: {  	[bflag:$0x0] =	sbarrier.arrive $0xFFFF  }
0xd3: {  	_ =	strace $0x9000004D  }
0xd4: {  	s0 =	stileid.u32;
	[bflag:$0x2] =	sbarrier.arrive $0xFFFF  }
0xd5: {  	p0 =	sne.s32 s0, $0x0;
	s0 =	rddreg [dreg:$0x2]  }
0xd6: {  	s0 =	sadd.s32 @!p0 $0x100000, s0  }
0xd7: {  	[sflag:s0] =	ssyncadd.tile.s32 @!p0 $0x1;
	_ =	shalt  }
.Lfunc_end2:
_tile_overlayer_lowered:
.L_overlay_start_2:
0xd8: {  	(tag) =	ssettag $0x2  }
0xd9: {  	s0 =	rddreg [dreg:$0x0];
	s2 =	stileid.u32  }
0xda: {  	s1 =	rddreg [dreg:$0x1];
	p0 =	sne.s32 s2, $0x0  }
0xdb: {  	s3 =	rddreg [dreg:$0x2];
	[bflag:$0x3] =	sbarrier.arrive $0xFFFF;
	s2 =	simm.s32 @!p0 $0x1C03  }
0xdc: {  	[timem:s3], [sflag:s2] =	dma.local @!p0 [hbm:s0], s1  }
0xdd: {  	s0 =	simm.s32 @!p0 $0x3  }
0xde: {  	_ =	swait.ge @!p0 [sflag:s0], s1  }
0xdf: {  	s1 =	ssub.s32 @!p0 $0x0, s1;
	[sflag:s0] =	ssyncset.done @!p0 $0x0  }
0xe0: {  	[sflag:s0] =	ssyncadd.s32 @!p0 s1  }
0xe1: {  	[bflag:$0x3] =	sbarrier.arrive $0xFFFF  }
0xe2: {  	_ =	shalt  }

// kernel: kernel.20.cloned.1.call-start
scs
__scs_entry_jumppad:
0x0: {  	(pc) =	sbr.rel $0x88, $3  }
0x1: {  	(tag) =	ssettag $0x0;
	lr =	simm.s32 $0x1  }
0x2: {  	[smem:$0x3F69] =	sst lr;
	_ =	strace $0xD0000000  }
0x3: {  	_ = 	snop  }
0x4: {  	_ = 	snop  }
0x5: {  	_ = 	snop  }
0x6: {  	_ = 	snop  }
0x7: {  	_ = 	snop  }
__scs_overlays_trampoline_lowered:
0x8: {  	[smem:$0x3F78] =	sst s0  }
0x9: {  	[smem:$0x3F79] =	sst s1  }
0xa: {  	[smem:$0x3F7A] =	sst s2  }
0xb: {  	[smem:$0x3F7B] =	sst s3  }
0xc: {  	[smem:$0x3F7C] =	sst s4  }
0xd: {  	[smem:$0x3F7D] =	sst s5  }
0xe: {  	[smem:$0x3F7E] =	sst s6  }
0xf: {  	[smem:$0x3F7F] =	sst s7  }
0x10: {  	[smem:$0x3F80] =	sst s8  }
0x11: {  	[smem:$0x3F81] =	sst s9;
	s0 =	simm.s32 @!p0 $0x0  }
0x12: {  	s1 =	sld [smem:$0x3F67];
	s0 =	simm.s32 @p0 $0x1  }
0x13: {  	[smem:$0x3F82] =	sst s0;
	s0 =	simm.s32 @!p1 $0x0  }
0x14: {  	s2 =	sld [smem:$0x3F66];
	s0 =	simm.s32 @p1 $0x1  }
0x15: {  	[smem:$0x3F83] =	sst s0;
	s0 =	simm.s32 @!p2 $0x0  }
0x16: {  	s3 =	sld [smem:$0x3FDB];
	s0 =	simm.s32 @p2 $0x1  }
0x17: {  	s4 =	simm.s32 $0x1BF5;
	[smem:$0x3F85] =	sst s0  }
0x18: {  	s0 =	sld [smem:$0x3F68];
	_ =	swait.ge [sflag:s4], $0x0  }
0x19: {  	s7 =	sld [smem:$0x3F69]  }
0x1a: {  	s8 =	sadd.s32 $0xFFFFE003, lr  }
0x1b: {  	s9 =	sadd.s32 $0xFFFFFEF7, lr;
	s5 =	simm.s32 $0xFFFFFFFF;
	p2 =	slt.u32 s8, $0xFFFFF086  }
0x1c: {  	p1 =	slt.u32 s9, $0xF7A;
	s5 =	simm.s32 @!p2 $0x0  }
0x1d: {  	s5 =	simm.s32 @p1 $0x1;
	p0 =	seq.s32 s7, s2  }
0x1e: {  	s7 =	smul.u32 @!p0 $0xF7A, s2;
	p2 =	seq.s32 @!p0 s5, $0x0  }
0x1f: {  	s9 =	smul.u32 $0xF7A, s1;
	s8 =	simm.s32 @!p0 $0x1BF5;
	p2 =	por !p2, p0  }
0x20: {  	[sflag:s8] =	ssyncset.s32 @!p0 $0xFFFFF086;
	s6 =	sadd.s32 @!p0 s3, s7;
	s7 =	simm.s32 @!p0 $0x108  }
0x21: {  	s3 =	sadd.s32 s3, s9;
	s6 =	sadd.s32 @!p0 $0x88, s6;
	s7 =	simm.s32 @p2 $0x1082  }
0x22: {  	[simem:s7], [sflag:s8] =	dma.local @!p0 [hbm:s6], $0xF7A  }
0x23: {  	s9 =	sor.u32 $0xD0000000, s2;
	s6 =	simm.s32 $0x108;
	_ =	swait.ge @!p0 [sflag:s8], $0x0  }
0x24: {  	s3 =	sadd.s32 $0x88, s3;
	s6 =	simm.s32 @!p1 $0x1082;
	[sflag:s4] =	ssyncset.s32 $0xFFFFF086  }
0x25: {  	[simem:s6], [sflag:s4] =	dma.local [hbm:s3], $0xF7A  }
0x26: {  	[smem:$0x3F69] =	sst s1;
	(tag) =	ssettag s2;
	_ =	strace s9  }
0x27: {  	s1 =	sld [smem:$0x3F79]  }
0x28: {  	s2 =	sld [smem:$0x3F7A]  }
0x29: {  	s4 =	sld [smem:$0x3F7C]  }
0x2a: {  	p0 =	seq.s32 s5, $0x0;
	s5 =	sld [smem:$0x3F7D]  }
0x2b: {  	s6 =	sld [smem:$0x3F7E]  }
0x2c: {  	s7 =	sld [smem:$0x3F7F]  }
0x2d: {  	s3 =	simm.s32 $0x108;
	s8 =	sld [smem:$0x3F80]  }
0x2e: {  	s3 =	simm.s32 @!p0 $0x1082;
	s9 =	sld [smem:$0x3F81]  }
0x2f: {  	lr =	sadd.s32 s0, s3;
	s0 =	sld [smem:$0x3F78]  }
0x30: {  	s3 =	sld [smem:$0x3F7B]  }
0x31: {  	[smem:$0x3F84] =	sst s10  }
0x32: {  	s10 =	sld [smem:$0x3F82];
	_ =	sdelay $0x3  }
0x33: {  	p0 =	seq.s32 s10, $0x1;
	s10 =	sld [smem:$0x3F84];
	_ =	sdelay $0x3  }
0x34: {  	[smem:$0x3F84] =	sst s10  }
0x35: {  	s10 =	sld [smem:$0x3F83];
	_ =	sdelay $0x3  }
0x36: {  	p1 =	seq.s32 s10, $0x1;
	s10 =	sld [smem:$0x3F84];
	_ =	sdelay $0x3  }
0x37: {  	[smem:$0x3F84] =	sst s10  }
0x38: {  	s10 =	sld [smem:$0x3F85]  }
0x39: {  	_ = 	snop;
	(pc) =	sbr.ind lr, $3  }
0x3a: {  	_ = 	snop  }
0x3b: {  	_ = 	snop  }
0x3c: {  	p2 =	seq.s32 s10, $0x1;
	s10 =	sld [smem:$0x3F84]  }
0x3d: {  	_ =	shalt  }
0x3e: {  	_ =	shalt  }
0x3f: {  	_ =	shalt  }
0x40: {  	_ =	shalt  }
0x41: {  	_ =	shalt  }
0x42: {  	_ =	shalt  }
0x43: {  	_ =	shalt  }
0x44: {  	_ =	shalt  }
0x45: {  	_ =	shalt  }
0x46: {  	_ =	shalt  }
0x47: {  	_ =	shalt  }
0x48: {  	_ =	shalt  }
0x49: {  	_ =	shalt  }
0x4a: {  	_ =	shalt  }
0x4b: {  	_ =	shalt  }
0x4c: {  	_ =	shalt  }
0x4d: {  	_ =	shalt  }
0x4e: {  	_ =	shalt  }
0x4f: {  	_ =	shalt  }
0x50: {  	_ =	shalt  }
0x51: {  	_ =	shalt  }
0x52: {  	_ =	shalt  }
0x53: {  	_ =	shalt  }
0x54: {  	_ =	shalt  }
0x55: {  	_ =	shalt  }
0x56: {  	_ =	shalt  }
0x57: {  	_ =	shalt  }
0x58: {  	_ =	shalt  }
0x59: {  	_ =	shalt  }
0x5a: {  	_ =	shalt  }
0x5b: {  	_ =	shalt  }
0x5c: {  	_ =	shalt  }
0x5d: {  	_ =	shalt  }
0x5e: {  	_ =	shalt  }
0x5f: {  	_ =	shalt  }
0x60: {  	_ =	shalt  }
0x61: {  	_ =	shalt  }
0x62: {  	_ =	shalt  }
0x63: {  	_ =	shalt  }
0x64: {  	_ =	shalt  }
0x65: {  	_ =	shalt  }
0x66: {  	_ =	shalt  }
0x67: {  	_ =	shalt  }
0x68: {  	_ =	shalt  }
0x69: {  	_ =	shalt  }
0x6a: {  	_ =	shalt  }
0x6b: {  	_ =	shalt  }
0x6c: {  	_ =	shalt  }
0x6d: {  	_ =	shalt  }
0x6e: {  	_ =	shalt  }
0x6f: {  	_ =	shalt  }
0x70: {  	_ =	shalt  }
0x71: {  	_ =	shalt  }
0x72: {  	_ =	shalt  }
0x73: {  	_ =	shalt  }
0x74: {  	_ =	shalt  }
0x75: {  	_ =	shalt  }
0x76: {  	_ =	shalt  }
0x77: {  	_ =	shalt  }
0x78: {  	_ =	shalt  }
0x79: {  	_ =	shalt  }
0x7a: {  	_ =	shalt  }
0x7b: {  	_ =	shalt  }
0x7c: {  	_ =	shalt  }
0x7d: {  	_ =	shalt  }
0x7e: {  	_ =	shalt  }
0x7f: {  	_ =	shalt  }
0x80: {  	_ =	shalt  }
0x81: {  	_ =	shalt  }
0x82: {  	_ =	shalt  }
0x83: {  	_ =	shalt  }
0x84: {  	_ =	shalt  }
0x85: {  	_ =	shalt  }
0x86: {  	_ =	shalt  }
0x87: {  	_ =	shalt  }
.Lfunc_end0:
.L_simem_size_0:
called_computation.3_lowered:
.L_overlay_start_0:
0x88: {  	s2 =	sld [smem:$0x3FD9]  }
0x89: {  	s3 =	sld [smem:$0x3FFE];
	_ =	sdelay $0x1  }
0x8a: {  	s1 =	srdreg.scid  }
0x8b: {  	s0 =	sand.u32 $0x1, s1  }
0x8c: {  	s16 =	sshll.u32 s0, $0xA;
	s2 =	sadd.s32 s3, s2  }
0x8d: {  	s2 =	sadd.s32 s2, s16  }
0x8e: {  	[smem:$0x3F90] =	sst s2  }
0x8f: {  	_ = 	snop  }
0x90: {  	(tm) =	ssettm $0x1  }
0x91: {  	s17 =	sld [smem:$0x3FFB];
	_ =	sdelay $0x3  }
0x92: {  	_ =	strace s17  }
0x93: {  	s2 =	sld [smem:$0x3FFC];
	_ =	sdelay $0x3  }
0x94: {  	_ =	strace s2  }
0x95: {  	s2 =	sld [smem:$0x3FFD];
	_ =	sdelay $0x3  }
0x96: {  	_ =	strace s2  }
0x97: {  	_ =	strace $0x8FFFFFFF  }
0x98: {  	s18 =	sld [smem:$0x3FDB];
	_ =	sdelay $0x1  }
0x99: {  	s19 =	simm.s32 $_scs_section_size  }
0x9a: {  	s4 =	simm.s32 $_size__tile_overlayer_lowered;
	s5 =	simm.s32 $_tile_overlayer_lowered  }
0x9b: {  	s22 =	simm.s32 $0x1BFF;
	s21 =	sshll.u32 s5, $0x1;
	s2 =	sadd.s32 s19, s18  }
0x9c: {  	s6 =	simm.s32 $0x0;
	s20 =	sshll.u32 s4, $0x1;
	s4 =	sadd.s32 s21, s2  }
0x9d: {  	[timem:s6], [sflag:s22] =	dma.local [hbm:s4], s20  }
0x9e: {  	_ =	swait.ge [sflag:s22], s20  }
0x9f: {  	s3 =	ssub.s32 $0x0, s20;
	[sflag:s22] =	ssyncset.done $0x0  }
0xa0: {  	[sflag:s22] =	ssyncadd.s32 s3;
	_ =	sdelay $0x1  }
0xa1: {  	s23 =	simm.s32 $0x1B8B  }
0xa2: {  	_ =	swait.ge [sflag:s23], $0x1  }
0xa3: {  	[sflag:s23] =	ssyncset.done $0x0  }
0xa4: {  	s25 =	simm.s32 $0x1B8E;
	s24 =	sld [smem:$0x3FFE];
	[sflag:s23] =	ssyncadd.s32 $0xFFFFFFFF  }
0xa5: {  	s26 =	simm.s32 $execute0_lowered;
	[smem:$0x3FD2] =	sst s25  }
0xa6: {  	s4 =	sshll.u32 s26, $0x1;
	_ =	strace $0x8000004F;
	[dreg:$0x1] =	wrdreg $0xFFFFFFFF  }
0xa7: {  	s28 =	simm.s32 $_size_execute0_lowered;
	s2 =	sadd.s32 s2, s4;
	[dreg:$0x0] =	wrdreg $0x0  }
0xa8: {  	s4 =	sshll.u32 s28, $0x1;
	[dreg:$0x2] =	wrdreg s2  }
0xa9: {  	[dreg:$0x3] =	wrdreg s4  }
0xaa: {  	[dreg:$0x4] =	wrdreg $0xC0  }
0xab: {  	_ =	task [dreg:s6], $0x5FFFF  }
0xac: {  	[dreg:$0x1] =	wrdreg $0xFFFFFFFF  }
0xad: {  	[dreg:$0x0] =	wrdreg $0x60  }
0xae: {  	[dreg:$0x2] =	wrdreg s24  }
0xaf: {  	[dreg:$0x3] =	wrdreg $0x90000  }
0xb0: {  	[dreg:$0x4] =	wrdreg $0x9  }
0xb1: {  	_ =	task.clear_ibuf [dreg:s6], $0x5FFFF;
	_ =	strace $0x9000004F  }
0xb2: {  	s29 =	simm.s32 $0x9;
	_ =	strace $0x80000051  }
0xb3: {  	_ =	swait.ge [sflag:s29], $0x1  }
0xb4: {  	[sflag:s29] =	ssyncadd.s32 $0xFFFFFFFF  }
0xb5: {  	_ =	strace $0x90000051  }
0xb6: {  	_ =	sfence  }
0xb7: {  	s30 =	sld [smem:$0x0];
	_ =	sdelay $0x2  }
0xb8: {  	s31 =	sshll.u32 s1, $0xD;
	s1 =	sshrl.u32 s1, $0x2  }
0xb9: {  	s3 =	sand.u32 $0x4000, s31;
	s1 =	sadd.s32 s1, s30  }
0xba: {  	s0 =	sor.u32 s3, s0;
	s1 =	sshll.u32 s1, $0x11  }
0xbb: {  	s0 =	sor.u32 s1, s0  }
0xbc: {  	s0 =	sadd.s32 $0x8F2B, s0  }
0xbd: {  	[sflag:s0] =	ssyncadd.remote.s32 $0x1  }
0xbe: {  	_ =	sfence.sel $0xFFFF  }
0xbf: {  	[dreg:$0x0] =	wrdreg $0xFFFFFFFF;
	(pc) =	sbr.abs _section_cstart, $3  }
0xc0: {  	[dreg:$0x1] =	wrdreg $0xFFFFFFFF  }
0xc1: {  	_ =	task.clear_ibuf [dreg:s6], $0x2FFFF;
	_ =	strace $0x9FFFFFFF  }
0xc2: {  	(tm) =	ssettm $0x7FFFFFFF  }
0xc3: {  	_ =	shalt  }
tec
execute0_lowered:
.L_overlay_start_1:
0x0: {  	(tag) =	ssettag $0x1  }
0x1: {  	s0 =	rddreg [dreg:$0x0]  }
0x2: {  	s1 =	rddreg [dreg:$0x1]  }
0x3: {  	s2 =	srdreg.scid;
	s3 =	simm.s32 $0x0;
	s23 =	stileid.u32  }
0x4: {  	s19 =	simm.s32 $0x4000;
	s20 =	simm.s32 $0x3;
	s21 =	simm.s32 $0x2000  }
0x5: {  	s22 =	simm.s32 $0x50;
	s28 =	simm.s32 $0x3F00;
	s29 =	simm.s32 $0x3F80  }
0x6: {  	s30 =	simm.s32 $0x3E00;
	s6 =	sand.u32 $0x1, s2;
	[smem:$0x7FF] =	sst s3  }
0x7: {  	s7 =	smul.u32 $0x13C00, s23;
	s4 =	sadd.s32 $0x2A200, s0;
	s9 =	sadd.s32 $0xA200, s0  }
0x8: {  	s24 =	smul.u32 $0x4F000, s23;
	s10 =	sadd.s32 $0x1A200, s0;
	s26 =	sshll.u32 s23, $0xC  }
0x9: {  	s23 =	simm.s32 $0x1;
	s5 =	smul.u32 $0x13C000, s6;
	s8 =	ssub.s32 $0x2, s6  }
0xa: {  	_ =	strace $0x80000050;
	s12 =	sshll.u32 s6, $0xB;
	s11 =	sshrl.u32 s8, $0x1  }
0xb: {  	s25 =	sshrl.u32 s24, $0x2;
	s31 =	sor.u32 s12, s26;
	s24 =	simm.s32 $0x6800  }
0xc: {  	s26 =	simm.s32 $0x1F80;
	s5 =	sadd.s32 s7, s5;
	s13 =	ssub.s32 s8, s11  }
0xd: {  	s7 =	sadd.s32 s9, s31;
	s8 =	sadd.s32 s10, s31;
	s11 =	sor.u32 $0x400, s31  }
0xe: {  	s5 =	sshrl.u32 s5, $0x3;
	s9 =	sadd.s32 s9, s11;
	s10 =	sadd.s32 s10, s11  }
0xf: {  	s12 =	smax.u32 s13, $0x1;
	s0 =	sadd.s32 s5, s0;
	s5 =	sadd.s32 s25, s1  }
0x10: {  	s25 =	simm.s32 $0x2;
	s6 =	sadd.s32 $0x11800, s5;
	s11 =	sadd.s32 $0x51400, s0  }
0x11: {  	s13 =	sadd.s32 $0x2800, s5;
	s14 =	sadd.s32 $0x5000, s5;
	s15 =	sadd.s32 $0x7800, s5  }
0x12: {  	v0 =	vimm.f32 $0.0e+00;
	s16 =	sadd.s32 $0xA000, s5;
	s17 =	sadd.s32 $0xC800, s5;
	s18 =	sadd.s32 $0xF000, s5  }
.LBB2_1:
0x13: {  	s31 =	simm.s32 $0x0;
	s0 =	simm.s32 $0x200  }
.LBB2_2:
0x14: {  	p0 =	sne.s32 s0, $0x9E00;
	[tilespmem:s31+$0x6870] =	vst v0  }
0x15: {  	[tilespmem:s31+$0x4000] =	vst v0  }
0x16: {  	[tilespmem:s31+$0x6800] =	vst v0  }
0x17: {  	[tilespmem:s31+$0x4010] =	vst v0  }
0x18: {  	[tilespmem:s31+$0x6810] =	vst v0  }
0x19: {  	[tilespmem:s31+$0x4020] =	vst v0  }
0x1a: {  	[tilespmem:s31+$0x6820] =	vst v0  }
0x1b: {  	[tilespmem:s31+$0x4030] =	vst v0  }
0x1c: {  	[tilespmem:s31+$0x6830] =	vst v0  }
0x1d: {  	[tilespmem:s31+$0x4040] =	vst v0  }
0x1e: {  	[tilespmem:s31+$0x6840] =	vst v0  }
.Ltmp0:
0x1f: {  	[tilespmem:s31+$0x4050] =	vst v0;
	(pc) =	sbr.rel @p0 .LBB2_2-.Ltmp0, $4  }
0x20: {  	[tilespmem:s31+$0x6850] =	vst v0  }
0x21: {  	[tilespmem:s31+$0x4060] =	vst v0  }
0x22: {  	[tilespmem:s31+$0x6860] =	vst v0  }
0x23: {  	[tilespmem:s31+$0x4070] =	vst v0;
	s31 =	sshra.s32 s0, $0x2;
	s0 =	sadd.s32 $0x200, s0  }
0x24: {  	[tilespmem:s31+$0x6870] =	vst v0  }
0x25: {  	[tilespmem:s31+$0x4000] =	vst v0  }
0x26: {  	[tilespmem:s31+$0x6800] =	vst v0  }
0x27: {  	[tilespmem:s31+$0x4010] =	vst v0  }
0x28: {  	[tilespmem:s31+$0x6810] =	vst v0  }
0x29: {  	[tilespmem:s31+$0x4020] =	vst v0  }
0x2a: {  	[tilespmem:s31+$0x6820] =	vst v0  }
0x2b: {  	[tilespmem:s31+$0x4030] =	vst v0  }
0x2c: {  	[tilespmem:s31+$0x6830] =	vst v0  }
0x2d: {  	[tilespmem:s31+$0x4040] =	vst v0  }
0x2e: {  	[tilespmem:s31+$0x6840] =	vst v0  }
0x2f: {  	[tilespmem:s31+$0x4050] =	vst v0  }
0x30: {  	[tilespmem:s31+$0x6850] =	vst v0  }
0x31: {  	[tilespmem:s31+$0x4060] =	vst v0  }
0x32: {  	[tilespmem:s31+$0x6860] =	vst v0  }
0x33: {  	[tilespmem:s31+$0x4070] =	vst v0  }
0x34: {  	[spmem:s5] =	stream.linear.scatter [tilespmem:s19], [sflag:$0x3], $0x2800, $0x38;
	[tilespmem:$0x1CC00] =	vst v63  }
0x35: {  	_ =	swait.ge [sflag:s20], $0x2800  }
0x36: {  	[sflag:s20] =	ssyncset.done $0x0  }
0x37: {  	[sflag:s20] =	ssyncadd.s32 $0xFFFFD800  }
0x38: {  	[spmem:s13] =	stream.linear.scatter [tilespmem:s19], [sflag:$0x3], $0x2800, $0x38;
	[tilespmem:$0x1CC00] =	vst v63  }
0x39: {  	_ =	swait.ge [sflag:s20], $0x2800  }
0x3a: {  	[sflag:s20] =	ssyncset.done $0x0  }
0x3b: {  	[sflag:s20] =	ssyncadd.s32 $0xFFFFD800  }
0x3c: {  	[spmem:s14] =	stream.linear.scatter [tilespmem:s19], [sflag:$0x3], $0x2800, $0x38;
	[tilespmem:$0x1CC00] =	vst v63  }
0x3d: {  	_ =	swait.ge [sflag:s20], $0x2800  }
0x3e: {  	[sflag:s20] =	ssyncset.done $0x0  }
0x3f: {  	[sflag:s20] =	ssyncadd.s32 $0xFFFFD800  }
0x40: {  	[spmem:s15] =	stream.linear.scatter [tilespmem:s19], [sflag:$0x3], $0x2800, $0x38;
	[tilespmem:$0x1CC00] =	vst v63  }
0x41: {  	_ =	swait.ge [sflag:s20], $0x2800  }
0x42: {  	[sflag:s20] =	ssyncset.done $0x0  }
0x43: {  	[sflag:s20] =	ssyncadd.s32 $0xFFFFD800  }
0x44: {  	[spmem:s16] =	stream.linear.scatter [tilespmem:s19], [sflag:$0x3], $0x2800, $0x38;
	[tilespmem:$0x1CC00] =	vst v63  }
0x45: {  	_ =	swait.ge [sflag:s20], $0x2800  }
0x46: {  	[sflag:s20] =	ssyncset.done $0x0  }
0x47: {  	[sflag:s20] =	ssyncadd.s32 $0xFFFFD800  }
0x48: {  	[spmem:s17] =	stream.linear.scatter [tilespmem:s19], [sflag:$0x3], $0x2800, $0x38;
	[tilespmem:$0x1CC00] =	vst v63  }
0x49: {  	_ =	swait.ge [sflag:s20], $0x2800  }
0x4a: {  	[sflag:s20] =	ssyncset.done $0x0  }
0x4b: {  	[sflag:s20] =	ssyncadd.s32 $0xFFFFD800  }
0x4c: {  	[spmem:s18] =	stream.linear.scatter [tilespmem:s19], [sflag:$0x3], $0x2800, $0x38;
	[tilespmem:$0x1CC00] =	vst v63  }
0x4d: {  	_ =	swait.ge [sflag:s20], $0x2800  }
0x4e: {  	[sflag:s20] =	ssyncset.done $0x0  }
0x4f: {  	[sflag:s20] =	ssyncadd.s32 $0xFFFFD800  }
0x50: {  	[spmem:s6] =	stream.linear.scatter [tilespmem:s19], [sflag:$0x3], $0x2400, $0x38;
	[tilespmem:$0x1CC00] =	vst v63  }
0x51: {  	_ =	swait.ge [sflag:s20], $0x2400  }
0x52: {  	[sflag:s20] =	ssyncset.done $0x0  }
0x53: {  	[sflag:s20] =	ssyncadd.s32 $0xFFFFDC00  }
0x54: {  	s0 =	simm.s32 $0x0;
	[bflag:$0x0] =	sbarrier.arrive $0xFFFF  }
0x55: {  	[tilespmem:s0], [sflag:$0x3] =	stream.linear.gather [hbm4b:s7+s0], $0x2000, $0x38;
	[tilespmem:$0x1CC00] =	vst v63  }
0x56: {  	_ =	swait.ge [sflag:s20], $0x2000  }
0x57: {  	[sflag:s20] =	ssyncset.done $0x0  }
0x58: {  	[sflag:s20] =	ssyncadd.s32 $0xFFFFE000  }
0x59: {  	[tilespmem:s21], [sflag:$0x3] =	stream.linear.gather [hbm4b:s8+s0], $0x2000, $0x38;
	[tilespmem:$0x1CC00] =	vst v63  }
0x5a: {  	_ =	swait.ge [sflag:s20], $0x2000  }
0x5b: {  	[sflag:s20] =	ssyncset.done $0x0  }
0x5c: {  	[sflag:s20] =	ssyncadd.s32 $0xFFFFE000  }
0x5d: {  	[tilespmem:s19], [sflag:$0x1] =	stream.indirect.gather [hbm4b:s4+s22], $0x80, s0, s22, $0xb8;
	[tilespmem:$0x1CC00] =	vst v63  }
0x5e: {  	_ =	swait.ge [sflag:s23], $0x2800  }
0x5f: {  	[sflag:s23] =	ssyncset.done $0x0  }
0x60: {  	s2 =	simm.s32 $0x80;
	[sflag:s23] =	ssyncadd.s32 $0xFFFFD800  }
0x61: {  	[tilespmem:s24], [sflag:$0x2] =	stream.indirect.gather [hbm4b:s4+s22], $0x80, s2, s22, $0xb8;
	[tilespmem:$0x1CC00] =	vst v63  }
0x62: {  	s2 =	simm.s32 $0x2000  }
0x63: {  	[spmem:s1] =	stream.indirect.scatter.add.f32 [tilespmem:s19], [sflag:$0x3], $0x80, s2, s22, $0xb8;
	[tilespmem:$0x1CC00] =	vst v63  }
0x64: {  	_ =	swait.ge [sflag:s20], $0x2800  }
0x65: {  	[sflag:s20] =	ssyncset.done $0x0  }
0x66: {  	[sflag:s20] =	ssyncadd.s32 $0xFFFFD800  }
0x67: {  	_ =	swait.ge [sflag:s25], $0x2800  }
0x68: {  	[sflag:s25] =	ssyncset.done $0x0  }
0x69: {  	s2 =	simm.s32 $0x100;
	[sflag:s25] =	ssyncadd.s32 $0xFFFFD800  }
0x6a: {  	[tilespmem:s19], [sflag:$0x1] =	stream.indirect.gather [hbm4b:s4+s22], $0x80, s2, s22, $0xb8;
	[tilespmem:$0x1CC00] =	vst v63  }
0x6b: {  	s2 =	simm.s32 $0x2080  }
0x6c: {  	[spmem:s1] =	stream.indirect.scatter.add.f32 [tilespmem:s24], [sflag:$0x3], $0x80, s2, s22, $0xb8;
	[tilespmem:$0x1CC00] =	vst v63  }
0x6d: {  	_ =	swait.ge [sflag:s20], $0x2800  }
0x6e: {  	s31 =	simm.s32 $0x400;
	[sflag:s20] =	ssyncset.done $0x0  }
.LBB2_4:
0x6f: {  	p0 =	sne.s32 s31, $0x7800  }
0x70: {  	[sflag:s20] =	ssyncadd.s32 $0xFFFFD800;
	s0 =	smov.u32 s31;
	s31 =	sadd.s32 $0x400, s31  }
0x71: {  	_ = 	snop  }
0x72: {  	_ =	swait.ge [sflag:s23], $0x2800  }
0x73: {  	s0 =	sshra.s32 s0, $0x2;
	[sflag:s23] =	ssyncset.done $0x0  }
0x74: {  	s2 =	sadd.s32 $0x80, s0;
	[sflag:s23] =	ssyncadd.s32 $0xFFFFD800  }
0x75: {  	[tilespmem:s24], [sflag:$0x2] =	stream.indirect.gather [hbm4b:s4+s22], $0x80, s2, s22, $0xb8;
	[tilespmem:$0x1CC00] =	vst v63  }
0x76: {  	s2 =	sadd.s32 $0x2000, s0  }
0x77: {  	[spmem:s1] =	stream.indirect.scatter.add.f32 [tilespmem:s19], [sflag:$0x3], $0x80, s2, s22, $0xb8;
	[tilespmem:$0x1CC00] =	vst v63  }
0x78: {  	_ =	swait.ge [sflag:s20], $0x2800  }
0x79: {  	[sflag:s20] =	ssyncset.done $0x0  }
0x7a: {  	[sflag:s20] =	ssyncadd.s32 $0xFFFFD800  }
0x7b: {  	_ =	swait.ge [sflag:s25], $0x2800  }
0x7c: {  	[sflag:s25] =	ssyncset.done $0x0  }
0x7d: {  	s2 =	sadd.s32 $0x100, s0;
	[sflag:s25] =	ssyncadd.s32 $0xFFFFD800  }
0x7e: {  	[tilespmem:s19], [sflag:$0x1] =	stream.indirect.gather [hbm4b:s4+s22], $0x80, s2, s22, $0xb8;
	[tilespmem:$0x1CC00] =	vst v63  }
.Ltmp1:
0x7f: {  	_ = 	snop;
	(pc) =	sbr.rel @p0 .LBB2_4-.Ltmp1, $4  }
0x80: {  	s0 =	sadd.s32 $0x2080, s0  }
0x81: {  	[spmem:s1] =	stream.indirect.scatter.add.f32 [tilespmem:s24], [sflag:$0x3], $0x80, s0, s22, $0xb8;
	[tilespmem:$0x1CC00] =	vst v63  }
0x82: {  	_ =	swait.ge [sflag:s20], $0x2800  }
0x83: {  	[sflag:s20] =	ssyncset.done $0x0  }
0x84: {  	[sflag:s20] =	ssyncadd.s32 $0xFFFFD800  }
0x85: {  	_ =	swait.ge [sflag:s23], $0x2800  }
0x86: {  	[sflag:s23] =	ssyncset.done $0x0  }
0x87: {  	[sflag:s23] =	ssyncadd.s32 $0xFFFFD800  }
0x88: {  	[tilespmem:s24], [sflag:$0x2] =	stream.indirect.gather [hbm4b:s4+s22], $0x80, s26, s22, $0xb8;
	[tilespmem:$0x1CC00] =	vst v63  }
0x89: {  	_ = 	snop  }
0x8a: {  	[spmem:s1] =	stream.indirect.scatter.add.f32 [tilespmem:s19], [sflag:$0x3], $0x80, s28, s22, $0xb8;
	[tilespmem:$0x1CC00] =	vst v63  }
0x8b: {  	_ =	swait.ge [sflag:s20], $0x2800  }
0x8c: {  	[sflag:s20] =	ssyncset.done $0x0  }
0x8d: {  	[sflag:s20] =	ssyncadd.s32 $0xFFFFD800  }
0x8e: {  	_ =	swait.ge [sflag:s25], $0x2800  }
0x8f: {  	[sflag:s25] =	ssyncset.done $0x0  }
0x90: {  	[sflag:s25] =	ssyncadd.s32 $0xFFFFD800  }
0x91: {  	[spmem:s1] =	stream.indirect.scatter.add.f32 [tilespmem:s24], [sflag:$0x3], $0x80, s29, s22, $0xb8;
	[tilespmem:$0x1CC00] =	vst v63  }
0x92: {  	_ =	swait.ge [sflag:s20], $0x2800  }
0x93: {  	[sflag:s20] =	ssyncset.done $0x0  }
0x94: {  	s0 =	simm.s32 $0x0;
	[sflag:s20] =	ssyncadd.s32 $0xFFFFD800  }
0x95: {  	[tilespmem:s0], [sflag:$0x3] =	stream.linear.gather [hbm4b:s9+s0], $0x2000, $0x38;
	[tilespmem:$0x1CC00] =	vst v63  }
0x96: {  	_ =	swait.ge [sflag:s20], $0x2000  }
0x97: {  	[sflag:s20] =	ssyncset.done $0x0  }
0x98: {  	[sflag:s20] =	ssyncadd.s32 $0xFFFFE000  }
0x99: {  	[tilespmem:s21], [sflag:$0x3] =	stream.linear.gather [hbm4b:s10+s0], $0x2000, $0x38;
	[tilespmem:$0x1CC00] =	vst v63  }
0x9a: {  	_ =	swait.ge [sflag:s20], $0x2000  }
0x9b: {  	[sflag:s20] =	ssyncset.done $0x0  }
0x9c: {  	[sflag:s20] =	ssyncadd.s32 $0xFFFFE000  }
0x9d: {  	[tilespmem:s19], [sflag:$0x1] =	stream.indirect.gather [hbm4b:s4+s22], $0x80, s0, s22, $0xb8;
	[tilespmem:$0x1CC00] =	vst v63  }
0x9e: {  	_ =	swait.ge [sflag:s23], $0x2800  }
0x9f: {  	[sflag:s23] =	ssyncset.done $0x0  }
0xa0: {  	s2 =	simm.s32 $0x80;
	[sflag:s23] =	ssyncadd.s32 $0xFFFFD800  }
0xa1: {  	[tilespmem:s24], [sflag:$0x2] =	stream.indirect.gather [hbm4b:s4+s22], $0x80, s2, s22, $0xb8;
	[tilespmem:$0x1CC00] =	vst v63  }
0xa2: {  	s2 =	simm.s32 $0x2000  }
0xa3: {  	[spmem:s1] =	stream.indirect.scatter.add.f32 [tilespmem:s19], [sflag:$0x3], $0x80, s2, s22, $0xb8;
	[tilespmem:$0x1CC00] =	vst v63  }
0xa4: {  	_ =	swait.ge [sflag:s20], $0x2800  }
0xa5: {  	[sflag:s20] =	ssyncset.done $0x0  }
0xa6: {  	[sflag:s20] =	ssyncadd.s32 $0xFFFFD800  }
0xa7: {  	_ =	swait.ge [sflag:s25], $0x2800  }
0xa8: {  	[sflag:s25] =	ssyncset.done $0x0  }
0xa9: {  	s2 =	simm.s32 $0x100;
	[sflag:s25] =	ssyncadd.s32 $0xFFFFD800  }
0xaa: {  	[tilespmem:s19], [sflag:$0x1] =	stream.indirect.gather [hbm4b:s4+s22], $0x80, s2, s22, $0xb8;
	[tilespmem:$0x1CC00] =	vst v63  }
0xab: {  	s2 =	simm.s32 $0x2080  }
0xac: {  	[spmem:s1] =	stream.indirect.scatter.add.f32 [tilespmem:s24], [sflag:$0x3], $0x80, s2, s22, $0xb8;
	[tilespmem:$0x1CC00] =	vst v63  }
0xad: {  	_ =	swait.ge [sflag:s20], $0x2800  }
0xae: {  	s31 =	simm.s32 $0x400;
	[sflag:s20] =	ssyncset.done $0x0  }
.LBB2_6:
0xaf: {  	p0 =	sne.s32 s31, $0x7400  }
0xb0: {  	[sflag:s20] =	ssyncadd.s32 $0xFFFFD800;
	s0 =	smov.u32 s31;
	s31 =	sadd.s32 $0x400, s31  }
0xb1: {  	_ = 	snop  }
0xb2: {  	_ =	swait.ge [sflag:s23], $0x2800  }
0xb3: {  	s0 =	sshra.s32 s0, $0x2;
	[sflag:s23] =	ssyncset.done $0x0  }
0xb4: {  	s2 =	sadd.s32 $0x80, s0;
	[sflag:s23] =	ssyncadd.s32 $0xFFFFD800  }
0xb5: {  	[tilespmem:s24], [sflag:$0x2] =	stream.indirect.gather [hbm4b:s4+s22], $0x80, s2, s22, $0xb8;
	[tilespmem:$0x1CC00] =	vst v63  }
0xb6: {  	s2 =	sadd.s32 $0x2000, s0  }
0xb7: {  	[spmem:s1] =	stream.indirect.scatter.add.f32 [tilespmem:s19], [sflag:$0x3], $0x80, s2, s22, $0xb8;
	[tilespmem:$0x1CC00] =	vst v63  }
0xb8: {  	_ =	swait.ge [sflag:s20], $0x2800  }
0xb9: {  	[sflag:s20] =	ssyncset.done $0x0  }
0xba: {  	[sflag:s20] =	ssyncadd.s32 $0xFFFFD800  }
0xbb: {  	_ =	swait.ge [sflag:s25], $0x2800  }
0xbc: {  	[sflag:s25] =	ssyncset.done $0x0  }
0xbd: {  	s2 =	sadd.s32 $0x100, s0;
	[sflag:s25] =	ssyncadd.s32 $0xFFFFD800  }
0xbe: {  	[tilespmem:s19], [sflag:$0x1] =	stream.indirect.gather [hbm4b:s4+s22], $0x80, s2, s22, $0xb8;
	[tilespmem:$0x1CC00] =	vst v63  }
.Ltmp2:
0xbf: {  	_ = 	snop;
	(pc) =	sbr.rel @p0 .LBB2_6-.Ltmp2, $4  }
0xc0: {  	s0 =	sadd.s32 $0x2080, s0  }
0xc1: {  	[spmem:s1] =	stream.indirect.scatter.add.f32 [tilespmem:s24], [sflag:$0x3], $0x80, s0, s22, $0xb8;
	[tilespmem:$0x1CC00] =	vst v63  }
0xc2: {  	_ =	swait.ge [sflag:s20], $0x2800  }
0xc3: {  	[sflag:s20] =	ssyncset.done $0x0  }
0xc4: {  	[sflag:s20] =	ssyncadd.s32 $0xFFFFD800  }
0xc5: {  	_ =	swait.ge [sflag:s23], $0x2800  }
0xc6: {  	[sflag:s23] =	ssyncset.done $0x0  }
0xc7: {  	[sflag:s23] =	ssyncadd.s32 $0xFFFFD800  }
0xc8: {  	[spmem:s1] =	stream.indirect.scatter.add.f32 [tilespmem:s19], [sflag:$0x3], $0x80, s30, s22, $0xb8;
	[tilespmem:$0x1CC00] =	vst v63  }
0xc9: {  	s0 =	stileid.u32;
	_ =	swait.ge [sflag:s20], $0x2800  }
0xca: {  	s2 =	sshrl.u32 s5, $0x3;
	s3 =	sadd.s32 $0x1, s3;
	[sflag:s20] =	ssyncset.done $0x0  }
0xcb: {  	s0 =	sshll.u32 s0, $0x6;
	p0 =	sne.s32 s3, s12;
	[sflag:s20] =	ssyncadd.s32 $0xFFFFD800  }
.Ltmp3:
0xcc: {  	s0 =	sor.u32 $0x1C03, s0;
	[bflag:$0x0] =	sbarrier.arrive $0xFFFF;
	(pc) =	sbr.rel @p0 .LBB2_1-.Ltmp3, $4  }
0xcd: {  	[hbm:s11], [sflag:s0] =	dma.local [spmem:s2], $0x2780  }
0xce: {  	_ =	swait.ge [sflag:s20], $0x2780  }
0xcf: {  	[sflag:s20] =	ssyncset.done $0x0  }
0xd0: {  	[sflag:s20] =	ssyncadd.s32 $0xFFFFD880  }
0xd1: {  	_ =	sfence.sel $0x180000  }
0xd2: {  	[bflag:$0x0] =	sbarrier.arrive $0xFFFF  }
0xd3: {  	_ =	strace $0x90000050  }
0xd4: {  	s0 =	stileid.u32;
	[bflag:$0x2] =	sbarrier.arrive $0xFFFF  }
0xd5: {  	p0 =	sne.s32 s0, $0x0;
	s0 =	rddreg [dreg:$0x2]  }
0xd6: {  	s0 =	sadd.s32 @!p0 $0x100000, s0  }
0xd7: {  	[sflag:s0] =	ssyncadd.tile.s32 @!p0 $0x1;
	_ =	shalt  }
.Lfunc_end2:
_tile_overlayer_lowered:
.L_overlay_start_2:
0xd8: {  	(tag) =	ssettag $0x2  }
0xd9: {  	s0 =	rddreg [dreg:$0x0];
	s2 =	stileid.u32  }
0xda: {  	s1 =	rddreg [dreg:$0x1];
	p0 =	sne.s32 s2, $0x0  }
0xdb: {  	s3 =	rddreg [dreg:$0x2];
	[bflag:$0x3] =	sbarrier.arrive $0xFFFF;
	s2 =	simm.s32 @!p0 $0x1C03  }
0xdc: {  	[timem:s3], [sflag:s2] =	dma.local @!p0 [hbm:s0], s1  }
0xdd: {  	s0 =	simm.s32 @!p0 $0x3  }
0xde: {  	_ =	swait.ge @!p0 [sflag:s0], s1  }
0xdf: {  	s1 =	ssub.s32 @!p0 $0x0, s1;
	[sflag:s0] =	ssyncset.done @!p0 $0x0  }
0xe0: {  	[sflag:s0] =	ssyncadd.s32 @!p0 s1  }
0xe1: {  	[bflag:$0x3] =	sbarrier.arrive $0xFFFF  }
0xe2: {  	_ =	shalt  }

</sc_bundles>
